<compile_context>
chip_gen: v7x
topology: tpu7x:2x2x1
jax: 0.10.2.dev20260603
libtpu: 0.0.44.dev20260713+nightly
codegen_flags: <defaults>
</compile_context>

<pallas_src>
import functools

import jax
import jax.numpy as jnp
from jax import lax
from jax.experimental import pallas as pl
from jax.experimental.pallas import tpu as pltpu
from jax.experimental.pallas import tpu_sc as plsc

HDIM = 64
LANES = 16
NC = 2
NS = 16
NW = NC * NS
CH = 128
GROUPS = CH // LANES
NBUF = 2
EPS = 1e-5


def _rsqrt(x):
    i = plsc.bitcast(x, jnp.int32)
    i = jnp.int32(0x5F3759DF) - lax.shift_right_logical(i, 1)
    y = plsc.bitcast(i, jnp.float32)
    for _ in range(3):
        y = y * (1.5 - 0.5 * x * y * y)
    return y


@functools.lru_cache(maxsize=None)
def _build_fmt(V):
    nblk = (V + CH - 1) // CH
    nfull = V // CH
    rem = V - nfull * CH
    vpad = nblk * CH
    mesh = plsc.VectorSubcoreMesh(core_axis_name="c", subcore_axis_name="s")

    @functools.partial(
        pl.kernel,
        mesh=mesh,
        compiler_params=pltpu.CompilerParams(needs_layout_passes=False),
        out_type=jax.ShapeDtypeStruct((vpad, 2 * HDIM), jnp.float32),
        scratch_types=[
            pltpu.VMEM((NBUF * HDIM, CH), jnp.float32),
            pltpu.VMEM((NBUF * CH, 2 * HDIM), jnp.float32),
            pltpu.SemaphoreType.DMA((NBUF,)),
            pltpu.SemaphoreType.DMA((NBUF,)),
        ],
    )
    def kern(tt_hbm, tail_hbm, out_hbm, in_v, ob_v, isem, osem):
        wid = lax.axis_index("s") * NC + lax.axis_index("c")
        rid0 = lax.iota(jnp.int32, LANES)
        nper = (nfull + NW - 1) // NW

        def blk_of(k, b):
            del b
            return k * NW + wid

        def i_copy(blk, b, w):
            return pltpu.make_async_copy(
                tt_hbm.at[:, pl.ds(blk * CH, w)],
                in_v.at[pl.ds(b * HDIM, HDIM), pl.ds(0, w)], isem.at[b])

        def o_copy(blk, b, w):
            return pltpu.make_async_copy(
                ob_v.at[pl.ds(b * CH, w)],
                out_hbm.at[pl.ds(blk * CH, w)], osem.at[b])

        def transpose_block(b, width_jb):
            ibase = b * HDIM
            obase = b * CH

            @plsc.parallel_loop(0, HDIM)
            def tr(d0):
                c63 = (rid0 + d0) & (HDIM - 1)
                src_r = c63 + ibase
                for jb in range(width_jb):
                    jv = rid0 + jb * LANES
                    v = plsc.load_gather(in_v, [src_r, jv])
                    plsc.store_scatter(ob_v, [jv + obase, c63], v)

        for b in range(NBUF):
            @pl.when(blk_of(b, b) < nfull)
            def _():
                i_copy(blk_of(b, b), b, CH).start()

        def steady(k, _):
            for b in range(NBUF):
                ki = k * NBUF + b
                blk = blk_of(ki, b)

                @pl.when(blk < nfull)
                def _():
                    i_copy(blk, b, CH).wait()

                    @pl.when(ki >= NBUF)
                    def _():
                        o_copy(blk_of(ki - NBUF, b), b, CH).wait()

                    transpose_block(b, GROUPS)
                    o_copy(blk, b, CH).start()
                    nxt = blk_of(ki + NBUF, b)

                    @pl.when(nxt < nfull)
                    def _():
                        i_copy(nxt, b, CH).start()
            return 0

        lax.fori_loop(0, (nper + NBUF - 1) // NBUF, steady, 0)
        for b in range(NBUF):
            o_copy(0, b, CH).wait()

        if rem:
            @pl.when(wid == 0)
            def _():
                pltpu.sync_copy(tail_hbm, ob_v.at[pl.ds(0, rem)])
                pltpu.sync_copy(ob_v.at[pl.ds(0, rem)],
                                out_hbm.at[pl.ds(nfull * CH, rem)])

    return kern


@functools.lru_cache(maxsize=None)
def _build(nch, n_batch, vpad):
    mesh = plsc.VectorSubcoreMesh(core_axis_name="c", subcore_axis_name="s")

    @functools.partial(
        pl.kernel,
        mesh=mesh,
        compiler_params=pltpu.CompilerParams(needs_layout_passes=False),
        out_type=jax.ShapeDtypeStruct((nch, HDIM, n_batch), jnp.float32),
        scratch_types=[
            pltpu.VMEM((nch, CH), jnp.int32),
            pltpu.VMEM((NBUF * CH, 2 * HDIM), jnp.float32),
            pltpu.VMEM((NBUF * HDIM, CH), jnp.float32),
            pltpu.VMEM((HDIM * LANES,), jnp.float32),
            pltpu.VMEM((HDIM * LANES,), jnp.float32),
            pltpu.SemaphoreType.DMA((NBUF,)),
            pltpu.SemaphoreType.DMA((NBUF,)),
        ],
    )
    def kern(idx_hbm, table_hbm, gexp_hbm, bexp_hbm, out_hbm,
             idx_v, rows_v, obuf_v, gexp_v, bexp_v, gsem, osem):
        wid = lax.axis_index("s") * NC + lax.axis_index("c")
        pltpu.sync_copy(idx_hbm.at[wid], idx_v)
        pltpu.sync_copy(gexp_hbm, gexp_v)
        pltpu.sync_copy(bexp_hbm, bexp_v)
        rid0 = lax.iota(jnp.int32, LANES)

        def g_copy(ci, b):
            return pltpu.make_async_copy(
                table_hbm.at[idx_v.at[ci]],
                rows_v.at[pl.ds(b * CH, CH)], gsem.at[b])

        def o_copy(ci, b):
            return pltpu.make_async_copy(
                obuf_v.at[pl.ds(b * HDIM, HDIM)],
                out_hbm.at[ci, :, pl.ds(wid * CH, CH)], osem.at[b])

        def compute(ci, b):
            rowbase = b * CH
            obase = b * HDIM
            rids = [rid0 + (g * LANES + rowbase) for g in range(GROUPS)]
            tids = [rid0 + g * LANES for g in range(GROUPS)]

            zero = jnp.zeros((LANES,), jnp.float32)
            carry0 = tuple([zero] * (2 * GROUPS))

            def stats_body(d, carry):
                accs = list(carry)
                c63 = (rid0 + d) & (HDIM - 1)
                for g in range(GROUPS):
                    v = plsc.load_gather(rows_v, [rids[g], c63])
                    accs[g] = accs[g] + v
                    accs[GROUPS + g] = accs[GROUPS + g] + v * v
                return tuple(accs)

            res = plsc.parallel_loop(0, HDIM, carry=carry0)(stats_body)
            means, rstds = [], []
            for g in range(GROUPS):
                mean = res[g] * (1.0 / HDIM)
                var = res[GROUPS + g] * (1.0 / HDIM) - mean * mean
                means.append(mean)
                rstds.append(_rsqrt(var + EPS))

            @plsc.parallel_loop(0, HDIM, unroll=4)
            def phase_b(d):
                gd = gexp_v[pl.ds(d * LANES, LANES)]
                bd = bexp_v[pl.ds(d * LANES, LANES)]
                c63 = (rid0 + d) & (HDIM - 1)
                crow = c63 + obase
                for g in range(GROUPS):
                    v = plsc.load_gather(rows_v, [rids[g], c63])
                    o = (v - means[g]) * rstds[g] * gd + bd
                    plsc.store_scatter(obuf_v, [crow, tids[g]], o)

        for b in range(NBUF):
            g_copy(b, b).start()

        def steady(i, _):
            i0 = i * NBUF
            for b in range(NBUF):
                ci = i0 + b
                g_copy(ci, b).wait()

                @pl.when(ci >= NBUF)
                def _():
                    o_copy(ci - NBUF, b).wait()

                compute(ci, b)
                o_copy(ci, b).start()

                @pl.when(ci + NBUF < nch)
                def _():
                    g_copy(ci + NBUF, b).start()
            return 0

        lax.fori_loop(0, nch // NBUF, steady, 0)
        for b in range(NBUF):
            o_copy(nch - NBUF + b, b).wait()

    return kern


def kernel(input, table, gamma, beta):
    B, L = input.shape
    V, H = table.shape
    idx4 = input.reshape(NW, CH, L).transpose(0, 2, 1).astype(jnp.int32)
    nfull = V // CH
    tail = jnp.pad(table[nfull * CH:], ((0, 0), (0, H)))
    table2 = _build_fmt(V)(table.T, tail)
    diag = (jnp.arange(H)[:, None] + jnp.arange(LANES)[None, :]) % H
    gexp = gamma.astype(jnp.float32)[diag].reshape(H * LANES)
    bexp = beta.astype(jnp.float32)[diag].reshape(H * LANES)
    o2 = _build(L, B, table2.shape[0])(idx4, table2, gexp, bexp)
    return jnp.transpose(o2, (2, 0, 1))

# --- scband reference (transcript-rebuilt; emitter-appended) ---
"""Pipeline reference for scband-token-embedding-23493471109243 (READ-ONLY COPY).

The authoritative reference and input builder live on the scoring server;
editing this copy changes nothing except your own understanding.
"""

import jax, jax.numpy as jnp
import numpy as np

VOCAB = 1000000
HDIM = 64
B = 4096
L = 200

def setup_inputs(seed: int = 0) -> dict:
    key = jax.random.key(seed)
    k1, k2 = jax.random.split(key)
    input_ids = jax.random.randint(k1, (B, L), 0, VOCAB, dtype=jnp.int64)
    table = jax.random.normal(k2, (VOCAB, HDIM), dtype=jnp.float32) * 0.02
    gamma = jnp.ones((HDIM,), dtype=jnp.float32)
    beta = jnp.zeros((HDIM,), dtype=jnp.float32)
    return {"input": input_ids, "table": table, "gamma": gamma, "beta": beta}

def _layer_norm(x, gamma, beta, eps=1e-5):
    mean = jnp.mean(x, axis=-1, keepdims=True)
    var = jnp.mean((x - mean) ** 2, axis=-1, keepdims=True)
    xhat = (x - mean) / jnp.sqrt(var + eps)
    return xhat * gamma + beta

def reference(input, table, gamma, beta):
    embedded = jnp.take(table, input, axis=0)
    return _layer_norm(embedded, gamma, beta)

if __name__ == "__main__":
    import jax
    _d = setup_inputs()
    print(jax.jit(kernel)(*tuple(_d.values())))

</pallas_src>

<mosaic_0001>
#map = affine_map<(d0, d1) -> (0, 0)>
module attributes {stable_mosaic.version = 14 : i64} {
  func.func @kern(%arg0: i32, %arg1: i32, %arg2: memref<64x1000000xf32, #tpu.memory_space<hbm>>, %arg3: memref<64x128xf32, #tpu.memory_space<hbm>>, %arg4: memref<1000064x128xf32, #tpu.memory_space<hbm>>, %arg5: memref<128x128xf32, #tpu.memory_space<vmem>>, %arg6: memref<256x128xf32, #tpu.memory_space<vmem>>, %arg7: memref<2x!tpu.dma_semaphore, #tpu.memory_space<semaphore_mem>>, %arg8: memref<2x!tpu.dma_semaphore, #tpu.memory_space<semaphore_mem>>) attributes {dimension_semantics = [#tpu.dimension_semantics<core_parallel>, #tpu.dimension_semantics<subcore_parallel>], iteration_bounds = array<i64: 2, 16>, scalar_prefetch = 0 : i64, scratch_operands = 4 : i64, tpu.core_type = #tpu.core_type<sc_vector_subcore>, window_params = [{transform_indices = #map}, {transform_indices = #map}, {transform_indices = #map}]} {
    %mul3A = arith.constant 2 : i32
    %mul3A_0 = arith.muli %arg1, %mul3A : i32
    %add3A = arith.addi %mul3A_0, %arg0 : i32
    %iota3A = tpu.iota {dimensions = array<i32: 0>} : vector<16xi32>
    %add3A_1 = arith.constant 0 : i32
    %add3A_2 = arith.addi %add3A_1, %add3A : i32
    %lt3A = arith.constant 7812 : i32
    %lt3A_3 = arith.cmpi slt, %add3A_2, %lt3A : i32
    %convert_element_type3A = arith.extui %lt3A_3 : i1 to i32
    %cond3A = arith.constant 0 : i32
    %cond3A_4 = arith.cmpi ne, %convert_element_type3A, %cond3A : i32
    scf.if %cond3A_4 {
      %add3A_51 = arith.constant 0 : i32
      %add3A_52 = arith.addi %add3A_51, %add3A : i32
      %mul3A_53 = arith.constant 128 : i32
      %mul3A_54 = arith.muli %add3A_52, %mul3A_53 : i32
      %dma_start3A = arith.constant 0 : i32
      %dma_start3A_55 = arith.constant 0 : i32
      %dma_start3A_56 = arith.constant 0 : i32
      %dma_start3A_57 = tpu.memref_slice %arg5[%dma_start3A_55, %dma_start3A_56] : memref<128x128xf32, #tpu.memory_space<vmem>> -> memref<64x128xf32, #tpu.memory_space<vmem>>
      %dma_start3A_58 = arith.constant 0 : i32
      %dma_start3A_59 = tpu.memref_slice %arg2[%dma_start3A_58, %mul3A_54] : memref<64x1000000xf32, #tpu.memory_space<hbm>> -> memref<64x128xf32, #tpu.memory_space<hbm>>
      %dma_start3A_60 = tpu.memref_slice %arg7[%dma_start3A] : memref<2x!tpu.dma_semaphore, #tpu.memory_space<semaphore_mem>> -> memref<1x!tpu.dma_semaphore, #tpu.memory_space<semaphore_mem>>
      %dma_start3A_61 = tpu.memref_squeeze %dma_start3A_60 : memref<1x!tpu.dma_semaphore, #tpu.memory_space<semaphore_mem>> -> memref<!tpu.dma_semaphore, #tpu.memory_space<semaphore_mem>>
      %dma_start3A_62 = arith.constant 0 : i32
      %dma_start3A_63 = arith.constant 0 : i32
      %dma_start3A_64 = tpu.memref_slice %arg5[%dma_start3A_62, %dma_start3A_63] : memref<128x128xf32, #tpu.memory_space<vmem>> -> memref<64x128xf32, #tpu.memory_space<vmem>>
      %dma_start3A_65 = arith.constant 0 : i32
      %dma_start3A_66 = tpu.memref_slice %arg2[%dma_start3A_65, %mul3A_54] : memref<64x1000000xf32, #tpu.memory_space<hbm>> -> memref<64x128xf32, #tpu.memory_space<hbm>>
      tpu.enqueue_dma source(%dma_start3A_66 : memref<64x128xf32, #tpu.memory_space<hbm>>) target(%dma_start3A_64 : memref<64x128xf32, #tpu.memory_space<vmem>>) target_semaphore(%dma_start3A_61 : memref<!tpu.dma_semaphore, #tpu.memory_space<semaphore_mem>>)
    } else {
    }
    %add3A_5 = arith.constant 32 : i32
    %add3A_6 = arith.addi %add3A_5, %add3A : i32
    %lt3A_7 = arith.constant 7812 : i32
    %lt3A_8 = arith.cmpi slt, %add3A_6, %lt3A_7 : i32
    %convert_element_type3A_9 = arith.extui %lt3A_8 : i1 to i32
    %cond3A_10 = arith.constant 0 : i32
    %cond3A_11 = arith.cmpi ne, %convert_element_type3A_9, %cond3A_10 : i32
    scf.if %cond3A_11 {
      %add3A_51 = arith.constant 32 : i32
      %add3A_52 = arith.addi %add3A_51, %add3A : i32
      %mul3A_53 = arith.constant 128 : i32
      %mul3A_54 = arith.muli %add3A_52, %mul3A_53 : i32
      %dma_start3A = arith.constant 1 : i32
      %dma_start3A_55 = arith.constant 64 : i32
      %dma_start3A_56 = arith.constant 0 : i32
      %dma_start3A_57 = tpu.memref_slice %arg5[%dma_start3A_55, %dma_start3A_56] : memref<128x128xf32, #tpu.memory_space<vmem>> -> memref<64x128xf32, #tpu.memory_space<vmem>>
      %dma_start3A_58 = arith.constant 0 : i32
      %dma_start3A_59 = tpu.memref_slice %arg2[%dma_start3A_58, %mul3A_54] : memref<64x1000000xf32, #tpu.memory_space<hbm>> -> memref<64x128xf32, #tpu.memory_space<hbm>>
      %dma_start3A_60 = tpu.memref_slice %arg7[%dma_start3A] : memref<2x!tpu.dma_semaphore, #tpu.memory_space<semaphore_mem>> -> memref<1x!tpu.dma_semaphore, #tpu.memory_space<semaphore_mem>>
      %dma_start3A_61 = tpu.memref_squeeze %dma_start3A_60 : memref<1x!tpu.dma_semaphore, #tpu.memory_space<semaphore_mem>> -> memref<!tpu.dma_semaphore, #tpu.memory_space<semaphore_mem>>
      %dma_start3A_62 = arith.constant 64 : i32
      %dma_start3A_63 = arith.constant 0 : i32
      %dma_start3A_64 = tpu.memref_slice %arg5[%dma_start3A_62, %dma_start3A_63] : memref<128x128xf32, #tpu.memory_space<vmem>> -> memref<64x128xf32, #tpu.memory_space<vmem>>
      %dma_start3A_65 = arith.constant 0 : i32
      %dma_start3A_66 = tpu.memref_slice %arg2[%dma_start3A_65, %mul3A_54] : memref<64x1000000xf32, #tpu.memory_space<hbm>> -> memref<64x128xf32, #tpu.memory_space<hbm>>
      tpu.enqueue_dma source(%dma_start3A_66 : memref<64x128xf32, #tpu.memory_space<hbm>>) target(%dma_start3A_64 : memref<64x128xf32, #tpu.memory_space<vmem>>) target_semaphore(%dma_start3A_61 : memref<!tpu.dma_semaphore, #tpu.memory_space<semaphore_mem>>)
    } else {
    }
    %scan3A = arith.constant 0 : i32
    %scan3A_12 = arith.constant 0 : i32
    %scan3A_13 = arith.constant 123 : i32
    %scan3A_14 = arith.addi %scan3A_12, %scan3A_13 : i32
    %scan3A_15 = arith.constant 1 : i32
    %scan3A_16 = scf.for %scan3A_51 = %scan3A_12 to %scan3A_14 step %scan3A_15 iter_args(%scan3A_52 = %scan3A) -> (i32)  : i32 {
      %mul3A_53 = arith.constant 2 : i32
      %mul3A_54 = arith.muli %scan3A_51, %mul3A_53 : i32
      %add3A_55 = arith.constant 0 : i32
      %add3A_56 = arith.addi %mul3A_54, %add3A_55 : i32
      %mul3A_57 = arith.constant 32 : i32
      %mul3A_58 = arith.muli %add3A_56, %mul3A_57 : i32
      %add3A_59 = arith.addi %mul3A_58, %add3A : i32
      %lt3A_60 = arith.constant 7812 : i32
      %lt3A_61 = arith.cmpi slt, %add3A_59, %lt3A_60 : i32
      %convert_element_type3A_62 = arith.extui %lt3A_61 : i1 to i32
      %cond3A_63 = arith.constant 0 : i32
      %cond3A_64 = arith.cmpi ne, %convert_element_type3A_62, %cond3A_63 : i32
      scf.if %cond3A_64 {
        %mul3A_78 = arith.constant 128 : i32
        %mul3A_79 = arith.muli %add3A_59, %mul3A_78 : i32
        %dma_wait3A_80 = arith.constant 0 : i32
        %dma_wait3A_81 = arith.constant 0 : i32
        %dma_wait3A_82 = arith.constant 0 : i32
        %dma_wait3A_83 = tpu.memref_slice %arg5[%dma_wait3A_81, %dma_wait3A_82] : memref<128x128xf32, #tpu.memory_space<vmem>> -> memref<64x128xf32, #tpu.memory_space<vmem>>
        %dma_wait3A_84 = arith.constant 0 : i32
        %dma_wait3A_85 = tpu.memref_slice %arg2[%dma_wait3A_84, %mul3A_79] : memref<64x1000000xf32, #tpu.memory_space<hbm>> -> memref<64x128xf32, #tpu.memory_space<hbm>>
        %dma_wait3A_86 = tpu.memref_slice %arg7[%dma_wait3A_80] : memref<2x!tpu.dma_semaphore, #tpu.memory_space<semaphore_mem>> -> memref<1x!tpu.dma_semaphore, #tpu.memory_space<semaphore_mem>>
        %dma_wait3A_87 = tpu.memref_squeeze %dma_wait3A_86 : memref<1x!tpu.dma_semaphore, #tpu.memory_space<semaphore_mem>> -> memref<!tpu.dma_semaphore, #tpu.memory_space<semaphore_mem>>
        %dma_wait3A_88 = arith.constant 0 : i32
        %dma_wait3A_89 = arith.constant 0 : i32
        %dma_wait3A_90 = tpu.memref_slice %arg5[%dma_wait3A_88, %dma_wait3A_89] : memref<128x128xf32, #tpu.memory_space<vmem>> -> memref<64x128xf32, #tpu.memory_space<vmem>>
        %dma_wait3A_91 = arith.constant 0 : i32
        %dma_wait3A_92 = tpu.memref_slice %arg2[%dma_wait3A_91, %mul3A_79] : memref<64x1000000xf32, #tpu.memory_space<hbm>> -> memref<64x128xf32, #tpu.memory_space<hbm>>
        tpu.wait_dma2 semaphore(%dma_wait3A_87 : memref<!tpu.dma_semaphore, #tpu.memory_space<semaphore_mem>>) src(%dma_wait3A_92 : memref<64x128xf32, #tpu.memory_space<hbm>>) dst(%dma_wait3A_90 : memref<64x128xf32, #tpu.memory_space<vmem>>)
        %ge3A = arith.constant 2 : i32
        %ge3A_93 = arith.cmpi sge, %add3A_56, %ge3A : i32
        %convert_element_type3A_94 = arith.extui %ge3A_93 : i1 to i32
        %cond3A_95 = arith.constant 0 : i32
        %cond3A_96 = arith.cmpi ne, %convert_element_type3A_94, %cond3A_95 : i32
        scf.if %cond3A_96 {
          %sub3A = arith.constant 2 : i32
          %sub3A_123 = arith.subi %add3A_56, %sub3A : i32
          %mul3A_124 = arith.constant 32 : i32
          %mul3A_125 = arith.muli %sub3A_123, %mul3A_124 : i32
          %add3A_126 = arith.addi %mul3A_125, %add3A : i32
          %mul3A_127 = arith.constant 128 : i32
          %mul3A_128 = arith.muli %add3A_126, %mul3A_127 : i32
          %dma_wait3A_129 = arith.constant 0 : i32
          %dma_wait3A_130 = arith.constant 0 : i32
          %dma_wait3A_131 = arith.constant 0 : i32
          %dma_wait3A_132 = tpu.memref_slice %arg6[%dma_wait3A_130, %dma_wait3A_131] : memref<256x128xf32, #tpu.memory_space<vmem>> -> memref<128x128xf32, #tpu.memory_space<vmem>>
          %dma_wait3A_133 = arith.constant 0 : i32
          %dma_wait3A_134 = tpu.memref_slice %arg4[%mul3A_128, %dma_wait3A_133] : memref<1000064x128xf32, #tpu.memory_space<hbm>> -> memref<128x128xf32, #tpu.memory_space<hbm>>
          %dma_wait3A_135 = tpu.memref_slice %arg8[%dma_wait3A_129] : memref<2x!tpu.dma_semaphore, #tpu.memory_space<semaphore_mem>> -> memref<1x!tpu.dma_semaphore, #tpu.memory_space<semaphore_mem>>
          %dma_wait3A_136 = tpu.memref_squeeze %dma_wait3A_135 : memref<1x!tpu.dma_semaphore, #tpu.memory_space<semaphore_mem>> -> memref<!tpu.dma_semaphore, #tpu.memory_space<semaphore_mem>>
          %dma_wait3A_137 = arith.constant 0 : i32
          %dma_wait3A_138 = tpu.memref_slice %arg4[%mul3A_128, %dma_wait3A_137] : memref<1000064x128xf32, #tpu.memory_space<hbm>> -> memref<128x128xf32, #tpu.memory_space<hbm>>
          %dma_wait3A_139 = arith.constant 0 : i32
          %dma_wait3A_140 = arith.constant 0 : i32
          %dma_wait3A_141 = tpu.memref_slice %arg6[%dma_wait3A_139, %dma_wait3A_140] : memref<256x128xf32, #tpu.memory_space<vmem>> -> memref<128x128xf32, #tpu.memory_space<vmem>>
          tpu.wait_dma2 semaphore(%dma_wait3A_136 : memref<!tpu.dma_semaphore, #tpu.memory_space<semaphore_mem>>) src(%dma_wait3A_141 : memref<128x128xf32, #tpu.memory_space<vmem>>) dst(%dma_wait3A_138 : memref<128x128xf32, #tpu.memory_space<hbm>>)
        } else {
        }
        %parallel_loop3A = arith.constant 0 : i32
        %parallel_loop3A_97 = arith.constant 64 : i32
        %parallel_loop3A_98 = arith.constant 1 : i32
        scf.for %parallel_loop3A_123 = %parallel_loop3A to %parallel_loop3A_97 step %parallel_loop3A_98  : i32 {
          %parallel_loop3A_124 = vector.broadcast %parallel_loop3A_123 : i32 to vector<16xi32>
          %parallel_loop3A_125 = arith.addi %iota3A, %parallel_loop3A_124 : vector<16xi32>
          %parallel_loop3A_126 = arith.constant 63 : i32
          %parallel_loop3A_127 = vector.broadcast %parallel_loop3A_126 : i32 to vector<16xi32>
          %parallel_loop3A_128 = arith.andi %parallel_loop3A_125, %parallel_loop3A_127 : vector<16xi32>
          %parallel_loop3A_129 = arith.constant 0 : i32
          %parallel_loop3A_130 = vector.broadcast %parallel_loop3A_129 : i32 to vector<16xi32>
          %parallel_loop3A_131 = arith.addi %parallel_loop3A_128, %parallel_loop3A_130 : vector<16xi32>
          %parallel_loop3A_132 = arith.constant 0 : i32
          %parallel_loop3A_133 = vector.broadcast %parallel_loop3A_132 : i32 to vector<16xi32>
          %parallel_loop3A_134 = arith.addi %iota3A, %parallel_loop3A_133 : vector<16xi32>
          %parallel_loop3A_135 = tpu.vector_load_idx %arg5[%parallel_loop3A_131, %parallel_loop3A_134] : memref<128x128xf32, #tpu.memory_space<vmem>>[vector<16xi32>, vector<16xi32>], vector<16xf32>,
          %parallel_loop3A_136 = arith.constant 0 : i32
          %parallel_loop3A_137 = vector.broadcast %parallel_loop3A_136 : i32 to vector<16xi32>
          %parallel_loop3A_138 = arith.addi %parallel_loop3A_134, %parallel_loop3A_137 : vector<16xi32>
          tpu.vector_store_idx %arg6[%parallel_loop3A_138, %parallel_loop3A_128], %parallel_loop3A_135 : memref<256x128xf32, #tpu.memory_space<vmem>>[vector<16xi32>, vector<16xi32>], vector<16xf32>,
          %parallel_loop3A_139 = arith.constant 16 : i32
          %parallel_loop3A_140 = vector.broadcast %parallel_loop3A_139 : i32 to vector<16xi32>
          %parallel_loop3A_141 = arith.addi %iota3A, %parallel_loop3A_140 : vector<16xi32>
          %parallel_loop3A_142 = tpu.vector_load_idx %arg5[%parallel_loop3A_131, %parallel_loop3A_141] : memref<128x128xf32, #tpu.memory_space<vmem>>[vector<16xi32>, vector<16xi32>], vector<16xf32>,
          %parallel_loop3A_143 = arith.constant 0 : i32
          %parallel_loop3A_144 = vector.broadcast %parallel_loop3A_143 : i32 to vector<16xi32>
          %parallel_loop3A_145 = arith.addi %parallel_loop3A_141, %parallel_loop3A_144 : vector<16xi32>
          tpu.vector_store_idx %arg6[%parallel_loop3A_145, %parallel_loop3A_128], %parallel_loop3A_142 : memref<256x128xf32, #tpu.memory_space<vmem>>[vector<16xi32>, vector<16xi32>], vector<16xf32>,
          %parallel_loop3A_146 = arith.constant 32 : i32
          %parallel_loop3A_147 = vector.broadcast %parallel_loop3A_146 : i32 to vector<16xi32>
          %parallel_loop3A_148 = arith.addi %iota3A, %parallel_loop3A_147 : vector<16xi32>
          %parallel_loop3A_149 = tpu.vector_load_idx %arg5[%parallel_loop3A_131, %parallel_loop3A_148] : memref<128x128xf32, #tpu.memory_space<vmem>>[vector<16xi32>, vector<16xi32>], vector<16xf32>,
          %parallel_loop3A_150 = arith.constant 0 : i32
          %parallel_loop3A_151 = vector.broadcast %parallel_loop3A_150 : i32 to vector<16xi32>
          %parallel_loop3A_152 = arith.addi %parallel_loop3A_148, %parallel_loop3A_151 : vector<16xi32>
          tpu.vector_store_idx %arg6[%parallel_loop3A_152, %parallel_loop3A_128], %parallel_loop3A_149 : memref<256x128xf32, #tpu.memory_space<vmem>>[vector<16xi32>, vector<16xi32>], vector<16xf32>,
          %parallel_loop3A_153 = arith.constant 48 : i32
          %parallel_loop3A_154 = vector.broadcast %parallel_loop3A_153 : i32 to vector<16xi32>
          %parallel_loop3A_155 = arith.addi %iota3A, %parallel_loop3A_154 : vector<16xi32>
          %parallel_loop3A_156 = tpu.vector_load_idx %arg5[%parallel_loop3A_131, %parallel_loop3A_155] : memref<128x128xf32, #tpu.memory_space<vmem>>[vector<16xi32>, vector<16xi32>], vector<16xf32>,
          %parallel_loop3A_157 = arith.constant 0 : i32
          %parallel_loop3A_158 = vector.broadcast %parallel_loop3A_157 : i32 to vector<16xi32>
          %parallel_loop3A_159 = arith.addi %parallel_loop3A_155, %parallel_loop3A_158 : vector<16xi32>
          tpu.vector_store_idx %arg6[%parallel_loop3A_159, %parallel_loop3A_128], %parallel_loop3A_156 : memref<256x128xf32, #tpu.memory_space<vmem>>[vector<16xi32>, vector<16xi32>], vector<16xf32>,
          %parallel_loop3A_160 = arith.constant 64 : i32
          %parallel_loop3A_161 = vector.broadcast %parallel_loop3A_160 : i32 to vector<16xi32>
          %parallel_loop3A_162 = arith.addi %iota3A, %parallel_loop3A_161 : vector<16xi32>
          %parallel_loop3A_163 = tpu.vector_load_idx %arg5[%parallel_loop3A_131, %parallel_loop3A_162] : memref<128x128xf32, #tpu.memory_space<vmem>>[vector<16xi32>, vector<16xi32>], vector<16xf32>,
          %parallel_loop3A_164 = arith.constant 0 : i32
          %parallel_loop3A_165 = vector.broadcast %parallel_loop3A_164 : i32 to vector<16xi32>
          %parallel_loop3A_166 = arith.addi %parallel_loop3A_162, %parallel_loop3A_165 : vector<16xi32>
          tpu.vector_store_idx %arg6[%parallel_loop3A_166, %parallel_loop3A_128], %parallel_loop3A_163 : memref<256x128xf32, #tpu.memory_space<vmem>>[vector<16xi32>, vector<16xi32>], vector<16xf32>,
          %parallel_loop3A_167 = arith.constant 80 : i32
          %parallel_loop3A_168 = vector.broadcast %parallel_loop3A_167 : i32 to vector<16xi32>
          %parallel_loop3A_169 = arith.addi %iota3A, %parallel_loop3A_168 : vector<16xi32>
          %parallel_loop3A_170 = tpu.vector_load_idx %arg5[%parallel_loop3A_131, %parallel_loop3A_169] : memref<128x128xf32, #tpu.memory_space<vmem>>[vector<16xi32>, vector<16xi32>], vector<16xf32>,
          %parallel_loop3A_171 = arith.constant 0 : i32
          %parallel_loop3A_172 = vector.broadcast %parallel_loop3A_171 : i32 to vector<16xi32>
          %parallel_loop3A_173 = arith.addi %parallel_loop3A_169, %parallel_loop3A_172 : vector<16xi32>
          tpu.vector_store_idx %arg6[%parallel_loop3A_173, %parallel_loop3A_128], %parallel_loop3A_170 : memref<256x128xf32, #tpu.memory_space<vmem>>[vector<16xi32>, vector<16xi32>], vector<16xf32>,
          %parallel_loop3A_174 = arith.constant 96 : i32
          %parallel_loop3A_175 = vector.broadcast %parallel_loop3A_174 : i32 to vector<16xi32>
          %parallel_loop3A_176 = arith.addi %iota3A, %parallel_loop3A_175 : vector<16xi32>
          %parallel_loop3A_177 = tpu.vector_load_idx %arg5[%parallel_loop3A_131, %parallel_loop3A_176] : memref<128x128xf32, #tpu.memory_space<vmem>>[vector<16xi32>, vector<16xi32>], vector<16xf32>,
          %parallel_loop3A_178 = arith.constant 0 : i32
          %parallel_loop3A_179 = vector.broadcast %parallel_loop3A_178 : i32 to vector<16xi32>
          %parallel_loop3A_180 = arith.addi %parallel_loop3A_176, %parallel_loop3A_179 : vector<16xi32>
          tpu.vector_store_idx %arg6[%parallel_loop3A_180, %parallel_loop3A_128], %parallel_loop3A_177 : memref<256x128xf32, #tpu.memory_space<vmem>>[vector<16xi32>, vector<16xi32>], vector<16xf32>,
          %parallel_loop3A_181 = arith.constant 112 : i32
          %parallel_loop3A_182 = vector.broadcast %parallel_loop3A_181 : i32 to vector<16xi32>
          %parallel_loop3A_183 = arith.addi %iota3A, %parallel_loop3A_182 : vector<16xi32>
          %parallel_loop3A_184 = tpu.vector_load_idx %arg5[%parallel_loop3A_131, %parallel_loop3A_183] : memref<128x128xf32, #tpu.memory_space<vmem>>[vector<16xi32>, vector<16xi32>], vector<16xf32>,
          %parallel_loop3A_185 = arith.constant 0 : i32
          %parallel_loop3A_186 = vector.broadcast %parallel_loop3A_185 : i32 to vector<16xi32>
          %parallel_loop3A_187 = arith.addi %parallel_loop3A_183, %parallel_loop3A_186 : vector<16xi32>
          tpu.vector_store_idx %arg6[%parallel_loop3A_187, %parallel_loop3A_128], %parallel_loop3A_184 : memref<256x128xf32, #tpu.memory_space<vmem>>[vector<16xi32>, vector<16xi32>], vector<16xf32>,
        } {sc.loop_unroll_factor = 1 : i64, sc.parallel_access}
        %mul3A_99 = arith.constant 128 : i32
        %mul3A_100 = arith.muli %add3A_59, %mul3A_99 : i32
        %dma_start3A = arith.constant 0 : i32
        %dma_start3A_101 = arith.constant 0 : i32
        %dma_start3A_102 = arith.constant 0 : i32
        %dma_start3A_103 = tpu.memref_slice %arg6[%dma_start3A_101, %dma_start3A_102] : memref<256x128xf32, #tpu.memory_space<vmem>> -> memref<128x128xf32, #tpu.memory_space<vmem>>
        %dma_start3A_104 = arith.constant 0 : i32
        %dma_start3A_105 = tpu.memref_slice %arg4[%mul3A_100, %dma_start3A_104] : memref<1000064x128xf32, #tpu.memory_space<hbm>> -> memref<128x128xf32, #tpu.memory_space<hbm>>
        %dma_start3A_106 = tpu.memref_slice %arg8[%dma_start3A] : memref<2x!tpu.dma_semaphore, #tpu.memory_space<semaphore_mem>> -> memref<1x!tpu.dma_semaphore, #tpu.memory_space<semaphore_mem>>
        %dma_start3A_107 = tpu.memref_squeeze %dma_start3A_106 : memref<1x!tpu.dma_semaphore, #tpu.memory_space<semaphore_mem>> -> memref<!tpu.dma_semaphore, #tpu.memory_space<semaphore_mem>>
        %dma_start3A_108 = arith.constant 0 : i32
        %dma_start3A_109 = tpu.memref_slice %arg4[%mul3A_100, %dma_start3A_108] : memref<1000064x128xf32, #tpu.memory_space<hbm>> -> memref<128x128xf32, #tpu.memory_space<hbm>>
        %dma_start3A_110 = arith.constant 0 : i32
        %dma_start3A_111 = arith.constant 0 : i32
        %dma_start3A_112 = tpu.memref_slice %arg6[%dma_start3A_110, %dma_start3A_111] : memref<256x128xf32, #tpu.memory_space<vmem>> -> memref<128x128xf32, #tpu.memory_space<vmem>>
        tpu.enqueue_dma source(%dma_start3A_112 : memref<128x128xf32, #tpu.memory_space<vmem>>) target(%dma_start3A_109 : memref<128x128xf32, #tpu.memory_space<hbm>>) target_semaphore(%dma_start3A_107 : memref<!tpu.dma_semaphore, #tpu.memory_space<semaphore_mem>>)
        %add3A_113 = arith.constant 2 : i32
        %add3A_114 = arith.addi %add3A_56, %add3A_113 : i32
        %mul3A_115 = arith.constant 32 : i32
        %mul3A_116 = arith.muli %add3A_114, %mul3A_115 : i32
        %add3A_117 = arith.addi %mul3A_116, %add3A : i32
        %lt3A_118 = arith.constant 7812 : i32
        %lt3A_119 = arith.cmpi slt, %add3A_117, %lt3A_118 : i32
        %convert_element_type3A_120 = arith.extui %lt3A_119 : i1 to i32
        %cond3A_121 = arith.constant 0 : i32
        %cond3A_122 = arith.cmpi ne, %convert_element_type3A_120, %cond3A_121 : i32
        scf.if %cond3A_122 {
          %mul3A_123 = arith.constant 128 : i32
          %mul3A_124 = arith.muli %add3A_117, %mul3A_123 : i32
          %dma_start3A_125 = arith.constant 0 : i32
          %dma_start3A_126 = arith.constant 0 : i32
          %dma_start3A_127 = arith.constant 0 : i32
          %dma_start3A_128 = tpu.memref_slice %arg5[%dma_start3A_126, %dma_start3A_127] : memref<128x128xf32, #tpu.memory_space<vmem>> -> memref<64x128xf32, #tpu.memory_space<vmem>>
          %dma_start3A_129 = arith.constant 0 : i32
          %dma_start3A_130 = tpu.memref_slice %arg2[%dma_start3A_129, %mul3A_124] : memref<64x1000000xf32, #tpu.memory_space<hbm>> -> memref<64x128xf32, #tpu.memory_space<hbm>>
          %dma_start3A_131 = tpu.memref_slice %arg7[%dma_start3A_125] : memref<2x!tpu.dma_semaphore, #tpu.memory_space<semaphore_mem>> -> memref<1x!tpu.dma_semaphore, #tpu.memory_space<semaphore_mem>>
          %dma_start3A_132 = tpu.memref_squeeze %dma_start3A_131 : memref<1x!tpu.dma_semaphore, #tpu.memory_space<semaphore_mem>> -> memref<!tpu.dma_semaphore, #tpu.memory_space<semaphore_mem>>
          %dma_start3A_133 = arith.constant 0 : i32
          %dma_start3A_134 = arith.constant 0 : i32
          %dma_start3A_135 = tpu.memref_slice %arg5[%dma_start3A_133, %dma_start3A_134] : memref<128x128xf32, #tpu.memory_space<vmem>> -> memref<64x128xf32, #tpu.memory_space<vmem>>
          %dma_start3A_136 = arith.constant 0 : i32
          %dma_start3A_137 = tpu.memref_slice %arg2[%dma_start3A_136, %mul3A_124] : memref<64x1000000xf32, #tpu.memory_space<hbm>> -> memref<64x128xf32, #tpu.memory_space<hbm>>
          tpu.enqueue_dma source(%dma_start3A_137 : memref<64x128xf32, #tpu.memory_space<hbm>>) target(%dma_start3A_135 : memref<64x128xf32, #tpu.memory_space<vmem>>) target_semaphore(%dma_start3A_132 : memref<!tpu.dma_semaphore, #tpu.memory_space<semaphore_mem>>)
        } else {
        }
      } else {
      }
      %mul3A_65 = arith.constant 2 : i32
      %mul3A_66 = arith.muli %scan3A_51, %mul3A_65 : i32
      %add3A_67 = arith.constant 1 : i32
      %add3A_68 = arith.addi %mul3A_66, %add3A_67 : i32
      %mul3A_69 = arith.constant 32 : i32
      %mul3A_70 = arith.muli %add3A_68, %mul3A_69 : i32
      %add3A_71 = arith.addi %mul3A_70, %add3A : i32
      %lt3A_72 = arith.constant 7812 : i32
      %lt3A_73 = arith.cmpi slt, %add3A_71, %lt3A_72 : i32
      %convert_element_type3A_74 = arith.extui %lt3A_73 : i1 to i32
      %cond3A_75 = arith.constant 0 : i32
      %cond3A_76 = arith.cmpi ne, %convert_element_type3A_74, %cond3A_75 : i32
      scf.if %cond3A_76 {
        %mul3A_78 = arith.constant 128 : i32
        %mul3A_79 = arith.muli %add3A_71, %mul3A_78 : i32
        %dma_wait3A_80 = arith.constant 1 : i32
        %dma_wait3A_81 = arith.constant 64 : i32
        %dma_wait3A_82 = arith.constant 0 : i32
        %dma_wait3A_83 = tpu.memref_slice %arg5[%dma_wait3A_81, %dma_wait3A_82] : memref<128x128xf32, #tpu.memory_space<vmem>> -> memref<64x128xf32, #tpu.memory_space<vmem>>
        %dma_wait3A_84 = arith.constant 0 : i32
        %dma_wait3A_85 = tpu.memref_slice %arg2[%dma_wait3A_84, %mul3A_79] : memref<64x1000000xf32, #tpu.memory_space<hbm>> -> memref<64x128xf32, #tpu.memory_space<hbm>>
        %dma_wait3A_86 = tpu.memref_slice %arg7[%dma_wait3A_80] : memref<2x!tpu.dma_semaphore, #tpu.memory_space<semaphore_mem>> -> memref<1x!tpu.dma_semaphore, #tpu.memory_space<semaphore_mem>>
        %dma_wait3A_87 = tpu.memref_squeeze %dma_wait3A_86 : memref<1x!tpu.dma_semaphore, #tpu.memory_space<semaphore_mem>> -> memref<!tpu.dma_semaphore, #tpu.memory_space<semaphore_mem>>
        %dma_wait3A_88 = arith.constant 64 : i32
        %dma_wait3A_89 = arith.constant 0 : i32
        %dma_wait3A_90 = tpu.memref_slice %arg5[%dma_wait3A_88, %dma_wait3A_89] : memref<128x128xf32, #tpu.memory_space<vmem>> -> memref<64x128xf32, #tpu.memory_space<vmem>>
        %dma_wait3A_91 = arith.constant 0 : i32
        %dma_wait3A_92 = tpu.memref_slice %arg2[%dma_wait3A_91, %mul3A_79] : memref<64x1000000xf32, #tpu.memory_space<hbm>> -> memref<64x128xf32, #tpu.memory_space<hbm>>
        tpu.wait_dma2 semaphore(%dma_wait3A_87 : memref<!tpu.dma_semaphore, #tpu.memory_space<semaphore_mem>>) src(%dma_wait3A_92 : memref<64x128xf32, #tpu.memory_space<hbm>>) dst(%dma_wait3A_90 : memref<64x128xf32, #tpu.memory_space<vmem>>)
        %ge3A = arith.constant 2 : i32
        %ge3A_93 = arith.cmpi sge, %add3A_68, %ge3A : i32
        %convert_element_type3A_94 = arith.extui %ge3A_93 : i1 to i32
        %cond3A_95 = arith.constant 0 : i32
        %cond3A_96 = arith.cmpi ne, %convert_element_type3A_94, %cond3A_95 : i32
        scf.if %cond3A_96 {
          %sub3A = arith.constant 2 : i32
          %sub3A_123 = arith.subi %add3A_68, %sub3A : i32
          %mul3A_124 = arith.constant 32 : i32
          %mul3A_125 = arith.muli %sub3A_123, %mul3A_124 : i32
          %add3A_126 = arith.addi %mul3A_125, %add3A : i32
          %mul3A_127 = arith.constant 128 : i32
          %mul3A_128 = arith.muli %add3A_126, %mul3A_127 : i32
          %dma_wait3A_129 = arith.constant 1 : i32
          %dma_wait3A_130 = arith.constant 128 : i32
          %dma_wait3A_131 = arith.constant 0 : i32
          %dma_wait3A_132 = tpu.memref_slice %arg6[%dma_wait3A_130, %dma_wait3A_131] : memref<256x128xf32, #tpu.memory_space<vmem>> -> memref<128x128xf32, #tpu.memory_space<vmem>>
          %dma_wait3A_133 = arith.constant 0 : i32
          %dma_wait3A_134 = tpu.memref_slice %arg4[%mul3A_128, %dma_wait3A_133] : memref<1000064x128xf32, #tpu.memory_space<hbm>> -> memref<128x128xf32, #tpu.memory_space<hbm>>
          %dma_wait3A_135 = tpu.memref_slice %arg8[%dma_wait3A_129] : memref<2x!tpu.dma_semaphore, #tpu.memory_space<semaphore_mem>> -> memref<1x!tpu.dma_semaphore, #tpu.memory_space<semaphore_mem>>
          %dma_wait3A_136 = tpu.memref_squeeze %dma_wait3A_135 : memref<1x!tpu.dma_semaphore, #tpu.memory_space<semaphore_mem>> -> memref<!tpu.dma_semaphore, #tpu.memory_space<semaphore_mem>>
          %dma_wait3A_137 = arith.constant 0 : i32
          %dma_wait3A_138 = tpu.memref_slice %arg4[%mul3A_128, %dma_wait3A_137] : memref<1000064x128xf32, #tpu.memory_space<hbm>> -> memref<128x128xf32, #tpu.memory_space<hbm>>
          %dma_wait3A_139 = arith.constant 128 : i32
          %dma_wait3A_140 = arith.constant 0 : i32
          %dma_wait3A_141 = tpu.memref_slice %arg6[%dma_wait3A_139, %dma_wait3A_140] : memref<256x128xf32, #tpu.memory_space<vmem>> -> memref<128x128xf32, #tpu.memory_space<vmem>>
          tpu.wait_dma2 semaphore(%dma_wait3A_136 : memref<!tpu.dma_semaphore, #tpu.memory_space<semaphore_mem>>) src(%dma_wait3A_141 : memref<128x128xf32, #tpu.memory_space<vmem>>) dst(%dma_wait3A_138 : memref<128x128xf32, #tpu.memory_space<hbm>>)
        } else {
        }
        %parallel_loop3A = arith.constant 0 : i32
        %parallel_loop3A_97 = arith.constant 64 : i32
        %parallel_loop3A_98 = arith.constant 1 : i32
        scf.for %parallel_loop3A_123 = %parallel_loop3A to %parallel_loop3A_97 step %parallel_loop3A_98  : i32 {
          %parallel_loop3A_124 = vector.broadcast %parallel_loop3A_123 : i32 to vector<16xi32>
          %parallel_loop3A_125 = arith.addi %iota3A, %parallel_loop3A_124 : vector<16xi32>
          %parallel_loop3A_126 = arith.constant 63 : i32
          %parallel_loop3A_127 = vector.broadcast %parallel_loop3A_126 : i32 to vector<16xi32>
          %parallel_loop3A_128 = arith.andi %parallel_loop3A_125, %parallel_loop3A_127 : vector<16xi32>
          %parallel_loop3A_129 = arith.constant 64 : i32
          %parallel_loop3A_130 = vector.broadcast %parallel_loop3A_129 : i32 to vector<16xi32>
          %parallel_loop3A_131 = arith.addi %parallel_loop3A_128, %parallel_loop3A_130 : vector<16xi32>
          %parallel_loop3A_132 = arith.constant 0 : i32
          %parallel_loop3A_133 = vector.broadcast %parallel_loop3A_132 : i32 to vector<16xi32>
          %parallel_loop3A_134 = arith.addi %iota3A, %parallel_loop3A_133 : vector<16xi32>
          %parallel_loop3A_135 = tpu.vector_load_idx %arg5[%parallel_loop3A_131, %parallel_loop3A_134] : memref<128x128xf32, #tpu.memory_space<vmem>>[vector<16xi32>, vector<16xi32>], vector<16xf32>,
          %parallel_loop3A_136 = arith.constant 128 : i32
          %parallel_loop3A_137 = vector.broadcast %parallel_loop3A_136 : i32 to vector<16xi32>
          %parallel_loop3A_138 = arith.addi %parallel_loop3A_134, %parallel_loop3A_137 : vector<16xi32>
          tpu.vector_store_idx %arg6[%parallel_loop3A_138, %parallel_loop3A_128], %parallel_loop3A_135 : memref<256x128xf32, #tpu.memory_space<vmem>>[vector<16xi32>, vector<16xi32>], vector<16xf32>,
          %parallel_loop3A_139 = arith.constant 16 : i32
          %parallel_loop3A_140 = vector.broadcast %parallel_loop3A_139 : i32 to vector<16xi32>
          %parallel_loop3A_141 = arith.addi %iota3A, %parallel_loop3A_140 : vector<16xi32>
          %parallel_loop3A_142 = tpu.vector_load_idx %arg5[%parallel_loop3A_131, %parallel_loop3A_141] : memref<128x128xf32, #tpu.memory_space<vmem>>[vector<16xi32>, vector<16xi32>], vector<16xf32>,
          %parallel_loop3A_143 = arith.constant 128 : i32
          %parallel_loop3A_144 = vector.broadcast %parallel_loop3A_143 : i32 to vector<16xi32>
          %parallel_loop3A_145 = arith.addi %parallel_loop3A_141, %parallel_loop3A_144 : vector<16xi32>
          tpu.vector_store_idx %arg6[%parallel_loop3A_145, %parallel_loop3A_128], %parallel_loop3A_142 : memref<256x128xf32, #tpu.memory_space<vmem>>[vector<16xi32>, vector<16xi32>], vector<16xf32>,
          %parallel_loop3A_146 = arith.constant 32 : i32
          %parallel_loop3A_147 = vector.broadcast %parallel_loop3A_146 : i32 to vector<16xi32>
          %parallel_loop3A_148 = arith.addi %iota3A, %parallel_loop3A_147 : vector<16xi32>
          %parallel_loop3A_149 = tpu.vector_load_idx %arg5[%parallel_loop3A_131, %parallel_loop3A_148] : memref<128x128xf32, #tpu.memory_space<vmem>>[vector<16xi32>, vector<16xi32>], vector<16xf32>,
          %parallel_loop3A_150 = arith.constant 128 : i32
          %parallel_loop3A_151 = vector.broadcast %parallel_loop3A_150 : i32 to vector<16xi32>
          %parallel_loop3A_152 = arith.addi %parallel_loop3A_148, %parallel_loop3A_151 : vector<16xi32>
          tpu.vector_store_idx %arg6[%parallel_loop3A_152, %parallel_loop3A_128], %parallel_loop3A_149 : memref<256x128xf32, #tpu.memory_space<vmem>>[vector<16xi32>, vector<16xi32>], vector<16xf32>,
          %parallel_loop3A_153 = arith.constant 48 : i32
          %parallel_loop3A_154 = vector.broadcast %parallel_loop3A_153 : i32 to vector<16xi32>
          %parallel_loop3A_155 = arith.addi %iota3A, %parallel_loop3A_154 : vector<16xi32>
          %parallel_loop3A_156 = tpu.vector_load_idx %arg5[%parallel_loop3A_131, %parallel_loop3A_155] : memref<128x128xf32, #tpu.memory_space<vmem>>[vector<16xi32>, vector<16xi32>], vector<16xf32>,
          %parallel_loop3A_157 = arith.constant 128 : i32
          %parallel_loop3A_158 = vector.broadcast %parallel_loop3A_157 : i32 to vector<16xi32>
          %parallel_loop3A_159 = arith.addi %parallel_loop3A_155, %parallel_loop3A_158 : vector<16xi32>
          tpu.vector_store_idx %arg6[%parallel_loop3A_159, %parallel_loop3A_128], %parallel_loop3A_156 : memref<256x128xf32, #tpu.memory_space<vmem>>[vector<16xi32>, vector<16xi32>], vector<16xf32>,
          %parallel_loop3A_160 = arith.constant 64 : i32
          %parallel_loop3A_161 = vector.broadcast %parallel_loop3A_160 : i32 to vector<16xi32>
          %parallel_loop3A_162 = arith.addi %iota3A, %parallel_loop3A_161 : vector<16xi32>
          %parallel_loop3A_163 = tpu.vector_load_idx %arg5[%parallel_loop3A_131, %parallel_loop3A_162] : memref<128x128xf32, #tpu.memory_space<vmem>>[vector<16xi32>, vector<16xi32>], vector<16xf32>,
          %parallel_loop3A_164 = arith.constant 128 : i32
          %parallel_loop3A_165 = vector.broadcast %parallel_loop3A_164 : i32 to vector<16xi32>
          %parallel_loop3A_166 = arith.addi %parallel_loop3A_162, %parallel_loop3A_165 : vector<16xi32>
          tpu.vector_store_idx %arg6[%parallel_loop3A_166, %parallel_loop3A_128], %parallel_loop3A_163 : memref<256x128xf32, #tpu.memory_space<vmem>>[vector<16xi32>, vector<16xi32>], vector<16xf32>,
          %parallel_loop3A_167 = arith.constant 80 : i32
          %parallel_loop3A_168 = vector.broadcast %parallel_loop3A_167 : i32 to vector<16xi32>
          %parallel_loop3A_169 = arith.addi %iota3A, %parallel_loop3A_168 : vector<16xi32>
          %parallel_loop3A_170 = tpu.vector_load_idx %arg5[%parallel_loop3A_131, %parallel_loop3A_169] : memref<128x128xf32, #tpu.memory_space<vmem>>[vector<16xi32>, vector<16xi32>], vector<16xf32>,
          %parallel_loop3A_171 = arith.constant 128 : i32
          %parallel_loop3A_172 = vector.broadcast %parallel_loop3A_171 : i32 to vector<16xi32>
          %parallel_loop3A_173 = arith.addi %parallel_loop3A_169, %parallel_loop3A_172 : vector<16xi32>
          tpu.vector_store_idx %arg6[%parallel_loop3A_173, %parallel_loop3A_128], %parallel_loop3A_170 : memref<256x128xf32, #tpu.memory_space<vmem>>[vector<16xi32>, vector<16xi32>], vector<16xf32>,
          %parallel_loop3A_174 = arith.constant 96 : i32
          %parallel_loop3A_175 = vector.broadcast %parallel_loop3A_174 : i32 to vector<16xi32>
          %parallel_loop3A_176 = arith.addi %iota3A, %parallel_loop3A_175 : vector<16xi32>
          %parallel_loop3A_177 = tpu.vector_load_idx %arg5[%parallel_loop3A_131, %parallel_loop3A_176] : memref<128x128xf32, #tpu.memory_space<vmem>>[vector<16xi32>, vector<16xi32>], vector<16xf32>,
          %parallel_loop3A_178 = arith.constant 128 : i32
          %parallel_loop3A_179 = vector.broadcast %parallel_loop3A_178 : i32 to vector<16xi32>
          %parallel_loop3A_180 = arith.addi %parallel_loop3A_176, %parallel_loop3A_179 : vector<16xi32>
          tpu.vector_store_idx %arg6[%parallel_loop3A_180, %parallel_loop3A_128], %parallel_loop3A_177 : memref<256x128xf32, #tpu.memory_space<vmem>>[vector<16xi32>, vector<16xi32>], vector<16xf32>,
          %parallel_loop3A_181 = arith.constant 112 : i32
          %parallel_loop3A_182 = vector.broadcast %parallel_loop3A_181 : i32 to vector<16xi32>
          %parallel_loop3A_183 = arith.addi %iota3A, %parallel_loop3A_182 : vector<16xi32>
          %parallel_loop3A_184 = tpu.vector_load_idx %arg5[%parallel_loop3A_131, %parallel_loop3A_183] : memref<128x128xf32, #tpu.memory_space<vmem>>[vector<16xi32>, vector<16xi32>], vector<16xf32>,
          %parallel_loop3A_185 = arith.constant 128 : i32
          %parallel_loop3A_186 = vector.broadcast %parallel_loop3A_185 : i32 to vector<16xi32>
          %parallel_loop3A_187 = arith.addi %parallel_loop3A_183, %parallel_loop3A_186 : vector<16xi32>
          tpu.vector_store_idx %arg6[%parallel_loop3A_187, %parallel_loop3A_128], %parallel_loop3A_184 : memref<256x128xf32, #tpu.memory_space<vmem>>[vector<16xi32>, vector<16xi32>], vector<16xf32>,
        } {sc.loop_unroll_factor = 1 : i64, sc.parallel_access}
        %mul3A_99 = arith.constant 128 : i32
        %mul3A_100 = arith.muli %add3A_71, %mul3A_99 : i32
        %dma_start3A = arith.constant 1 : i32
        %dma_start3A_101 = arith.constant 128 : i32
        %dma_start3A_102 = arith.constant 0 : i32
        %dma_start3A_103 = tpu.memref_slice %arg6[%dma_start3A_101, %dma_start3A_102] : memref<256x128xf32, #tpu.memory_space<vmem>> -> memref<128x128xf32, #tpu.memory_space<vmem>>
        %dma_start3A_104 = arith.constant 0 : i32
        %dma_start3A_105 = tpu.memref_slice %arg4[%mul3A_100, %dma_start3A_104] : memref<1000064x128xf32, #tpu.memory_space<hbm>> -> memref<128x128xf32, #tpu.memory_space<hbm>>
        %dma_start3A_106 = tpu.memref_slice %arg8[%dma_start3A] : memref<2x!tpu.dma_semaphore, #tpu.memory_space<semaphore_mem>> -> memref<1x!tpu.dma_semaphore, #tpu.memory_space<semaphore_mem>>
        %dma_start3A_107 = tpu.memref_squeeze %dma_start3A_106 : memref<1x!tpu.dma_semaphore, #tpu.memory_space<semaphore_mem>> -> memref<!tpu.dma_semaphore, #tpu.memory_space<semaphore_mem>>
        %dma_start3A_108 = arith.constant 0 : i32
        %dma_start3A_109 = tpu.memref_slice %arg4[%mul3A_100, %dma_start3A_108] : memref<1000064x128xf32, #tpu.memory_space<hbm>> -> memref<128x128xf32, #tpu.memory_space<hbm>>
        %dma_start3A_110 = arith.constant 128 : i32
        %dma_start3A_111 = arith.constant 0 : i32
        %dma_start3A_112 = tpu.memref_slice %arg6[%dma_start3A_110, %dma_start3A_111] : memref<256x128xf32, #tpu.memory_space<vmem>> -> memref<128x128xf32, #tpu.memory_space<vmem>>
        tpu.enqueue_dma source(%dma_start3A_112 : memref<128x128xf32, #tpu.memory_space<vmem>>) target(%dma_start3A_109 : memref<128x128xf32, #tpu.memory_space<hbm>>) target_semaphore(%dma_start3A_107 : memref<!tpu.dma_semaphore, #tpu.memory_space<semaphore_mem>>)
        %add3A_113 = arith.constant 2 : i32
        %add3A_114 = arith.addi %add3A_68, %add3A_113 : i32
        %mul3A_115 = arith.constant 32 : i32
        %mul3A_116 = arith.muli %add3A_114, %mul3A_115 : i32
        %add3A_117 = arith.addi %mul3A_116, %add3A : i32
        %lt3A_118 = arith.constant 7812 : i32
        %lt3A_119 = arith.cmpi slt, %add3A_117, %lt3A_118 : i32
        %convert_element_type3A_120 = arith.extui %lt3A_119 : i1 to i32
        %cond3A_121 = arith.constant 0 : i32
        %cond3A_122 = arith.cmpi ne, %convert_element_type3A_120, %cond3A_121 : i32
        scf.if %cond3A_122 {
          %mul3A_123 = arith.constant 128 : i32
          %mul3A_124 = arith.muli %add3A_117, %mul3A_123 : i32
          %dma_start3A_125 = arith.constant 1 : i32
          %dma_start3A_126 = arith.constant 64 : i32
          %dma_start3A_127 = arith.constant 0 : i32
          %dma_start3A_128 = tpu.memref_slice %arg5[%dma_start3A_126, %dma_start3A_127] : memref<128x128xf32, #tpu.memory_space<vmem>> -> memref<64x128xf32, #tpu.memory_space<vmem>>
          %dma_start3A_129 = arith.constant 0 : i32
          %dma_start3A_130 = tpu.memref_slice %arg2[%dma_start3A_129, %mul3A_124] : memref<64x1000000xf32, #tpu.memory_space<hbm>> -> memref<64x128xf32, #tpu.memory_space<hbm>>
          %dma_start3A_131 = tpu.memref_slice %arg7[%dma_start3A_125] : memref<2x!tpu.dma_semaphore, #tpu.memory_space<semaphore_mem>> -> memref<1x!tpu.dma_semaphore, #tpu.memory_space<semaphore_mem>>
          %dma_start3A_132 = tpu.memref_squeeze %dma_start3A_131 : memref<1x!tpu.dma_semaphore, #tpu.memory_space<semaphore_mem>> -> memref<!tpu.dma_semaphore, #tpu.memory_space<semaphore_mem>>
          %dma_start3A_133 = arith.constant 64 : i32
          %dma_start3A_134 = arith.constant 0 : i32
          %dma_start3A_135 = tpu.memref_slice %arg5[%dma_start3A_133, %dma_start3A_134] : memref<128x128xf32, #tpu.memory_space<vmem>> -> memref<64x128xf32, #tpu.memory_space<vmem>>
          %dma_start3A_136 = arith.constant 0 : i32
          %dma_start3A_137 = tpu.memref_slice %arg2[%dma_start3A_136, %mul3A_124] : memref<64x1000000xf32, #tpu.memory_space<hbm>> -> memref<64x128xf32, #tpu.memory_space<hbm>>
          tpu.enqueue_dma source(%dma_start3A_137 : memref<64x128xf32, #tpu.memory_space<hbm>>) target(%dma_start3A_135 : memref<64x128xf32, #tpu.memory_space<vmem>>) target_semaphore(%dma_start3A_132 : memref<!tpu.dma_semaphore, #tpu.memory_space<semaphore_mem>>)
        } else {
        }
      } else {
      }
      %scan3A_77 = arith.constant 0 : i32
      scf.yield %scan3A_77 : i32
    }
    %scan3A_17 = arith.constant 123 : i32
    %dma_wait3A = arith.constant 0 : i32
    %dma_wait3A_18 = arith.constant 0 : i32
    %dma_wait3A_19 = arith.constant 0 : i32
    %dma_wait3A_20 = tpu.memref_slice %arg6[%dma_wait3A_18, %dma_wait3A_19] : memref<256x128xf32, #tpu.memory_space<vmem>> -> memref<128x128xf32, #tpu.memory_space<vmem>>
    %dma_wait3A_21 = arith.constant 0 : i32
    %dma_wait3A_22 = arith.constant 0 : i32
    %dma_wait3A_23 = tpu.memref_slice %arg4[%dma_wait3A_21, %dma_wait3A_22] : memref<1000064x128xf32, #tpu.memory_space<hbm>> -> memref<128x128xf32, #tpu.memory_space<hbm>>
    %dma_wait3A_24 = tpu.memref_slice %arg8[%dma_wait3A] : memref<2x!tpu.dma_semaphore, #tpu.memory_space<semaphore_mem>> -> memref<1x!tpu.dma_semaphore, #tpu.memory_space<semaphore_mem>>
    %dma_wait3A_25 = tpu.memref_squeeze %dma_wait3A_24 : memref<1x!tpu.dma_semaphore, #tpu.memory_space<semaphore_mem>> -> memref<!tpu.dma_semaphore, #tpu.memory_space<semaphore_mem>>
    %dma_wait3A_26 = arith.constant 0 : i32
    %dma_wait3A_27 = arith.constant 0 : i32
    %dma_wait3A_28 = tpu.memref_slice %arg4[%dma_wait3A_26, %dma_wait3A_27] : memref<1000064x128xf32, #tpu.memory_space<hbm>> -> memref<128x128xf32, #tpu.memory_space<hbm>>
    %dma_wait3A_29 = arith.constant 0 : i32
    %dma_wait3A_30 = arith.constant 0 : i32
    %dma_wait3A_31 = tpu.memref_slice %arg6[%dma_wait3A_29, %dma_wait3A_30] : memref<256x128xf32, #tpu.memory_space<vmem>> -> memref<128x128xf32, #tpu.memory_space<vmem>>
    tpu.wait_dma2 semaphore(%dma_wait3A_25 : memref<!tpu.dma_semaphore, #tpu.memory_space<semaphore_mem>>) src(%dma_wait3A_31 : memref<128x128xf32, #tpu.memory_space<vmem>>) dst(%dma_wait3A_28 : memref<128x128xf32, #tpu.memory_space<hbm>>)
    %dma_wait3A_32 = arith.constant 1 : i32
    %dma_wait3A_33 = arith.constant 128 : i32
    %dma_wait3A_34 = arith.constant 0 : i32
    %dma_wait3A_35 = tpu.memref_slice %arg6[%dma_wait3A_33, %dma_wait3A_34] : memref<256x128xf32, #tpu.memory_space<vmem>> -> memref<128x128xf32, #tpu.memory_space<vmem>>
    %dma_wait3A_36 = arith.constant 0 : i32
    %dma_wait3A_37 = arith.constant 0 : i32
    %dma_wait3A_38 = tpu.memref_slice %arg4[%dma_wait3A_36, %dma_wait3A_37] : memref<1000064x128xf32, #tpu.memory_space<hbm>> -> memref<128x128xf32, #tpu.memory_space<hbm>>
    %dma_wait3A_39 = tpu.memref_slice %arg8[%dma_wait3A_32] : memref<2x!tpu.dma_semaphore, #tpu.memory_space<semaphore_mem>> -> memref<1x!tpu.dma_semaphore, #tpu.memory_space<semaphore_mem>>
    %dma_wait3A_40 = tpu.memref_squeeze %dma_wait3A_39 : memref<1x!tpu.dma_semaphore, #tpu.memory_space<semaphore_mem>> -> memref<!tpu.dma_semaphore, #tpu.memory_space<semaphore_mem>>
    %dma_wait3A_41 = arith.constant 0 : i32
    %dma_wait3A_42 = arith.constant 0 : i32
    %dma_wait3A_43 = tpu.memref_slice %arg4[%dma_wait3A_41, %dma_wait3A_42] : memref<1000064x128xf32, #tpu.memory_space<hbm>> -> memref<128x128xf32, #tpu.memory_space<hbm>>
    %dma_wait3A_44 = arith.constant 128 : i32
    %dma_wait3A_45 = arith.constant 0 : i32
    %dma_wait3A_46 = tpu.memref_slice %arg6[%dma_wait3A_44, %dma_wait3A_45] : memref<256x128xf32, #tpu.memory_space<vmem>> -> memref<128x128xf32, #tpu.memory_space<vmem>>
    tpu.wait_dma2 semaphore(%dma_wait3A_40 : memref<!tpu.dma_semaphore, #tpu.memory_space<semaphore_mem>>) src(%dma_wait3A_46 : memref<128x128xf32, #tpu.memory_space<vmem>>) dst(%dma_wait3A_43 : memref<128x128xf32, #tpu.memory_space<hbm>>)
    %eq3A = arith.constant 0 : i32
    %eq3A_47 = arith.cmpi eq, %add3A, %eq3A : i32
    %convert_element_type3A_48 = arith.extui %eq3A_47 : i1 to i32
    %cond3A_49 = arith.constant 0 : i32
    %cond3A_50 = arith.cmpi ne, %convert_element_type3A_48, %cond3A_49 : i32
    scf.if %cond3A_50 {
      "tpu.region"() ({
        %run_scoped3A = tpu.sem_alloc : memref<!tpu.dma_semaphore, #tpu.memory_space<semaphore_mem>>
        %dma_start3A = arith.constant 0 : i32
        %dma_start3A_51 = arith.constant 0 : i32
        %dma_start3A_52 = tpu.memref_slice %arg6[%dma_start3A, %dma_start3A_51] : memref<256x128xf32, #tpu.memory_space<vmem>> -> memref<64x128xf32, #tpu.memory_space<vmem>>
        %dma_start3A_53 = arith.constant 0 : i32
        %dma_start3A_54 = arith.constant 0 : i32
        %dma_start3A_55 = tpu.memref_slice %arg6[%dma_start3A_53, %dma_start3A_54] : memref<256x128xf32, #tpu.memory_space<vmem>> -> memref<64x128xf32, #tpu.memory_space<vmem>>
        tpu.enqueue_dma source(%arg3 : memref<64x128xf32, #tpu.memory_space<hbm>>) target(%dma_start3A_55 : memref<64x128xf32, #tpu.memory_space<vmem>>) target_semaphore(%run_scoped3A : memref<!tpu.dma_semaphore, #tpu.memory_space<semaphore_mem>>)
        %dma_wait3A_56 = arith.constant 0 : i32
        %dma_wait3A_57 = arith.constant 0 : i32
        %dma_wait3A_58 = tpu.memref_slice %arg6[%dma_wait3A_56, %dma_wait3A_57] : memref<256x128xf32, #tpu.memory_space<vmem>> -> memref<64x128xf32, #tpu.memory_space<vmem>>
        %dma_wait3A_59 = arith.constant 0 : i32
        %dma_wait3A_60 = arith.constant 0 : i32
        %dma_wait3A_61 = tpu.memref_slice %arg6[%dma_wait3A_59, %dma_wait3A_60] : memref<256x128xf32, #tpu.memory_space<vmem>> -> memref<64x128xf32, #tpu.memory_space<vmem>>
        tpu.wait_dma2 semaphore(%run_scoped3A : memref<!tpu.dma_semaphore, #tpu.memory_space<semaphore_mem>>) src(%arg3 : memref<64x128xf32, #tpu.memory_space<hbm>>) dst(%dma_wait3A_61 : memref<64x128xf32, #tpu.memory_space<vmem>>)
        tpu.yield
      }) : () -> ()
      "tpu.region"() ({
        %run_scoped3A = tpu.sem_alloc : memref<!tpu.dma_semaphore, #tpu.memory_space<semaphore_mem>>
        %dma_start3A = arith.constant 0 : i32
        %dma_start3A_51 = arith.constant 0 : i32
        %dma_start3A_52 = tpu.memref_slice %arg6[%dma_start3A, %dma_start3A_51] : memref<256x128xf32, #tpu.memory_space<vmem>> -> memref<64x128xf32, #tpu.memory_space<vmem>>
        %dma_start3A_53 = arith.constant 999936 : i32
        %dma_start3A_54 = arith.constant 0 : i32
        %dma_start3A_55 = tpu.memref_slice %arg4[%dma_start3A_53, %dma_start3A_54] : memref<1000064x128xf32, #tpu.memory_space<hbm>> -> memref<64x128xf32, #tpu.memory_space<hbm>>
        %dma_start3A_56 = arith.constant 999936 : i32
        %dma_start3A_57 = arith.constant 0 : i32
        %dma_start3A_58 = tpu.memref_slice %arg4[%dma_start3A_56, %dma_start3A_57] : memref<1000064x128xf32, #tpu.memory_space<hbm>> -> memref<64x128xf32, #tpu.memory_space<hbm>>
        %dma_start3A_59 = arith.constant 0 : i32
        %dma_start3A_60 = arith.constant 0 : i32
        %dma_start3A_61 = tpu.memref_slice %arg6[%dma_start3A_59, %dma_start3A_60] : memref<256x128xf32, #tpu.memory_space<vmem>> -> memref<64x128xf32, #tpu.memory_space<vmem>>
        tpu.enqueue_dma source(%dma_start3A_61 : memref<64x128xf32, #tpu.memory_space<vmem>>) target(%dma_start3A_58 : memref<64x128xf32, #tpu.memory_space<hbm>>) target_semaphore(%run_scoped3A : memref<!tpu.dma_semaphore, #tpu.memory_space<semaphore_mem>>)
        %dma_wait3A_62 = arith.constant 0 : i32
        %dma_wait3A_63 = arith.constant 0 : i32
        %dma_wait3A_64 = tpu.memref_slice %arg6[%dma_wait3A_62, %dma_wait3A_63] : memref<256x128xf32, #tpu.memory_space<vmem>> -> memref<64x128xf32, #tpu.memory_space<vmem>>
        %dma_wait3A_65 = arith.constant 999936 : i32
        %dma_wait3A_66 = arith.constant 0 : i32
        %dma_wait3A_67 = tpu.memref_slice %arg4[%dma_wait3A_65, %dma_wait3A_66] : memref<1000064x128xf32, #tpu.memory_space<hbm>> -> memref<64x128xf32, #tpu.memory_space<hbm>>
        %dma_wait3A_68 = arith.constant 999936 : i32
        %dma_wait3A_69 = arith.constant 0 : i32
        %dma_wait3A_70 = tpu.memref_slice %arg4[%dma_wait3A_68, %dma_wait3A_69] : memref<1000064x128xf32, #tpu.memory_space<hbm>> -> memref<64x128xf32, #tpu.memory_space<hbm>>
        %dma_wait3A_71 = arith.constant 0 : i32
        %dma_wait3A_72 = arith.constant 0 : i32
        %dma_wait3A_73 = tpu.memref_slice %arg6[%dma_wait3A_71, %dma_wait3A_72] : memref<256x128xf32, #tpu.memory_space<vmem>> -> memref<64x128xf32, #tpu.memory_space<vmem>>
        tpu.wait_dma2 semaphore(%run_scoped3A : memref<!tpu.dma_semaphore, #tpu.memory_space<semaphore_mem>>) src(%dma_wait3A_73 : memref<64x128xf32, #tpu.memory_space<vmem>>) dst(%dma_wait3A_70 : memref<64x128xf32, #tpu.memory_space<hbm>>)
        tpu.yield
      }) : () -> ()
    } else {
    }
    return
  }
}

#map = affine_map<(d0, d1) -> (0, 0, 0)>
#map1 = affine_map<(d0, d1) -> (0, 0)>
#map2 = affine_map<(d0, d1) -> (0)>
module attributes {stable_mosaic.version = 14 : i64} {
  func.func @kern(%arg0: i32, %arg1: i32, %arg2: memref<32x200x128xi32, #tpu.memory_space<hbm>>, %arg3: memref<1000064x128xf32, #tpu.memory_space<hbm>>, %arg4: memref<1024xf32, #tpu.memory_space<hbm>>, %arg5: memref<1024xf32, #tpu.memory_space<hbm>>, %arg6: memref<200x64x4096xf32, #tpu.memory_space<hbm>>, %arg7: memref<200x128xi32, #tpu.memory_space<vmem>>, %arg8: memref<256x128xf32, #tpu.memory_space<vmem>>, %arg9: memref<128x128xf32, #tpu.memory_space<vmem>>, %arg10: memref<1024xf32, #tpu.memory_space<vmem>>, %arg11: memref<1024xf32, #tpu.memory_space<vmem>>, %arg12: memref<2x!tpu.dma_semaphore, #tpu.memory_space<semaphore_mem>>, %arg13: memref<2x!tpu.dma_semaphore, #tpu.memory_space<semaphore_mem>>) attributes {dimension_semantics = [#tpu.dimension_semantics<core_parallel>, #tpu.dimension_semantics<subcore_parallel>], iteration_bounds = array<i64: 2, 16>, scalar_prefetch = 0 : i64, scratch_operands = 7 : i64, tpu.core_type = #tpu.core_type<sc_vector_subcore>, window_params = [{transform_indices = #map}, {transform_indices = #map1}, {transform_indices = #map2}, {transform_indices = #map2}, {transform_indices = #map}]} {
    %mul3A = arith.constant 2 : i32
    %mul3A_0 = arith.muli %arg1, %mul3A : i32
    %add3A = arith.addi %mul3A_0, %arg0 : i32
    "tpu.region"() ({
      %run_scoped3A = tpu.sem_alloc : memref<!tpu.dma_semaphore, #tpu.memory_space<semaphore_mem>>
      %dma_start3A_67 = arith.constant 0 : i32
      %dma_start3A_68 = arith.constant 0 : i32
      %dma_start3A_69 = tpu.memref_slice %arg2[%add3A, %dma_start3A_67, %dma_start3A_68] : memref<32x200x128xi32, #tpu.memory_space<hbm>> -> memref<1x200x128xi32, #tpu.memory_space<hbm>>
      %dma_start3A_70 = tpu.memref_squeeze %dma_start3A_69 : memref<1x200x128xi32, #tpu.memory_space<hbm>> -> memref<200x128xi32, #tpu.memory_space<hbm>>
      %dma_start3A_71 = arith.constant 0 : i32
      %dma_start3A_72 = arith.constant 0 : i32
      %dma_start3A_73 = tpu.memref_slice %arg2[%add3A, %dma_start3A_71, %dma_start3A_72] : memref<32x200x128xi32, #tpu.memory_space<hbm>> -> memref<1x200x128xi32, #tpu.memory_space<hbm>>
      %dma_start3A_74 = tpu.memref_squeeze %dma_start3A_73 : memref<1x200x128xi32, #tpu.memory_space<hbm>> -> memref<200x128xi32, #tpu.memory_space<hbm>>
      tpu.enqueue_dma source(%dma_start3A_74 : memref<200x128xi32, #tpu.memory_space<hbm>>) target(%arg7 : memref<200x128xi32, #tpu.memory_space<vmem>>) target_semaphore(%run_scoped3A : memref<!tpu.dma_semaphore, #tpu.memory_space<semaphore_mem>>)
      %dma_wait3A_75 = arith.constant 0 : i32
      %dma_wait3A_76 = arith.constant 0 : i32
      %dma_wait3A_77 = tpu.memref_slice %arg2[%add3A, %dma_wait3A_75, %dma_wait3A_76] : memref<32x200x128xi32, #tpu.memory_space<hbm>> -> memref<1x200x128xi32, #tpu.memory_space<hbm>>
      %dma_wait3A_78 = tpu.memref_squeeze %dma_wait3A_77 : memref<1x200x128xi32, #tpu.memory_space<hbm>> -> memref<200x128xi32, #tpu.memory_space<hbm>>
      %dma_wait3A_79 = arith.constant 0 : i32
      %dma_wait3A_80 = arith.constant 0 : i32
      %dma_wait3A_81 = tpu.memref_slice %arg2[%add3A, %dma_wait3A_79, %dma_wait3A_80] : memref<32x200x128xi32, #tpu.memory_space<hbm>> -> memref<1x200x128xi32, #tpu.memory_space<hbm>>
      %dma_wait3A_82 = tpu.memref_squeeze %dma_wait3A_81 : memref<1x200x128xi32, #tpu.memory_space<hbm>> -> memref<200x128xi32, #tpu.memory_space<hbm>>
      tpu.wait_dma2 semaphore(%run_scoped3A : memref<!tpu.dma_semaphore, #tpu.memory_space<semaphore_mem>>) src(%dma_wait3A_82 : memref<200x128xi32, #tpu.memory_space<hbm>>) dst(%arg7 : memref<200x128xi32, #tpu.memory_space<vmem>>)
      tpu.yield
    }) : () -> ()
    "tpu.region"() ({
      %run_scoped3A = tpu.sem_alloc : memref<!tpu.dma_semaphore, #tpu.memory_space<semaphore_mem>>
      tpu.enqueue_dma source(%arg4 : memref<1024xf32, #tpu.memory_space<hbm>>) target(%arg10 : memref<1024xf32, #tpu.memory_space<vmem>>) target_semaphore(%run_scoped3A : memref<!tpu.dma_semaphore, #tpu.memory_space<semaphore_mem>>)
      tpu.wait_dma2 semaphore(%run_scoped3A : memref<!tpu.dma_semaphore, #tpu.memory_space<semaphore_mem>>) src(%arg4 : memref<1024xf32, #tpu.memory_space<hbm>>) dst(%arg10 : memref<1024xf32, #tpu.memory_space<vmem>>)
      tpu.yield
    }) : () -> ()
    "tpu.region"() ({
      %run_scoped3A = tpu.sem_alloc : memref<!tpu.dma_semaphore, #tpu.memory_space<semaphore_mem>>
      tpu.enqueue_dma source(%arg5 : memref<1024xf32, #tpu.memory_space<hbm>>) target(%arg11 : memref<1024xf32, #tpu.memory_space<vmem>>) target_semaphore(%run_scoped3A : memref<!tpu.dma_semaphore, #tpu.memory_space<semaphore_mem>>)
      tpu.wait_dma2 semaphore(%run_scoped3A : memref<!tpu.dma_semaphore, #tpu.memory_space<semaphore_mem>>) src(%arg5 : memref<1024xf32, #tpu.memory_space<hbm>>) dst(%arg11 : memref<1024xf32, #tpu.memory_space<vmem>>)
      tpu.yield
    }) : () -> ()
    %iota3A = tpu.iota {dimensions = array<i32: 0>} : vector<16xi32>
    %dma_start3A = arith.constant 0 : i32
    %dma_start3A_1 = arith.constant 0 : i32
    %dma_start3A_2 = arith.constant 0 : i32
    %dma_start3A_3 = arith.constant 0 : i32
    %dma_start3A_4 = tpu.memref_slice %arg8[%dma_start3A_2, %dma_start3A_3] : memref<256x128xf32, #tpu.memory_space<vmem>> -> memref<128x128xf32, #tpu.memory_space<vmem>>
    %dma_start3A_5 = arith.constant 0 : i32
    %dma_start3A_6 = tpu.memref_slice %arg7[%dma_start3A, %dma_start3A_5] : memref<200x128xi32, #tpu.memory_space<vmem>> -> memref<1x128xi32, #tpu.memory_space<vmem>>
    %dma_start3A_7 = tpu.memref_squeeze %dma_start3A_6 : memref<1x128xi32, #tpu.memory_space<vmem>> -> memref<128xi32, #tpu.memory_space<vmem>>
    %dma_start3A_8 = arith.constant 0 : i32
    %dma_start3A_9 = arith.constant 0 : i32
    %dma_start3A_10 = tpu.memref_slice %arg3[%dma_start3A_8, %dma_start3A_9] : memref<1000064x128xf32, #tpu.memory_space<hbm>> -> memref<1000064x128xf32, #tpu.memory_space<hbm>>
    %dma_start3A_11 = tpu.memref_slice %arg12[%dma_start3A_1] : memref<2x!tpu.dma_semaphore, #tpu.memory_space<semaphore_mem>> -> memref<1x!tpu.dma_semaphore, #tpu.memory_space<semaphore_mem>>
    %dma_start3A_12 = tpu.memref_squeeze %dma_start3A_11 : memref<1x!tpu.dma_semaphore, #tpu.memory_space<semaphore_mem>> -> memref<!tpu.dma_semaphore, #tpu.memory_space<semaphore_mem>>
    tpu.enqueue_indirect_dma source(%dma_start3A_10 : memref<1000064x128xf32, #tpu.memory_space<hbm>>) target(%dma_start3A_4 : memref<128x128xf32, #tpu.memory_space<vmem>>) offsets(%dma_start3A_7 : memref<128xi32, #tpu.memory_space<vmem>>) semaphore(%dma_start3A_12 : memref<!tpu.dma_semaphore, #tpu.memory_space<semaphore_mem>>)
    %dma_start3A_13 = arith.constant 1 : i32
    %dma_start3A_14 = arith.constant 1 : i32
    %dma_start3A_15 = arith.constant 128 : i32
    %dma_start3A_16 = arith.constant 0 : i32
    %dma_start3A_17 = tpu.memref_slice %arg8[%dma_start3A_15, %dma_start3A_16] : memref<256x128xf32, #tpu.memory_space<vmem>> -> memref<128x128xf32, #tpu.memory_space<vmem>>
    %dma_start3A_18 = arith.constant 0 : i32
    %dma_start3A_19 = tpu.memref_slice %arg7[%dma_start3A_13, %dma_start3A_18] : memref<200x128xi32, #tpu.memory_space<vmem>> -> memref<1x128xi32, #tpu.memory_space<vmem>>
    %dma_start3A_20 = tpu.memref_squeeze %dma_start3A_19 : memref<1x128xi32, #tpu.memory_space<vmem>> -> memref<128xi32, #tpu.memory_space<vmem>>
    %dma_start3A_21 = arith.constant 0 : i32
    %dma_start3A_22 = arith.constant 0 : i32
    %dma_start3A_23 = tpu.memref_slice %arg3[%dma_start3A_21, %dma_start3A_22] : memref<1000064x128xf32, #tpu.memory_space<hbm>> -> memref<1000064x128xf32, #tpu.memory_space<hbm>>
    %dma_start3A_24 = tpu.memref_slice %arg12[%dma_start3A_14] : memref<2x!tpu.dma_semaphore, #tpu.memory_space<semaphore_mem>> -> memref<1x!tpu.dma_semaphore, #tpu.memory_space<semaphore_mem>>
    %dma_start3A_25 = tpu.memref_squeeze %dma_start3A_24 : memref<1x!tpu.dma_semaphore, #tpu.memory_space<semaphore_mem>> -> memref<!tpu.dma_semaphore, #tpu.memory_space<semaphore_mem>>
    tpu.enqueue_indirect_dma source(%dma_start3A_23 : memref<1000064x128xf32, #tpu.memory_space<hbm>>) target(%dma_start3A_17 : memref<128x128xf32, #tpu.memory_space<vmem>>) offsets(%dma_start3A_20 : memref<128xi32, #tpu.memory_space<vmem>>) semaphore(%dma_start3A_25 : memref<!tpu.dma_semaphore, #tpu.memory_space<semaphore_mem>>)
    %scan3A = arith.constant 0 : i32
    %scan3A_26 = arith.constant 0 : i32
    %scan3A_27 = arith.constant 100 : i32
    %scan3A_28 = arith.addi %scan3A_26, %scan3A_27 : i32
    %scan3A_29 = arith.constant 1 : i32
    %scan3A_30 = scf.for %scan3A_67 = %scan3A_26 to %scan3A_28 step %scan3A_29 iter_args(%scan3A_68 = %scan3A) -> (i32)  : i32 {
      %mul3A_69 = arith.constant 2 : i32
      %mul3A_70 = arith.muli %scan3A_67, %mul3A_69 : i32
      %add3A_71 = arith.constant 0 : i32
      %add3A_72 = arith.addi %mul3A_70, %add3A_71 : i32
      %dma_wait3A_73 = arith.constant 0 : i32
      %dma_wait3A_74 = arith.constant 0 : i32
      %dma_wait3A_75 = arith.constant 0 : i32
      %dma_wait3A_76 = tpu.memref_slice %arg8[%dma_wait3A_74, %dma_wait3A_75] : memref<256x128xf32, #tpu.memory_space<vmem>> -> memref<128x128xf32, #tpu.memory_space<vmem>>
      %dma_wait3A_77 = arith.constant 0 : i32
      %dma_wait3A_78 = tpu.memref_slice %arg7[%add3A_72, %dma_wait3A_77] : memref<200x128xi32, #tpu.memory_space<vmem>> -> memref<1x128xi32, #tpu.memory_space<vmem>>
      %dma_wait3A_79 = tpu.memref_squeeze %dma_wait3A_78 : memref<1x128xi32, #tpu.memory_space<vmem>> -> memref<128xi32, #tpu.memory_space<vmem>>
      %dma_wait3A_80 = arith.constant 0 : i32
      %dma_wait3A_81 = arith.constant 0 : i32
      %dma_wait3A_82 = tpu.memref_slice %arg3[%dma_wait3A_80, %dma_wait3A_81] : memref<1000064x128xf32, #tpu.memory_space<hbm>> -> memref<1000064x128xf32, #tpu.memory_space<hbm>>
      %dma_wait3A_83 = tpu.memref_slice %arg12[%dma_wait3A_73] : memref<2x!tpu.dma_semaphore, #tpu.memory_space<semaphore_mem>> -> memref<1x!tpu.dma_semaphore, #tpu.memory_space<semaphore_mem>>
      %dma_wait3A_84 = tpu.memref_squeeze %dma_wait3A_83 : memref<1x!tpu.dma_semaphore, #tpu.memory_space<semaphore_mem>> -> memref<!tpu.dma_semaphore, #tpu.memory_space<semaphore_mem>>
      tpu.wait_indirect_dma semaphore(%dma_wait3A_84 : memref<!tpu.dma_semaphore, #tpu.memory_space<semaphore_mem>>) src(%dma_wait3A_82 : memref<1000064x128xf32, #tpu.memory_space<hbm>>) dst(%dma_wait3A_76 : memref<128x128xf32, #tpu.memory_space<vmem>>)
      %ge3A = arith.constant 2 : i32
      %ge3A_85 = arith.cmpi sge, %add3A_72, %ge3A : i32
      %convert_element_type3A = arith.extui %ge3A_85 : i1 to i32
      %cond3A = arith.constant 0 : i32
      %cond3A_86 = arith.cmpi ne, %convert_element_type3A, %cond3A : i32
      scf.if %cond3A_86 {
        %sub3A_999 = arith.constant 2 : i32
        %sub3A_1000 = arith.subi %add3A_72, %sub3A_999 : i32
        %mul3A_1001 = arith.constant 128 : i32
        %mul3A_1002 = arith.muli %add3A, %mul3A_1001 : i32
        %dma_wait3A_1003 = arith.constant 0 : i32
        %dma_wait3A_1004 = arith.constant 0 : i32
        %dma_wait3A_1005 = arith.constant 0 : i32
        %dma_wait3A_1006 = tpu.memref_slice %arg9[%dma_wait3A_1004, %dma_wait3A_1005] : memref<128x128xf32, #tpu.memory_space<vmem>> -> memref<64x128xf32, #tpu.memory_space<vmem>>
        %dma_wait3A_1007 = arith.constant 0 : i32
        %dma_wait3A_1008 = tpu.memref_slice %arg6[%sub3A_1000, %dma_wait3A_1007, %mul3A_1002] : memref<200x64x4096xf32, #tpu.memory_space<hbm>> -> memref<1x64x128xf32, #tpu.memory_space<hbm>>
        %dma_wait3A_1009 = tpu.memref_squeeze %dma_wait3A_1008 : memref<1x64x128xf32, #tpu.memory_space<hbm>> -> memref<64x128xf32, #tpu.memory_space<hbm>>
        %dma_wait3A_1010 = tpu.memref_slice %arg13[%dma_wait3A_1003] : memref<2x!tpu.dma_semaphore, #tpu.memory_space<semaphore_mem>> -> memref<1x!tpu.dma_semaphore, #tpu.memory_space<semaphore_mem>>
        %dma_wait3A_1011 = tpu.memref_squeeze %dma_wait3A_1010 : memref<1x!tpu.dma_semaphore, #tpu.memory_space<semaphore_mem>> -> memref<!tpu.dma_semaphore, #tpu.memory_space<semaphore_mem>>
        %dma_wait3A_1012 = arith.constant 0 : i32
        %dma_wait3A_1013 = tpu.memref_slice %arg6[%sub3A_1000, %dma_wait3A_1012, %mul3A_1002] : memref<200x64x4096xf32, #tpu.memory_space<hbm>> -> memref<1x64x128xf32, #tpu.memory_space<hbm>>
        %dma_wait3A_1014 = tpu.memref_squeeze %dma_wait3A_1013 : memref<1x64x128xf32, #tpu.memory_space<hbm>> -> memref<64x128xf32, #tpu.memory_space<hbm>>
        %dma_wait3A_1015 = arith.constant 0 : i32
        %dma_wait3A_1016 = arith.constant 0 : i32
        %dma_wait3A_1017 = tpu.memref_slice %arg9[%dma_wait3A_1015, %dma_wait3A_1016] : memref<128x128xf32, #tpu.memory_space<vmem>> -> memref<64x128xf32, #tpu.memory_space<vmem>>
        tpu.wait_dma2 semaphore(%dma_wait3A_1011 : memref<!tpu.dma_semaphore, #tpu.memory_space<semaphore_mem>>) src(%dma_wait3A_1017 : memref<64x128xf32, #tpu.memory_space<vmem>>) dst(%dma_wait3A_1014 : memref<64x128xf32, #tpu.memory_space<hbm>>)
      } else {
      }
      %add3A_87 = arith.constant 0 : i32
      %add3A_88 = vector.broadcast %add3A_87 : i32 to vector<16xi32>
      %add3A_89 = arith.addi %iota3A, %add3A_88 : vector<16xi32>
      %add3A_90 = arith.constant 16 : i32
      %add3A_91 = vector.broadcast %add3A_90 : i32 to vector<16xi32>
      %add3A_92 = arith.addi %iota3A, %add3A_91 : vector<16xi32>
      %add3A_93 = arith.constant 32 : i32
      %add3A_94 = vector.broadcast %add3A_93 : i32 to vector<16xi32>
      %add3A_95 = arith.addi %iota3A, %add3A_94 : vector<16xi32>
      %add3A_96 = arith.constant 48 : i32
      %add3A_97 = vector.broadcast %add3A_96 : i32 to vector<16xi32>
      %add3A_98 = arith.addi %iota3A, %add3A_97 : vector<16xi32>
      %add3A_99 = arith.constant 64 : i32
      %add3A_100 = vector.broadcast %add3A_99 : i32 to vector<16xi32>
      %add3A_101 = arith.addi %iota3A, %add3A_100 : vector<16xi32>
      %add3A_102 = arith.constant 80 : i32
      %add3A_103 = vector.broadcast %add3A_102 : i32 to vector<16xi32>
      %add3A_104 = arith.addi %iota3A, %add3A_103 : vector<16xi32>
      %add3A_105 = arith.constant 96 : i32
      %add3A_106 = vector.broadcast %add3A_105 : i32 to vector<16xi32>
      %add3A_107 = arith.addi %iota3A, %add3A_106 : vector<16xi32>
      %add3A_108 = arith.constant 112 : i32
      %add3A_109 = vector.broadcast %add3A_108 : i32 to vector<16xi32>
      %add3A_110 = arith.addi %iota3A, %add3A_109 : vector<16xi32>
      %add3A_111 = arith.constant 0 : i32
      %add3A_112 = vector.broadcast %add3A_111 : i32 to vector<16xi32>
      %add3A_113 = arith.addi %iota3A, %add3A_112 : vector<16xi32>
      %add3A_114 = arith.constant 16 : i32
      %add3A_115 = vector.broadcast %add3A_114 : i32 to vector<16xi32>
      %add3A_116 = arith.addi %iota3A, %add3A_115 : vector<16xi32>
      %add3A_117 = arith.constant 32 : i32
      %add3A_118 = vector.broadcast %add3A_117 : i32 to vector<16xi32>
      %add3A_119 = arith.addi %iota3A, %add3A_118 : vector<16xi32>
      %add3A_120 = arith.constant 48 : i32
      %add3A_121 = vector.broadcast %add3A_120 : i32 to vector<16xi32>
      %add3A_122 = arith.addi %iota3A, %add3A_121 : vector<16xi32>
      %add3A_123 = arith.constant 64 : i32
      %add3A_124 = vector.broadcast %add3A_123 : i32 to vector<16xi32>
      %add3A_125 = arith.addi %iota3A, %add3A_124 : vector<16xi32>
      %add3A_126 = arith.constant 80 : i32
      %add3A_127 = vector.broadcast %add3A_126 : i32 to vector<16xi32>
      %add3A_128 = arith.addi %iota3A, %add3A_127 : vector<16xi32>
      %add3A_129 = arith.constant 96 : i32
      %add3A_130 = vector.broadcast %add3A_129 : i32 to vector<16xi32>
      %add3A_131 = arith.addi %iota3A, %add3A_130 : vector<16xi32>
      %add3A_132 = arith.constant 112 : i32
      %add3A_133 = vector.broadcast %add3A_132 : i32 to vector<16xi32>
      %add3A_134 = arith.addi %iota3A, %add3A_133 : vector<16xi32>
      %broadcast_in_dim3A = arith.constant 0.000000e+00 : f32
      %broadcast_in_dim3A_135 = vector.broadcast %broadcast_in_dim3A : f32 to vector<16xf32>
      %parallel_loop3A = arith.constant 0 : i32
      %parallel_loop3A_136 = arith.constant 64 : i32
      %parallel_loop3A_137 = arith.constant 1 : i32
      %parallel_loop3A_138:16 = scf.for %parallel_loop3A_999 = %parallel_loop3A to %parallel_loop3A_136 step %parallel_loop3A_137 iter_args(%parallel_loop3A_1000 = %broadcast_in_dim3A_135, %parallel_loop3A_1001 = %broadcast_in_dim3A_135, %parallel_loop3A_1002 = %broadcast_in_dim3A_135, %parallel_loop3A_1003 = %broadcast_in_dim3A_135, %parallel_loop3A_1004 = %broadcast_in_dim3A_135, %parallel_loop3A_1005 = %broadcast_in_dim3A_135, %parallel_loop3A_1006 = %broadcast_in_dim3A_135, %parallel_loop3A_1007 = %broadcast_in_dim3A_135, %parallel_loop3A_1008 = %broadcast_in_dim3A_135, %parallel_loop3A_1009 = %broadcast_in_dim3A_135, %parallel_loop3A_1010 = %broadcast_in_dim3A_135, %parallel_loop3A_1011 = %broadcast_in_dim3A_135, %parallel_loop3A_1012 = %broadcast_in_dim3A_135, %parallel_loop3A_1013 = %broadcast_in_dim3A_135, %parallel_loop3A_1014 = %broadcast_in_dim3A_135, %parallel_loop3A_1015 = %broadcast_in_dim3A_135) -> (vector<16xf32>, vector<16xf32>, vector<16xf32>, vector<16xf32>, vector<16xf32>, vector<16xf32>, vector<16xf32>, vector<16xf32>, vector<16xf32>, vector<16xf32>, vector<16xf32>, vector<16xf32>, vector<16xf32>, vector<16xf32>, vector<16xf32>, vector<16xf32>)  : i32 {
        %parallel_loop3A_1016 = vector.broadcast %parallel_loop3A_999 : i32 to vector<16xi32>
        %parallel_loop3A_1017 = arith.addi %iota3A, %parallel_loop3A_1016 : vector<16xi32>
        %parallel_loop3A_1018 = arith.constant 63 : i32
        %parallel_loop3A_1019 = vector.broadcast %parallel_loop3A_1018 : i32 to vector<16xi32>
        %parallel_loop3A_1020 = arith.andi %parallel_loop3A_1017, %parallel_loop3A_1019 : vector<16xi32>
        %parallel_loop3A_1021 = tpu.vector_load_idx %arg8[%add3A_89, %parallel_loop3A_1020] : memref<256x128xf32, #tpu.memory_space<vmem>>[vector<16xi32>, vector<16xi32>], vector<16xf32>,
        %parallel_loop3A_1022 = arith.addf %parallel_loop3A_1000, %parallel_loop3A_1021 : vector<16xf32>
        %parallel_loop3A_1023 = arith.mulf %parallel_loop3A_1021, %parallel_loop3A_1021 : vector<16xf32>
        %parallel_loop3A_1024 = arith.addf %parallel_loop3A_1008, %parallel_loop3A_1023 : vector<16xf32>
        %parallel_loop3A_1025 = tpu.vector_load_idx %arg8[%add3A_92, %parallel_loop3A_1020] : memref<256x128xf32, #tpu.memory_space<vmem>>[vector<16xi32>, vector<16xi32>], vector<16xf32>,
        %parallel_loop3A_1026 = arith.addf %parallel_loop3A_1001, %parallel_loop3A_1025 : vector<16xf32>
        %parallel_loop3A_1027 = arith.mulf %parallel_loop3A_1025, %parallel_loop3A_1025 : vector<16xf32>
        %parallel_loop3A_1028 = arith.addf %parallel_loop3A_1009, %parallel_loop3A_1027 : vector<16xf32>
        %parallel_loop3A_1029 = tpu.vector_load_idx %arg8[%add3A_95, %parallel_loop3A_1020] : memref<256x128xf32, #tpu.memory_space<vmem>>[vector<16xi32>, vector<16xi32>], vector<16xf32>,
        %parallel_loop3A_1030 = arith.addf %parallel_loop3A_1002, %parallel_loop3A_1029 : vector<16xf32>
        %parallel_loop3A_1031 = arith.mulf %parallel_loop3A_1029, %parallel_loop3A_1029 : vector<16xf32>
        %parallel_loop3A_1032 = arith.addf %parallel_loop3A_1010, %parallel_loop3A_1031 : vector<16xf32>
        %parallel_loop3A_1033 = tpu.vector_load_idx %arg8[%add3A_98, %parallel_loop3A_1020] : memref<256x128xf32, #tpu.memory_space<vmem>>[vector<16xi32>, vector<16xi32>], vector<16xf32>,
        %parallel_loop3A_1034 = arith.addf %parallel_loop3A_1003, %parallel_loop3A_1033 : vector<16xf32>
        %parallel_loop3A_1035 = arith.mulf %parallel_loop3A_1033, %parallel_loop3A_1033 : vector<16xf32>
        %parallel_loop3A_1036 = arith.addf %parallel_loop3A_1011, %parallel_loop3A_1035 : vector<16xf32>
        %parallel_loop3A_1037 = tpu.vector_load_idx %arg8[%add3A_101, %parallel_loop3A_1020] : memref<256x128xf32, #tpu.memory_space<vmem>>[vector<16xi32>, vector<16xi32>], vector<16xf32>,
        %parallel_loop3A_1038 = arith.addf %parallel_loop3A_1004, %parallel_loop3A_1037 : vector<16xf32>
        %parallel_loop3A_1039 = arith.mulf %parallel_loop3A_1037, %parallel_loop3A_1037 : vector<16xf32>
        %parallel_loop3A_1040 = arith.addf %parallel_loop3A_1012, %parallel_loop3A_1039 : vector<16xf32>
        %parallel_loop3A_1041 = tpu.vector_load_idx %arg8[%add3A_104, %parallel_loop3A_1020] : memref<256x128xf32, #tpu.memory_space<vmem>>[vector<16xi32>, vector<16xi32>], vector<16xf32>,
        %parallel_loop3A_1042 = arith.addf %parallel_loop3A_1005, %parallel_loop3A_1041 : vector<16xf32>
        %parallel_loop3A_1043 = arith.mulf %parallel_loop3A_1041, %parallel_loop3A_1041 : vector<16xf32>
        %parallel_loop3A_1044 = arith.addf %parallel_loop3A_1013, %parallel_loop3A_1043 : vector<16xf32>
        %parallel_loop3A_1045 = tpu.vector_load_idx %arg8[%add3A_107, %parallel_loop3A_1020] : memref<256x128xf32, #tpu.memory_space<vmem>>[vector<16xi32>, vector<16xi32>], vector<16xf32>,
        %parallel_loop3A_1046 = arith.addf %parallel_loop3A_1006, %parallel_loop3A_1045 : vector<16xf32>
        %parallel_loop3A_1047 = arith.mulf %parallel_loop3A_1045, %parallel_loop3A_1045 : vector<16xf32>
        %parallel_loop3A_1048 = arith.addf %parallel_loop3A_1014, %parallel_loop3A_1047 : vector<16xf32>
        %parallel_loop3A_1049 = tpu.vector_load_idx %arg8[%add3A_110, %parallel_loop3A_1020] : memref<256x128xf32, #tpu.memory_space<vmem>>[vector<16xi32>, vector<16xi32>], vector<16xf32>,
        %parallel_loop3A_1050 = arith.addf %parallel_loop3A_1007, %parallel_loop3A_1049 : vector<16xf32>
        %parallel_loop3A_1051 = arith.mulf %parallel_loop3A_1049, %parallel_loop3A_1049 : vector<16xf32>
        %parallel_loop3A_1052 = arith.addf %parallel_loop3A_1015, %parallel_loop3A_1051 : vector<16xf32>
        scf.yield %parallel_loop3A_1022, %parallel_loop3A_1026, %parallel_loop3A_1030, %parallel_loop3A_1034, %parallel_loop3A_1038, %parallel_loop3A_1042, %parallel_loop3A_1046, %parallel_loop3A_1050, %parallel_loop3A_1024, %parallel_loop3A_1028, %parallel_loop3A_1032, %parallel_loop3A_1036, %parallel_loop3A_1040, %parallel_loop3A_1044, %parallel_loop3A_1048, %parallel_loop3A_1052 : vector<16xf32>, vector<16xf32>, vector<16xf32>, vector<16xf32>, vector<16xf32>, vector<16xf32>, vector<16xf32>, vector<16xf32>, vector<16xf32>, vector<16xf32>, vector<16xf32>, vector<16xf32>, vector<16xf32>, vector<16xf32>, vector<16xf32>, vector<16xf32>
      } {sc.loop_unroll_factor = 1 : i64, sc.parallel_access}
      %mul3A_139 = arith.constant 1.562500e-02 : f32
      %mul3A_140 = vector.broadcast %mul3A_139 : f32 to vector<16xf32>
      %mul3A_141 = arith.mulf %parallel_loop3A_138#0, %mul3A_140 : vector<16xf32>
      %mul3A_142 = arith.constant 1.562500e-02 : f32
      %mul3A_143 = vector.broadcast %mul3A_142 : f32 to vector<16xf32>
      %mul3A_144 = arith.mulf %parallel_loop3A_138#8, %mul3A_143 : vector<16xf32>
      %mul3A_145 = arith.mulf %mul3A_141, %mul3A_141 : vector<16xf32>
      %sub3A = arith.subf %mul3A_144, %mul3A_145 : vector<16xf32>
      %add3A_146 = arith.constant 9.99999974E-6 : f32
      %add3A_147 = vector.broadcast %add3A_146 : f32 to vector<16xf32>
      %add3A_148 = arith.addf %sub3A, %add3A_147 : vector<16xf32>
      %bitcast3A = vector.bitcast %add3A_148 : vector<16xf32> to vector<16xi32>
      %shift_right_logical3A = arith.constant 1 : i32
      %shift_right_logical3A_149 = vector.broadcast %shift_right_logical3A : i32 to vector<16xi32>
      %shift_right_logical3A_150 = arith.shrui %bitcast3A, %shift_right_logical3A_149 : vector<16xi32>
      %sub3A_151 = arith.constant 1597463007 : i32
      %sub3A_152 = vector.broadcast %sub3A_151 : i32 to vector<16xi32>
      %sub3A_153 = arith.subi %sub3A_152, %shift_right_logical3A_150 : vector<16xi32>
      %bitcast3A_154 = vector.bitcast %sub3A_153 : vector<16xi32> to vector<16xf32>
      %mul3A_155 = arith.constant 5.000000e-01 : f32
      %mul3A_156 = vector.broadcast %mul3A_155 : f32 to vector<16xf32>
      %mul3A_157 = arith.mulf %mul3A_156, %add3A_148 : vector<16xf32>
      %mul3A_158 = arith.mulf %mul3A_157, %bitcast3A_154 : vector<16xf32>
      %mul3A_159 = arith.mulf %mul3A_158, %bitcast3A_154 : vector<16xf32>
      %sub3A_160 = arith.constant 1.500000e+00 : f32
      %sub3A_161 = vector.broadcast %sub3A_160 : f32 to vector<16xf32>
      %sub3A_162 = arith.subf %sub3A_161, %mul3A_159 : vector<16xf32>
      %mul3A_163 = arith.mulf %bitcast3A_154, %sub3A_162 : vector<16xf32>
      %mul3A_164 = arith.constant 5.000000e-01 : f32
      %mul3A_165 = vector.broadcast %mul3A_164 : f32 to vector<16xf32>
      %mul3A_166 = arith.mulf %mul3A_165, %add3A_148 : vector<16xf32>
      %mul3A_167 = arith.mulf %mul3A_166, %mul3A_163 : vector<16xf32>
      %mul3A_168 = arith.mulf %mul3A_167, %mul3A_163 : vector<16xf32>
      %sub3A_169 = arith.constant 1.500000e+00 : f32
      %sub3A_170 = vector.broadcast %sub3A_169 : f32 to vector<16xf32>
      %sub3A_171 = arith.subf %sub3A_170, %mul3A_168 : vector<16xf32>
      %mul3A_172 = arith.mulf %mul3A_163, %sub3A_171 : vector<16xf32>
      %mul3A_173 = arith.constant 5.000000e-01 : f32
      %mul3A_174 = vector.broadcast %mul3A_173 : f32 to vector<16xf32>
      %mul3A_175 = arith.mulf %mul3A_174, %add3A_148 : vector<16xf32>
      %mul3A_176 = arith.mulf %mul3A_175, %mul3A_172 : vector<16xf32>
      %mul3A_177 = arith.mulf %mul3A_176, %mul3A_172 : vector<16xf32>
      %sub3A_178 = arith.constant 1.500000e+00 : f32
      %sub3A_179 = vector.broadcast %sub3A_178 : f32 to vector<16xf32>
      %sub3A_180 = arith.subf %sub3A_179, %mul3A_177 : vector<16xf32>
      %mul3A_181 = arith.mulf %mul3A_172, %sub3A_180 : vector<16xf32>
      %mul3A_182 = arith.constant 1.562500e-02 : f32
      %mul3A_183 = vector.broadcast %mul3A_182 : f32 to vector<16xf32>
      %mul3A_184 = arith.mulf %parallel_loop3A_138#1, %mul3A_183 : vector<16xf32>
      %mul3A_185 = arith.constant 1.562500e-02 : f32
      %mul3A_186 = vector.broadcast %mul3A_185 : f32 to vector<16xf32>
      %mul3A_187 = arith.mulf %parallel_loop3A_138#9, %mul3A_186 : vector<16xf32>
      %mul3A_188 = arith.mulf %mul3A_184, %mul3A_184 : vector<16xf32>
      %sub3A_189 = arith.subf %mul3A_187, %mul3A_188 : vector<16xf32>
      %add3A_190 = arith.constant 9.99999974E-6 : f32
      %add3A_191 = vector.broadcast %add3A_190 : f32 to vector<16xf32>
      %add3A_192 = arith.addf %sub3A_189, %add3A_191 : vector<16xf32>
      %bitcast3A_193 = vector.bitcast %add3A_192 : vector<16xf32> to vector<16xi32>
      %shift_right_logical3A_194 = arith.constant 1 : i32
      %shift_right_logical3A_195 = vector.broadcast %shift_right_logical3A_194 : i32 to vector<16xi32>
      %shift_right_logical3A_196 = arith.shrui %bitcast3A_193, %shift_right_logical3A_195 : vector<16xi32>
      %sub3A_197 = arith.constant 1597463007 : i32
      %sub3A_198 = vector.broadcast %sub3A_197 : i32 to vector<16xi32>
      %sub3A_199 = arith.subi %sub3A_198, %shift_right_logical3A_196 : vector<16xi32>
      %bitcast3A_200 = vector.bitcast %sub3A_199 : vector<16xi32> to vector<16xf32>
      %mul3A_201 = arith.constant 5.000000e-01 : f32
      %mul3A_202 = vector.broadcast %mul3A_201 : f32 to vector<16xf32>
      %mul3A_203 = arith.mulf %mul3A_202, %add3A_192 : vector<16xf32>
      %mul3A_204 = arith.mulf %mul3A_203, %bitcast3A_200 : vector<16xf32>
      %mul3A_205 = arith.mulf %mul3A_204, %bitcast3A_200 : vector<16xf32>
      %sub3A_206 = arith.constant 1.500000e+00 : f32
      %sub3A_207 = vector.broadcast %sub3A_206 : f32 to vector<16xf32>
      %sub3A_208 = arith.subf %sub3A_207, %mul3A_205 : vector<16xf32>
      %mul3A_209 = arith.mulf %bitcast3A_200, %sub3A_208 : vector<16xf32>
      %mul3A_210 = arith.constant 5.000000e-01 : f32
      %mul3A_211 = vector.broadcast %mul3A_210 : f32 to vector<16xf32>
      %mul3A_212 = arith.mulf %mul3A_211, %add3A_192 : vector<16xf32>
      %mul3A_213 = arith.mulf %mul3A_212, %mul3A_209 : vector<16xf32>
      %mul3A_214 = arith.mulf %mul3A_213, %mul3A_209 : vector<16xf32>
      %sub3A_215 = arith.constant 1.500000e+00 : f32
      %sub3A_216 = vector.broadcast %sub3A_215 : f32 to vector<16xf32>
      %sub3A_217 = arith.subf %sub3A_216, %mul3A_214 : vector<16xf32>
      %mul3A_218 = arith.mulf %mul3A_209, %sub3A_217 : vector<16xf32>
      %mul3A_219 = arith.constant 5.000000e-01 : f32
      %mul3A_220 = vector.broadcast %mul3A_219 : f32 to vector<16xf32>
      %mul3A_221 = arith.mulf %mul3A_220, %add3A_192 : vector<16xf32>
      %mul3A_222 = arith.mulf %mul3A_221, %mul3A_218 : vector<16xf32>
      %mul3A_223 = arith.mulf %mul3A_222, %mul3A_218 : vector<16xf32>
      %sub3A_224 = arith.constant 1.500000e+00 : f32
      %sub3A_225 = vector.broadcast %sub3A_224 : f32 to vector<16xf32>
      %sub3A_226 = arith.subf %sub3A_225, %mul3A_223 : vector<16xf32>
      %mul3A_227 = arith.mulf %mul3A_218, %sub3A_226 : vector<16xf32>
      %mul3A_228 = arith.constant 1.562500e-02 : f32
      %mul3A_229 = vector.broadcast %mul3A_228 : f32 to vector<16xf32>
      %mul3A_230 = arith.mulf %parallel_loop3A_138#2, %mul3A_229 : vector<16xf32>
      %mul3A_231 = arith.constant 1.562500e-02 : f32
      %mul3A_232 = vector.broadcast %mul3A_231 : f32 to vector<16xf32>
      %mul3A_233 = arith.mulf %parallel_loop3A_138#10, %mul3A_232 : vector<16xf32>
      %mul3A_234 = arith.mulf %mul3A_230, %mul3A_230 : vector<16xf32>
      %sub3A_235 = arith.subf %mul3A_233, %mul3A_234 : vector<16xf32>
      %add3A_236 = arith.constant 9.99999974E-6 : f32
      %add3A_237 = vector.broadcast %add3A_236 : f32 to vector<16xf32>
      %add3A_238 = arith.addf %sub3A_235, %add3A_237 : vector<16xf32>
      %bitcast3A_239 = vector.bitcast %add3A_238 : vector<16xf32> to vector<16xi32>
      %shift_right_logical3A_240 = arith.constant 1 : i32
      %shift_right_logical3A_241 = vector.broadcast %shift_right_logical3A_240 : i32 to vector<16xi32>
      %shift_right_logical3A_242 = arith.shrui %bitcast3A_239, %shift_right_logical3A_241 : vector<16xi32>
      %sub3A_243 = arith.constant 1597463007 : i32
      %sub3A_244 = vector.broadcast %sub3A_243 : i32 to vector<16xi32>
      %sub3A_245 = arith.subi %sub3A_244, %shift_right_logical3A_242 : vector<16xi32>
      %bitcast3A_246 = vector.bitcast %sub3A_245 : vector<16xi32> to vector<16xf32>
      %mul3A_247 = arith.constant 5.000000e-01 : f32
      %mul3A_248 = vector.broadcast %mul3A_247 : f32 to vector<16xf32>
      %mul3A_249 = arith.mulf %mul3A_248, %add3A_238 : vector<16xf32>
      %mul3A_250 = arith.mulf %mul3A_249, %bitcast3A_246 : vector<16xf32>
      %mul3A_251 = arith.mulf %mul3A_250, %bitcast3A_246 : vector<16xf32>
      %sub3A_252 = arith.constant 1.500000e+00 : f32
      %sub3A_253 = vector.broadcast %sub3A_252 : f32 to vector<16xf32>
      %sub3A_254 = arith.subf %sub3A_253, %mul3A_251 : vector<16xf32>
      %mul3A_255 = arith.mulf %bitcast3A_246, %sub3A_254 : vector<16xf32>
      %mul3A_256 = arith.constant 5.000000e-01 : f32
      %mul3A_257 = vector.broadcast %mul3A_256 : f32 to vector<16xf32>
      %mul3A_258 = arith.mulf %mul3A_257, %add3A_238 : vector<16xf32>
      %mul3A_259 = arith.mulf %mul3A_258, %mul3A_255 : vector<16xf32>
      %mul3A_260 = arith.mulf %mul3A_259, %mul3A_255 : vector<16xf32>
      %sub3A_261 = arith.constant 1.500000e+00 : f32
      %sub3A_262 = vector.broadcast %sub3A_261 : f32 to vector<16xf32>
      %sub3A_263 = arith.subf %sub3A_262, %mul3A_260 : vector<16xf32>
      %mul3A_264 = arith.mulf %mul3A_255, %sub3A_263 : vector<16xf32>
      %mul3A_265 = arith.constant 5.000000e-01 : f32
      %mul3A_266 = vector.broadcast %mul3A_265 : f32 to vector<16xf32>
      %mul3A_267 = arith.mulf %mul3A_266, %add3A_238 : vector<16xf32>
      %mul3A_268 = arith.mulf %mul3A_267, %mul3A_264 : vector<16xf32>
      %mul3A_269 = arith.mulf %mul3A_268, %mul3A_264 : vector<16xf32>
      %sub3A_270 = arith.constant 1.500000e+00 : f32
      %sub3A_271 = vector.broadcast %sub3A_270 : f32 to vector<16xf32>
      %sub3A_272 = arith.subf %sub3A_271, %mul3A_269 : vector<16xf32>
      %mul3A_273 = arith.mulf %mul3A_264, %sub3A_272 : vector<16xf32>
      %mul3A_274 = arith.constant 1.562500e-02 : f32
      %mul3A_275 = vector.broadcast %mul3A_274 : f32 to vector<16xf32>
      %mul3A_276 = arith.mulf %parallel_loop3A_138#3, %mul3A_275 : vector<16xf32>
      %mul3A_277 = arith.constant 1.562500e-02 : f32
      %mul3A_278 = vector.broadcast %mul3A_277 : f32 to vector<16xf32>
      %mul3A_279 = arith.mulf %parallel_loop3A_138#11, %mul3A_278 : vector<16xf32>
      %mul3A_280 = arith.mulf %mul3A_276, %mul3A_276 : vector<16xf32>
      %sub3A_281 = arith.subf %mul3A_279, %mul3A_280 : vector<16xf32>
      %add3A_282 = arith.constant 9.99999974E-6 : f32
      %add3A_283 = vector.broadcast %add3A_282 : f32 to vector<16xf32>
      %add3A_284 = arith.addf %sub3A_281, %add3A_283 : vector<16xf32>
      %bitcast3A_285 = vector.bitcast %add3A_284 : vector<16xf32> to vector<16xi32>
      %shift_right_logical3A_286 = arith.constant 1 : i32
      %shift_right_logical3A_287 = vector.broadcast %shift_right_logical3A_286 : i32 to vector<16xi32>
      %shift_right_logical3A_288 = arith.shrui %bitcast3A_285, %shift_right_logical3A_287 : vector<16xi32>
      %sub3A_289 = arith.constant 1597463007 : i32
      %sub3A_290 = vector.broadcast %sub3A_289 : i32 to vector<16xi32>
      %sub3A_291 = arith.subi %sub3A_290, %shift_right_logical3A_288 : vector<16xi32>
      %bitcast3A_292 = vector.bitcast %sub3A_291 : vector<16xi32> to vector<16xf32>
      %mul3A_293 = arith.constant 5.000000e-01 : f32
      %mul3A_294 = vector.broadcast %mul3A_293 : f32 to vector<16xf32>
      %mul3A_295 = arith.mulf %mul3A_294, %add3A_284 : vector<16xf32>
      %mul3A_296 = arith.mulf %mul3A_295, %bitcast3A_292 : vector<16xf32>
      %mul3A_297 = arith.mulf %mul3A_296, %bitcast3A_292 : vector<16xf32>
      %sub3A_298 = arith.constant 1.500000e+00 : f32
      %sub3A_299 = vector.broadcast %sub3A_298 : f32 to vector<16xf32>
      %sub3A_300 = arith.subf %sub3A_299, %mul3A_297 : vector<16xf32>
      %mul3A_301 = arith.mulf %bitcast3A_292, %sub3A_300 : vector<16xf32>
      %mul3A_302 = arith.constant 5.000000e-01 : f32
      %mul3A_303 = vector.broadcast %mul3A_302 : f32 to vector<16xf32>
      %mul3A_304 = arith.mulf %mul3A_303, %add3A_284 : vector<16xf32>
      %mul3A_305 = arith.mulf %mul3A_304, %mul3A_301 : vector<16xf32>
      %mul3A_306 = arith.mulf %mul3A_305, %mul3A_301 : vector<16xf32>
      %sub3A_307 = arith.constant 1.500000e+00 : f32
      %sub3A_308 = vector.broadcast %sub3A_307 : f32 to vector<16xf32>
      %sub3A_309 = arith.subf %sub3A_308, %mul3A_306 : vector<16xf32>
      %mul3A_310 = arith.mulf %mul3A_301, %sub3A_309 : vector<16xf32>
      %mul3A_311 = arith.constant 5.000000e-01 : f32
      %mul3A_312 = vector.broadcast %mul3A_311 : f32 to vector<16xf32>
      %mul3A_313 = arith.mulf %mul3A_312, %add3A_284 : vector<16xf32>
      %mul3A_314 = arith.mulf %mul3A_313, %mul3A_310 : vector<16xf32>
      %mul3A_315 = arith.mulf %mul3A_314, %mul3A_310 : vector<16xf32>
      %sub3A_316 = arith.constant 1.500000e+00 : f32
      %sub3A_317 = vector.broadcast %sub3A_316 : f32 to vector<16xf32>
      %sub3A_318 = arith.subf %sub3A_317, %mul3A_315 : vector<16xf32>
      %mul3A_319 = arith.mulf %mul3A_310, %sub3A_318 : vector<16xf32>
      %mul3A_320 = arith.constant 1.562500e-02 : f32
      %mul3A_321 = vector.broadcast %mul3A_320 : f32 to vector<16xf32>
      %mul3A_322 = arith.mulf %parallel_loop3A_138#4, %mul3A_321 : vector<16xf32>
      %mul3A_323 = arith.constant 1.562500e-02 : f32
      %mul3A_324 = vector.broadcast %mul3A_323 : f32 to vector<16xf32>
      %mul3A_325 = arith.mulf %parallel_loop3A_138#12, %mul3A_324 : vector<16xf32>
      %mul3A_326 = arith.mulf %mul3A_322, %mul3A_322 : vector<16xf32>
      %sub3A_327 = arith.subf %mul3A_325, %mul3A_326 : vector<16xf32>
      %add3A_328 = arith.constant 9.99999974E-6 : f32
      %add3A_329 = vector.broadcast %add3A_328 : f32 to vector<16xf32>
      %add3A_330 = arith.addf %sub3A_327, %add3A_329 : vector<16xf32>
      %bitcast3A_331 = vector.bitcast %add3A_330 : vector<16xf32> to vector<16xi32>
      %shift_right_logical3A_332 = arith.constant 1 : i32
      %shift_right_logical3A_333 = vector.broadcast %shift_right_logical3A_332 : i32 to vector<16xi32>
      %shift_right_logical3A_334 = arith.shrui %bitcast3A_331, %shift_right_logical3A_333 : vector<16xi32>
      %sub3A_335 = arith.constant 1597463007 : i32
      %sub3A_336 = vector.broadcast %sub3A_335 : i32 to vector<16xi32>
      %sub3A_337 = arith.subi %sub3A_336, %shift_right_logical3A_334 : vector<16xi32>
      %bitcast3A_338 = vector.bitcast %sub3A_337 : vector<16xi32> to vector<16xf32>
      %mul3A_339 = arith.constant 5.000000e-01 : f32
      %mul3A_340 = vector.broadcast %mul3A_339 : f32 to vector<16xf32>
      %mul3A_341 = arith.mulf %mul3A_340, %add3A_330 : vector<16xf32>
      %mul3A_342 = arith.mulf %mul3A_341, %bitcast3A_338 : vector<16xf32>
      %mul3A_343 = arith.mulf %mul3A_342, %bitcast3A_338 : vector<16xf32>
      %sub3A_344 = arith.constant 1.500000e+00 : f32
      %sub3A_345 = vector.broadcast %sub3A_344 : f32 to vector<16xf32>
      %sub3A_346 = arith.subf %sub3A_345, %mul3A_343 : vector<16xf32>
      %mul3A_347 = arith.mulf %bitcast3A_338, %sub3A_346 : vector<16xf32>
      %mul3A_348 = arith.constant 5.000000e-01 : f32
      %mul3A_349 = vector.broadcast %mul3A_348 : f32 to vector<16xf32>
      %mul3A_350 = arith.mulf %mul3A_349, %add3A_330 : vector<16xf32>
      %mul3A_351 = arith.mulf %mul3A_350, %mul3A_347 : vector<16xf32>
      %mul3A_352 = arith.mulf %mul3A_351, %mul3A_347 : vector<16xf32>
      %sub3A_353 = arith.constant 1.500000e+00 : f32
      %sub3A_354 = vector.broadcast %sub3A_353 : f32 to vector<16xf32>
      %sub3A_355 = arith.subf %sub3A_354, %mul3A_352 : vector<16xf32>
      %mul3A_356 = arith.mulf %mul3A_347, %sub3A_355 : vector<16xf32>
      %mul3A_357 = arith.constant 5.000000e-01 : f32
      %mul3A_358 = vector.broadcast %mul3A_357 : f32 to vector<16xf32>
      %mul3A_359 = arith.mulf %mul3A_358, %add3A_330 : vector<16xf32>
      %mul3A_360 = arith.mulf %mul3A_359, %mul3A_356 : vector<16xf32>
      %mul3A_361 = arith.mulf %mul3A_360, %mul3A_356 : vector<16xf32>
      %sub3A_362 = arith.constant 1.500000e+00 : f32
      %sub3A_363 = vector.broadcast %sub3A_362 : f32 to vector<16xf32>
      %sub3A_364 = arith.subf %sub3A_363, %mul3A_361 : vector<16xf32>
      %mul3A_365 = arith.mulf %mul3A_356, %sub3A_364 : vector<16xf32>
      %mul3A_366 = arith.constant 1.562500e-02 : f32
      %mul3A_367 = vector.broadcast %mul3A_366 : f32 to vector<16xf32>
      %mul3A_368 = arith.mulf %parallel_loop3A_138#5, %mul3A_367 : vector<16xf32>
      %mul3A_369 = arith.constant 1.562500e-02 : f32
      %mul3A_370 = vector.broadcast %mul3A_369 : f32 to vector<16xf32>
      %mul3A_371 = arith.mulf %parallel_loop3A_138#13, %mul3A_370 : vector<16xf32>
      %mul3A_372 = arith.mulf %mul3A_368, %mul3A_368 : vector<16xf32>
      %sub3A_373 = arith.subf %mul3A_371, %mul3A_372 : vector<16xf32>
      %add3A_374 = arith.constant 9.99999974E-6 : f32
      %add3A_375 = vector.broadcast %add3A_374 : f32 to vector<16xf32>
      %add3A_376 = arith.addf %sub3A_373, %add3A_375 : vector<16xf32>
      %bitcast3A_377 = vector.bitcast %add3A_376 : vector<16xf32> to vector<16xi32>
      %shift_right_logical3A_378 = arith.constant 1 : i32
      %shift_right_logical3A_379 = vector.broadcast %shift_right_logical3A_378 : i32 to vector<16xi32>
      %shift_right_logical3A_380 = arith.shrui %bitcast3A_377, %shift_right_logical3A_379 : vector<16xi32>
      %sub3A_381 = arith.constant 1597463007 : i32
      %sub3A_382 = vector.broadcast %sub3A_381 : i32 to vector<16xi32>
      %sub3A_383 = arith.subi %sub3A_382, %shift_right_logical3A_380 : vector<16xi32>
      %bitcast3A_384 = vector.bitcast %sub3A_383 : vector<16xi32> to vector<16xf32>
      %mul3A_385 = arith.constant 5.000000e-01 : f32
      %mul3A_386 = vector.broadcast %mul3A_385 : f32 to vector<16xf32>
      %mul3A_387 = arith.mulf %mul3A_386, %add3A_376 : vector<16xf32>
      %mul3A_388 = arith.mulf %mul3A_387, %bitcast3A_384 : vector<16xf32>
      %mul3A_389 = arith.mulf %mul3A_388, %bitcast3A_384 : vector<16xf32>
      %sub3A_390 = arith.constant 1.500000e+00 : f32
      %sub3A_391 = vector.broadcast %sub3A_390 : f32 to vector<16xf32>
      %sub3A_392 = arith.subf %sub3A_391, %mul3A_389 : vector<16xf32>
      %mul3A_393 = arith.mulf %bitcast3A_384, %sub3A_392 : vector<16xf32>
      %mul3A_394 = arith.constant 5.000000e-01 : f32
      %mul3A_395 = vector.broadcast %mul3A_394 : f32 to vector<16xf32>
      %mul3A_396 = arith.mulf %mul3A_395, %add3A_376 : vector<16xf32>
      %mul3A_397 = arith.mulf %mul3A_396, %mul3A_393 : vector<16xf32>
      %mul3A_398 = arith.mulf %mul3A_397, %mul3A_393 : vector<16xf32>
      %sub3A_399 = arith.constant 1.500000e+00 : f32
      %sub3A_400 = vector.broadcast %sub3A_399 : f32 to vector<16xf32>
      %sub3A_401 = arith.subf %sub3A_400, %mul3A_398 : vector<16xf32>
      %mul3A_402 = arith.mulf %mul3A_393, %sub3A_401 : vector<16xf32>
      %mul3A_403 = arith.constant 5.000000e-01 : f32
      %mul3A_404 = vector.broadcast %mul3A_403 : f32 to vector<16xf32>
      %mul3A_405 = arith.mulf %mul3A_404, %add3A_376 : vector<16xf32>
      %mul3A_406 = arith.mulf %mul3A_405, %mul3A_402 : vector<16xf32>
      %mul3A_407 = arith.mulf %mul3A_406, %mul3A_402 : vector<16xf32>
      %sub3A_408 = arith.constant 1.500000e+00 : f32
      %sub3A_409 = vector.broadcast %sub3A_408 : f32 to vector<16xf32>
      %sub3A_410 = arith.subf %sub3A_409, %mul3A_407 : vector<16xf32>
      %mul3A_411 = arith.mulf %mul3A_402, %sub3A_410 : vector<16xf32>
      %mul3A_412 = arith.constant 1.562500e-02 : f32
      %mul3A_413 = vector.broadcast %mul3A_412 : f32 to vector<16xf32>
      %mul3A_414 = arith.mulf %parallel_loop3A_138#6, %mul3A_413 : vector<16xf32>
      %mul3A_415 = arith.constant 1.562500e-02 : f32
      %mul3A_416 = vector.broadcast %mul3A_415 : f32 to vector<16xf32>
      %mul3A_417 = arith.mulf %parallel_loop3A_138#14, %mul3A_416 : vector<16xf32>
      %mul3A_418 = arith.mulf %mul3A_414, %mul3A_414 : vector<16xf32>
      %sub3A_419 = arith.subf %mul3A_417, %mul3A_418 : vector<16xf32>
      %add3A_420 = arith.constant 9.99999974E-6 : f32
      %add3A_421 = vector.broadcast %add3A_420 : f32 to vector<16xf32>
      %add3A_422 = arith.addf %sub3A_419, %add3A_421 : vector<16xf32>
      %bitcast3A_423 = vector.bitcast %add3A_422 : vector<16xf32> to vector<16xi32>
      %shift_right_logical3A_424 = arith.constant 1 : i32
      %shift_right_logical3A_425 = vector.broadcast %shift_right_logical3A_424 : i32 to vector<16xi32>
      %shift_right_logical3A_426 = arith.shrui %bitcast3A_423, %shift_right_logical3A_425 : vector<16xi32>
      %sub3A_427 = arith.constant 1597463007 : i32
      %sub3A_428 = vector.broadcast %sub3A_427 : i32 to vector<16xi32>
      %sub3A_429 = arith.subi %sub3A_428, %shift_right_logical3A_426 : vector<16xi32>
      %bitcast3A_430 = vector.bitcast %sub3A_429 : vector<16xi32> to vector<16xf32>
      %mul3A_431 = arith.constant 5.000000e-01 : f32
      %mul3A_432 = vector.broadcast %mul3A_431 : f32 to vector<16xf32>
      %mul3A_433 = arith.mulf %mul3A_432, %add3A_422 : vector<16xf32>
      %mul3A_434 = arith.mulf %mul3A_433, %bitcast3A_430 : vector<16xf32>
      %mul3A_435 = arith.mulf %mul3A_434, %bitcast3A_430 : vector<16xf32>
      %sub3A_436 = arith.constant 1.500000e+00 : f32
      %sub3A_437 = vector.broadcast %sub3A_436 : f32 to vector<16xf32>
      %sub3A_438 = arith.subf %sub3A_437, %mul3A_435 : vector<16xf32>
      %mul3A_439 = arith.mulf %bitcast3A_430, %sub3A_438 : vector<16xf32>
      %mul3A_440 = arith.constant 5.000000e-01 : f32
      %mul3A_441 = vector.broadcast %mul3A_440 : f32 to vector<16xf32>
      %mul3A_442 = arith.mulf %mul3A_441, %add3A_422 : vector<16xf32>
      %mul3A_443 = arith.mulf %mul3A_442, %mul3A_439 : vector<16xf32>
      %mul3A_444 = arith.mulf %mul3A_443, %mul3A_439 : vector<16xf32>
      %sub3A_445 = arith.constant 1.500000e+00 : f32
      %sub3A_446 = vector.broadcast %sub3A_445 : f32 to vector<16xf32>
      %sub3A_447 = arith.subf %sub3A_446, %mul3A_444 : vector<16xf32>
      %mul3A_448 = arith.mulf %mul3A_439, %sub3A_447 : vector<16xf32>
      %mul3A_449 = arith.constant 5.000000e-01 : f32
      %mul3A_450 = vector.broadcast %mul3A_449 : f32 to vector<16xf32>
      %mul3A_451 = arith.mulf %mul3A_450, %add3A_422 : vector<16xf32>
      %mul3A_452 = arith.mulf %mul3A_451, %mul3A_448 : vector<16xf32>
      %mul3A_453 = arith.mulf %mul3A_452, %mul3A_448 : vector<16xf32>
      %sub3A_454 = arith.constant 1.500000e+00 : f32
      %sub3A_455 = vector.broadcast %sub3A_454 : f32 to vector<16xf32>
      %sub3A_456 = arith.subf %sub3A_455, %mul3A_453 : vector<16xf32>
      %mul3A_457 = arith.mulf %mul3A_448, %sub3A_456 : vector<16xf32>
      %mul3A_458 = arith.constant 1.562500e-02 : f32
      %mul3A_459 = vector.broadcast %mul3A_458 : f32 to vector<16xf32>
      %mul3A_460 = arith.mulf %parallel_loop3A_138#7, %mul3A_459 : vector<16xf32>
      %mul3A_461 = arith.constant 1.562500e-02 : f32
      %mul3A_462 = vector.broadcast %mul3A_461 : f32 to vector<16xf32>
      %mul3A_463 = arith.mulf %parallel_loop3A_138#15, %mul3A_462 : vector<16xf32>
      %mul3A_464 = arith.mulf %mul3A_460, %mul3A_460 : vector<16xf32>
      %sub3A_465 = arith.subf %mul3A_463, %mul3A_464 : vector<16xf32>
      %add3A_466 = arith.constant 9.99999974E-6 : f32
      %add3A_467 = vector.broadcast %add3A_466 : f32 to vector<16xf32>
      %add3A_468 = arith.addf %sub3A_465, %add3A_467 : vector<16xf32>
      %bitcast3A_469 = vector.bitcast %add3A_468 : vector<16xf32> to vector<16xi32>
      %shift_right_logical3A_470 = arith.constant 1 : i32
      %shift_right_logical3A_471 = vector.broadcast %shift_right_logical3A_470 : i32 to vector<16xi32>
      %shift_right_logical3A_472 = arith.shrui %bitcast3A_469, %shift_right_logical3A_471 : vector<16xi32>
      %sub3A_473 = arith.constant 1597463007 : i32
      %sub3A_474 = vector.broadcast %sub3A_473 : i32 to vector<16xi32>
      %sub3A_475 = arith.subi %sub3A_474, %shift_right_logical3A_472 : vector<16xi32>
      %bitcast3A_476 = vector.bitcast %sub3A_475 : vector<16xi32> to vector<16xf32>
      %mul3A_477 = arith.constant 5.000000e-01 : f32
      %mul3A_478 = vector.broadcast %mul3A_477 : f32 to vector<16xf32>
      %mul3A_479 = arith.mulf %mul3A_478, %add3A_468 : vector<16xf32>
      %mul3A_480 = arith.mulf %mul3A_479, %bitcast3A_476 : vector<16xf32>
      %mul3A_481 = arith.mulf %mul3A_480, %bitcast3A_476 : vector<16xf32>
      %sub3A_482 = arith.constant 1.500000e+00 : f32
      %sub3A_483 = vector.broadcast %sub3A_482 : f32 to vector<16xf32>
      %sub3A_484 = arith.subf %sub3A_483, %mul3A_481 : vector<16xf32>
      %mul3A_485 = arith.mulf %bitcast3A_476, %sub3A_484 : vector<16xf32>
      %mul3A_486 = arith.constant 5.000000e-01 : f32
      %mul3A_487 = vector.broadcast %mul3A_486 : f32 to vector<16xf32>
      %mul3A_488 = arith.mulf %mul3A_487, %add3A_468 : vector<16xf32>
      %mul3A_489 = arith.mulf %mul3A_488, %mul3A_485 : vector<16xf32>
      %mul3A_490 = arith.mulf %mul3A_489, %mul3A_485 : vector<16xf32>
      %sub3A_491 = arith.constant 1.500000e+00 : f32
      %sub3A_492 = vector.broadcast %sub3A_491 : f32 to vector<16xf32>
      %sub3A_493 = arith.subf %sub3A_492, %mul3A_490 : vector<16xf32>
      %mul3A_494 = arith.mulf %mul3A_485, %sub3A_493 : vector<16xf32>
      %mul3A_495 = arith.constant 5.000000e-01 : f32
      %mul3A_496 = vector.broadcast %mul3A_495 : f32 to vector<16xf32>
      %mul3A_497 = arith.mulf %mul3A_496, %add3A_468 : vector<16xf32>
      %mul3A_498 = arith.mulf %mul3A_497, %mul3A_494 : vector<16xf32>
      %mul3A_499 = arith.mulf %mul3A_498, %mul3A_494 : vector<16xf32>
      %sub3A_500 = arith.constant 1.500000e+00 : f32
      %sub3A_501 = vector.broadcast %sub3A_500 : f32 to vector<16xf32>
      %sub3A_502 = arith.subf %sub3A_501, %mul3A_499 : vector<16xf32>
      %mul3A_503 = arith.mulf %mul3A_494, %sub3A_502 : vector<16xf32>
      %parallel_loop3A_504 = arith.constant 0 : i32
      %parallel_loop3A_505 = arith.constant 64 : i32
      %parallel_loop3A_506 = arith.constant 1 : i32
      scf.for %parallel_loop3A_999 = %parallel_loop3A_504 to %parallel_loop3A_505 step %parallel_loop3A_506  : i32 {
        %parallel_loop3A_1000 = arith.constant 16 : i32
        %parallel_loop3A_1001 = arith.muli %parallel_loop3A_999, %parallel_loop3A_1000 : i32
        %parallel_loop3A_1002 = arith.index_cast %parallel_loop3A_1001 : i32 to index
        %parallel_loop3A_1003 = tpu.vector_load %arg10[%parallel_loop3A_1002] {strides = array<i32>} : memref<1024xf32, #tpu.memory_space<vmem>>, vector<16xf32>,
        %parallel_loop3A_1004 = arith.constant 16 : i32
        %parallel_loop3A_1005 = arith.muli %parallel_loop3A_999, %parallel_loop3A_1004 : i32
        %parallel_loop3A_1006 = arith.index_cast %parallel_loop3A_1005 : i32 to index
        %parallel_loop3A_1007 = tpu.vector_load %arg11[%parallel_loop3A_1006] {strides = array<i32>} : memref<1024xf32, #tpu.memory_space<vmem>>, vector<16xf32>,
        %parallel_loop3A_1008 = vector.broadcast %parallel_loop3A_999 : i32 to vector<16xi32>
        %parallel_loop3A_1009 = arith.addi %iota3A, %parallel_loop3A_1008 : vector<16xi32>
        %parallel_loop3A_1010 = arith.constant 63 : i32
        %parallel_loop3A_1011 = vector.broadcast %parallel_loop3A_1010 : i32 to vector<16xi32>
        %parallel_loop3A_1012 = arith.andi %parallel_loop3A_1009, %parallel_loop3A_1011 : vector<16xi32>
        %parallel_loop3A_1013 = arith.constant 0 : i32
        %parallel_loop3A_1014 = vector.broadcast %parallel_loop3A_1013 : i32 to vector<16xi32>
        %parallel_loop3A_1015 = arith.addi %parallel_loop3A_1012, %parallel_loop3A_1014 : vector<16xi32>
        %parallel_loop3A_1016 = tpu.vector_load_idx %arg8[%add3A_89, %parallel_loop3A_1012] : memref<256x128xf32, #tpu.memory_space<vmem>>[vector<16xi32>, vector<16xi32>], vector<16xf32>,
        %parallel_loop3A_1017 = arith.subf %parallel_loop3A_1016, %mul3A_141 : vector<16xf32>
        %parallel_loop3A_1018 = arith.mulf %parallel_loop3A_1017, %mul3A_181 : vector<16xf32>
        %parallel_loop3A_1019 = arith.mulf %parallel_loop3A_1018, %parallel_loop3A_1003 : vector<16xf32>
        %parallel_loop3A_1020 = arith.addf %parallel_loop3A_1019, %parallel_loop3A_1007 : vector<16xf32>
        tpu.vector_store_idx %arg9[%parallel_loop3A_1015, %add3A_113], %parallel_loop3A_1020 : memref<128x128xf32, #tpu.memory_space<vmem>>[vector<16xi32>, vector<16xi32>], vector<16xf32>,
        %parallel_loop3A_1021 = tpu.vector_load_idx %arg8[%add3A_92, %parallel_loop3A_1012] : memref<256x128xf32, #tpu.memory_space<vmem>>[vector<16xi32>, vector<16xi32>], vector<16xf32>,
        %parallel_loop3A_1022 = arith.subf %parallel_loop3A_1021, %mul3A_184 : vector<16xf32>
        %parallel_loop3A_1023 = arith.mulf %parallel_loop3A_1022, %mul3A_227 : vector<16xf32>
        %parallel_loop3A_1024 = arith.mulf %parallel_loop3A_1023, %parallel_loop3A_1003 : vector<16xf32>
        %parallel_loop3A_1025 = arith.addf %parallel_loop3A_1024, %parallel_loop3A_1007 : vector<16xf32>
        tpu.vector_store_idx %arg9[%parallel_loop3A_1015, %add3A_116], %parallel_loop3A_1025 : memref<128x128xf32, #tpu.memory_space<vmem>>[vector<16xi32>, vector<16xi32>], vector<16xf32>,
        %parallel_loop3A_1026 = tpu.vector_load_idx %arg8[%add3A_95, %parallel_loop3A_1012] : memref<256x128xf32, #tpu.memory_space<vmem>>[vector<16xi32>, vector<16xi32>], vector<16xf32>,
        %parallel_loop3A_1027 = arith.subf %parallel_loop3A_1026, %mul3A_230 : vector<16xf32>
        %parallel_loop3A_1028 = arith.mulf %parallel_loop3A_1027, %mul3A_273 : vector<16xf32>
        %parallel_loop3A_1029 = arith.mulf %parallel_loop3A_1028, %parallel_loop3A_1003 : vector<16xf32>
        %parallel_loop3A_1030 = arith.addf %parallel_loop3A_1029, %parallel_loop3A_1007 : vector<16xf32>
        tpu.vector_store_idx %arg9[%parallel_loop3A_1015, %add3A_119], %parallel_loop3A_1030 : memref<128x128xf32, #tpu.memory_space<vmem>>[vector<16xi32>, vector<16xi32>], vector<16xf32>,
        %parallel_loop3A_1031 = tpu.vector_load_idx %arg8[%add3A_98, %parallel_loop3A_1012] : memref<256x128xf32, #tpu.memory_space<vmem>>[vector<16xi32>, vector<16xi32>], vector<16xf32>,
        %parallel_loop3A_1032 = arith.subf %parallel_loop3A_1031, %mul3A_276 : vector<16xf32>
        %parallel_loop3A_1033 = arith.mulf %parallel_loop3A_1032, %mul3A_319 : vector<16xf32>
        %parallel_loop3A_1034 = arith.mulf %parallel_loop3A_1033, %parallel_loop3A_1003 : vector<16xf32>
        %parallel_loop3A_1035 = arith.addf %parallel_loop3A_1034, %parallel_loop3A_1007 : vector<16xf32>
        tpu.vector_store_idx %arg9[%parallel_loop3A_1015, %add3A_122], %parallel_loop3A_1035 : memref<128x128xf32, #tpu.memory_space<vmem>>[vector<16xi32>, vector<16xi32>], vector<16xf32>,
        %parallel_loop3A_1036 = tpu.vector_load_idx %arg8[%add3A_101, %parallel_loop3A_1012] : memref<256x128xf32, #tpu.memory_space<vmem>>[vector<16xi32>, vector<16xi32>], vector<16xf32>,
        %parallel_loop3A_1037 = arith.subf %parallel_loop3A_1036, %mul3A_322 : vector<16xf32>
        %parallel_loop3A_1038 = arith.mulf %parallel_loop3A_1037, %mul3A_365 : vector<16xf32>
        %parallel_loop3A_1039 = arith.mulf %parallel_loop3A_1038, %parallel_loop3A_1003 : vector<16xf32>
        %parallel_loop3A_1040 = arith.addf %parallel_loop3A_1039, %parallel_loop3A_1007 : vector<16xf32>
        tpu.vector_store_idx %arg9[%parallel_loop3A_1015, %add3A_125], %parallel_loop3A_1040 : memref<128x128xf32, #tpu.memory_space<vmem>>[vector<16xi32>, vector<16xi32>], vector<16xf32>,
        %parallel_loop3A_1041 = tpu.vector_load_idx %arg8[%add3A_104, %parallel_loop3A_1012] : memref<256x128xf32, #tpu.memory_space<vmem>>[vector<16xi32>, vector<16xi32>], vector<16xf32>,
        %parallel_loop3A_1042 = arith.subf %parallel_loop3A_1041, %mul3A_368 : vector<16xf32>
        %parallel_loop3A_1043 = arith.mulf %parallel_loop3A_1042, %mul3A_411 : vector<16xf32>
        %parallel_loop3A_1044 = arith.mulf %parallel_loop3A_1043, %parallel_loop3A_1003 : vector<16xf32>
        %parallel_loop3A_1045 = arith.addf %parallel_loop3A_1044, %parallel_loop3A_1007 : vector<16xf32>
        tpu.vector_store_idx %arg9[%parallel_loop3A_1015, %add3A_128], %parallel_loop3A_1045 : memref<128x128xf32, #tpu.memory_space<vmem>>[vector<16xi32>, vector<16xi32>], vector<16xf32>,
        %parallel_loop3A_1046 = tpu.vector_load_idx %arg8[%add3A_107, %parallel_loop3A_1012] : memref<256x128xf32, #tpu.memory_space<vmem>>[vector<16xi32>, vector<16xi32>], vector<16xf32>,
        %parallel_loop3A_1047 = arith.subf %parallel_loop3A_1046, %mul3A_414 : vector<16xf32>
        %parallel_loop3A_1048 = arith.mulf %parallel_loop3A_1047, %mul3A_457 : vector<16xf32>
        %parallel_loop3A_1049 = arith.mulf %parallel_loop3A_1048, %parallel_loop3A_1003 : vector<16xf32>
        %parallel_loop3A_1050 = arith.addf %parallel_loop3A_1049, %parallel_loop3A_1007 : vector<16xf32>
        tpu.vector_store_idx %arg9[%parallel_loop3A_1015, %add3A_131], %parallel_loop3A_1050 : memref<128x128xf32, #tpu.memory_space<vmem>>[vector<16xi32>, vector<16xi32>], vector<16xf32>,
        %parallel_loop3A_1051 = tpu.vector_load_idx %arg8[%add3A_110, %parallel_loop3A_1012] : memref<256x128xf32, #tpu.memory_space<vmem>>[vector<16xi32>, vector<16xi32>], vector<16xf32>,
        %parallel_loop3A_1052 = arith.subf %parallel_loop3A_1051, %mul3A_460 : vector<16xf32>
        %parallel_loop3A_1053 = arith.mulf %parallel_loop3A_1052, %mul3A_503 : vector<16xf32>
        %parallel_loop3A_1054 = arith.mulf %parallel_loop3A_1053, %parallel_loop3A_1003 : vector<16xf32>
        %parallel_loop3A_1055 = arith.addf %parallel_loop3A_1054, %parallel_loop3A_1007 : vector<16xf32>
        tpu.vector_store_idx %arg9[%parallel_loop3A_1015, %add3A_134], %parallel_loop3A_1055 : memref<128x128xf32, #tpu.memory_space<vmem>>[vector<16xi32>, vector<16xi32>], vector<16xf32>,
      } {sc.loop_unroll_factor = 4 : i64, sc.parallel_access}
      %mul3A_507 = arith.constant 128 : i32
      %mul3A_508 = arith.muli %add3A, %mul3A_507 : i32
      %dma_start3A_509 = arith.constant 0 : i32
      %dma_start3A_510 = arith.constant 0 : i32
      %dma_start3A_511 = arith.constant 0 : i32
      %dma_start3A_512 = tpu.memref_slice %arg9[%dma_start3A_510, %dma_start3A_511] : memref<128x128xf32, #tpu.memory_space<vmem>> -> memref<64x128xf32, #tpu.memory_space<vmem>>
      %dma_start3A_513 = arith.constant 0 : i32
      %dma_start3A_514 = tpu.memref_slice %arg6[%add3A_72, %dma_start3A_513, %mul3A_508] : memref<200x64x4096xf32, #tpu.memory_space<hbm>> -> memref<1x64x128xf32, #tpu.memory_space<hbm>>
      %dma_start3A_515 = tpu.memref_squeeze %dma_start3A_514 : memref<1x64x128xf32, #tpu.memory_space<hbm>> -> memref<64x128xf32, #tpu.memory_space<hbm>>
      %dma_start3A_516 = tpu.memref_slice %arg13[%dma_start3A_509] : memref<2x!tpu.dma_semaphore, #tpu.memory_space<semaphore_mem>> -> memref<1x!tpu.dma_semaphore, #tpu.memory_space<semaphore_mem>>
      %dma_start3A_517 = tpu.memref_squeeze %dma_start3A_516 : memref<1x!tpu.dma_semaphore, #tpu.memory_space<semaphore_mem>> -> memref<!tpu.dma_semaphore, #tpu.memory_space<semaphore_mem>>
      %dma_start3A_518 = arith.constant 0 : i32
      %dma_start3A_519 = tpu.memref_slice %arg6[%add3A_72, %dma_start3A_518, %mul3A_508] : memref<200x64x4096xf32, #tpu.memory_space<hbm>> -> memref<1x64x128xf32, #tpu.memory_space<hbm>>
      %dma_start3A_520 = tpu.memref_squeeze %dma_start3A_519 : memref<1x64x128xf32, #tpu.memory_space<hbm>> -> memref<64x128xf32, #tpu.memory_space<hbm>>
      %dma_start3A_521 = arith.constant 0 : i32
      %dma_start3A_522 = arith.constant 0 : i32
      %dma_start3A_523 = tpu.memref_slice %arg9[%dma_start3A_521, %dma_start3A_522] : memref<128x128xf32, #tpu.memory_space<vmem>> -> memref<64x128xf32, #tpu.memory_space<vmem>>
      tpu.enqueue_dma source(%dma_start3A_523 : memref<64x128xf32, #tpu.memory_space<vmem>>) target(%dma_start3A_520 : memref<64x128xf32, #tpu.memory_space<hbm>>) target_semaphore(%dma_start3A_517 : memref<!tpu.dma_semaphore, #tpu.memory_space<semaphore_mem>>)
      %add3A_524 = arith.constant 2 : i32
      %add3A_525 = arith.addi %add3A_72, %add3A_524 : i32
      %lt3A = arith.constant 200 : i32
      %lt3A_526 = arith.cmpi slt, %add3A_525, %lt3A : i32
      %convert_element_type3A_527 = arith.extui %lt3A_526 : i1 to i32
      %cond3A_528 = arith.constant 0 : i32
      %cond3A_529 = arith.cmpi ne, %convert_element_type3A_527, %cond3A_528 : i32
      scf.if %cond3A_529 {
        %add3A_999 = arith.constant 2 : i32
        %add3A_1000 = arith.addi %add3A_72, %add3A_999 : i32
        %dma_start3A_1001 = arith.constant 0 : i32
        %dma_start3A_1002 = arith.constant 0 : i32
        %dma_start3A_1003 = arith.constant 0 : i32
        %dma_start3A_1004 = tpu.memref_slice %arg8[%dma_start3A_1002, %dma_start3A_1003] : memref<256x128xf32, #tpu.memory_space<vmem>> -> memref<128x128xf32, #tpu.memory_space<vmem>>
        %dma_start3A_1005 = arith.constant 0 : i32
        %dma_start3A_1006 = tpu.memref_slice %arg7[%add3A_1000, %dma_start3A_1005] : memref<200x128xi32, #tpu.memory_space<vmem>> -> memref<1x128xi32, #tpu.memory_space<vmem>>
        %dma_start3A_1007 = tpu.memref_squeeze %dma_start3A_1006 : memref<1x128xi32, #tpu.memory_space<vmem>> -> memref<128xi32, #tpu.memory_space<vmem>>
        %dma_start3A_1008 = arith.constant 0 : i32
        %dma_start3A_1009 = arith.constant 0 : i32
        %dma_start3A_1010 = tpu.memref_slice %arg3[%dma_start3A_1008, %dma_start3A_1009] : memref<1000064x128xf32, #tpu.memory_space<hbm>> -> memref<1000064x128xf32, #tpu.memory_space<hbm>>
        %dma_start3A_1011 = tpu.memref_slice %arg12[%dma_start3A_1001] : memref<2x!tpu.dma_semaphore, #tpu.memory_space<semaphore_mem>> -> memref<1x!tpu.dma_semaphore, #tpu.memory_space<semaphore_mem>>
        %dma_start3A_1012 = tpu.memref_squeeze %dma_start3A_1011 : memref<1x!tpu.dma_semaphore, #tpu.memory_space<semaphore_mem>> -> memref<!tpu.dma_semaphore, #tpu.memory_space<semaphore_mem>>
        tpu.enqueue_indirect_dma source(%dma_start3A_1010 : memref<1000064x128xf32, #tpu.memory_space<hbm>>) target(%dma_start3A_1004 : memref<128x128xf32, #tpu.memory_space<vmem>>) offsets(%dma_start3A_1007 : memref<128xi32, #tpu.memory_space<vmem>>) semaphore(%dma_start3A_1012 : memref<!tpu.dma_semaphore, #tpu.memory_space<semaphore_mem>>)
      } else {
      }
      %add3A_530 = arith.constant 1 : i32
      %add3A_531 = arith.addi %mul3A_70, %add3A_530 : i32
      %dma_wait3A_532 = arith.constant 1 : i32
      %dma_wait3A_533 = arith.constant 128 : i32
      %dma_wait3A_534 = arith.constant 0 : i32
      %dma_wait3A_535 = tpu.memref_slice %arg8[%dma_wait3A_533, %dma_wait3A_534] : memref<256x128xf32, #tpu.memory_space<vmem>> -> memref<128x128xf32, #tpu.memory_space<vmem>>
      %dma_wait3A_536 = arith.constant 0 : i32
      %dma_wait3A_537 = tpu.memref_slice %arg7[%add3A_531, %dma_wait3A_536] : memref<200x128xi32, #tpu.memory_space<vmem>> -> memref<1x128xi32, #tpu.memory_space<vmem>>
      %dma_wait3A_538 = tpu.memref_squeeze %dma_wait3A_537 : memref<1x128xi32, #tpu.memory_space<vmem>> -> memref<128xi32, #tpu.memory_space<vmem>>
      %dma_wait3A_539 = arith.constant 0 : i32
      %dma_wait3A_540 = arith.constant 0 : i32
      %dma_wait3A_541 = tpu.memref_slice %arg3[%dma_wait3A_539, %dma_wait3A_540] : memref<1000064x128xf32, #tpu.memory_space<hbm>> -> memref<1000064x128xf32, #tpu.memory_space<hbm>>
      %dma_wait3A_542 = tpu.memref_slice %arg12[%dma_wait3A_532] : memref<2x!tpu.dma_semaphore, #tpu.memory_space<semaphore_mem>> -> memref<1x!tpu.dma_semaphore, #tpu.memory_space<semaphore_mem>>
      %dma_wait3A_543 = tpu.memref_squeeze %dma_wait3A_542 : memref<1x!tpu.dma_semaphore, #tpu.memory_space<semaphore_mem>> -> memref<!tpu.dma_semaphore, #tpu.memory_space<semaphore_mem>>
      tpu.wait_indirect_dma semaphore(%dma_wait3A_543 : memref<!tpu.dma_semaphore, #tpu.memory_space<semaphore_mem>>) src(%dma_wait3A_541 : memref<1000064x128xf32, #tpu.memory_space<hbm>>) dst(%dma_wait3A_535 : memref<128x128xf32, #tpu.memory_space<vmem>>)
      %ge3A_544 = arith.constant 2 : i32
      %ge3A_545 = arith.cmpi sge, %add3A_531, %ge3A_544 : i32
      %convert_element_type3A_546 = arith.extui %ge3A_545 : i1 to i32
      %cond3A_547 = arith.constant 0 : i32
      %cond3A_548 = arith.cmpi ne, %convert_element_type3A_546, %cond3A_547 : i32
      scf.if %cond3A_548 {
        %sub3A_999 = arith.constant 2 : i32
        %sub3A_1000 = arith.subi %add3A_531, %sub3A_999 : i32
        %mul3A_1001 = arith.constant 128 : i32
        %mul3A_1002 = arith.muli %add3A, %mul3A_1001 : i32
        %dma_wait3A_1003 = arith.constant 1 : i32
        %dma_wait3A_1004 = arith.constant 64 : i32
        %dma_wait3A_1005 = arith.constant 0 : i32
        %dma_wait3A_1006 = tpu.memref_slice %arg9[%dma_wait3A_1004, %dma_wait3A_1005] : memref<128x128xf32, #tpu.memory_space<vmem>> -> memref<64x128xf32, #tpu.memory_space<vmem>>
        %dma_wait3A_1007 = arith.constant 0 : i32
        %dma_wait3A_1008 = tpu.memref_slice %arg6[%sub3A_1000, %dma_wait3A_1007, %mul3A_1002] : memref<200x64x4096xf32, #tpu.memory_space<hbm>> -> memref<1x64x128xf32, #tpu.memory_space<hbm>>
        %dma_wait3A_1009 = tpu.memref_squeeze %dma_wait3A_1008 : memref<1x64x128xf32, #tpu.memory_space<hbm>> -> memref<64x128xf32, #tpu.memory_space<hbm>>
        %dma_wait3A_1010 = tpu.memref_slice %arg13[%dma_wait3A_1003] : memref<2x!tpu.dma_semaphore, #tpu.memory_space<semaphore_mem>> -> memref<1x!tpu.dma_semaphore, #tpu.memory_space<semaphore_mem>>
        %dma_wait3A_1011 = tpu.memref_squeeze %dma_wait3A_1010 : memref<1x!tpu.dma_semaphore, #tpu.memory_space<semaphore_mem>> -> memref<!tpu.dma_semaphore, #tpu.memory_space<semaphore_mem>>
        %dma_wait3A_1012 = arith.constant 0 : i32
        %dma_wait3A_1013 = tpu.memref_slice %arg6[%sub3A_1000, %dma_wait3A_1012, %mul3A_1002] : memref<200x64x4096xf32, #tpu.memory_space<hbm>> -> memref<1x64x128xf32, #tpu.memory_space<hbm>>
        %dma_wait3A_1014 = tpu.memref_squeeze %dma_wait3A_1013 : memref<1x64x128xf32, #tpu.memory_space<hbm>> -> memref<64x128xf32, #tpu.memory_space<hbm>>
        %dma_wait3A_1015 = arith.constant 64 : i32
        %dma_wait3A_1016 = arith.constant 0 : i32
        %dma_wait3A_1017 = tpu.memref_slice %arg9[%dma_wait3A_1015, %dma_wait3A_1016] : memref<128x128xf32, #tpu.memory_space<vmem>> -> memref<64x128xf32, #tpu.memory_space<vmem>>
        tpu.wait_dma2 semaphore(%dma_wait3A_1011 : memref<!tpu.dma_semaphore, #tpu.memory_space<semaphore_mem>>) src(%dma_wait3A_1017 : memref<64x128xf32, #tpu.memory_space<vmem>>) dst(%dma_wait3A_1014 : memref<64x128xf32, #tpu.memory_space<hbm>>)
      } else {
      }
      %add3A_549 = arith.constant 128 : i32
      %add3A_550 = vector.broadcast %add3A_549 : i32 to vector<16xi32>
      %add3A_551 = arith.addi %iota3A, %add3A_550 : vector<16xi32>
      %add3A_552 = arith.constant 144 : i32
      %add3A_553 = vector.broadcast %add3A_552 : i32 to vector<16xi32>
      %add3A_554 = arith.addi %iota3A, %add3A_553 : vector<16xi32>
      %add3A_555 = arith.constant 160 : i32
      %add3A_556 = vector.broadcast %add3A_555 : i32 to vector<16xi32>
      %add3A_557 = arith.addi %iota3A, %add3A_556 : vector<16xi32>
      %add3A_558 = arith.constant 176 : i32
      %add3A_559 = vector.broadcast %add3A_558 : i32 to vector<16xi32>
      %add3A_560 = arith.addi %iota3A, %add3A_559 : vector<16xi32>
      %add3A_561 = arith.constant 192 : i32
      %add3A_562 = vector.broadcast %add3A_561 : i32 to vector<16xi32>
      %add3A_563 = arith.addi %iota3A, %add3A_562 : vector<16xi32>
      %add3A_564 = arith.constant 208 : i32
      %add3A_565 = vector.broadcast %add3A_564 : i32 to vector<16xi32>
      %add3A_566 = arith.addi %iota3A, %add3A_565 : vector<16xi32>
      %add3A_567 = arith.constant 224 : i32
      %add3A_568 = vector.broadcast %add3A_567 : i32 to vector<16xi32>
      %add3A_569 = arith.addi %iota3A, %add3A_568 : vector<16xi32>
      %add3A_570 = arith.constant 240 : i32
      %add3A_571 = vector.broadcast %add3A_570 : i32 to vector<16xi32>
      %add3A_572 = arith.addi %iota3A, %add3A_571 : vector<16xi32>
      %add3A_573 = arith.constant 0 : i32
      %add3A_574 = vector.broadcast %add3A_573 : i32 to vector<16xi32>
      %add3A_575 = arith.addi %iota3A, %add3A_574 : vector<16xi32>
      %add3A_576 = arith.constant 16 : i32
      %add3A_577 = vector.broadcast %add3A_576 : i32 to vector<16xi32>
      %add3A_578 = arith.addi %iota3A, %add3A_577 : vector<16xi32>
      %add3A_579 = arith.constant 32 : i32
      %add3A_580 = vector.broadcast %add3A_579 : i32 to vector<16xi32>
      %add3A_581 = arith.addi %iota3A, %add3A_580 : vector<16xi32>
      %add3A_582 = arith.constant 48 : i32
      %add3A_583 = vector.broadcast %add3A_582 : i32 to vector<16xi32>
      %add3A_584 = arith.addi %iota3A, %add3A_583 : vector<16xi32>
      %add3A_585 = arith.constant 64 : i32
      %add3A_586 = vector.broadcast %add3A_585 : i32 to vector<16xi32>
      %add3A_587 = arith.addi %iota3A, %add3A_586 : vector<16xi32>
      %add3A_588 = arith.constant 80 : i32
      %add3A_589 = vector.broadcast %add3A_588 : i32 to vector<16xi32>
      %add3A_590 = arith.addi %iota3A, %add3A_589 : vector<16xi32>
      %add3A_591 = arith.constant 96 : i32
      %add3A_592 = vector.broadcast %add3A_591 : i32 to vector<16xi32>
      %add3A_593 = arith.addi %iota3A, %add3A_592 : vector<16xi32>
      %add3A_594 = arith.constant 112 : i32
      %add3A_595 = vector.broadcast %add3A_594 : i32 to vector<16xi32>
      %add3A_596 = arith.addi %iota3A, %add3A_595 : vector<16xi32>
      %broadcast_in_dim3A_597 = arith.constant 0.000000e+00 : f32
      %broadcast_in_dim3A_598 = vector.broadcast %broadcast_in_dim3A_597 : f32 to vector<16xf32>
      %parallel_loop3A_599 = arith.constant 0 : i32
      %parallel_loop3A_600 = arith.constant 64 : i32
      %parallel_loop3A_601 = arith.constant 1 : i32
      %parallel_loop3A_602:16 = scf.for %parallel_loop3A_999 = %parallel_loop3A_599 to %parallel_loop3A_600 step %parallel_loop3A_601 iter_args(%parallel_loop3A_1000 = %broadcast_in_dim3A_598, %parallel_loop3A_1001 = %broadcast_in_dim3A_598, %parallel_loop3A_1002 = %broadcast_in_dim3A_598, %parallel_loop3A_1003 = %broadcast_in_dim3A_598, %parallel_loop3A_1004 = %broadcast_in_dim3A_598, %parallel_loop3A_1005 = %broadcast_in_dim3A_598, %parallel_loop3A_1006 = %broadcast_in_dim3A_598, %parallel_loop3A_1007 = %broadcast_in_dim3A_598, %parallel_loop3A_1008 = %broadcast_in_dim3A_598, %parallel_loop3A_1009 = %broadcast_in_dim3A_598, %parallel_loop3A_1010 = %broadcast_in_dim3A_598, %parallel_loop3A_1011 = %broadcast_in_dim3A_598, %parallel_loop3A_1012 = %broadcast_in_dim3A_598, %parallel_loop3A_1013 = %broadcast_in_dim3A_598, %parallel_loop3A_1014 = %broadcast_in_dim3A_598, %parallel_loop3A_1015 = %broadcast_in_dim3A_598) -> (vector<16xf32>, vector<16xf32>, vector<16xf32>, vector<16xf32>, vector<16xf32>, vector<16xf32>, vector<16xf32>, vector<16xf32>, vector<16xf32>, vector<16xf32>, vector<16xf32>, vector<16xf32>, vector<16xf32>, vector<16xf32>, vector<16xf32>, vector<16xf32>)  : i32 {
        %parallel_loop3A_1016 = vector.broadcast %parallel_loop3A_999 : i32 to vector<16xi32>
        %parallel_loop3A_1017 = arith.addi %iota3A, %parallel_loop3A_1016 : vector<16xi32>
        %parallel_loop3A_1018 = arith.constant 63 : i32
        %parallel_loop3A_1019 = vector.broadcast %parallel_loop3A_1018 : i32 to vector<16xi32>
        %parallel_loop3A_1020 = arith.andi %parallel_loop3A_1017, %parallel_loop3A_1019 : vector<16xi32>
        %parallel_loop3A_1021 = tpu.vector_load_idx %arg8[%add3A_551, %parallel_loop3A_1020] : memref<256x128xf32, #tpu.memory_space<vmem>>[vector<16xi32>, vector<16xi32>], vector<16xf32>,
        %parallel_loop3A_1022 = arith.addf %parallel_loop3A_1000, %parallel_loop3A_1021 : vector<16xf32>
        %parallel_loop3A_1023 = arith.mulf %parallel_loop3A_1021, %parallel_loop3A_1021 : vector<16xf32>
        %parallel_loop3A_1024 = arith.addf %parallel_loop3A_1008, %parallel_loop3A_1023 : vector<16xf32>
        %parallel_loop3A_1025 = tpu.vector_load_idx %arg8[%add3A_554, %parallel_loop3A_1020] : memref<256x128xf32, #tpu.memory_space<vmem>>[vector<16xi32>, vector<16xi32>], vector<16xf32>,
        %parallel_loop3A_1026 = arith.addf %parallel_loop3A_1001, %parallel_loop3A_1025 : vector<16xf32>
        %parallel_loop3A_1027 = arith.mulf %parallel_loop3A_1025, %parallel_loop3A_1025 : vector<16xf32>
        %parallel_loop3A_1028 = arith.addf %parallel_loop3A_1009, %parallel_loop3A_1027 : vector<16xf32>
        %parallel_loop3A_1029 = tpu.vector_load_idx %arg8[%add3A_557, %parallel_loop3A_1020] : memref<256x128xf32, #tpu.memory_space<vmem>>[vector<16xi32>, vector<16xi32>], vector<16xf32>,
        %parallel_loop3A_1030 = arith.addf %parallel_loop3A_1002, %parallel_loop3A_1029 : vector<16xf32>
        %parallel_loop3A_1031 = arith.mulf %parallel_loop3A_1029, %parallel_loop3A_1029 : vector<16xf32>
        %parallel_loop3A_1032 = arith.addf %parallel_loop3A_1010, %parallel_loop3A_1031 : vector<16xf32>
        %parallel_loop3A_1033 = tpu.vector_load_idx %arg8[%add3A_560, %parallel_loop3A_1020] : memref<256x128xf32, #tpu.memory_space<vmem>>[vector<16xi32>, vector<16xi32>], vector<16xf32>,
        %parallel_loop3A_1034 = arith.addf %parallel_loop3A_1003, %parallel_loop3A_1033 : vector<16xf32>
        %parallel_loop3A_1035 = arith.mulf %parallel_loop3A_1033, %parallel_loop3A_1033 : vector<16xf32>
        %parallel_loop3A_1036 = arith.addf %parallel_loop3A_1011, %parallel_loop3A_1035 : vector<16xf32>
        %parallel_loop3A_1037 = tpu.vector_load_idx %arg8[%add3A_563, %parallel_loop3A_1020] : memref<256x128xf32, #tpu.memory_space<vmem>>[vector<16xi32>, vector<16xi32>], vector<16xf32>,
        %parallel_loop3A_1038 = arith.addf %parallel_loop3A_1004, %parallel_loop3A_1037 : vector<16xf32>
        %parallel_loop3A_1039 = arith.mulf %parallel_loop3A_1037, %parallel_loop3A_1037 : vector<16xf32>
        %parallel_loop3A_1040 = arith.addf %parallel_loop3A_1012, %parallel_loop3A_1039 : vector<16xf32>
        %parallel_loop3A_1041 = tpu.vector_load_idx %arg8[%add3A_566, %parallel_loop3A_1020] : memref<256x128xf32, #tpu.memory_space<vmem>>[vector<16xi32>, vector<16xi32>], vector<16xf32>,
        %parallel_loop3A_1042 = arith.addf %parallel_loop3A_1005, %parallel_loop3A_1041 : vector<16xf32>
        %parallel_loop3A_1043 = arith.mulf %parallel_loop3A_1041, %parallel_loop3A_1041 : vector<16xf32>
        %parallel_loop3A_1044 = arith.addf %parallel_loop3A_1013, %parallel_loop3A_1043 : vector<16xf32>
        %parallel_loop3A_1045 = tpu.vector_load_idx %arg8[%add3A_569, %parallel_loop3A_1020] : memref<256x128xf32, #tpu.memory_space<vmem>>[vector<16xi32>, vector<16xi32>], vector<16xf32>,
        %parallel_loop3A_1046 = arith.addf %parallel_loop3A_1006, %parallel_loop3A_1045 : vector<16xf32>
        %parallel_loop3A_1047 = arith.mulf %parallel_loop3A_1045, %parallel_loop3A_1045 : vector<16xf32>
        %parallel_loop3A_1048 = arith.addf %parallel_loop3A_1014, %parallel_loop3A_1047 : vector<16xf32>
        %parallel_loop3A_1049 = tpu.vector_load_idx %arg8[%add3A_572, %parallel_loop3A_1020] : memref<256x128xf32, #tpu.memory_space<vmem>>[vector<16xi32>, vector<16xi32>], vector<16xf32>,
        %parallel_loop3A_1050 = arith.addf %parallel_loop3A_1007, %parallel_loop3A_1049 : vector<16xf32>
        %parallel_loop3A_1051 = arith.mulf %parallel_loop3A_1049, %parallel_loop3A_1049 : vector<16xf32>
        %parallel_loop3A_1052 = arith.addf %parallel_loop3A_1015, %parallel_loop3A_1051 : vector<16xf32>
        scf.yield %parallel_loop3A_1022, %parallel_loop3A_1026, %parallel_loop3A_1030, %parallel_loop3A_1034, %parallel_loop3A_1038, %parallel_loop3A_1042, %parallel_loop3A_1046, %parallel_loop3A_1050, %parallel_loop3A_1024, %parallel_loop3A_1028, %parallel_loop3A_1032, %parallel_loop3A_1036, %parallel_loop3A_1040, %parallel_loop3A_1044, %parallel_loop3A_1048, %parallel_loop3A_1052 : vector<16xf32>, vector<16xf32>, vector<16xf32>, vector<16xf32>, vector<16xf32>, vector<16xf32>, vector<16xf32>, vector<16xf32>, vector<16xf32>, vector<16xf32>, vector<16xf32>, vector<16xf32>, vector<16xf32>, vector<16xf32>, vector<16xf32>, vector<16xf32>
      } {sc.loop_unroll_factor = 1 : i64, sc.parallel_access}
      %mul3A_603 = arith.constant 1.562500e-02 : f32
      %mul3A_604 = vector.broadcast %mul3A_603 : f32 to vector<16xf32>
      %mul3A_605 = arith.mulf %parallel_loop3A_602#0, %mul3A_604 : vector<16xf32>
      %mul3A_606 = arith.constant 1.562500e-02 : f32
      %mul3A_607 = vector.broadcast %mul3A_606 : f32 to vector<16xf32>
      %mul3A_608 = arith.mulf %parallel_loop3A_602#8, %mul3A_607 : vector<16xf32>
      %mul3A_609 = arith.mulf %mul3A_605, %mul3A_605 : vector<16xf32>
      %sub3A_610 = arith.subf %mul3A_608, %mul3A_609 : vector<16xf32>
      %add3A_611 = arith.constant 9.99999974E-6 : f32
      %add3A_612 = vector.broadcast %add3A_611 : f32 to vector<16xf32>
      %add3A_613 = arith.addf %sub3A_610, %add3A_612 : vector<16xf32>
      %bitcast3A_614 = vector.bitcast %add3A_613 : vector<16xf32> to vector<16xi32>
      %shift_right_logical3A_615 = arith.constant 1 : i32
      %shift_right_logical3A_616 = vector.broadcast %shift_right_logical3A_615 : i32 to vector<16xi32>
      %shift_right_logical3A_617 = arith.shrui %bitcast3A_614, %shift_right_logical3A_616 : vector<16xi32>
      %sub3A_618 = arith.constant 1597463007 : i32
      %sub3A_619 = vector.broadcast %sub3A_618 : i32 to vector<16xi32>
      %sub3A_620 = arith.subi %sub3A_619, %shift_right_logical3A_617 : vector<16xi32>
      %bitcast3A_621 = vector.bitcast %sub3A_620 : vector<16xi32> to vector<16xf32>
      %mul3A_622 = arith.constant 5.000000e-01 : f32
      %mul3A_623 = vector.broadcast %mul3A_622 : f32 to vector<16xf32>
      %mul3A_624 = arith.mulf %mul3A_623, %add3A_613 : vector<16xf32>
      %mul3A_625 = arith.mulf %mul3A_624, %bitcast3A_621 : vector<16xf32>
      %mul3A_626 = arith.mulf %mul3A_625, %bitcast3A_621 : vector<16xf32>
      %sub3A_627 = arith.constant 1.500000e+00 : f32
      %sub3A_628 = vector.broadcast %sub3A_627 : f32 to vector<16xf32>
      %sub3A_629 = arith.subf %sub3A_628, %mul3A_626 : vector<16xf32>
      %mul3A_630 = arith.mulf %bitcast3A_621, %sub3A_629 : vector<16xf32>
      %mul3A_631 = arith.constant 5.000000e-01 : f32
      %mul3A_632 = vector.broadcast %mul3A_631 : f32 to vector<16xf32>
      %mul3A_633 = arith.mulf %mul3A_632, %add3A_613 : vector<16xf32>
      %mul3A_634 = arith.mulf %mul3A_633, %mul3A_630 : vector<16xf32>
      %mul3A_635 = arith.mulf %mul3A_634, %mul3A_630 : vector<16xf32>
      %sub3A_636 = arith.constant 1.500000e+00 : f32
      %sub3A_637 = vector.broadcast %sub3A_636 : f32 to vector<16xf32>
      %sub3A_638 = arith.subf %sub3A_637, %mul3A_635 : vector<16xf32>
      %mul3A_639 = arith.mulf %mul3A_630, %sub3A_638 : vector<16xf32>
      %mul3A_640 = arith.constant 5.000000e-01 : f32
      %mul3A_641 = vector.broadcast %mul3A_640 : f32 to vector<16xf32>
      %mul3A_642 = arith.mulf %mul3A_641, %add3A_613 : vector<16xf32>
      %mul3A_643 = arith.mulf %mul3A_642, %mul3A_639 : vector<16xf32>
      %mul3A_644 = arith.mulf %mul3A_643, %mul3A_639 : vector<16xf32>
      %sub3A_645 = arith.constant 1.500000e+00 : f32
      %sub3A_646 = vector.broadcast %sub3A_645 : f32 to vector<16xf32>
      %sub3A_647 = arith.subf %sub3A_646, %mul3A_644 : vector<16xf32>
      %mul3A_648 = arith.mulf %mul3A_639, %sub3A_647 : vector<16xf32>
      %mul3A_649 = arith.constant 1.562500e-02 : f32
      %mul3A_650 = vector.broadcast %mul3A_649 : f32 to vector<16xf32>
      %mul3A_651 = arith.mulf %parallel_loop3A_602#1, %mul3A_650 : vector<16xf32>
      %mul3A_652 = arith.constant 1.562500e-02 : f32
      %mul3A_653 = vector.broadcast %mul3A_652 : f32 to vector<16xf32>
      %mul3A_654 = arith.mulf %parallel_loop3A_602#9, %mul3A_653 : vector<16xf32>
      %mul3A_655 = arith.mulf %mul3A_651, %mul3A_651 : vector<16xf32>
      %sub3A_656 = arith.subf %mul3A_654, %mul3A_655 : vector<16xf32>
      %add3A_657 = arith.constant 9.99999974E-6 : f32
      %add3A_658 = vector.broadcast %add3A_657 : f32 to vector<16xf32>
      %add3A_659 = arith.addf %sub3A_656, %add3A_658 : vector<16xf32>
      %bitcast3A_660 = vector.bitcast %add3A_659 : vector<16xf32> to vector<16xi32>
      %shift_right_logical3A_661 = arith.constant 1 : i32
      %shift_right_logical3A_662 = vector.broadcast %shift_right_logical3A_661 : i32 to vector<16xi32>
      %shift_right_logical3A_663 = arith.shrui %bitcast3A_660, %shift_right_logical3A_662 : vector<16xi32>
      %sub3A_664 = arith.constant 1597463007 : i32
      %sub3A_665 = vector.broadcast %sub3A_664 : i32 to vector<16xi32>
      %sub3A_666 = arith.subi %sub3A_665, %shift_right_logical3A_663 : vector<16xi32>
      %bitcast3A_667 = vector.bitcast %sub3A_666 : vector<16xi32> to vector<16xf32>
      %mul3A_668 = arith.constant 5.000000e-01 : f32
      %mul3A_669 = vector.broadcast %mul3A_668 : f32 to vector<16xf32>
      %mul3A_670 = arith.mulf %mul3A_669, %add3A_659 : vector<16xf32>
      %mul3A_671 = arith.mulf %mul3A_670, %bitcast3A_667 : vector<16xf32>
      %mul3A_672 = arith.mulf %mul3A_671, %bitcast3A_667 : vector<16xf32>
      %sub3A_673 = arith.constant 1.500000e+00 : f32
      %sub3A_674 = vector.broadcast %sub3A_673 : f32 to vector<16xf32>
      %sub3A_675 = arith.subf %sub3A_674, %mul3A_672 : vector<16xf32>
      %mul3A_676 = arith.mulf %bitcast3A_667, %sub3A_675 : vector<16xf32>
      %mul3A_677 = arith.constant 5.000000e-01 : f32
      %mul3A_678 = vector.broadcast %mul3A_677 : f32 to vector<16xf32>
      %mul3A_679 = arith.mulf %mul3A_678, %add3A_659 : vector<16xf32>
      %mul3A_680 = arith.mulf %mul3A_679, %mul3A_676 : vector<16xf32>
      %mul3A_681 = arith.mulf %mul3A_680, %mul3A_676 : vector<16xf32>
      %sub3A_682 = arith.constant 1.500000e+00 : f32
      %sub3A_683 = vector.broadcast %sub3A_682 : f32 to vector<16xf32>
      %sub3A_684 = arith.subf %sub3A_683, %mul3A_681 : vector<16xf32>
      %mul3A_685 = arith.mulf %mul3A_676, %sub3A_684 : vector<16xf32>
      %mul3A_686 = arith.constant 5.000000e-01 : f32
      %mul3A_687 = vector.broadcast %mul3A_686 : f32 to vector<16xf32>
      %mul3A_688 = arith.mulf %mul3A_687, %add3A_659 : vector<16xf32>
      %mul3A_689 = arith.mulf %mul3A_688, %mul3A_685 : vector<16xf32>
      %mul3A_690 = arith.mulf %mul3A_689, %mul3A_685 : vector<16xf32>
      %sub3A_691 = arith.constant 1.500000e+00 : f32
      %sub3A_692 = vector.broadcast %sub3A_691 : f32 to vector<16xf32>
      %sub3A_693 = arith.subf %sub3A_692, %mul3A_690 : vector<16xf32>
      %mul3A_694 = arith.mulf %mul3A_685, %sub3A_693 : vector<16xf32>
      %mul3A_695 = arith.constant 1.562500e-02 : f32
      %mul3A_696 = vector.broadcast %mul3A_695 : f32 to vector<16xf32>
      %mul3A_697 = arith.mulf %parallel_loop3A_602#2, %mul3A_696 : vector<16xf32>
      %mul3A_698 = arith.constant 1.562500e-02 : f32
      %mul3A_699 = vector.broadcast %mul3A_698 : f32 to vector<16xf32>
      %mul3A_700 = arith.mulf %parallel_loop3A_602#10, %mul3A_699 : vector<16xf32>
      %mul3A_701 = arith.mulf %mul3A_697, %mul3A_697 : vector<16xf32>
      %sub3A_702 = arith.subf %mul3A_700, %mul3A_701 : vector<16xf32>
      %add3A_703 = arith.constant 9.99999974E-6 : f32
      %add3A_704 = vector.broadcast %add3A_703 : f32 to vector<16xf32>
      %add3A_705 = arith.addf %sub3A_702, %add3A_704 : vector<16xf32>
      %bitcast3A_706 = vector.bitcast %add3A_705 : vector<16xf32> to vector<16xi32>
      %shift_right_logical3A_707 = arith.constant 1 : i32
      %shift_right_logical3A_708 = vector.broadcast %shift_right_logical3A_707 : i32 to vector<16xi32>
      %shift_right_logical3A_709 = arith.shrui %bitcast3A_706, %shift_right_logical3A_708 : vector<16xi32>
      %sub3A_710 = arith.constant 1597463007 : i32
      %sub3A_711 = vector.broadcast %sub3A_710 : i32 to vector<16xi32>
      %sub3A_712 = arith.subi %sub3A_711, %shift_right_logical3A_709 : vector<16xi32>
      %bitcast3A_713 = vector.bitcast %sub3A_712 : vector<16xi32> to vector<16xf32>
      %mul3A_714 = arith.constant 5.000000e-01 : f32
      %mul3A_715 = vector.broadcast %mul3A_714 : f32 to vector<16xf32>
      %mul3A_716 = arith.mulf %mul3A_715, %add3A_705 : vector<16xf32>
      %mul3A_717 = arith.mulf %mul3A_716, %bitcast3A_713 : vector<16xf32>
      %mul3A_718 = arith.mulf %mul3A_717, %bitcast3A_713 : vector<16xf32>
      %sub3A_719 = arith.constant 1.500000e+00 : f32
      %sub3A_720 = vector.broadcast %sub3A_719 : f32 to vector<16xf32>
      %sub3A_721 = arith.subf %sub3A_720, %mul3A_718 : vector<16xf32>
      %mul3A_722 = arith.mulf %bitcast3A_713, %sub3A_721 : vector<16xf32>
      %mul3A_723 = arith.constant 5.000000e-01 : f32
      %mul3A_724 = vector.broadcast %mul3A_723 : f32 to vector<16xf32>
      %mul3A_725 = arith.mulf %mul3A_724, %add3A_705 : vector<16xf32>
      %mul3A_726 = arith.mulf %mul3A_725, %mul3A_722 : vector<16xf32>
      %mul3A_727 = arith.mulf %mul3A_726, %mul3A_722 : vector<16xf32>
      %sub3A_728 = arith.constant 1.500000e+00 : f32
      %sub3A_729 = vector.broadcast %sub3A_728 : f32 to vector<16xf32>
      %sub3A_730 = arith.subf %sub3A_729, %mul3A_727 : vector<16xf32>
      %mul3A_731 = arith.mulf %mul3A_722, %sub3A_730 : vector<16xf32>
      %mul3A_732 = arith.constant 5.000000e-01 : f32
      %mul3A_733 = vector.broadcast %mul3A_732 : f32 to vector<16xf32>
      %mul3A_734 = arith.mulf %mul3A_733, %add3A_705 : vector<16xf32>
      %mul3A_735 = arith.mulf %mul3A_734, %mul3A_731 : vector<16xf32>
      %mul3A_736 = arith.mulf %mul3A_735, %mul3A_731 : vector<16xf32>
      %sub3A_737 = arith.constant 1.500000e+00 : f32
      %sub3A_738 = vector.broadcast %sub3A_737 : f32 to vector<16xf32>
      %sub3A_739 = arith.subf %sub3A_738, %mul3A_736 : vector<16xf32>
      %mul3A_740 = arith.mulf %mul3A_731, %sub3A_739 : vector<16xf32>
      %mul3A_741 = arith.constant 1.562500e-02 : f32
      %mul3A_742 = vector.broadcast %mul3A_741 : f32 to vector<16xf32>
      %mul3A_743 = arith.mulf %parallel_loop3A_602#3, %mul3A_742 : vector<16xf32>
      %mul3A_744 = arith.constant 1.562500e-02 : f32
      %mul3A_745 = vector.broadcast %mul3A_744 : f32 to vector<16xf32>
      %mul3A_746 = arith.mulf %parallel_loop3A_602#11, %mul3A_745 : vector<16xf32>
      %mul3A_747 = arith.mulf %mul3A_743, %mul3A_743 : vector<16xf32>
      %sub3A_748 = arith.subf %mul3A_746, %mul3A_747 : vector<16xf32>
      %add3A_749 = arith.constant 9.99999974E-6 : f32
      %add3A_750 = vector.broadcast %add3A_749 : f32 to vector<16xf32>
      %add3A_751 = arith.addf %sub3A_748, %add3A_750 : vector<16xf32>
      %bitcast3A_752 = vector.bitcast %add3A_751 : vector<16xf32> to vector<16xi32>
      %shift_right_logical3A_753 = arith.constant 1 : i32
      %shift_right_logical3A_754 = vector.broadcast %shift_right_logical3A_753 : i32 to vector<16xi32>
      %shift_right_logical3A_755 = arith.shrui %bitcast3A_752, %shift_right_logical3A_754 : vector<16xi32>
      %sub3A_756 = arith.constant 1597463007 : i32
      %sub3A_757 = vector.broadcast %sub3A_756 : i32 to vector<16xi32>
      %sub3A_758 = arith.subi %sub3A_757, %shift_right_logical3A_755 : vector<16xi32>
      %bitcast3A_759 = vector.bitcast %sub3A_758 : vector<16xi32> to vector<16xf32>
      %mul3A_760 = arith.constant 5.000000e-01 : f32
      %mul3A_761 = vector.broadcast %mul3A_760 : f32 to vector<16xf32>
      %mul3A_762 = arith.mulf %mul3A_761, %add3A_751 : vector<16xf32>
      %mul3A_763 = arith.mulf %mul3A_762, %bitcast3A_759 : vector<16xf32>
      %mul3A_764 = arith.mulf %mul3A_763, %bitcast3A_759 : vector<16xf32>
      %sub3A_765 = arith.constant 1.500000e+00 : f32
      %sub3A_766 = vector.broadcast %sub3A_765 : f32 to vector<16xf32>
      %sub3A_767 = arith.subf %sub3A_766, %mul3A_764 : vector<16xf32>
      %mul3A_768 = arith.mulf %bitcast3A_759, %sub3A_767 : vector<16xf32>
      %mul3A_769 = arith.constant 5.000000e-01 : f32
      %mul3A_770 = vector.broadcast %mul3A_769 : f32 to vector<16xf32>
      %mul3A_771 = arith.mulf %mul3A_770, %add3A_751 : vector<16xf32>
      %mul3A_772 = arith.mulf %mul3A_771, %mul3A_768 : vector<16xf32>
      %mul3A_773 = arith.mulf %mul3A_772, %mul3A_768 : vector<16xf32>
      %sub3A_774 = arith.constant 1.500000e+00 : f32
      %sub3A_775 = vector.broadcast %sub3A_774 : f32 to vector<16xf32>
      %sub3A_776 = arith.subf %sub3A_775, %mul3A_773 : vector<16xf32>
      %mul3A_777 = arith.mulf %mul3A_768, %sub3A_776 : vector<16xf32>
      %mul3A_778 = arith.constant 5.000000e-01 : f32
      %mul3A_779 = vector.broadcast %mul3A_778 : f32 to vector<16xf32>
      %mul3A_780 = arith.mulf %mul3A_779, %add3A_751 : vector<16xf32>
      %mul3A_781 = arith.mulf %mul3A_780, %mul3A_777 : vector<16xf32>
      %mul3A_782 = arith.mulf %mul3A_781, %mul3A_777 : vector<16xf32>
      %sub3A_783 = arith.constant 1.500000e+00 : f32
      %sub3A_784 = vector.broadcast %sub3A_783 : f32 to vector<16xf32>
      %sub3A_785 = arith.subf %sub3A_784, %mul3A_782 : vector<16xf32>
      %mul3A_786 = arith.mulf %mul3A_777, %sub3A_785 : vector<16xf32>
      %mul3A_787 = arith.constant 1.562500e-02 : f32
      %mul3A_788 = vector.broadcast %mul3A_787 : f32 to vector<16xf32>
      %mul3A_789 = arith.mulf %parallel_loop3A_602#4, %mul3A_788 : vector<16xf32>
      %mul3A_790 = arith.constant 1.562500e-02 : f32
      %mul3A_791 = vector.broadcast %mul3A_790 : f32 to vector<16xf32>
      %mul3A_792 = arith.mulf %parallel_loop3A_602#12, %mul3A_791 : vector<16xf32>
      %mul3A_793 = arith.mulf %mul3A_789, %mul3A_789 : vector<16xf32>
      %sub3A_794 = arith.subf %mul3A_792, %mul3A_793 : vector<16xf32>
      %add3A_795 = arith.constant 9.99999974E-6 : f32
      %add3A_796 = vector.broadcast %add3A_795 : f32 to vector<16xf32>
      %add3A_797 = arith.addf %sub3A_794, %add3A_796 : vector<16xf32>
      %bitcast3A_798 = vector.bitcast %add3A_797 : vector<16xf32> to vector<16xi32>
      %shift_right_logical3A_799 = arith.constant 1 : i32
      %shift_right_logical3A_800 = vector.broadcast %shift_right_logical3A_799 : i32 to vector<16xi32>
      %shift_right_logical3A_801 = arith.shrui %bitcast3A_798, %shift_right_logical3A_800 : vector<16xi32>
      %sub3A_802 = arith.constant 1597463007 : i32
      %sub3A_803 = vector.broadcast %sub3A_802 : i32 to vector<16xi32>
      %sub3A_804 = arith.subi %sub3A_803, %shift_right_logical3A_801 : vector<16xi32>
      %bitcast3A_805 = vector.bitcast %sub3A_804 : vector<16xi32> to vector<16xf32>
      %mul3A_806 = arith.constant 5.000000e-01 : f32
      %mul3A_807 = vector.broadcast %mul3A_806 : f32 to vector<16xf32>
      %mul3A_808 = arith.mulf %mul3A_807, %add3A_797 : vector<16xf32>
      %mul3A_809 = arith.mulf %mul3A_808, %bitcast3A_805 : vector<16xf32>
      %mul3A_810 = arith.mulf %mul3A_809, %bitcast3A_805 : vector<16xf32>
      %sub3A_811 = arith.constant 1.500000e+00 : f32
      %sub3A_812 = vector.broadcast %sub3A_811 : f32 to vector<16xf32>
      %sub3A_813 = arith.subf %sub3A_812, %mul3A_810 : vector<16xf32>
      %mul3A_814 = arith.mulf %bitcast3A_805, %sub3A_813 : vector<16xf32>
      %mul3A_815 = arith.constant 5.000000e-01 : f32
      %mul3A_816 = vector.broadcast %mul3A_815 : f32 to vector<16xf32>
      %mul3A_817 = arith.mulf %mul3A_816, %add3A_797 : vector<16xf32>
      %mul3A_818 = arith.mulf %mul3A_817, %mul3A_814 : vector<16xf32>
      %mul3A_819 = arith.mulf %mul3A_818, %mul3A_814 : vector<16xf32>
      %sub3A_820 = arith.constant 1.500000e+00 : f32
      %sub3A_821 = vector.broadcast %sub3A_820 : f32 to vector<16xf32>
      %sub3A_822 = arith.subf %sub3A_821, %mul3A_819 : vector<16xf32>
      %mul3A_823 = arith.mulf %mul3A_814, %sub3A_822 : vector<16xf32>
      %mul3A_824 = arith.constant 5.000000e-01 : f32
      %mul3A_825 = vector.broadcast %mul3A_824 : f32 to vector<16xf32>
      %mul3A_826 = arith.mulf %mul3A_825, %add3A_797 : vector<16xf32>
      %mul3A_827 = arith.mulf %mul3A_826, %mul3A_823 : vector<16xf32>
      %mul3A_828 = arith.mulf %mul3A_827, %mul3A_823 : vector<16xf32>
      %sub3A_829 = arith.constant 1.500000e+00 : f32
      %sub3A_830 = vector.broadcast %sub3A_829 : f32 to vector<16xf32>
      %sub3A_831 = arith.subf %sub3A_830, %mul3A_828 : vector<16xf32>
      %mul3A_832 = arith.mulf %mul3A_823, %sub3A_831 : vector<16xf32>
      %mul3A_833 = arith.constant 1.562500e-02 : f32
      %mul3A_834 = vector.broadcast %mul3A_833 : f32 to vector<16xf32>
      %mul3A_835 = arith.mulf %parallel_loop3A_602#5, %mul3A_834 : vector<16xf32>
      %mul3A_836 = arith.constant 1.562500e-02 : f32
      %mul3A_837 = vector.broadcast %mul3A_836 : f32 to vector<16xf32>
      %mul3A_838 = arith.mulf %parallel_loop3A_602#13, %mul3A_837 : vector<16xf32>
      %mul3A_839 = arith.mulf %mul3A_835, %mul3A_835 : vector<16xf32>
      %sub3A_840 = arith.subf %mul3A_838, %mul3A_839 : vector<16xf32>
      %add3A_841 = arith.constant 9.99999974E-6 : f32
      %add3A_842 = vector.broadcast %add3A_841 : f32 to vector<16xf32>
      %add3A_843 = arith.addf %sub3A_840, %add3A_842 : vector<16xf32>
      %bitcast3A_844 = vector.bitcast %add3A_843 : vector<16xf32> to vector<16xi32>
      %shift_right_logical3A_845 = arith.constant 1 : i32
      %shift_right_logical3A_846 = vector.broadcast %shift_right_logical3A_845 : i32 to vector<16xi32>
      %shift_right_logical3A_847 = arith.shrui %bitcast3A_844, %shift_right_logical3A_846 : vector<16xi32>
      %sub3A_848 = arith.constant 1597463007 : i32
      %sub3A_849 = vector.broadcast %sub3A_848 : i32 to vector<16xi32>
      %sub3A_850 = arith.subi %sub3A_849, %shift_right_logical3A_847 : vector<16xi32>
      %bitcast3A_851 = vector.bitcast %sub3A_850 : vector<16xi32> to vector<16xf32>
      %mul3A_852 = arith.constant 5.000000e-01 : f32
      %mul3A_853 = vector.broadcast %mul3A_852 : f32 to vector<16xf32>
      %mul3A_854 = arith.mulf %mul3A_853, %add3A_843 : vector<16xf32>
      %mul3A_855 = arith.mulf %mul3A_854, %bitcast3A_851 : vector<16xf32>
      %mul3A_856 = arith.mulf %mul3A_855, %bitcast3A_851 : vector<16xf32>
      %sub3A_857 = arith.constant 1.500000e+00 : f32
      %sub3A_858 = vector.broadcast %sub3A_857 : f32 to vector<16xf32>
      %sub3A_859 = arith.subf %sub3A_858, %mul3A_856 : vector<16xf32>
      %mul3A_860 = arith.mulf %bitcast3A_851, %sub3A_859 : vector<16xf32>
      %mul3A_861 = arith.constant 5.000000e-01 : f32
      %mul3A_862 = vector.broadcast %mul3A_861 : f32 to vector<16xf32>
      %mul3A_863 = arith.mulf %mul3A_862, %add3A_843 : vector<16xf32>
      %mul3A_864 = arith.mulf %mul3A_863, %mul3A_860 : vector<16xf32>
      %mul3A_865 = arith.mulf %mul3A_864, %mul3A_860 : vector<16xf32>
      %sub3A_866 = arith.constant 1.500000e+00 : f32
      %sub3A_867 = vector.broadcast %sub3A_866 : f32 to vector<16xf32>
      %sub3A_868 = arith.subf %sub3A_867, %mul3A_865 : vector<16xf32>
      %mul3A_869 = arith.mulf %mul3A_860, %sub3A_868 : vector<16xf32>
      %mul3A_870 = arith.constant 5.000000e-01 : f32
      %mul3A_871 = vector.broadcast %mul3A_870 : f32 to vector<16xf32>
      %mul3A_872 = arith.mulf %mul3A_871, %add3A_843 : vector<16xf32>
      %mul3A_873 = arith.mulf %mul3A_872, %mul3A_869 : vector<16xf32>
      %mul3A_874 = arith.mulf %mul3A_873, %mul3A_869 : vector<16xf32>
      %sub3A_875 = arith.constant 1.500000e+00 : f32
      %sub3A_876 = vector.broadcast %sub3A_875 : f32 to vector<16xf32>
      %sub3A_877 = arith.subf %sub3A_876, %mul3A_874 : vector<16xf32>
      %mul3A_878 = arith.mulf %mul3A_869, %sub3A_877 : vector<16xf32>
      %mul3A_879 = arith.constant 1.562500e-02 : f32
      %mul3A_880 = vector.broadcast %mul3A_879 : f32 to vector<16xf32>
      %mul3A_881 = arith.mulf %parallel_loop3A_602#6, %mul3A_880 : vector<16xf32>
      %mul3A_882 = arith.constant 1.562500e-02 : f32
      %mul3A_883 = vector.broadcast %mul3A_882 : f32 to vector<16xf32>
      %mul3A_884 = arith.mulf %parallel_loop3A_602#14, %mul3A_883 : vector<16xf32>
      %mul3A_885 = arith.mulf %mul3A_881, %mul3A_881 : vector<16xf32>
      %sub3A_886 = arith.subf %mul3A_884, %mul3A_885 : vector<16xf32>
      %add3A_887 = arith.constant 9.99999974E-6 : f32
      %add3A_888 = vector.broadcast %add3A_887 : f32 to vector<16xf32>
      %add3A_889 = arith.addf %sub3A_886, %add3A_888 : vector<16xf32>
      %bitcast3A_890 = vector.bitcast %add3A_889 : vector<16xf32> to vector<16xi32>
      %shift_right_logical3A_891 = arith.constant 1 : i32
      %shift_right_logical3A_892 = vector.broadcast %shift_right_logical3A_891 : i32 to vector<16xi32>
      %shift_right_logical3A_893 = arith.shrui %bitcast3A_890, %shift_right_logical3A_892 : vector<16xi32>
      %sub3A_894 = arith.constant 1597463007 : i32
      %sub3A_895 = vector.broadcast %sub3A_894 : i32 to vector<16xi32>
      %sub3A_896 = arith.subi %sub3A_895, %shift_right_logical3A_893 : vector<16xi32>
      %bitcast3A_897 = vector.bitcast %sub3A_896 : vector<16xi32> to vector<16xf32>
      %mul3A_898 = arith.constant 5.000000e-01 : f32
      %mul3A_899 = vector.broadcast %mul3A_898 : f32 to vector<16xf32>
      %mul3A_900 = arith.mulf %mul3A_899, %add3A_889 : vector<16xf32>
      %mul3A_901 = arith.mulf %mul3A_900, %bitcast3A_897 : vector<16xf32>
      %mul3A_902 = arith.mulf %mul3A_901, %bitcast3A_897 : vector<16xf32>
      %sub3A_903 = arith.constant 1.500000e+00 : f32
      %sub3A_904 = vector.broadcast %sub3A_903 : f32 to vector<16xf32>
      %sub3A_905 = arith.subf %sub3A_904, %mul3A_902 : vector<16xf32>
      %mul3A_906 = arith.mulf %bitcast3A_897, %sub3A_905 : vector<16xf32>
      %mul3A_907 = arith.constant 5.000000e-01 : f32
      %mul3A_908 = vector.broadcast %mul3A_907 : f32 to vector<16xf32>
      %mul3A_909 = arith.mulf %mul3A_908, %add3A_889 : vector<16xf32>
      %mul3A_910 = arith.mulf %mul3A_909, %mul3A_906 : vector<16xf32>
      %mul3A_911 = arith.mulf %mul3A_910, %mul3A_906 : vector<16xf32>
      %sub3A_912 = arith.constant 1.500000e+00 : f32
      %sub3A_913 = vector.broadcast %sub3A_912 : f32 to vector<16xf32>
      %sub3A_914 = arith.subf %sub3A_913, %mul3A_911 : vector<16xf32>
      %mul3A_915 = arith.mulf %mul3A_906, %sub3A_914 : vector<16xf32>
      %mul3A_916 = arith.constant 5.000000e-01 : f32
      %mul3A_917 = vector.broadcast %mul3A_916 : f32 to vector<16xf32>
      %mul3A_918 = arith.mulf %mul3A_917, %add3A_889 : vector<16xf32>
      %mul3A_919 = arith.mulf %mul3A_918, %mul3A_915 : vector<16xf32>
      %mul3A_920 = arith.mulf %mul3A_919, %mul3A_915 : vector<16xf32>
      %sub3A_921 = arith.constant 1.500000e+00 : f32
      %sub3A_922 = vector.broadcast %sub3A_921 : f32 to vector<16xf32>
      %sub3A_923 = arith.subf %sub3A_922, %mul3A_920 : vector<16xf32>
      %mul3A_924 = arith.mulf %mul3A_915, %sub3A_923 : vector<16xf32>
      %mul3A_925 = arith.constant 1.562500e-02 : f32
      %mul3A_926 = vector.broadcast %mul3A_925 : f32 to vector<16xf32>
      %mul3A_927 = arith.mulf %parallel_loop3A_602#7, %mul3A_926 : vector<16xf32>
      %mul3A_928 = arith.constant 1.562500e-02 : f32
      %mul3A_929 = vector.broadcast %mul3A_928 : f32 to vector<16xf32>
      %mul3A_930 = arith.mulf %parallel_loop3A_602#15, %mul3A_929 : vector<16xf32>
      %mul3A_931 = arith.mulf %mul3A_927, %mul3A_927 : vector<16xf32>
      %sub3A_932 = arith.subf %mul3A_930, %mul3A_931 : vector<16xf32>
      %add3A_933 = arith.constant 9.99999974E-6 : f32
      %add3A_934 = vector.broadcast %add3A_933 : f32 to vector<16xf32>
      %add3A_935 = arith.addf %sub3A_932, %add3A_934 : vector<16xf32>
      %bitcast3A_936 = vector.bitcast %add3A_935 : vector<16xf32> to vector<16xi32>
      %shift_right_logical3A_937 = arith.constant 1 : i32
      %shift_right_logical3A_938 = vector.broadcast %shift_right_logical3A_937 : i32 to vector<16xi32>
      %shift_right_logical3A_939 = arith.shrui %bitcast3A_936, %shift_right_logical3A_938 : vector<16xi32>
      %sub3A_940 = arith.constant 1597463007 : i32
      %sub3A_941 = vector.broadcast %sub3A_940 : i32 to vector<16xi32>
      %sub3A_942 = arith.subi %sub3A_941, %shift_right_logical3A_939 : vector<16xi32>
      %bitcast3A_943 = vector.bitcast %sub3A_942 : vector<16xi32> to vector<16xf32>
      %mul3A_944 = arith.constant 5.000000e-01 : f32
      %mul3A_945 = vector.broadcast %mul3A_944 : f32 to vector<16xf32>
      %mul3A_946 = arith.mulf %mul3A_945, %add3A_935 : vector<16xf32>
      %mul3A_947 = arith.mulf %mul3A_946, %bitcast3A_943 : vector<16xf32>
      %mul3A_948 = arith.mulf %mul3A_947, %bitcast3A_943 : vector<16xf32>
      %sub3A_949 = arith.constant 1.500000e+00 : f32
      %sub3A_950 = vector.broadcast %sub3A_949 : f32 to vector<16xf32>
      %sub3A_951 = arith.subf %sub3A_950, %mul3A_948 : vector<16xf32>
      %mul3A_952 = arith.mulf %bitcast3A_943, %sub3A_951 : vector<16xf32>
      %mul3A_953 = arith.constant 5.000000e-01 : f32
      %mul3A_954 = vector.broadcast %mul3A_953 : f32 to vector<16xf32>
      %mul3A_955 = arith.mulf %mul3A_954, %add3A_935 : vector<16xf32>
      %mul3A_956 = arith.mulf %mul3A_955, %mul3A_952 : vector<16xf32>
      %mul3A_957 = arith.mulf %mul3A_956, %mul3A_952 : vector<16xf32>
      %sub3A_958 = arith.constant 1.500000e+00 : f32
      %sub3A_959 = vector.broadcast %sub3A_958 : f32 to vector<16xf32>
      %sub3A_960 = arith.subf %sub3A_959, %mul3A_957 : vector<16xf32>
      %mul3A_961 = arith.mulf %mul3A_952, %sub3A_960 : vector<16xf32>
      %mul3A_962 = arith.constant 5.000000e-01 : f32
      %mul3A_963 = vector.broadcast %mul3A_962 : f32 to vector<16xf32>
      %mul3A_964 = arith.mulf %mul3A_963, %add3A_935 : vector<16xf32>
      %mul3A_965 = arith.mulf %mul3A_964, %mul3A_961 : vector<16xf32>
      %mul3A_966 = arith.mulf %mul3A_965, %mul3A_961 : vector<16xf32>
      %sub3A_967 = arith.constant 1.500000e+00 : f32
      %sub3A_968 = vector.broadcast %sub3A_967 : f32 to vector<16xf32>
      %sub3A_969 = arith.subf %sub3A_968, %mul3A_966 : vector<16xf32>
      %mul3A_970 = arith.mulf %mul3A_961, %sub3A_969 : vector<16xf32>
      %parallel_loop3A_971 = arith.constant 0 : i32
      %parallel_loop3A_972 = arith.constant 64 : i32
      %parallel_loop3A_973 = arith.constant 1 : i32
      scf.for %parallel_loop3A_999 = %parallel_loop3A_971 to %parallel_loop3A_972 step %parallel_loop3A_973  : i32 {
        %parallel_loop3A_1000 = arith.constant 16 : i32
        %parallel_loop3A_1001 = arith.muli %parallel_loop3A_999, %parallel_loop3A_1000 : i32
        %parallel_loop3A_1002 = arith.index_cast %parallel_loop3A_1001 : i32 to index
        %parallel_loop3A_1003 = tpu.vector_load %arg10[%parallel_loop3A_1002] {strides = array<i32>} : memref<1024xf32, #tpu.memory_space<vmem>>, vector<16xf32>,
        %parallel_loop3A_1004 = arith.constant 16 : i32
        %parallel_loop3A_1005 = arith.muli %parallel_loop3A_999, %parallel_loop3A_1004 : i32
        %parallel_loop3A_1006 = arith.index_cast %parallel_loop3A_1005 : i32 to index
        %parallel_loop3A_1007 = tpu.vector_load %arg11[%parallel_loop3A_1006] {strides = array<i32>} : memref<1024xf32, #tpu.memory_space<vmem>>, vector<16xf32>,
        %parallel_loop3A_1008 = vector.broadcast %parallel_loop3A_999 : i32 to vector<16xi32>
        %parallel_loop3A_1009 = arith.addi %iota3A, %parallel_loop3A_1008 : vector<16xi32>
        %parallel_loop3A_1010 = arith.constant 63 : i32
        %parallel_loop3A_1011 = vector.broadcast %parallel_loop3A_1010 : i32 to vector<16xi32>
        %parallel_loop3A_1012 = arith.andi %parallel_loop3A_1009, %parallel_loop3A_1011 : vector<16xi32>
        %parallel_loop3A_1013 = arith.constant 64 : i32
        %parallel_loop3A_1014 = vector.broadcast %parallel_loop3A_1013 : i32 to vector<16xi32>
        %parallel_loop3A_1015 = arith.addi %parallel_loop3A_1012, %parallel_loop3A_1014 : vector<16xi32>
        %parallel_loop3A_1016 = tpu.vector_load_idx %arg8[%add3A_551, %parallel_loop3A_1012] : memref<256x128xf32, #tpu.memory_space<vmem>>[vector<16xi32>, vector<16xi32>], vector<16xf32>,
        %parallel_loop3A_1017 = arith.subf %parallel_loop3A_1016, %mul3A_605 : vector<16xf32>
        %parallel_loop3A_1018 = arith.mulf %parallel_loop3A_1017, %mul3A_648 : vector<16xf32>
        %parallel_loop3A_1019 = arith.mulf %parallel_loop3A_1018, %parallel_loop3A_1003 : vector<16xf32>
        %parallel_loop3A_1020 = arith.addf %parallel_loop3A_1019, %parallel_loop3A_1007 : vector<16xf32>
        tpu.vector_store_idx %arg9[%parallel_loop3A_1015, %add3A_575], %parallel_loop3A_1020 : memref<128x128xf32, #tpu.memory_space<vmem>>[vector<16xi32>, vector<16xi32>], vector<16xf32>,
        %parallel_loop3A_1021 = tpu.vector_load_idx %arg8[%add3A_554, %parallel_loop3A_1012] : memref<256x128xf32, #tpu.memory_space<vmem>>[vector<16xi32>, vector<16xi32>], vector<16xf32>,
        %parallel_loop3A_1022 = arith.subf %parallel_loop3A_1021, %mul3A_651 : vector<16xf32>
        %parallel_loop3A_1023 = arith.mulf %parallel_loop3A_1022, %mul3A_694 : vector<16xf32>
        %parallel_loop3A_1024 = arith.mulf %parallel_loop3A_1023, %parallel_loop3A_1003 : vector<16xf32>
        %parallel_loop3A_1025 = arith.addf %parallel_loop3A_1024, %parallel_loop3A_1007 : vector<16xf32>
        tpu.vector_store_idx %arg9[%parallel_loop3A_1015, %add3A_578], %parallel_loop3A_1025 : memref<128x128xf32, #tpu.memory_space<vmem>>[vector<16xi32>, vector<16xi32>], vector<16xf32>,
        %parallel_loop3A_1026 = tpu.vector_load_idx %arg8[%add3A_557, %parallel_loop3A_1012] : memref<256x128xf32, #tpu.memory_space<vmem>>[vector<16xi32>, vector<16xi32>], vector<16xf32>,
        %parallel_loop3A_1027 = arith.subf %parallel_loop3A_1026, %mul3A_697 : vector<16xf32>
        %parallel_loop3A_1028 = arith.mulf %parallel_loop3A_1027, %mul3A_740 : vector<16xf32>
        %parallel_loop3A_1029 = arith.mulf %parallel_loop3A_1028, %parallel_loop3A_1003 : vector<16xf32>
        %parallel_loop3A_1030 = arith.addf %parallel_loop3A_1029, %parallel_loop3A_1007 : vector<16xf32>
        tpu.vector_store_idx %arg9[%parallel_loop3A_1015, %add3A_581], %parallel_loop3A_1030 : memref<128x128xf32, #tpu.memory_space<vmem>>[vector<16xi32>, vector<16xi32>], vector<16xf32>,
        %parallel_loop3A_1031 = tpu.vector_load_idx %arg8[%add3A_560, %parallel_loop3A_1012] : memref<256x128xf32, #tpu.memory_space<vmem>>[vector<16xi32>, vector<16xi32>], vector<16xf32>,
        %parallel_loop3A_1032 = arith.subf %parallel_loop3A_1031, %mul3A_743 : vector<16xf32>
        %parallel_loop3A_1033 = arith.mulf %parallel_loop3A_1032, %mul3A_786 : vector<16xf32>
        %parallel_loop3A_1034 = arith.mulf %parallel_loop3A_1033, %parallel_loop3A_1003 : vector<16xf32>
        %parallel_loop3A_1035 = arith.addf %parallel_loop3A_1034, %parallel_loop3A_1007 : vector<16xf32>
        tpu.vector_store_idx %arg9[%parallel_loop3A_1015, %add3A_584], %parallel_loop3A_1035 : memref<128x128xf32, #tpu.memory_space<vmem>>[vector<16xi32>, vector<16xi32>], vector<16xf32>,
        %parallel_loop3A_1036 = tpu.vector_load_idx %arg8[%add3A_563, %parallel_loop3A_1012] : memref<256x128xf32, #tpu.memory_space<vmem>>[vector<16xi32>, vector<16xi32>], vector<16xf32>,
        %parallel_loop3A_1037 = arith.subf %parallel_loop3A_1036, %mul3A_789 : vector<16xf32>
        %parallel_loop3A_1038 = arith.mulf %parallel_loop3A_1037, %mul3A_832 : vector<16xf32>
        %parallel_loop3A_1039 = arith.mulf %parallel_loop3A_1038, %parallel_loop3A_1003 : vector<16xf32>
        %parallel_loop3A_1040 = arith.addf %parallel_loop3A_1039, %parallel_loop3A_1007 : vector<16xf32>
        tpu.vector_store_idx %arg9[%parallel_loop3A_1015, %add3A_587], %parallel_loop3A_1040 : memref<128x128xf32, #tpu.memory_space<vmem>>[vector<16xi32>, vector<16xi32>], vector<16xf32>,
        %parallel_loop3A_1041 = tpu.vector_load_idx %arg8[%add3A_566, %parallel_loop3A_1012] : memref<256x128xf32, #tpu.memory_space<vmem>>[vector<16xi32>, vector<16xi32>], vector<16xf32>,
        %parallel_loop3A_1042 = arith.subf %parallel_loop3A_1041, %mul3A_835 : vector<16xf32>
        %parallel_loop3A_1043 = arith.mulf %parallel_loop3A_1042, %mul3A_878 : vector<16xf32>
        %parallel_loop3A_1044 = arith.mulf %parallel_loop3A_1043, %parallel_loop3A_1003 : vector<16xf32>
        %parallel_loop3A_1045 = arith.addf %parallel_loop3A_1044, %parallel_loop3A_1007 : vector<16xf32>
        tpu.vector_store_idx %arg9[%parallel_loop3A_1015, %add3A_590], %parallel_loop3A_1045 : memref<128x128xf32, #tpu.memory_space<vmem>>[vector<16xi32>, vector<16xi32>], vector<16xf32>,
        %parallel_loop3A_1046 = tpu.vector_load_idx %arg8[%add3A_569, %parallel_loop3A_1012] : memref<256x128xf32, #tpu.memory_space<vmem>>[vector<16xi32>, vector<16xi32>], vector<16xf32>,
        %parallel_loop3A_1047 = arith.subf %parallel_loop3A_1046, %mul3A_881 : vector<16xf32>
        %parallel_loop3A_1048 = arith.mulf %parallel_loop3A_1047, %mul3A_924 : vector<16xf32>
        %parallel_loop3A_1049 = arith.mulf %parallel_loop3A_1048, %parallel_loop3A_1003 : vector<16xf32>
        %parallel_loop3A_1050 = arith.addf %parallel_loop3A_1049, %parallel_loop3A_1007 : vector<16xf32>
        tpu.vector_store_idx %arg9[%parallel_loop3A_1015, %add3A_593], %parallel_loop3A_1050 : memref<128x128xf32, #tpu.memory_space<vmem>>[vector<16xi32>, vector<16xi32>], vector<16xf32>,
        %parallel_loop3A_1051 = tpu.vector_load_idx %arg8[%add3A_572, %parallel_loop3A_1012] : memref<256x128xf32, #tpu.memory_space<vmem>>[vector<16xi32>, vector<16xi32>], vector<16xf32>,
        %parallel_loop3A_1052 = arith.subf %parallel_loop3A_1051, %mul3A_927 : vector<16xf32>
        %parallel_loop3A_1053 = arith.mulf %parallel_loop3A_1052, %mul3A_970 : vector<16xf32>
        %parallel_loop3A_1054 = arith.mulf %parallel_loop3A_1053, %parallel_loop3A_1003 : vector<16xf32>
        %parallel_loop3A_1055 = arith.addf %parallel_loop3A_1054, %parallel_loop3A_1007 : vector<16xf32>
        tpu.vector_store_idx %arg9[%parallel_loop3A_1015, %add3A_596], %parallel_loop3A_1055 : memref<128x128xf32, #tpu.memory_space<vmem>>[vector<16xi32>, vector<16xi32>], vector<16xf32>,
      } {sc.loop_unroll_factor = 4 : i64, sc.parallel_access}
      %mul3A_974 = arith.constant 128 : i32
      %mul3A_975 = arith.muli %add3A, %mul3A_974 : i32
      %dma_start3A_976 = arith.constant 1 : i32
      %dma_start3A_977 = arith.constant 64 : i32
      %dma_start3A_978 = arith.constant 0 : i32
      %dma_start3A_979 = tpu.memref_slice %arg9[%dma_start3A_977, %dma_start3A_978] : memref<128x128xf32, #tpu.memory_space<vmem>> -> memref<64x128xf32, #tpu.memory_space<vmem>>
      %dma_start3A_980 = arith.constant 0 : i32
      %dma_start3A_981 = tpu.memref_slice %arg6[%add3A_531, %dma_start3A_980, %mul3A_975] : memref<200x64x4096xf32, #tpu.memory_space<hbm>> -> memref<1x64x128xf32, #tpu.memory_space<hbm>>
      %dma_start3A_982 = tpu.memref_squeeze %dma_start3A_981 : memref<1x64x128xf32, #tpu.memory_space<hbm>> -> memref<64x128xf32, #tpu.memory_space<hbm>>
      %dma_start3A_983 = tpu.memref_slice %arg13[%dma_start3A_976] : memref<2x!tpu.dma_semaphore, #tpu.memory_space<semaphore_mem>> -> memref<1x!tpu.dma_semaphore, #tpu.memory_space<semaphore_mem>>
      %dma_start3A_984 = tpu.memref_squeeze %dma_start3A_983 : memref<1x!tpu.dma_semaphore, #tpu.memory_space<semaphore_mem>> -> memref<!tpu.dma_semaphore, #tpu.memory_space<semaphore_mem>>
      %dma_start3A_985 = arith.constant 0 : i32
      %dma_start3A_986 = tpu.memref_slice %arg6[%add3A_531, %dma_start3A_985, %mul3A_975] : memref<200x64x4096xf32, #tpu.memory_space<hbm>> -> memref<1x64x128xf32, #tpu.memory_space<hbm>>
      %dma_start3A_987 = tpu.memref_squeeze %dma_start3A_986 : memref<1x64x128xf32, #tpu.memory_space<hbm>> -> memref<64x128xf32, #tpu.memory_space<hbm>>
      %dma_start3A_988 = arith.constant 64 : i32
      %dma_start3A_989 = arith.constant 0 : i32
      %dma_start3A_990 = tpu.memref_slice %arg9[%dma_start3A_988, %dma_start3A_989] : memref<128x128xf32, #tpu.memory_space<vmem>> -> memref<64x128xf32, #tpu.memory_space<vmem>>
      tpu.enqueue_dma source(%dma_start3A_990 : memref<64x128xf32, #tpu.memory_space<vmem>>) target(%dma_start3A_987 : memref<64x128xf32, #tpu.memory_space<hbm>>) target_semaphore(%dma_start3A_984 : memref<!tpu.dma_semaphore, #tpu.memory_space<semaphore_mem>>)
      %add3A_991 = arith.constant 2 : i32
      %add3A_992 = arith.addi %add3A_531, %add3A_991 : i32
      %lt3A_993 = arith.constant 200 : i32
      %lt3A_994 = arith.cmpi slt, %add3A_992, %lt3A_993 : i32
      %convert_element_type3A_995 = arith.extui %lt3A_994 : i1 to i32
      %cond3A_996 = arith.constant 0 : i32
      %cond3A_997 = arith.cmpi ne, %convert_element_type3A_995, %cond3A_996 : i32
      scf.if %cond3A_997 {
        %add3A_999 = arith.constant 2 : i32
        %add3A_1000 = arith.addi %add3A_531, %add3A_999 : i32
        %dma_start3A_1001 = arith.constant 1 : i32
        %dma_start3A_1002 = arith.constant 128 : i32
        %dma_start3A_1003 = arith.constant 0 : i32
        %dma_start3A_1004 = tpu.memref_slice %arg8[%dma_start3A_1002, %dma_start3A_1003] : memref<256x128xf32, #tpu.memory_space<vmem>> -> memref<128x128xf32, #tpu.memory_space<vmem>>
        %dma_start3A_1005 = arith.constant 0 : i32
        %dma_start3A_1006 = tpu.memref_slice %arg7[%add3A_1000, %dma_start3A_1005] : memref<200x128xi32, #tpu.memory_space<vmem>> -> memref<1x128xi32, #tpu.memory_space<vmem>>
        %dma_start3A_1007 = tpu.memref_squeeze %dma_start3A_1006 : memref<1x128xi32, #tpu.memory_space<vmem>> -> memref<128xi32, #tpu.memory_space<vmem>>
        %dma_start3A_1008 = arith.constant 0 : i32
        %dma_start3A_1009 = arith.constant 0 : i32
        %dma_start3A_1010 = tpu.memref_slice %arg3[%dma_start3A_1008, %dma_start3A_1009] : memref<1000064x128xf32, #tpu.memory_space<hbm>> -> memref<1000064x128xf32, #tpu.memory_space<hbm>>
        %dma_start3A_1011 = tpu.memref_slice %arg12[%dma_start3A_1001] : memref<2x!tpu.dma_semaphore, #tpu.memory_space<semaphore_mem>> -> memref<1x!tpu.dma_semaphore, #tpu.memory_space<semaphore_mem>>
        %dma_start3A_1012 = tpu.memref_squeeze %dma_start3A_1011 : memref<1x!tpu.dma_semaphore, #tpu.memory_space<semaphore_mem>> -> memref<!tpu.dma_semaphore, #tpu.memory_space<semaphore_mem>>
        tpu.enqueue_indirect_dma source(%dma_start3A_1010 : memref<1000064x128xf32, #tpu.memory_space<hbm>>) target(%dma_start3A_1004 : memref<128x128xf32, #tpu.memory_space<vmem>>) offsets(%dma_start3A_1007 : memref<128xi32, #tpu.memory_space<vmem>>) semaphore(%dma_start3A_1012 : memref<!tpu.dma_semaphore, #tpu.memory_space<semaphore_mem>>)
      } else {
      }
      %scan3A_998 = arith.constant 0 : i32
      scf.yield %scan3A_998 : i32
    }
    %scan3A_31 = arith.constant 100 : i32
    %mul3A_32 = arith.constant 128 : i32
    %mul3A_33 = arith.muli %add3A, %mul3A_32 : i32
    %dma_wait3A = arith.constant 198 : i32
    %dma_wait3A_34 = arith.constant 0 : i32
    %dma_wait3A_35 = arith.constant 0 : i32
    %dma_wait3A_36 = arith.constant 0 : i32
    %dma_wait3A_37 = tpu.memref_slice %arg9[%dma_wait3A_35, %dma_wait3A_36] : memref<128x128xf32, #tpu.memory_space<vmem>> -> memref<64x128xf32, #tpu.memory_space<vmem>>
    %dma_wait3A_38 = arith.constant 0 : i32
    %dma_wait3A_39 = tpu.memref_slice %arg6[%dma_wait3A, %dma_wait3A_38, %mul3A_33] : memref<200x64x4096xf32, #tpu.memory_space<hbm>> -> memref<1x64x128xf32, #tpu.memory_space<hbm>>
    %dma_wait3A_40 = tpu.memref_squeeze %dma_wait3A_39 : memref<1x64x128xf32, #tpu.memory_space<hbm>> -> memref<64x128xf32, #tpu.memory_space<hbm>>
    %dma_wait3A_41 = tpu.memref_slice %arg13[%dma_wait3A_34] : memref<2x!tpu.dma_semaphore, #tpu.memory_space<semaphore_mem>> -> memref<1x!tpu.dma_semaphore, #tpu.memory_space<semaphore_mem>>
    %dma_wait3A_42 = tpu.memref_squeeze %dma_wait3A_41 : memref<1x!tpu.dma_semaphore, #tpu.memory_space<semaphore_mem>> -> memref<!tpu.dma_semaphore, #tpu.memory_space<semaphore_mem>>
    %dma_wait3A_43 = arith.constant 0 : i32
    %dma_wait3A_44 = tpu.memref_slice %arg6[%dma_wait3A, %dma_wait3A_43, %mul3A_33] : memref<200x64x4096xf32, #tpu.memory_space<hbm>> -> memref<1x64x128xf32, #tpu.memory_space<hbm>>
    %dma_wait3A_45 = tpu.memref_squeeze %dma_wait3A_44 : memref<1x64x128xf32, #tpu.memory_space<hbm>> -> memref<64x128xf32, #tpu.memory_space<hbm>>
    %dma_wait3A_46 = arith.constant 0 : i32
    %dma_wait3A_47 = arith.constant 0 : i32
    %dma_wait3A_48 = tpu.memref_slice %arg9[%dma_wait3A_46, %dma_wait3A_47] : memref<128x128xf32, #tpu.memory_space<vmem>> -> memref<64x128xf32, #tpu.memory_space<vmem>>
    tpu.wait_dma2 semaphore(%dma_wait3A_42 : memref<!tpu.dma_semaphore, #tpu.memory_space<semaphore_mem>>) src(%dma_wait3A_48 : memref<64x128xf32, #tpu.memory_space<vmem>>) dst(%dma_wait3A_45 : memref<64x128xf32, #tpu.memory_space<hbm>>)
    %mul3A_49 = arith.constant 128 : i32
    %mul3A_50 = arith.muli %add3A, %mul3A_49 : i32
    %dma_wait3A_51 = arith.constant 199 : i32
    %dma_wait3A_52 = arith.constant 1 : i32
    %dma_wait3A_53 = arith.constant 64 : i32
    %dma_wait3A_54 = arith.constant 0 : i32
    %dma_wait3A_55 = tpu.memref_slice %arg9[%dma_wait3A_53, %dma_wait3A_54] : memref<128x128xf32, #tpu.memory_space<vmem>> -> memref<64x128xf32, #tpu.memory_space<vmem>>
    %dma_wait3A_56 = arith.constant 0 : i32
    %dma_wait3A_57 = tpu.memref_slice %arg6[%dma_wait3A_51, %dma_wait3A_56, %mul3A_50] : memref<200x64x4096xf32, #tpu.memory_space<hbm>> -> memref<1x64x128xf32, #tpu.memory_space<hbm>>
    %dma_wait3A_58 = tpu.memref_squeeze %dma_wait3A_57 : memref<1x64x128xf32, #tpu.memory_space<hbm>> -> memref<64x128xf32, #tpu.memory_space<hbm>>
    %dma_wait3A_59 = tpu.memref_slice %arg13[%dma_wait3A_52] : memref<2x!tpu.dma_semaphore, #tpu.memory_space<semaphore_mem>> -> memref<1x!tpu.dma_semaphore, #tpu.memory_space<semaphore_mem>>
    %dma_wait3A_60 = tpu.memref_squeeze %dma_wait3A_59 : memref<1x!tpu.dma_semaphore, #tpu.memory_space<semaphore_mem>> -> memref<!tpu.dma_semaphore, #tpu.memory_space<semaphore_mem>>
    %dma_wait3A_61 = arith.constant 0 : i32
    %dma_wait3A_62 = tpu.memref_slice %arg6[%dma_wait3A_51, %dma_wait3A_61, %mul3A_50] : memref<200x64x4096xf32, #tpu.memory_space<hbm>> -> memref<1x64x128xf32, #tpu.memory_space<hbm>>
    %dma_wait3A_63 = tpu.memref_squeeze %dma_wait3A_62 : memref<1x64x128xf32, #tpu.memory_space<hbm>> -> memref<64x128xf32, #tpu.memory_space<hbm>>
    %dma_wait3A_64 = arith.constant 64 : i32
    %dma_wait3A_65 = arith.constant 0 : i32
    %dma_wait3A_66 = tpu.memref_slice %arg9[%dma_wait3A_64, %dma_wait3A_65] : memref<128x128xf32, #tpu.memory_space<vmem>> -> memref<64x128xf32, #tpu.memory_space<vmem>>
    tpu.wait_dma2 semaphore(%dma_wait3A_60 : memref<!tpu.dma_semaphore, #tpu.memory_space<semaphore_mem>>) src(%dma_wait3A_66 : memref<64x128xf32, #tpu.memory_space<vmem>>) dst(%dma_wait3A_63 : memref<64x128xf32, #tpu.memory_space<hbm>>)
    return
  }
}

</mosaic_0001>

<sc_bundles>
// kernel: kernel.4.cloned.1.call-start
scs
__scs_entry_jumppad:
0x0: {  	(pc) =	sbr.rel $0x88, $3  }
0x1: {  	(tag) =	ssettag $0x0;
	lr =	simm.s32 $0x1  }
0x2: {  	[smem:$0x3F9D] =	sst lr;
	_ =	strace $0xD0000000  }
0x3: {  	_ = 	snop  }
0x4: {  	_ = 	snop  }
0x5: {  	_ = 	snop  }
0x6: {  	_ = 	snop  }
0x7: {  	_ = 	snop  }
__scs_overlays_trampoline_lowered:
0x8: {  	[smem:$0x3FAC] =	sst s0  }
0x9: {  	[smem:$0x3FAD] =	sst s1  }
0xa: {  	[smem:$0x3FAE] =	sst s2  }
0xb: {  	[smem:$0x3FAF] =	sst s3  }
0xc: {  	[smem:$0x3FB0] =	sst s4  }
0xd: {  	[smem:$0x3FB1] =	sst s5  }
0xe: {  	[smem:$0x3FB2] =	sst s6  }
0xf: {  	[smem:$0x3FB3] =	sst s7  }
0x10: {  	[smem:$0x3FB4] =	sst s8  }
0x11: {  	[smem:$0x3FB5] =	sst s9;
	s0 =	simm.s32 @!p0 $0x0  }
0x12: {  	s1 =	sld [smem:$0x3F9B];
	s0 =	simm.s32 @p0 $0x1  }
0x13: {  	[smem:$0x3FB6] =	sst s0;
	s0 =	simm.s32 @!p1 $0x0  }
0x14: {  	s2 =	sld [smem:$0x3F9A];
	s0 =	simm.s32 @p1 $0x1  }
0x15: {  	[smem:$0x3FB7] =	sst s0;
	s0 =	simm.s32 @!p2 $0x0  }
0x16: {  	s3 =	sld [smem:$0x3FDB];
	s0 =	simm.s32 @p2 $0x1  }
0x17: {  	s4 =	simm.s32 $0x1BF5;
	[smem:$0x3FB9] =	sst s0  }
0x18: {  	s0 =	sld [smem:$0x3F9C];
	_ =	swait.ge [sflag:s4], $0x0  }
0x19: {  	s7 =	sld [smem:$0x3F9D]  }
0x1a: {  	s8 =	sadd.s32 $0xFFFFE003, lr  }
0x1b: {  	s9 =	sadd.s32 $0xFFFFFEF7, lr;
	s5 =	simm.s32 $0xFFFFFFFF;
	p2 =	slt.u32 s8, $0xFFFFF086  }
0x1c: {  	p1 =	slt.u32 s9, $0xF7A;
	s5 =	simm.s32 @!p2 $0x0  }
0x1d: {  	s5 =	simm.s32 @p1 $0x1;
	p0 =	seq.s32 s7, s2  }
0x1e: {  	s7 =	smul.u32 @!p0 $0xF7A, s2;
	p2 =	seq.s32 @!p0 s5, $0x0  }
0x1f: {  	s9 =	smul.u32 $0xF7A, s1;
	s8 =	simm.s32 @!p0 $0x1BF5;
	p2 =	por !p2, p0  }
0x20: {  	[sflag:s8] =	ssyncset.s32 @!p0 $0xFFFFF086;
	s6 =	sadd.s32 @!p0 s3, s7;
	s7 =	simm.s32 @!p0 $0x108  }
0x21: {  	s3 =	sadd.s32 s3, s9;
	s6 =	sadd.s32 @!p0 $0x88, s6;
	s7 =	simm.s32 @p2 $0x1082  }
0x22: {  	[simem:s7], [sflag:s8] =	dma.local @!p0 [hbm:s6], $0xF7A  }
0x23: {  	s9 =	sor.u32 $0xD0000000, s2;
	s6 =	simm.s32 $0x108;
	_ =	swait.ge @!p0 [sflag:s8], $0x0  }
0x24: {  	s3 =	sadd.s32 $0x88, s3;
	s6 =	simm.s32 @!p1 $0x1082;
	[sflag:s4] =	ssyncset.s32 $0xFFFFF086  }
0x25: {  	[simem:s6], [sflag:s4] =	dma.local [hbm:s3], $0xF7A  }
0x26: {  	[smem:$0x3F9D] =	sst s1;
	(tag) =	ssettag s2;
	_ =	strace s9  }
0x27: {  	s1 =	sld [smem:$0x3FAD]  }
0x28: {  	s2 =	sld [smem:$0x3FAE]  }
0x29: {  	s4 =	sld [smem:$0x3FB0]  }
0x2a: {  	p0 =	seq.s32 s5, $0x0;
	s5 =	sld [smem:$0x3FB1]  }
0x2b: {  	s6 =	sld [smem:$0x3FB2]  }
0x2c: {  	s7 =	sld [smem:$0x3FB3]  }
0x2d: {  	s3 =	simm.s32 $0x108;
	s8 =	sld [smem:$0x3FB4]  }
0x2e: {  	s3 =	simm.s32 @!p0 $0x1082;
	s9 =	sld [smem:$0x3FB5]  }
0x2f: {  	lr =	sadd.s32 s0, s3;
	s0 =	sld [smem:$0x3FAC]  }
0x30: {  	s3 =	sld [smem:$0x3FAF]  }
0x31: {  	[smem:$0x3FB8] =	sst s10  }
0x32: {  	s10 =	sld [smem:$0x3FB6];
	_ =	sdelay $0x3  }
0x33: {  	p0 =	seq.s32 s10, $0x1;
	s10 =	sld [smem:$0x3FB8];
	_ =	sdelay $0x3  }
0x34: {  	[smem:$0x3FB8] =	sst s10  }
0x35: {  	s10 =	sld [smem:$0x3FB7];
	_ =	sdelay $0x3  }
0x36: {  	p1 =	seq.s32 s10, $0x1;
	s10 =	sld [smem:$0x3FB8];
	_ =	sdelay $0x3  }
0x37: {  	[smem:$0x3FB8] =	sst s10  }
0x38: {  	s10 =	sld [smem:$0x3FB9]  }
0x39: {  	_ = 	snop;
	(pc) =	sbr.ind lr, $3  }
0x3a: {  	_ = 	snop  }
0x3b: {  	_ = 	snop  }
0x3c: {  	p2 =	seq.s32 s10, $0x1;
	s10 =	sld [smem:$0x3FB8]  }
0x3d: {  	_ =	shalt  }
0x3e: {  	_ =	shalt  }
0x3f: {  	_ =	shalt  }
0x40: {  	_ =	shalt  }
0x41: {  	_ =	shalt  }
0x42: {  	_ =	shalt  }
0x43: {  	_ =	shalt  }
0x44: {  	_ =	shalt  }
0x45: {  	_ =	shalt  }
0x46: {  	_ =	shalt  }
0x47: {  	_ =	shalt  }
0x48: {  	_ =	shalt  }
0x49: {  	_ =	shalt  }
0x4a: {  	_ =	shalt  }
0x4b: {  	_ =	shalt  }
0x4c: {  	_ =	shalt  }
0x4d: {  	_ =	shalt  }
0x4e: {  	_ =	shalt  }
0x4f: {  	_ =	shalt  }
0x50: {  	_ =	shalt  }
0x51: {  	_ =	shalt  }
0x52: {  	_ =	shalt  }
0x53: {  	_ =	shalt  }
0x54: {  	_ =	shalt  }
0x55: {  	_ =	shalt  }
0x56: {  	_ =	shalt  }
0x57: {  	_ =	shalt  }
0x58: {  	_ =	shalt  }
0x59: {  	_ =	shalt  }
0x5a: {  	_ =	shalt  }
0x5b: {  	_ =	shalt  }
0x5c: {  	_ =	shalt  }
0x5d: {  	_ =	shalt  }
0x5e: {  	_ =	shalt  }
0x5f: {  	_ =	shalt  }
0x60: {  	_ =	shalt  }
0x61: {  	_ =	shalt  }
0x62: {  	_ =	shalt  }
0x63: {  	_ =	shalt  }
0x64: {  	_ =	shalt  }
0x65: {  	_ =	shalt  }
0x66: {  	_ =	shalt  }
0x67: {  	_ =	shalt  }
0x68: {  	_ =	shalt  }
0x69: {  	_ =	shalt  }
0x6a: {  	_ =	shalt  }
0x6b: {  	_ =	shalt  }
0x6c: {  	_ =	shalt  }
0x6d: {  	_ =	shalt  }
0x6e: {  	_ =	shalt  }
0x6f: {  	_ =	shalt  }
0x70: {  	_ =	shalt  }
0x71: {  	_ =	shalt  }
0x72: {  	_ =	shalt  }
0x73: {  	_ =	shalt  }
0x74: {  	_ =	shalt  }
0x75: {  	_ =	shalt  }
0x76: {  	_ =	shalt  }
0x77: {  	_ =	shalt  }
0x78: {  	_ =	shalt  }
0x79: {  	_ =	shalt  }
0x7a: {  	_ =	shalt  }
0x7b: {  	_ =	shalt  }
0x7c: {  	_ =	shalt  }
0x7d: {  	_ =	shalt  }
0x7e: {  	_ =	shalt  }
0x7f: {  	_ =	shalt  }
0x80: {  	_ =	shalt  }
0x81: {  	_ =	shalt  }
0x82: {  	_ =	shalt  }
0x83: {  	_ =	shalt  }
0x84: {  	_ =	shalt  }
0x85: {  	_ =	shalt  }
0x86: {  	_ =	shalt  }
0x87: {  	_ =	shalt  }
.Lfunc_end0:
.L_simem_size_0:
called_computation_lowered:
.L_overlay_start_0:
0x88: {  	s2 =	sld [smem:$0x3FD9]  }
0x89: {  	s3 =	sld [smem:$0x3FFE];
	_ =	sdelay $0x1  }
0x8a: {  	s1 =	srdreg.scid  }
0x8b: {  	s0 =	sand.u32 $0x1, s1  }
0x8c: {  	s17 =	sshll.u32 s0, $0xA;
	s2 =	sadd.s32 s3, s2  }
0x8d: {  	s2 =	sadd.s32 s2, s17  }
0x8e: {  	[smem:$0x3FC4] =	sst s2  }
0x8f: {  	_ = 	snop  }
0x90: {  	s2 =	sld [smem:$0x3FC8]  }
0x91: {  	s18 =	sld [smem:$0x3FD0];
	(tm) =	ssettm $0x1  }
0x92: {  	s4 =	sld [smem:$0x3FFB];
	_ =	sdelay $0x3  }
0x93: {  	_ =	strace s4  }
0x94: {  	s4 =	sld [smem:$0x3FFC];
	_ =	sdelay $0x3  }
0x95: {  	_ =	strace s4  }
0x96: {  	s4 =	sld [smem:$0x3FFD];
	_ =	sdelay $0x3  }
0x97: {  	_ =	strace s4  }
0x98: {  	_ =	strace $0x8FFFFFFF  }
0x99: {  	s19 =	sld [smem:$0x3FDB];
	_ =	sdelay $0x1  }
0x9a: {  	s5 =	simm.s32 $_scs_section_size  }
0x9b: {  	s6 =	simm.s32 $_size__tile_overlayer_lowered;
	s7 =	simm.s32 $_tile_overlayer_lowered  }
0x9c: {  	s22 =	simm.s32 $0x1BFF;
	s21 =	sshll.u32 s7, $0x1;
	s4 =	sadd.s32 s5, s19  }
0x9d: {  	s8 =	simm.s32 $0x0;
	s20 =	sshll.u32 s6, $0x1;
	s6 =	sadd.s32 s21, s4  }
0x9e: {  	[timem:s8], [sflag:s22] =	dma.local [hbm:s6], s20  }
0x9f: {  	_ =	swait.ge [sflag:s22], s20  }
0xa0: {  	s5 =	ssub.s32 $0x0, s20;
	[sflag:s22] =	ssyncset.done $0x0  }
0xa1: {  	[sflag:s22] =	ssyncadd.s32 s5;
	_ =	sdelay $0x1  }
0xa2: {  	s23 =	simm.s32 $0x1B8B  }
0xa3: {  	_ =	swait.ge [sflag:s23], $0x1  }
0xa4: {  	[sflag:s23] =	ssyncset.done $0x0  }
0xa5: {  	s25 =	simm.s32 $0x1B8E;
	s24 =	sld [smem:$0x3FFE];
	[sflag:s23] =	ssyncadd.s32 $0xFFFFFFFF  }
0xa6: {  	s26 =	simm.s32 $execute0_lowered;
	[smem:$0x3FD2] =	sst s25  }
0xa7: {  	s6 =	sshll.u32 s26, $0x1;
	_ =	strace $0x80000046;
	[dreg:$0x1] =	wrdreg $0xFFFFFFFF  }
0xa8: {  	s28 =	simm.s32 $_size_execute0_lowered;
	s4 =	sadd.s32 s4, s6;
	[dreg:$0x0] =	wrdreg $0x0  }
0xa9: {  	s6 =	sshll.u32 s28, $0x1;
	[dreg:$0x2] =	wrdreg s4  }
0xaa: {  	[dreg:$0x3] =	wrdreg s6  }
0xab: {  	[dreg:$0x4] =	wrdreg $0xC0  }
0xac: {  	_ =	task [dreg:s8], $0x5FFFF  }
0xad: {  	[dreg:$0x1] =	wrdreg $0xFFFFFFFF  }
0xae: {  	[dreg:$0x0] =	wrdreg $0x60  }
0xaf: {  	[dreg:$0x2] =	wrdreg s2  }
0xb0: {  	[dreg:$0x3] =	wrdreg s18  }
0xb1: {  	[dreg:$0x4] =	wrdreg s24  }
0xb2: {  	[dreg:$0x5] =	wrdreg $0x9  }
0xb3: {  	_ =	task.clear_ibuf [dreg:s8], $0x6FFFF;
	_ =	strace $0x90000046  }
0xb4: {  	s29 =	simm.s32 $0x9;
	_ =	strace $0x80000048  }
0xb5: {  	_ =	swait.ge [sflag:s29], $0x1  }
0xb6: {  	[sflag:s29] =	ssyncadd.s32 $0xFFFFFFFF  }
0xb7: {  	_ =	strace $0x90000048  }
0xb8: {  	_ =	sfence  }
0xb9: {  	s30 =	sld [smem:$0x0];
	_ =	sdelay $0x2  }
0xba: {  	s31 =	sshll.u32 s1, $0xD;
	s1 =	sshrl.u32 s1, $0x2  }
0xbb: {  	s3 =	sand.u32 $0x4000, s31;
	s1 =	sadd.s32 s1, s30  }
0xbc: {  	s0 =	sor.u32 s3, s0;
	s1 =	sshll.u32 s1, $0x11  }
0xbd: {  	s0 =	sor.u32 s1, s0  }
0xbe: {  	s0 =	sadd.s32 $0x8F2B, s0  }
0xbf: {  	[sflag:s0] =	ssyncadd.remote.s32 $0x1  }
0xc0: {  	_ =	sfence.sel $0xFFFF  }
0xc1: {  	[dreg:$0x0] =	wrdreg $0xFFFFFFFF;
	(pc) =	sbr.abs _section_cstart, $3  }
0xc2: {  	[dreg:$0x1] =	wrdreg $0xFFFFFFFF  }
0xc3: {  	_ =	task.clear_ibuf [dreg:s8], $0x2FFFF;
	_ =	strace $0x9FFFFFFF  }
0xc4: {  	(tm) =	ssettm $0x7FFFFFFF  }
0xc5: {  	_ =	shalt  }
tec
execute0_lowered:
.L_overlay_start_1:
0x0: {  	(tag) =	ssettag $0x1  }
0x1: {  	s0 =	rddreg [dreg:$0x0]  }
0x2: {  	s2 =	rddreg [dreg:$0x1]  }
0x3: {  	v0 =	vlaneseq.u32;
	s11 =	rddreg [dreg:$0x2];
	s4 =	simm.s32 $0x0  }
0x4: {  	s3 =	srdreg.scid;
	v11 =	vor.u32 $0x30, v0;
	[smem:$0x7FF] =	sst s4  }
0x5: {  	s6 =	sand.u32 $0x1, s3;
	s3 =	rddreg [dreg:$0x3];
	v13 =	vor.u32 $0x40, v0;
	_ =	strace $0x80000047;
	[tilespmem:$0x1FF60] =	vst v11  }
0x6: {  	v15 =	vor.u32 $0x50, v0;
	[tilespmem:$0x1FF70] =	vst v13  }
0x7: {  	v17 =	vor.u32 $0x60, v0;
	[tilespmem:$0x1FF90] =	vst v15  }
0x8: {  	v63 =	vmul.u32 $0x80, v0;
	v19 =	vor.u32 $0x70, v0;
	[tilespmem:$0x1FFB0] =	vst v17  }
0x9: {  	v20 =	vor.u32 $0x2000, v0;
	[tilespmem:$0x1FFD0] =	vst v19  }
0xa: {  	[tilespmem:$0x1FFF0] =	vst v20;
	v1 =	vor.u32 $0x4000, v63  }
0xb: {  	v8 =	vor.u32 $0x800, v63;
	[tilespmem:$0x1FF00] =	vst v1  }
0xc: {  	s1 =	stileid.u32;
	s13 =	simm.s32 $0x400;
	v10 =	vor.u32 $0x1000, v63;
	[tilespmem:$0x1FF40] =	vst v8  }
0xd: {  	s14 =	simm.s32 $0x7A1400;
	s15 =	simm.s32 $0x2000;
	s16 =	simm.s32 $0x1;
	v14 =	vor.u32 $0x2000, v63;
	[tilespmem:$0x1FF50] =	vst v10  }
0xe: {  	s17 =	simm.s32 $0x4000;
	s18 =	simm.s32 $0x2;
	s19 =	simm.s32 $0x8000;
	v57 =	vor.u32 $0x10, v0;
	v16 =	vor.u32 $0x2800, v63;
	[tilespmem:$0x1FF80] =	vst v14  }
0xf: {  	s20 =	simm.s32 $0x3;
	s21 =	simm.s32 $0x4;
	s22 =	simm.s32 $0x0;
	v58 =	vor.u32 $0x20, v0;
	v22 =	vor.u32 $0x2030, v0;
	v18 =	vor.u32 $0x3000, v63;
	[tilespmem:$0x1FFA0] =	vst v16  }
.Ltmp0:
0x10: {  	s5 =	sshll.u32 s1, $0x1;
	s7 =	sadd.s32 $0xE00, s11;
	v24 =	vor.u32 $0x2040, v0;
	v26 =	vor.u32 $0x2050, v0;
	v3 =	vor.u32 $0x3800, v63;
	[tilespmem:$0x1FFC0] =	vst v18;
	(pc) =	sbr.rel .LBB2_1-.Ltmp0, $4  }
0x11: {  	s11 =	sadd.s32 $0xF42E00, s11;
	v28 =	vor.u32 $0x2060, v0;
	v30 =	vor.u32 $0x2070, v0;
	s5 =	sor.u32 s6, s5;
	s8 =	ssub.s32 $0x2, s6;
	v1 =	vor.u32 $0x2010, v0;
	[tilespmem:$0x1FFE0] =	vst v3  }
0x12: {  	v59 =	vor.u32 $0x1800, v63;
	s31 =	sshll.u32 s5, $0x7;
	s9 =	sshrl.u32 s8, $0x1;
	s10 =	sor.u32 $0x60, s5;
	v21 =	vor.u32 $0x5000, v63;
	[tilespmem:$0x1FF10] =	vst v1;
	v1 =	vor.u32 $0x4800, v63  }
0x13: {  	v7 =	vmovc v57;
	v9 =	vmovc v58;
	v23 =	vor.u32 $0x5800, v63;
	v25 =	vor.u32 $0x6000, v63;
	p0 =	sne.s32 s5, $0x0;
	s6 =	sadd.s32 s0, s31;
	s12 =	ssub.s32 s8, s9;
	[tilespmem:$0x1FF20] =	vst v1;
	v1 =	vor.u32 $0x2020, v0  }
0x14: {  	v27 =	vor.u32 $0x6800, v63;
	v29 =	vor.u32 $0x7000, v63;
	v31 =	vor.u32 $0x7800, v63;
	v6 =	vmovc v63;
	s9 =	sor.u32 $0x40, s5;
	v12 =	vmovc v59;
	s8 =	sadd.s32 $0x1000, s6;
	s12 =	smax.u32 s12, $0x1;
	[tilespmem:$0x1FF30] =	vst v1  }
.LBB2_11:
0x15: {  	_ =	swait.ge [sflag:s20], $0x4000  }
0x16: {  	[sflag:s20] =	ssyncset.done $0x0  }
0x17: {  	[sflag:s20] =	ssyncadd.s32 $0xFFFFC000  }
0x18: {  	_ =	swait.ge [sflag:s21], $0x4000  }
0x19: {  	s23 =	simm.s32 @!p0 $0x0;
	[sflag:s21] =	ssyncset.done $0x0  }
0x1a: {  	s24 =	simm.s32 @!p0 $0x4000;
	s25 =	simm.s32 @!p0 $0x5;
	[sflag:s21] =	ssyncadd.s32 $0xFFFFC000  }
0x1b: {  	[tilespmem:s24], [sflag:$0x5] =	stream.linear.gather @!p0 [hbm4b:s2+s23], $0x2000, $0x38;
	[tilespmem:$0xC000] =	vst v63  }
0x1c: {  	s22 =	sadd.s32 $0x1, s22;
	_ =	swait.ge @!p0 [sflag:s25], $0x2000  }
0x1d: {  	p1 =	sne.s32 s22, s12;
	[sflag:s25] =	ssyncset.done @!p0 $0x0  }
.Ltmp1:
0x1e: {  	[sflag:s25] =	ssyncadd.s32 @!p0 $0xFFFFE000;
	(pc) =	sbr.rel @!p1 .LBB2_12-.Ltmp1, $4  }
0x1f: {  	[hbm4b:s11+s23] =	stream.linear.scatter @!p0 [tilespmem:s24], [sflag:$0x5], $0x2000, $0x38;
	[tilespmem:$0xC000] =	vst v63  }
0x20: {  	_ =	swait.ge @!p0 [sflag:s25], $0x2000  }
0x21: {  	[sflag:s25] =	ssyncset.done @!p0 $0x0  }
0x22: {  	[sflag:s25] =	ssyncadd.s32 @!p0 $0xFFFFE000  }
.LBB2_1:
.Ltmp2:
0x23: {  	(pc) =	sbr.rel .LBB2_2-.Ltmp2, $4  }
0x24: {  	_ = 	snop  }
0x25: {  	[tilespmem:s4], [sflag:$0x1] =	stream.strided.gather [hbm4b:s6+s13], $0x2000, s14, s13, $0x38;
	[tilespmem:$0xC000] =	vst v63  }
0x26: {  	s23 =	simm.s32 $0x0  }
0x27: {  	[tilespmem:s15], [sflag:$0x2] =	stream.strided.gather [hbm4b:s8+s13], $0x2000, s14, s13, $0x38;
	[tilespmem:$0xC000] =	vst v63  }
.LBB2_10:
0x28: {  	s23 =	sadd.s32 $0x1, s23  }
0x29: {  	p1 =	sne.s32 s23, $0x7B  }
.Ltmp3:
0x2a: {  	_ = 	snop;
	(pc) =	sbr.rel @!p1 .LBB2_11-.Ltmp3, $1  }
0x2b: {  	_ =	sdelay $0x3  }
.LBB2_2:
0x2c: {  	s24 =	sshll.u32 s23, $0x6  }
0x2d: {  	s25 =	sor.u32 s5, s24  }
0x2e: {  	p2 =	sgt.u32 s25, $0x1E83  }
.Ltmp4:
0x2f: {  	_ = 	snop;
	(pc) =	sbr.rel @p2 .LBB2_6-.Ltmp4, $2  }
0x30: {  	_ =	sdelay $0x2  }
0x31: {  	p1 =	seq.s32 s23, $0x0  }
0x32: {  	s26 =	simm.s32 $0x0  }
0x33: {  	v32 =	vadd.s32 s26, v0  }
0x34: {  	v42 =	vand.u32 $0x3F, v32  }
0x35: {  	_ =	swait.ge [sflag:s16], $0x2000;
	v43 =	vshll.u32 v42, $0x7  }
0x36: {  	[sflag:s16] =	ssyncset.done $0x0;
	v53 =	vor.u32 v0, v43  }
0x37: {  	s26 =	simm.s32 @!p1 $0x3;
	[sflag:s16] =	ssyncadd.s32 $0xFFFFE000  }
0x38: {  	_ =	swait.ge @!p1 [sflag:s26], $0x4000  }
0x39: {  	[sflag:s26] =	ssyncset.done @!p1 $0x0  }
0x3a: {  	s30 =	simm.s32 $0x1;
	[sflag:s26] =	ssyncadd.s32 @!p1 $0xFFFFC000  }
0x3b: {  	v54 =	vadd.s32 s30, v0;
	v34 =	vor.u32 v63, v42;
	v33 =	vld.idx.msk [tilespmem:v53+s4+$0x0], $0xffff  }
0x3c: {  	v32 =	vand.u32 $0x3F, v54;
	v35 =	vor.u32 v57, v43  }
0x3d: {  	v36 =	vshll.u32 v32, $0x7  }
0x3e: {  	v37 =	vor.u32 v0, v36;
	_ =	sdelay $0x1  }
0x3f: {  	[tilespmem:v34+s17+$0x0] =	vst.idx.msk $0xffff, v33  }
0x40: {  	v55 =	vor.u32 v8, v42;
	v34 =	vld.idx.msk [tilespmem:v35+s4+$0x0], $0xffff  }
0x41: {  	s31 =	simm.s32 $0x2;
	v38 =	vor.u32 v58, v43  }
0x42: {  	v56 =	vadd.s32 s31, v0;
	v39 =	vor.u32 v63, v32;
	v37 =	vld.idx.msk [tilespmem:v37+s4+$0x0], $0xffff  }
0x43: {  	v40 =	vor.u32 v57, v36;
	v33 =	vand.u32 $0x3F, v56  }
0x44: {  	v35 =	vshll.u32 v33, $0x7  }
0x45: {  	v60 =	vor.u32 v0, v35;
	[tilespmem:v55+s17+$0x0] =	vst.idx.msk $0xffff, v34  }
0x46: {  	v41 =	vor.u32 v10, v42;
	v34 =	vld.idx.msk [tilespmem:v38+s4+$0x0], $0xffff  }
0x47: {  	v44 =	vor.u32 v11, v43;
	[tilespmem:v39+s17+$0x0] =	vst.idx.msk $0xffff, v37  }
0x48: {  	v61 =	vor.u32 v8, v32;
	v39 =	vld.idx.msk [tilespmem:v40+s4+$0x0], $0xffff  }
0x49: {  	v45 =	vor.u32 v58, v36  }
0x4a: {  	s28 =	simm.s32 $0x3;
	v62 =	vor.u32 v63, v33;
	v38 =	vld.idx.msk [tilespmem:v60+s4+$0x0], $0xffff  }
0x4b: {  	v52 =	vadd.s32 s28, v0;
	v46 =	vor.u32 v57, v35;
	[tilespmem:v41+s17+$0x0] =	vst.idx.msk $0xffff, v34  }
0x4c: {  	v47 =	vor.u32 v59, v42;
	v34 =	vand.u32 $0x3F, v52;
	v44 =	vld.idx.msk [tilespmem:v44+s4+$0x0], $0xffff  }
0x4d: {  	v48 =	vor.u32 v13, v43;
	[tilespmem:v61+s17+$0x0] =	vst.idx.msk $0xffff, v39;
	v37 =	vshll.u32 v34, $0x7  }
0x4e: {  	v54 =	vor.u32 v10, v32;
	v40 =	vld.idx.msk [tilespmem:v45+s4+$0x0], $0xffff;
	v53 =	vor.u32 v0, v37  }
0x4f: {  	v55 =	vor.u32 v11, v36;
	[tilespmem:v62+s17+$0x0] =	vst.idx.msk $0xffff, v38  }
0x50: {  	v60 =	vor.u32 v8, v33;
	v41 =	vld.idx.msk [tilespmem:v46+s4+$0x0], $0xffff  }
0x51: {  	[tilespmem:v47+s17+$0x0] =	vst.idx.msk $0xffff, v44  }
0x52: {  	v61 =	vor.u32 v58, v35;
	v46 =	vld.idx.msk [tilespmem:v48+s4+$0x0], $0xffff;
	v48 =	vor.u32 v14, v42  }
0x53: {  	s29 =	simm.s32 $0x4;
	[tilespmem:v54+s17+$0x0] =	vst.idx.msk $0xffff, v40;
	v40 =	vor.u32 v15, v43;
	v62 =	vor.u32 v63, v34;
	v49 =	vld.idx.msk [tilespmem:v53+s4+$0x0], $0xffff  }
0x54: {  	v56 =	vadd.s32 s29, v0;
	v52 =	vor.u32 v59, v32;
	v50 =	vld.idx.msk [tilespmem:v55+s4+$0x0], $0xffff;
	v51 =	vor.u32 v57, v37  }
0x55: {  	v38 =	vand.u32 $0x3F, v56;
	[tilespmem:v60+s17+$0x0] =	vst.idx.msk $0xffff, v41;
	v60 =	vor.u32 v13, v36  }
0x56: {  	v39 =	vshll.u32 v38, $0x7  }
0x57: {  	v44 =	vld.idx.msk [tilespmem:v61+s4+$0x0], $0xffff;
	v61 =	vor.u32 v0, v39;
	v53 =	vor.u32 v10, v33;
	[tilespmem:v48+s17+$0x0] =	vst.idx.msk $0xffff, v46  }
0x58: {  	v46 =	vor.u32 v11, v35;
	[tilespmem:v62+s17+$0x0] =	vst.idx.msk $0xffff, v49;
	v62 =	vor.u32 v16, v42;
	v40 =	vld.idx.msk [tilespmem:v40+s4+$0x0], $0xffff  }
0x59: {  	[tilespmem:v52+s17+$0x0] =	vst.idx.msk $0xffff, v50;
	v50 =	vor.u32 v8, v34;
	v49 =	vor.u32 v17, v43;
	v48 =	vld.idx.msk [tilespmem:v51+s4+$0x0], $0xffff  }
0x5a: {  	v54 =	vor.u32 v14, v32;
	v52 =	vor.u32 v58, v37;
	v51 =	vld.idx.msk [tilespmem:v60+s4+$0x0], $0xffff  }
0x5b: {  	v55 =	vor.u32 v59, v33;
	v60 =	vor.u32 v15, v36  }
0x5c: {  	v45 =	vor.u32 v57, v39;
	v47 =	vld.idx.msk [tilespmem:v61+s4+$0x0], $0xffff;
	[tilespmem:v53+s17+$0x0] =	vst.idx.msk $0xffff, v44;
	v61 =	vor.u32 v63, v38  }
0x5d: {  	s30 =	simm.s32 $0x5;
	v57 =	vor.u32 v13, v35;
	v58 =	vor.u32 v18, v42;
	v46 =	vld.idx.msk [tilespmem:v46+s4+$0x0], $0xffff;
	[tilespmem:v62+s17+$0x0] =	vst.idx.msk $0xffff, v40  }
0x5e: {  	v43 =	vor.u32 v19, v43;
	v62 =	vadd.s32 s30, v0;
	[tilespmem:v50+s17+$0x0] =	vst.idx.msk $0xffff, v48;
	v56 =	vld.idx.msk [tilespmem:v49+s4+$0x0], $0xffff  }
0x5f: {  	[tilespmem:v54+s17+$0x0] =	vst.idx.msk $0xffff, v51;
	v54 =	vor.u32 v10, v34;
	v40 =	vand.u32 $0x3F, v62;
	v48 =	vld.idx.msk [tilespmem:v52+s4+$0x0], $0xffff  }
0x60: {  	v59 =	vld.idx.msk [tilespmem:v60+s4+$0x0], $0xffff;
	v60 =	vor.u32 v11, v37;
	v41 =	vshll.u32 v40, $0x7  }
0x61: {  	[tilespmem:v61+s17+$0x0] =	vst.idx.msk $0xffff, v47;
	v61 =	vor.u32 v16, v32;
	v50 =	vor.u32 v0, v41  }
0x62: {  	v49 =	vld.idx.msk [tilespmem:v45+s4+$0x0], $0xffff;
	v62 =	vor.u32 v17, v36;
	[tilespmem:v55+s17+$0x0] =	vst.idx.msk $0xffff, v46  }
0x63: {  	v51 =	vor.u32 v8, v38;
	v44 =	vld.idx.msk [tilespmem:v57+s4+$0x0], $0xffff;
	[tilespmem:v58+s17+$0x0] =	vst.idx.msk $0xffff, v56  }
0x64: {  	v52 =	vor.u32 v9, v39;
	v46 =	vor.u32 v14, v33;
	[tilespmem:v54+s17+$0x0] =	vst.idx.msk $0xffff, v48;
	v43 =	vld.idx.msk [tilespmem:v43+s4+$0x0], $0xffff  }
0x65: {  	v47 =	vor.u32 v15, v35;
	v45 =	vor.u32 v3, v42;
	v48 =	vld.idx.msk [tilespmem:v60+s4+$0x0], $0xffff  }
0x66: {  	s31 =	simm.s32 $0x6;
	v54 =	vor.u32 v63, v40;
	[tilespmem:v61+s17+$0x0] =	vst.idx.msk $0xffff, v59;
	v53 =	vld.idx.msk [tilespmem:v50+s4+$0x0], $0xffff  }
0x67: {  	v20 =	vmovc v3;
	s26 =	simm.s32 $0x7;
	v55 =	vor.u32 v7, v41;
	v56 =	vadd.s32 s31, v0;
	v42 =	vld.idx.msk [tilespmem:v62+s4+$0x0], $0xffff;
	v50 =	vor.u32 v12, v34  }
.LBB2_4:
0x68: {  	p2 =	sne.s32 s26, $0x3F;
	v56 =	vand.u32 $0x3F, v56;
	[tilespmem:v51+s17+$0x0] =	vst.idx.msk $0xffff, v49;
	v57 =	vor.u32 v13, v37;
	v58 =	vor.u32 v18, v32  }
0x69: {  	v61 =	vor.u32 v19, v36;
	v62 =	vmov v38;
	v59 =	vshll.u32 v56, $0x7;
	v60 =	vld.idx.msk [tilespmem:v52+s4+$0x0], $0xffff;
	[tilespmem:v46+s17+$0x0] =	vst.idx.msk $0xffff, v44  }
0x6a: {  	v1 =	vor.u32 v10, v62;
	v63 =	vor.u32 v0, v59;
	v2 =	vld.idx.msk [tilespmem:v47+s4+$0x0], $0xffff;
	[tilespmem:v45+s17+$0x0] =	vst.idx.msk $0xffff, v43  }
0x6b: {  	v3 =	vor.u32 v11, v39;
	v4 =	vor.u32 v16, v33;
	v38 =	vmov v40;
	[tilespmem:v54+s17+$0x0] =	vst.idx.msk $0xffff, v53  }
0x6c: {  	v5 =	vor.u32 v17, v35;
	v36 =	vmov v35;
	v40 =	vmov v56;
	v49 =	vld.idx.msk [tilespmem:v55+s4+$0x0], $0xffff;
	[tilespmem:v50+s17+$0x0] =	vst.idx.msk $0xffff, v48  }
.Ltmp5:
0x6d: {  	v35 =	vmov v37;
	v37 =	vmov v39;
	v51 =	vor.u32 v8, v38;
	v44 =	vld.idx.msk [tilespmem:v57+s4+$0x0], $0xffff;
	[tilespmem:v58+s17+$0x0] =	vst.idx.msk $0xffff, v42;
	(pc) =	sbr.rel @p2 .LBB2_4-.Ltmp5, $4  }
0x6e: {  	v39 =	vmovc v41;
	v52 =	vor.u32 v9, v41;
	v46 =	vor.u32 v14, v34;
	v41 =	vmov v59;
	v43 =	vld.idx.msk [tilespmem:v61+s4+$0x0], $0xffff  }
0x6f: {  	v47 =	vor.u32 v15, v35;
	v45 =	vor.u32 v20, v32;
	v53 =	vld.idx.msk [tilespmem:v63+s4+$0x0], $0xffff;
	[tilespmem:v1+s17+$0x0] =	vst.idx.msk $0xffff, v60  }
0x70: {  	v32 =	vmov v33;
	v33 =	vmov v34;
	v54 =	vor.u32 v6, v40;
	v48 =	vld.idx.msk [tilespmem:v3+s4+$0x0], $0xffff;
	[tilespmem:v4+s17+$0x0] =	vst.idx.msk $0xffff, v2  }
0x71: {  	v56 =	vadd.s32 s26, v0;
	s26 =	sadd.s32 $0x1, s26;
	v34 =	vmovc v62;
	v55 =	vor.u32 v7, v41;
	v50 =	vor.u32 v12, v62;
	v42 =	vld.idx.msk [tilespmem:v5+s4+$0x0], $0xffff  }
0x72: {  	v1 =	vand.u32 $0x3F, v56  }
0x73: {  	v2 =	vshll.u32 v1, $0x7  }
0x74: {  	v3 =	vor.u32 v0, v2;
	_ =	sdelay $0x4  }
0x75: {  	v4 =	vor.u32 v6, v1;
	v3 =	vld.idx.msk [tilespmem:v3+s4+$0x0], $0xffff  }
0x76: {  	v5 =	vor.u32 v7, v2;
	_ =	sdelay $0x2  }
0x77: {  	[tilespmem:v54+s17+$0x0] =	vst.idx.msk $0xffff, v53  }
0x78: {  	v60 =	vor.u32 v8, v40;
	v53 =	vld.idx.msk [tilespmem:v55+s4+$0x0], $0xffff;
	[tilespmem:v4+s17+$0x0] =	vst.idx.msk $0xffff, v3  }
0x79: {  	v3 =	vor.u32 v9, v41;
	v4 =	vld.idx.msk [tilespmem:v5+s4+$0x0], $0xffff;
	v5 =	vor.u32 v8, v1  }
0x7a: {  	v61 =	vor.u32 v9, v2;
	_ =	sdelay $0x1  }
0x7b: {  	[tilespmem:v51+s17+$0x0] =	vst.idx.msk $0xffff, v49  }
0x7c: {  	v62 =	vor.u32 v10, v38;
	v49 =	vld.idx.msk [tilespmem:v52+s4+$0x0], $0xffff;
	[tilespmem:v60+s17+$0x0] =	vst.idx.msk $0xffff, v53  }
0x7d: {  	v52 =	vor.u32 v11, v39;
	v53 =	vor.u32 v10, v40;
	v3 =	vld.idx.msk [tilespmem:v3+s4+$0x0], $0xffff;
	[tilespmem:v5+s17+$0x0] =	vst.idx.msk $0xffff, v4  }
0x7e: {  	v60 =	vor.u32 v10, v1;
	v4 =	vor.u32 v11, v41;
	v5 =	vld.idx.msk [tilespmem:v61+s4+$0x0], $0xffff  }
0x7f: {  	v61 =	vor.u32 v11, v2;
	_ =	sdelay $0x1  }
0x80: {  	[tilespmem:v62+s17+$0x0] =	vst.idx.msk $0xffff, v49  }
0x81: {  	v62 =	vor.u32 v13, v37;
	v51 =	vld.idx.msk [tilespmem:v52+s4+$0x0], $0xffff;
	v52 =	vor.u32 v12, v38;
	[tilespmem:v53+s17+$0x0] =	vst.idx.msk $0xffff, v3  }
0x82: {  	v3 =	vor.u32 v13, v39;
	v53 =	vor.u32 v12, v40;
	v4 =	vld.idx.msk [tilespmem:v4+s4+$0x0], $0xffff;
	[tilespmem:v60+s17+$0x0] =	vst.idx.msk $0xffff, v5  }
0x83: {  	v5 =	vor.u32 v13, v41;
	v60 =	vor.u32 v12, v1;
	v54 =	vld.idx.msk [tilespmem:v61+s4+$0x0], $0xffff  }
0x84: {  	v61 =	vor.u32 v13, v2  }
0x85: {  	[tilespmem:v50+s17+$0x0] =	vst.idx.msk $0xffff, v48  }
0x86: {  	v48 =	vld.idx.msk [tilespmem:v62+s4+$0x0], $0xffff;
	v62 =	vor.u32 v14, v34;
	[tilespmem:v52+s17+$0x0] =	vst.idx.msk $0xffff, v51  }
0x87: {  	v50 =	vor.u32 v15, v37;
	v51 =	vor.u32 v14, v38;
	v3 =	vld.idx.msk [tilespmem:v3+s4+$0x0], $0xffff;
	[tilespmem:v53+s17+$0x0] =	vst.idx.msk $0xffff, v4  }
0x88: {  	v52 =	vor.u32 v14, v40;
	v4 =	vor.u32 v15, v39;
	v5 =	vld.idx.msk [tilespmem:v5+s4+$0x0], $0xffff;
	[tilespmem:v60+s17+$0x0] =	vst.idx.msk $0xffff, v54  }
0x89: {  	v60 =	vor.u32 v15, v41;
	v54 =	vld.idx.msk [tilespmem:v61+s4+$0x0], $0xffff;
	v61 =	vor.u32 v14, v1  }
0x8a: {  	[tilespmem:v46+s17+$0x0] =	vst.idx.msk $0xffff, v44;
	v44 =	vor.u32 v15, v2  }
0x8b: {  	v46 =	vld.idx.msk [tilespmem:v47+s4+$0x0], $0xffff;
	[tilespmem:v62+s17+$0x0] =	vst.idx.msk $0xffff, v48;
	v62 =	vor.u32 v16, v33  }
0x8c: {  	v49 =	vor.u32 v16, v34;
	v48 =	vld.idx.msk [tilespmem:v50+s4+$0x0], $0xffff;
	[tilespmem:v51+s17+$0x0] =	vst.idx.msk $0xffff, v3;
	v3 =	vor.u32 v17, v35  }
0x8d: {  	v50 =	vor.u32 v16, v38;
	v4 =	vld.idx.msk [tilespmem:v4+s4+$0x0], $0xffff;
	[tilespmem:v52+s17+$0x0] =	vst.idx.msk $0xffff, v5;
	v5 =	vor.u32 v17, v37  }
0x8e: {  	v56 =	vor.u32 v17, v39;
	v52 =	vld.idx.msk [tilespmem:v60+s4+$0x0], $0xffff;
	v60 =	vor.u32 v16, v40;
	[tilespmem:v61+s17+$0x0] =	vst.idx.msk $0xffff, v54  }
0x8f: {  	[tilespmem:v45+s17+$0x0] =	vst.idx.msk $0xffff, v43;
	v45 =	vor.u32 v16, v1;
	v61 =	vor.u32 v17, v41;
	v44 =	vld.idx.msk [tilespmem:v44+s4+$0x0], $0xffff  }
0x90: {  	[tilespmem:v62+s17+$0x0] =	vst.idx.msk $0xffff, v46;
	v62 =	vor.u32 v18, v32;
	v54 =	vor.u32 v17, v2  }
0x91: {  	v36 =	vor.u32 v19, v36;
	[tilespmem:v49+s17+$0x0] =	vst.idx.msk $0xffff, v48;
	v48 =	vor.u32 v18, v33;
	v3 =	vld.idx.msk [tilespmem:v3+s4+$0x0], $0xffff  }
0x92: {  	v55 =	vor.u32 v19, v35;
	[tilespmem:v50+s17+$0x0] =	vst.idx.msk $0xffff, v4;
	v4 =	vor.u32 v18, v34;
	v5 =	vld.idx.msk [tilespmem:v5+s4+$0x0], $0xffff  }
0x93: {  	v37 =	vor.u32 v19, v37;
	v49 =	vld.idx.msk [tilespmem:v56+s4+$0x0], $0xffff;
	v56 =	vor.u32 v18, v38;
	[tilespmem:v60+s17+$0x0] =	vst.idx.msk $0xffff, v52  }
0x94: {  	v60 =	vor.u32 v19, v39;
	v43 =	vld.idx.msk [tilespmem:v61+s4+$0x0], $0xffff;
	v61 =	vor.u32 v18, v40;
	[tilespmem:v45+s17+$0x0] =	vst.idx.msk $0xffff, v44  }
0x95: {  	[tilespmem:v62+s17+$0x0] =	vst.idx.msk $0xffff, v42;
	v62 =	vor.u32 v19, v41;
	v53 =	vor.u32 v18, v1;
	v52 =	vld.idx.msk [tilespmem:v54+s4+$0x0], $0xffff  }
0x96: {  	v36 =	vld.idx.msk [tilespmem:v36+s4+$0x0], $0xffff;
	v2 =	vor.u32 v19, v2;
	[tilespmem:v48+s17+$0x0] =	vst.idx.msk $0xffff, v3;
	v54 =	vor.u32 v20, v32  }
0x97: {  	v3 =	vld.idx.msk [tilespmem:v55+s4+$0x0], $0xffff;
	v55 =	vor.u32 v20, v33;
	[tilespmem:v4+s17+$0x0] =	vst.idx.msk $0xffff, v5  }
0x98: {  	v5 =	vor.u32 v20, v34;
	[tilespmem:v56+s17+$0x0] =	vst.idx.msk $0xffff, v49;
	v4 =	vld.idx.msk [tilespmem:v37+s4+$0x0], $0xffff  }
0x99: {  	v56 =	vld.idx.msk [tilespmem:v60+s4+$0x0], $0xffff;
	v60 =	vor.u32 v20, v38;
	[tilespmem:v61+s17+$0x0] =	vst.idx.msk $0xffff, v43  }
0x9a: {  	v61 =	vld.idx.msk [tilespmem:v62+s4+$0x0], $0xffff;
	v62 =	vor.u32 v20, v40;
	[tilespmem:v53+s17+$0x0] =	vst.idx.msk $0xffff, v52  }
0x9b: {  	v1 =	vor.u32 v20, v1;
	[tilespmem:v54+s17+$0x0] =	vst.idx.msk $0xffff, v36;
	v2 =	vld.idx.msk [tilespmem:v2+s4+$0x0], $0xffff  }
0x9c: {  	[tilespmem:v55+s17+$0x0] =	vst.idx.msk $0xffff, v3  }
0x9d: {  	[tilespmem:v5+s17+$0x0] =	vst.idx.msk $0xffff, v4  }
0x9e: {  	[tilespmem:v60+s17+$0x0] =	vst.idx.msk $0xffff, v56  }
0x9f: {  	s26 =	sshll.u32 s25, $0xB;
	[tilespmem:v62+s17+$0x0] =	vst.idx.msk $0xffff, v61  }
0xa0: {  	s26 =	sadd.s32 s7, s26;
	[tilespmem:v1+s17+$0x0] =	vst.idx.msk $0xffff, v2  }
0xa1: {  	[hbm4b:s26+s4] =	stream.linear.scatter [tilespmem:s17], [sflag:$0x3], $0x4000, $0x38;
	[tilespmem:$0xC000] =	vst v63  }
0xa2: {  	s26 =	sadd.s32 s9, s24  }
0xa3: {  	p2 =	sgt.u32 s26, $0x1E83  }
0xa4: {  	v3 =	vmov v20;
	v20 =	vld [tilespmem:$0x1FFF0];
	s26 =	sshll.u32 @!p2 s26, $0x7;
	s28 =	simm.s32 @!p2 $0x400  }
0xa5: {  	s29 =	simm.s32 @!p2 $0x7A1400;
	s30 =	simm.s32 @!p2 $0x0;
	s26 =	sadd.s32 @!p2 s0, s26  }
0xa6: {  	v57 =	vmovc v7;
	v58 =	vmov v9;
	v59 =	vmov v12;
	v63 =	vmov v6;
	[tilespmem:s30], [sflag:$0x1] =	stream.strided.gather @!p2 [hbm4b:s26+s28], $0x2000, s29, s28, $0x38;
	[tilespmem:$0xC000] =	vst v63  }
.LBB2_6:
0xa7: {  	s25 =	sor.u32 $0x20, s25  }
0xa8: {  	p2 =	sgt.u32 s25, $0x1E83  }
.Ltmp6:
0xa9: {  	_ = 	snop;
	(pc) =	sbr.rel @p2 .LBB2_10-.Ltmp6, $1  }
0xaa: {  	_ =	sdelay $0x3  }
0xab: {  	s26 =	simm.s32 $0x0;
	_ =	swait.ge [sflag:s18], $0x2000  }
0xac: {  	v1 =	vadd.s32 s26, v0;
	[sflag:s18] =	ssyncset.done $0x0  }
0xad: {  	s26 =	simm.s32 @!p1 $0x4;
	v1 =	vand.u32 $0x3F, v1;
	[sflag:s18] =	ssyncadd.s32 $0xFFFFE000  }
0xae: {  	v2 =	vshll.u32 v1, $0x7;
	_ =	swait.ge @!p1 [sflag:s26], $0x4000  }
0xaf: {  	v3 =	vor.u32 v20, v2;
	v8 =	vld [tilespmem:$0x1FF00];
	_ =	sdelay $0x2  }
0xb0: {  	[sflag:s26] =	ssyncset.done @!p1 $0x0  }
0xb1: {  	[sflag:s26] =	ssyncadd.s32 @!p1 $0xFFFFC000  }
0xb2: {  	v3 =	vld.idx.msk [tilespmem:v3+s4+$0x0], $0xffff;
	v4 =	vor.u32 v8, v1  }
0xb3: {  	s30 =	simm.s32 $0x1;
	v10 =	vld [tilespmem:$0x1FF10]  }
0xb4: {  	v5 =	vadd.s32 s30, v0  }
0xb5: {  	v32 =	vand.u32 $0x3F, v5  }
0xb6: {  	v36 =	vshll.u32 v32, $0x7  }
0xb7: {  	v5 =	vor.u32 v20, v36;
	[tilespmem:v4+s17+$0x0] =	vst.idx.msk $0xffff, v3  }
0xb8: {  	v33 =	vor.u32 v10, v2;
	v11 =	vld [tilespmem:$0x1FF20]  }
0xb9: {  	v13 =	vld [tilespmem:$0x1FF30];
	_ =	sdelay $0x2  }
0xba: {  	v5 =	vld.idx.msk [tilespmem:v5+s4+$0x0], $0xffff;
	v37 =	vor.u32 v8, v32  }
0xbb: {  	v38 =	vor.u32 v10, v36;
	v3 =	vld.idx.msk [tilespmem:v33+s4+$0x0], $0xffff;
	v4 =	vor.u32 v11, v1  }
0xbc: {  	v34 =	vor.u32 v13, v2  }
0xbd: {  	s31 =	simm.s32 $0x2  }
0xbe: {  	v59 =	vadd.s32 s31, v0  }
0xbf: {  	v33 =	vand.u32 $0x3F, v59;
	[tilespmem:v37+s17+$0x0] =	vst.idx.msk $0xffff, v5  }
0xc0: {  	v35 =	vshll.u32 v33, $0x7;
	v5 =	vld.idx.msk [tilespmem:v38+s4+$0x0], $0xffff;
	v61 =	vor.u32 v11, v32;
	[tilespmem:v4+s17+$0x0] =	vst.idx.msk $0xffff, v3  }
0xc1: {  	v60 =	vor.u32 v21, v1;
	v4 =	vor.u32 v20, v35;
	v3 =	vld.idx.msk [tilespmem:v34+s4+$0x0], $0xffff  }
0xc2: {  	s28 =	simm.s32 $0x3  }
0xc3: {  	v62 =	vadd.s32 s28, v0;
	v39 =	vor.u32 v22, v2  }
0xc4: {  	v34 =	vand.u32 $0x3F, v62  }
0xc5: {  	v40 =	vor.u32 v13, v36;
	[tilespmem:v61+s17+$0x0] =	vst.idx.msk $0xffff, v5;
	v37 =	vshll.u32 v34, $0x7  }
0xc6: {  	v5 =	vor.u32 v20, v37;
	v4 =	vld.idx.msk [tilespmem:v4+s4+$0x0], $0xffff;
	[tilespmem:v60+s17+$0x0] =	vst.idx.msk $0xffff, v3;
	v3 =	vor.u32 v8, v33  }
0xc7: {  	v41 =	vor.u32 v10, v35  }
0xc8: {  	v42 =	vor.u32 v23, v1;
	v39 =	vld.idx.msk [tilespmem:v39+s4+$0x0], $0xffff  }
0xc9: {  	v43 =	vor.u32 v24, v2  }
0xca: {  	v63 =	vor.u32 v21, v32;
	v38 =	vld.idx.msk [tilespmem:v40+s4+$0x0], $0xffff  }
0xcb: {  	v44 =	vor.u32 v8, v34;
	v5 =	vld.idx.msk [tilespmem:v5+s4+$0x0], $0xffff;
	[tilespmem:v3+s17+$0x0] =	vst.idx.msk $0xffff, v4;
	v3 =	vor.u32 v22, v36  }
0xcc: {  	v16 =	vor.u32 v11, v33;
	v4 =	vld.idx.msk [tilespmem:v41+s4+$0x0], $0xffff  }
0xcd: {  	v45 =	vor.u32 v10, v37;
	[tilespmem:v42+s17+$0x0] =	vst.idx.msk $0xffff, v39  }
0xce: {  	s29 =	simm.s32 $0x4;
	v53 =	vor.u32 v25, v1;
	v52 =	vor.u32 v13, v35;
	v17 =	vld.idx.msk [tilespmem:v43+s4+$0x0], $0xffff  }
0xcf: {  	v55 =	vadd.s32 s29, v0;
	v54 =	vor.u32 v26, v2;
	[tilespmem:v63+s17+$0x0] =	vst.idx.msk $0xffff, v38  }
0xd0: {  	v46 =	vor.u32 v23, v32;
	v38 =	vand.u32 $0x3F, v55;
	[tilespmem:v44+s17+$0x0] =	vst.idx.msk $0xffff, v5;
	v3 =	vld.idx.msk [tilespmem:v3+s4+$0x0], $0xffff  }
0xd1: {  	v39 =	vshll.u32 v38, $0x7;
	[tilespmem:v16+s17+$0x0] =	vst.idx.msk $0xffff, v4;
	v4 =	vor.u32 v24, v36  }
0xd2: {  	v58 =	vor.u32 v11, v34;
	v47 =	vor.u32 v20, v39;
	v57 =	vld.idx.msk [tilespmem:v45+s4+$0x0], $0xffff  }
0xd3: {  	v48 =	vor.u32 v21, v33;
	v59 =	vor.u32 v13, v37;
	v42 =	vld.idx.msk [tilespmem:v52+s4+$0x0], $0xffff;
	[tilespmem:v53+s17+$0x0] =	vst.idx.msk $0xffff, v17  }
0xd4: {  	v56 =	vor.u32 v22, v35;
	v5 =	vor.u32 v27, v1;
	v40 =	vld.idx.msk [tilespmem:v54+s4+$0x0], $0xffff  }
0xd5: {  	[tilespmem:v46+s17+$0x0] =	vst.idx.msk $0xffff, v3;
	v3 =	vor.u32 v28, v2  }
0xd6: {  	v51 =	vor.u32 v23, v33;
	v60 =	vor.u32 v25, v32;
	v4 =	vld.idx.msk [tilespmem:v4+s4+$0x0], $0xffff  }
0xd7: {  	v61 =	vor.u32 v26, v36;
	v62 =	vor.u32 v8, v38;
	v47 =	vld.idx.msk [tilespmem:v47+s4+$0x0], $0xffff;
	[tilespmem:v58+s17+$0x0] =	vst.idx.msk $0xffff, v57  }
0xd8: {  	s30 =	simm.s32 $0x5;
	v49 =	vor.u32 v10, v39;
	v54 =	vor.u32 v21, v34;
	v45 =	vld.idx.msk [tilespmem:v59+s4+$0x0], $0xffff;
	[tilespmem:v48+s17+$0x0] =	vst.idx.msk $0xffff, v42  }
0xd9: {  	v63 =	vor.u32 v22, v37;
	v50 =	vld.idx.msk [tilespmem:v56+s4+$0x0], $0xffff;
	[tilespmem:v5+s17+$0x0] =	vst.idx.msk $0xffff, v40;
	v5 =	vadd.s32 s30, v0  }
0xda: {  	v52 =	vor.u32 v29, v1;
	v40 =	vand.u32 $0x3F, v5;
	v5 =	vor.u32 v24, v35;
	v3 =	vld.idx.msk [tilespmem:v3+s4+$0x0], $0xffff  }
0xdb: {  	v2 =	vor.u32 v30, v2;
	v41 =	vshll.u32 v40, $0x7;
	[tilespmem:v60+s17+$0x0] =	vst.idx.msk $0xffff, v4  }
0xdc: {  	v55 =	vor.u32 v27, v32;
	[tilespmem:v62+s17+$0x0] =	vst.idx.msk $0xffff, v47;
	v4 =	vor.u32 v20, v41;
	v42 =	vld.idx.msk [tilespmem:v61+s4+$0x0], $0xffff  }
0xdd: {  	v57 =	vor.u32 v28, v36;
	v49 =	vld.idx.msk [tilespmem:v49+s4+$0x0], $0xffff;
	[tilespmem:v54+s17+$0x0] =	vst.idx.msk $0xffff, v45  }
0xde: {  	v48 =	vld.idx.msk [tilespmem:v63+s4+$0x0], $0xffff;
	[tilespmem:v51+s17+$0x0] =	vst.idx.msk $0xffff, v50;
	v51 =	vor.u32 v11, v38  }
0xdf: {  	v46 =	vor.u32 v25, v33;
	v44 =	vld.idx.msk [tilespmem:v5+s4+$0x0], $0xffff;
	[tilespmem:v52+s17+$0x0] =	vst.idx.msk $0xffff, v3;
	v52 =	vor.u32 v13, v39  }
0xe0: {  	v47 =	vor.u32 v26, v35;
	v45 =	vor.u32 v31, v1;
	v43 =	vld.idx.msk [tilespmem:v2+s4+$0x0], $0xffff  }
0xe1: {  	s31 =	simm.s32 $0x6;
	v54 =	vor.u32 v8, v40;
	v53 =	vld.idx.msk [tilespmem:v4+s4+$0x0], $0xffff;
	[tilespmem:v55+s17+$0x0] =	vst.idx.msk $0xffff, v42  }
0xe2: {  	s26 =	simm.s32 $0x7;
	v56 =	vadd.s32 s31, v0;
	v50 =	vor.u32 v23, v34;
	v55 =	vor.u32 v10, v41;
	v42 =	vld.idx.msk [tilespmem:v57+s4+$0x0], $0xffff  }
.LBB2_8:
0xe3: {  	p1 =	sne.s32 s26, $0x3F;
	v1 =	vand.u32 $0x3F, v56;
	[tilespmem:v51+s17+$0x0] =	vst.idx.msk $0xffff, v49;
	v2 =	vor.u32 v24, v37;
	v3 =	vor.u32 v29, v32  }
0xe4: {  	v56 =	vor.u32 v30, v36;
	v57 =	vmov v38;
	v4 =	vshll.u32 v1, $0x7;
	v5 =	vld.idx.msk [tilespmem:v52+s4+$0x0], $0xffff;
	[tilespmem:v46+s17+$0x0] =	vst.idx.msk $0xffff, v44  }
0xe5: {  	v59 =	vor.u32 v21, v57;
	v58 =	vor.u32 v20, v4;
	v60 =	vld.idx.msk [tilespmem:v47+s4+$0x0], $0xffff;
	[tilespmem:v45+s17+$0x0] =	vst.idx.msk $0xffff, v43  }
0xe6: {  	v61 =	vor.u32 v22, v39;
	v62 =	vor.u32 v27, v33;
	v38 =	vmov v40;
	[tilespmem:v54+s17+$0x0] =	vst.idx.msk $0xffff, v53  }
0xe7: {  	v63 =	vor.u32 v28, v35;
	v36 =	vmov v35;
	v40 =	vmov v1;
	v49 =	vld.idx.msk [tilespmem:v55+s4+$0x0], $0xffff;
	[tilespmem:v50+s17+$0x0] =	vst.idx.msk $0xffff, v48  }
.Ltmp7:
0xe8: {  	v35 =	vmov v37;
	v37 =	vmov v39;
	v51 =	vor.u32 v11, v38;
	v44 =	vld.idx.msk [tilespmem:v2+s4+$0x0], $0xffff;
	[tilespmem:v3+s17+$0x0] =	vst.idx.msk $0xffff, v42;
	(pc) =	sbr.rel @p1 .LBB2_8-.Ltmp7, $4  }
0xe9: {  	v39 =	vmovc v41;
	v52 =	vor.u32 v13, v41;
	v46 =	vor.u32 v25, v34;
	v41 =	vmov v4;
	v43 =	vld.idx.msk [tilespmem:v56+s4+$0x0], $0xffff  }
0xea: {  	v47 =	vor.u32 v26, v35;
	v45 =	vor.u32 v31, v32;
	v53 =	vld.idx.msk [tilespmem:v58+s4+$0x0], $0xffff;
	[tilespmem:v59+s17+$0x0] =	vst.idx.msk $0xffff, v5  }
0xeb: {  	v32 =	vmov v33;
	v33 =	vmov v34;
	v54 =	vor.u32 v8, v40;
	v48 =	vld.idx.msk [tilespmem:v61+s4+$0x0], $0xffff;
	[tilespmem:v62+s17+$0x0] =	vst.idx.msk $0xffff, v60  }
0xec: {  	v34 =	vmovc v57;
	v55 =	vor.u32 v10, v41;
	v50 =	vor.u32 v23, v57;
	v56 =	vadd.s32 s26, v0;
	s26 =	sadd.s32 $0x1, s26;
	v42 =	vld.idx.msk [tilespmem:v63+s4+$0x0], $0xffff  }
0xed: {  	v1 =	vand.u32 $0x3F, v56  }
0xee: {  	v2 =	vshll.u32 v1, $0x7  }
0xef: {  	v3 =	vor.u32 v20, v2;
	_ =	sdelay $0x4  }
0xf0: {  	v4 =	vor.u32 v8, v1;
	v3 =	vld.idx.msk [tilespmem:v3+s4+$0x0], $0xffff  }
0xf1: {  	v5 =	vor.u32 v10, v2;
	_ =	sdelay $0x2  }
0xf2: {  	[tilespmem:v54+s17+$0x0] =	vst.idx.msk $0xffff, v53  }
0xf3: {  	v60 =	vor.u32 v11, v40;
	v53 =	vld.idx.msk [tilespmem:v55+s4+$0x0], $0xffff;
	[tilespmem:v4+s17+$0x0] =	vst.idx.msk $0xffff, v3  }
0xf4: {  	v3 =	vor.u32 v13, v41;
	v4 =	vld.idx.msk [tilespmem:v5+s4+$0x0], $0xffff;
	v5 =	vor.u32 v11, v1  }
0xf5: {  	v61 =	vor.u32 v13, v2;
	_ =	sdelay $0x1  }
0xf6: {  	[tilespmem:v51+s17+$0x0] =	vst.idx.msk $0xffff, v49  }
0xf7: {  	v62 =	vor.u32 v21, v38;
	v49 =	vld.idx.msk [tilespmem:v52+s4+$0x0], $0xffff;
	[tilespmem:v60+s17+$0x0] =	vst.idx.msk $0xffff, v53  }
0xf8: {  	v63 =	vor.u32 v22, v39;
	v57 =	vor.u32 v21, v40;
	v3 =	vld.idx.msk [tilespmem:v3+s4+$0x0], $0xffff;
	[tilespmem:v5+s17+$0x0] =	vst.idx.msk $0xffff, v4  }
0xf9: {  	v58 =	vor.u32 v21, v1;
	v4 =	vor.u32 v22, v41;
	v5 =	vld.idx.msk [tilespmem:v61+s4+$0x0], $0xffff  }
0xfa: {  	v59 =	vor.u32 v22, v2;
	_ =	sdelay $0x1  }
0xfb: {  	[tilespmem:v62+s17+$0x0] =	vst.idx.msk $0xffff, v49  }
0xfc: {  	v51 =	vld.idx.msk [tilespmem:v63+s4+$0x0], $0xffff;
	v60 =	vor.u32 v24, v37;
	v61 =	vor.u32 v23, v38;
	[tilespmem:v57+s17+$0x0] =	vst.idx.msk $0xffff, v3  }
0xfd: {  	v62 =	vor.u32 v23, v40;
	v3 =	vor.u32 v24, v39;
	v4 =	vld.idx.msk [tilespmem:v4+s4+$0x0], $0xffff;
	[tilespmem:v58+s17+$0x0] =	vst.idx.msk $0xffff, v5  }
0xfe: {  	v63 =	vor.u32 v23, v1;
	v5 =	vor.u32 v24, v41;
	v54 =	vld.idx.msk [tilespmem:v59+s4+$0x0], $0xffff  }
0xff: {  	v56 =	vor.u32 v24, v2  }
0x100: {  	[tilespmem:v50+s17+$0x0] =	vst.idx.msk $0xffff, v48  }
0x101: {  	v48 =	vld.idx.msk [tilespmem:v60+s4+$0x0], $0xffff;
	[tilespmem:v61+s17+$0x0] =	vst.idx.msk $0xffff, v51;
	v59 =	vor.u32 v25, v34  }
0x102: {  	v60 =	vor.u32 v26, v37;
	v61 =	vor.u32 v25, v38;
	v3 =	vld.idx.msk [tilespmem:v3+s4+$0x0], $0xffff;
	[tilespmem:v62+s17+$0x0] =	vst.idx.msk $0xffff, v4  }
0x103: {  	v4 =	vor.u32 v26, v39;
	v62 =	vor.u32 v25, v40;
	v5 =	vld.idx.msk [tilespmem:v5+s4+$0x0], $0xffff;
	[tilespmem:v63+s17+$0x0] =	vst.idx.msk $0xffff, v54  }
0x104: {  	v57 =	vor.u32 v25, v1;
	v63 =	vor.u32 v26, v41;
	v54 =	vld.idx.msk [tilespmem:v56+s4+$0x0], $0xffff  }
0x105: {  	[tilespmem:v46+s17+$0x0] =	vst.idx.msk $0xffff, v44;
	v58 =	vor.u32 v26, v2  }
0x106: {  	v46 =	vld.idx.msk [tilespmem:v47+s4+$0x0], $0xffff;
	[tilespmem:v59+s17+$0x0] =	vst.idx.msk $0xffff, v48;
	v59 =	vor.u32 v27, v33  }
0x107: {  	v48 =	vld.idx.msk [tilespmem:v60+s4+$0x0], $0xffff;
	v60 =	vor.u32 v27, v34;
	[tilespmem:v61+s17+$0x0] =	vst.idx.msk $0xffff, v3;
	v3 =	vor.u32 v28, v35  }
0x108: {  	v61 =	vor.u32 v27, v38;
	v4 =	vld.idx.msk [tilespmem:v4+s4+$0x0], $0xffff;
	[tilespmem:v62+s17+$0x0] =	vst.idx.msk $0xffff, v5;
	v5 =	vor.u32 v28, v37  }
0x109: {  	v62 =	vor.u32 v28, v39;
	v52 =	vld.idx.msk [tilespmem:v63+s4+$0x0], $0xffff;
	v63 =	vor.u32 v27, v40;
	[tilespmem:v57+s17+$0x0] =	vst.idx.msk $0xffff, v54  }
0x10a: {  	[tilespmem:v45+s17+$0x0] =	vst.idx.msk $0xffff, v43;
	v55 =	vor.u32 v28, v41;
	v56 =	vor.u32 v27, v1;
	v44 =	vld.idx.msk [tilespmem:v58+s4+$0x0], $0xffff  }
0x10b: {  	[tilespmem:v59+s17+$0x0] =	vst.idx.msk $0xffff, v46;
	v57 =	vor.u32 v29, v32;
	v58 =	vor.u32 v28, v2  }
0x10c: {  	v36 =	vor.u32 v30, v36;
	[tilespmem:v60+s17+$0x0] =	vst.idx.msk $0xffff, v48;
	v48 =	vor.u32 v29, v33;
	v3 =	vld.idx.msk [tilespmem:v3+s4+$0x0], $0xffff  }
0x10d: {  	v59 =	vor.u32 v30, v35;
	[tilespmem:v61+s17+$0x0] =	vst.idx.msk $0xffff, v4;
	v4 =	vor.u32 v29, v34;
	v5 =	vld.idx.msk [tilespmem:v5+s4+$0x0], $0xffff  }
0x10e: {  	v60 =	vor.u32 v30, v37;
	v61 =	vld.idx.msk [tilespmem:v62+s4+$0x0], $0xffff;
	v62 =	vor.u32 v29, v38;
	[tilespmem:v63+s17+$0x0] =	vst.idx.msk $0xffff, v52  }
0x10f: {  	v54 =	vor.u32 v29, v40;
	v63 =	vor.u32 v30, v39;
	v43 =	vld.idx.msk [tilespmem:v55+s4+$0x0], $0xffff;
	[tilespmem:v56+s17+$0x0] =	vst.idx.msk $0xffff, v44  }
0x110: {  	[tilespmem:v57+s17+$0x0] =	vst.idx.msk $0xffff, v42;
	v55 =	vor.u32 v30, v41;
	v57 =	vor.u32 v29, v1;
	v56 =	vld.idx.msk [tilespmem:v58+s4+$0x0], $0xffff  }
0x111: {  	v2 =	vor.u32 v30, v2;
	v36 =	vld.idx.msk [tilespmem:v36+s4+$0x0], $0xffff;
	[tilespmem:v48+s17+$0x0] =	vst.idx.msk $0xffff, v3;
	v58 =	vor.u32 v31, v32  }
0x112: {  	v3 =	vld.idx.msk [tilespmem:v59+s4+$0x0], $0xffff;
	v59 =	vor.u32 v31, v33;
	[tilespmem:v4+s17+$0x0] =	vst.idx.msk $0xffff, v5  }
0x113: {  	v5 =	vor.u32 v31, v34;
	[tilespmem:v62+s17+$0x0] =	vst.idx.msk $0xffff, v61;
	v4 =	vld.idx.msk [tilespmem:v60+s4+$0x0], $0xffff  }
0x114: {  	v61 =	vor.u32 v31, v38;
	v60 =	vld.idx.msk [tilespmem:v63+s4+$0x0], $0xffff;
	[tilespmem:v54+s17+$0x0] =	vst.idx.msk $0xffff, v43  }
0x115: {  	v63 =	vor.u32 v31, v40;
	v62 =	vld.idx.msk [tilespmem:v55+s4+$0x0], $0xffff;
	[tilespmem:v57+s17+$0x0] =	vst.idx.msk $0xffff, v56  }
0x116: {  	v1 =	vor.u32 v31, v1;
	[tilespmem:v58+s17+$0x0] =	vst.idx.msk $0xffff, v36;
	v2 =	vld.idx.msk [tilespmem:v2+s4+$0x0], $0xffff  }
0x117: {  	[tilespmem:v59+s17+$0x0] =	vst.idx.msk $0xffff, v3  }
0x118: {  	[tilespmem:v5+s17+$0x0] =	vst.idx.msk $0xffff, v4  }
0x119: {  	[tilespmem:v61+s17+$0x0] =	vst.idx.msk $0xffff, v60  }
0x11a: {  	[tilespmem:v63+s17+$0x0] =	vst.idx.msk $0xffff, v62  }
0x11b: {  	[tilespmem:v1+s17+$0x0] =	vst.idx.msk $0xffff, v2  }
0x11c: {  	v8 =	vld [tilespmem:$0x1FF40]  }
0x11d: {  	v10 =	vld [tilespmem:$0x1FF50]  }
0x11e: {  	v11 =	vld [tilespmem:$0x1FF60]  }
0x11f: {  	v13 =	vld [tilespmem:$0x1FF70]  }
0x120: {  	v14 =	vld [tilespmem:$0x1FF80]  }
0x121: {  	s24 =	sadd.s32 s10, s24;
	v15 =	vld [tilespmem:$0x1FF90]  }
.Ltmp8:
0x122: {  	s25 =	sshll.u32 s25, $0xB;
	p1 =	sgt.u32 s24, $0x1E83;
	v18 =	vld [tilespmem:$0x1FFC0];
	(pc) =	sbr.rel .LBB2_10-.Ltmp8, $4  }
0x123: {  	s25 =	sadd.s32 s7, s25;
	s24 =	sshll.u32 @!p1 s24, $0x7;
	s26 =	simm.s32 @!p1 $0x7A1400;
	v19 =	vld [tilespmem:$0x1FFD0]  }
0x124: {  	[hbm4b:s25+s4] =	stream.linear.scatter [tilespmem:s19], [sflag:$0x4], $0x4000, $0x38;
	v16 =	vld [tilespmem:$0x1FFA0]  }
0x125: {  	s28 =	simm.s32 @!p1 $0x2000;
	s24 =	sadd.s32 @!p1 s0, s24;
	s25 =	simm.s32 @!p1 $0x400;
	v17 =	vld [tilespmem:$0x1FFB0]  }
0x126: {  	v57 =	vmovc v7;
	v58 =	vmov v9;
	v59 =	vmov v12;
	v63 =	vmov v6;
	v3 =	vld [tilespmem:$0x1FFE0];
	[tilespmem:s28], [sflag:$0x2] =	stream.strided.gather @!p1 [hbm4b:s24+s25], $0x2000, s26, s25, $0x38  }
.LBB2_12:
0x127: {  	_ =	sfence.sel $0x180000  }
0x128: {  	[bflag:$0x0] =	sbarrier.arrive $0xFFFF  }
0x129: {  	p0 =	sne.s32 s1, $0x0;
	_ =	strace $0x90000047  }
0x12a: {  	s0 =	sadd.s32 @!p0 $0x100000, s3;
	[bflag:$0x2] =	sbarrier.arrive $0xFFFF  }
0x12b: {  	[sflag:s0] =	ssyncadd.tile.s32 @!p0 $0x1;
	_ =	shalt  }
.Lfunc_end2:
_tile_overlayer_lowered:
.L_overlay_start_2:
0x12c: {  	(tag) =	ssettag $0x2  }
0x12d: {  	s0 =	rddreg [dreg:$0x0];
	s2 =	stileid.u32  }
0x12e: {  	s1 =	rddreg [dreg:$0x1];
	p0 =	sne.s32 s2, $0x0  }
0x12f: {  	s3 =	rddreg [dreg:$0x2];
	[bflag:$0x3] =	sbarrier.arrive $0xFFFF;
	s2 =	simm.s32 @!p0 $0x1C05  }
0x130: {  	[timem:s3], [sflag:s2] =	dma.local @!p0 [hbm:s0], s1  }
0x131: {  	s0 =	simm.s32 @!p0 $0x5  }
0x132: {  	_ =	swait.ge @!p0 [sflag:s0], s1  }
0x133: {  	s1 =	ssub.s32 @!p0 $0x0, s1;
	[sflag:s0] =	ssyncset.done @!p0 $0x0  }
0x134: {  	[sflag:s0] =	ssyncadd.s32 @!p0 s1  }
0x135: {  	[bflag:$0x3] =	sbarrier.arrive $0xFFFF  }
0x136: {  	_ =	shalt  }

// kernel: kernel.7.cloned.1.call-start
scs
__scs_entry_jumppad:
0x0: {  	(pc) =	sbr.rel $0x88, $3  }
0x1: {  	(tag) =	ssettag $0x0;
	lr =	simm.s32 $0x1  }
0x2: {  	[smem:$0x3F9D] =	sst lr;
	_ =	strace $0xD0000000  }
0x3: {  	_ = 	snop  }
0x4: {  	_ = 	snop  }
0x5: {  	_ = 	snop  }
0x6: {  	_ = 	snop  }
0x7: {  	_ = 	snop  }
__scs_overlays_trampoline_lowered:
0x8: {  	[smem:$0x3FAC] =	sst s0  }
0x9: {  	[smem:$0x3FAD] =	sst s1  }
0xa: {  	[smem:$0x3FAE] =	sst s2  }
0xb: {  	[smem:$0x3FAF] =	sst s3  }
0xc: {  	[smem:$0x3FB0] =	sst s4  }
0xd: {  	[smem:$0x3FB1] =	sst s5  }
0xe: {  	[smem:$0x3FB2] =	sst s6  }
0xf: {  	[smem:$0x3FB3] =	sst s7  }
0x10: {  	[smem:$0x3FB4] =	sst s8  }
0x11: {  	[smem:$0x3FB5] =	sst s9;
	s0 =	simm.s32 @!p0 $0x0  }
0x12: {  	s1 =	sld [smem:$0x3F9B];
	s0 =	simm.s32 @p0 $0x1  }
0x13: {  	[smem:$0x3FB6] =	sst s0;
	s0 =	simm.s32 @!p1 $0x0  }
0x14: {  	s2 =	sld [smem:$0x3F9A];
	s0 =	simm.s32 @p1 $0x1  }
0x15: {  	[smem:$0x3FB7] =	sst s0;
	s0 =	simm.s32 @!p2 $0x0  }
0x16: {  	s3 =	sld [smem:$0x3FDB];
	s0 =	simm.s32 @p2 $0x1  }
0x17: {  	s4 =	simm.s32 $0x1BF5;
	[smem:$0x3FB9] =	sst s0  }
0x18: {  	s0 =	sld [smem:$0x3F9C];
	_ =	swait.ge [sflag:s4], $0x0  }
0x19: {  	s7 =	sld [smem:$0x3F9D]  }
0x1a: {  	s8 =	sadd.s32 $0xFFFFE003, lr  }
0x1b: {  	s9 =	sadd.s32 $0xFFFFFEF7, lr;
	s5 =	simm.s32 $0xFFFFFFFF;
	p2 =	slt.u32 s8, $0xFFFFF086  }
0x1c: {  	p1 =	slt.u32 s9, $0xF7A;
	s5 =	simm.s32 @!p2 $0x0  }
0x1d: {  	s5 =	simm.s32 @p1 $0x1;
	p0 =	seq.s32 s7, s2  }
0x1e: {  	s7 =	smul.u32 @!p0 $0xF7A, s2;
	p2 =	seq.s32 @!p0 s5, $0x0  }
0x1f: {  	s9 =	smul.u32 $0xF7A, s1;
	s8 =	simm.s32 @!p0 $0x1BF5;
	p2 =	por !p2, p0  }
0x20: {  	[sflag:s8] =	ssyncset.s32 @!p0 $0xFFFFF086;
	s6 =	sadd.s32 @!p0 s3, s7;
	s7 =	simm.s32 @!p0 $0x108  }
0x21: {  	s3 =	sadd.s32 s3, s9;
	s6 =	sadd.s32 @!p0 $0x88, s6;
	s7 =	simm.s32 @p2 $0x1082  }
0x22: {  	[simem:s7], [sflag:s8] =	dma.local @!p0 [hbm:s6], $0xF7A  }
0x23: {  	s9 =	sor.u32 $0xD0000000, s2;
	s6 =	simm.s32 $0x108;
	_ =	swait.ge @!p0 [sflag:s8], $0x0  }
0x24: {  	s3 =	sadd.s32 $0x88, s3;
	s6 =	simm.s32 @!p1 $0x1082;
	[sflag:s4] =	ssyncset.s32 $0xFFFFF086  }
0x25: {  	[simem:s6], [sflag:s4] =	dma.local [hbm:s3], $0xF7A  }
0x26: {  	[smem:$0x3F9D] =	sst s1;
	(tag) =	ssettag s2;
	_ =	strace s9  }
0x27: {  	s1 =	sld [smem:$0x3FAD]  }
0x28: {  	s2 =	sld [smem:$0x3FAE]  }
0x29: {  	s4 =	sld [smem:$0x3FB0]  }
0x2a: {  	p0 =	seq.s32 s5, $0x0;
	s5 =	sld [smem:$0x3FB1]  }
0x2b: {  	s6 =	sld [smem:$0x3FB2]  }
0x2c: {  	s7 =	sld [smem:$0x3FB3]  }
0x2d: {  	s3 =	simm.s32 $0x108;
	s8 =	sld [smem:$0x3FB4]  }
0x2e: {  	s3 =	simm.s32 @!p0 $0x1082;
	s9 =	sld [smem:$0x3FB5]  }
0x2f: {  	lr =	sadd.s32 s0, s3;
	s0 =	sld [smem:$0x3FAC]  }
0x30: {  	s3 =	sld [smem:$0x3FAF]  }
0x31: {  	[smem:$0x3FB8] =	sst s10  }
0x32: {  	s10 =	sld [smem:$0x3FB6];
	_ =	sdelay $0x3  }
0x33: {  	p0 =	seq.s32 s10, $0x1;
	s10 =	sld [smem:$0x3FB8];
	_ =	sdelay $0x3  }
0x34: {  	[smem:$0x3FB8] =	sst s10  }
0x35: {  	s10 =	sld [smem:$0x3FB7];
	_ =	sdelay $0x3  }
0x36: {  	p1 =	seq.s32 s10, $0x1;
	s10 =	sld [smem:$0x3FB8];
	_ =	sdelay $0x3  }
0x37: {  	[smem:$0x3FB8] =	sst s10  }
0x38: {  	s10 =	sld [smem:$0x3FB9]  }
0x39: {  	_ = 	snop;
	(pc) =	sbr.ind lr, $3  }
0x3a: {  	_ = 	snop  }
0x3b: {  	_ = 	snop  }
0x3c: {  	p2 =	seq.s32 s10, $0x1;
	s10 =	sld [smem:$0x3FB8]  }
0x3d: {  	_ =	shalt  }
0x3e: {  	_ =	shalt  }
0x3f: {  	_ =	shalt  }
0x40: {  	_ =	shalt  }
0x41: {  	_ =	shalt  }
0x42: {  	_ =	shalt  }
0x43: {  	_ =	shalt  }
0x44: {  	_ =	shalt  }
0x45: {  	_ =	shalt  }
0x46: {  	_ =	shalt  }
0x47: {  	_ =	shalt  }
0x48: {  	_ =	shalt  }
0x49: {  	_ =	shalt  }
0x4a: {  	_ =	shalt  }
0x4b: {  	_ =	shalt  }
0x4c: {  	_ =	shalt  }
0x4d: {  	_ =	shalt  }
0x4e: {  	_ =	shalt  }
0x4f: {  	_ =	shalt  }
0x50: {  	_ =	shalt  }
0x51: {  	_ =	shalt  }
0x52: {  	_ =	shalt  }
0x53: {  	_ =	shalt  }
0x54: {  	_ =	shalt  }
0x55: {  	_ =	shalt  }
0x56: {  	_ =	shalt  }
0x57: {  	_ =	shalt  }
0x58: {  	_ =	shalt  }
0x59: {  	_ =	shalt  }
0x5a: {  	_ =	shalt  }
0x5b: {  	_ =	shalt  }
0x5c: {  	_ =	shalt  }
0x5d: {  	_ =	shalt  }
0x5e: {  	_ =	shalt  }
0x5f: {  	_ =	shalt  }
0x60: {  	_ =	shalt  }
0x61: {  	_ =	shalt  }
0x62: {  	_ =	shalt  }
0x63: {  	_ =	shalt  }
0x64: {  	_ =	shalt  }
0x65: {  	_ =	shalt  }
0x66: {  	_ =	shalt  }
0x67: {  	_ =	shalt  }
0x68: {  	_ =	shalt  }
0x69: {  	_ =	shalt  }
0x6a: {  	_ =	shalt  }
0x6b: {  	_ =	shalt  }
0x6c: {  	_ =	shalt  }
0x6d: {  	_ =	shalt  }
0x6e: {  	_ =	shalt  }
0x6f: {  	_ =	shalt  }
0x70: {  	_ =	shalt  }
0x71: {  	_ =	shalt  }
0x72: {  	_ =	shalt  }
0x73: {  	_ =	shalt  }
0x74: {  	_ =	shalt  }
0x75: {  	_ =	shalt  }
0x76: {  	_ =	shalt  }
0x77: {  	_ =	shalt  }
0x78: {  	_ =	shalt  }
0x79: {  	_ =	shalt  }
0x7a: {  	_ =	shalt  }
0x7b: {  	_ =	shalt  }
0x7c: {  	_ =	shalt  }
0x7d: {  	_ =	shalt  }
0x7e: {  	_ =	shalt  }
0x7f: {  	_ =	shalt  }
0x80: {  	_ =	shalt  }
0x81: {  	_ =	shalt  }
0x82: {  	_ =	shalt  }
0x83: {  	_ =	shalt  }
0x84: {  	_ =	shalt  }
0x85: {  	_ =	shalt  }
0x86: {  	_ =	shalt  }
0x87: {  	_ =	shalt  }
.Lfunc_end0:
.L_simem_size_0:
called_computation.1_lowered:
.L_overlay_start_0:
0x88: {  	s2 =	sld [smem:$0x3FD9]  }
0x89: {  	s3 =	sld [smem:$0x3FFE];
	_ =	sdelay $0x1  }
0x8a: {  	s1 =	srdreg.scid  }
0x8b: {  	s0 =	sand.u32 $0x1, s1  }
0x8c: {  	s17 =	sshll.u32 s0, $0xA;
	s2 =	sadd.s32 s3, s2  }
0x8d: {  	s2 =	sadd.s32 s2, s17  }
0x8e: {  	[smem:$0x3FC4] =	sst s2  }
0x8f: {  	_ = 	snop  }
0x90: {  	s2 =	sld [smem:$0x3FD0];
	(tm) =	ssettm $0x1  }
0x91: {  	s18 =	sld [smem:$0x3FFB];
	_ =	sdelay $0x3  }
0x92: {  	_ =	strace s18  }
0x93: {  	s3 =	sld [smem:$0x3FFC];
	_ =	sdelay $0x3  }
0x94: {  	_ =	strace s3  }
0x95: {  	s3 =	sld [smem:$0x3FFD];
	_ =	sdelay $0x3  }
0x96: {  	_ =	strace s3  }
0x97: {  	_ =	strace $0x8FFFFFFF  }
0x98: {  	s19 =	sld [smem:$0x3FDB];
	_ =	sdelay $0x1  }
0x99: {  	s4 =	simm.s32 $_scs_section_size  }
0x9a: {  	s5 =	simm.s32 $_size__tile_overlayer_lowered;
	s6 =	simm.s32 $_tile_overlayer_lowered  }
0x9b: {  	s22 =	simm.s32 $0x1BFF;
	s21 =	sshll.u32 s6, $0x1;
	s3 =	sadd.s32 s4, s19  }
0x9c: {  	s7 =	simm.s32 $0x0;
	s20 =	sshll.u32 s5, $0x1;
	s5 =	sadd.s32 s21, s3  }
0x9d: {  	[timem:s7], [sflag:s22] =	dma.local [hbm:s5], s20  }
0x9e: {  	_ =	swait.ge [sflag:s22], s20  }
0x9f: {  	s4 =	ssub.s32 $0x0, s20;
	[sflag:s22] =	ssyncset.done $0x0  }
0xa0: {  	[sflag:s22] =	ssyncadd.s32 s4;
	_ =	sdelay $0x1  }
0xa1: {  	s23 =	simm.s32 $0x1B8B  }
0xa2: {  	_ =	swait.ge [sflag:s23], $0x1  }
0xa3: {  	[sflag:s23] =	ssyncset.done $0x0  }
0xa4: {  	s25 =	simm.s32 $0x1B8E;
	s24 =	sld [smem:$0x3FFE];
	[sflag:s23] =	ssyncadd.s32 $0xFFFFFFFF  }
0xa5: {  	s26 =	simm.s32 $execute0_lowered;
	[smem:$0x3FD2] =	sst s25  }
0xa6: {  	s5 =	sshll.u32 s26, $0x1;
	_ =	strace $0x80000049;
	[dreg:$0x1] =	wrdreg $0xFFFFFFFF  }
0xa7: {  	s28 =	simm.s32 $_size_execute0_lowered;
	s3 =	sadd.s32 s3, s5;
	[dreg:$0x0] =	wrdreg $0x0  }
0xa8: {  	s5 =	sshll.u32 s28, $0x1;
	[dreg:$0x2] =	wrdreg s3  }
0xa9: {  	[dreg:$0x3] =	wrdreg s5  }
0xaa: {  	[dreg:$0x4] =	wrdreg $0xC0  }
0xab: {  	_ =	task [dreg:s7], $0x5FFFF  }
0xac: {  	[dreg:$0x1] =	wrdreg $0xFFFFFFFF  }
0xad: {  	[dreg:$0x0] =	wrdreg $0x60  }
0xae: {  	[dreg:$0x2] =	wrdreg s24  }
0xaf: {  	[dreg:$0x3] =	wrdreg s2  }
0xb0: {  	[dreg:$0x4] =	wrdreg $0x9  }
0xb1: {  	_ =	task.clear_ibuf [dreg:s7], $0x5FFFF;
	_ =	strace $0x90000049  }
0xb2: {  	s29 =	simm.s32 $0x9;
	_ =	strace $0x8000004B  }
0xb3: {  	_ =	swait.ge [sflag:s29], $0x1  }
0xb4: {  	[sflag:s29] =	ssyncadd.s32 $0xFFFFFFFF  }
0xb5: {  	_ =	strace $0x9000004B  }
0xb6: {  	_ =	sfence  }
0xb7: {  	s30 =	sld [smem:$0x0];
	_ =	sdelay $0x2  }
0xb8: {  	s31 =	sshll.u32 s1, $0xD;
	s1 =	sshrl.u32 s1, $0x2  }
0xb9: {  	s3 =	sand.u32 $0x4000, s31;
	s1 =	sadd.s32 s1, s30  }
0xba: {  	s0 =	sor.u32 s3, s0;
	s1 =	sshll.u32 s1, $0x11  }
0xbb: {  	s0 =	sor.u32 s1, s0  }
0xbc: {  	s0 =	sadd.s32 $0x8F2B, s0  }
0xbd: {  	[sflag:s0] =	ssyncadd.remote.s32 $0x1  }
0xbe: {  	_ =	sfence.sel $0xFFFF  }
0xbf: {  	[dreg:$0x0] =	wrdreg $0xFFFFFFFF;
	(pc) =	sbr.abs _section_cstart, $3  }
0xc0: {  	[dreg:$0x1] =	wrdreg $0xFFFFFFFF  }
0xc1: {  	_ =	task.clear_ibuf [dreg:s7], $0x2FFFF;
	_ =	strace $0x9FFFFFFF  }
0xc2: {  	(tm) =	ssettm $0x7FFFFFFF  }
0xc3: {  	_ =	shalt  }
tec
execute0_lowered:
.L_overlay_start_1:
0x0: {  	(tag) =	ssettag $0x1  }
0x1: {  	s0 =	srdreg.scid;
	s2 =	stileid.u32  }
0x2: {  	s1 =	rddreg [dreg:$0x0];
	s11 =	simm.s32 $0x5;
	s12 =	simm.s32 $0x12400  }
0x3: {  	v41 =	vlaneseq.u32;
	s13 =	simm.s32 $0x12800;
	s0 =	sand.u32 $0x1, s0;
	s3 =	sshll.u32 s2, $0x1  }
0x4: {  	s14 =	simm.s32 $0x80;
	v37 =	vmul.u32 $0x80, v41;
	s8 =	sor.u32 s0, s3;
	s3 =	simm.s32 $0x0  }
0x5: {  	s15 =	simm.s32 $0x6400;
	s16 =	simm.s32 $0xA400;
	[smem:$0x7FF] =	sst s3  }
0x6: {  	s17 =	simm.s32 $0x1;
	s2 =	rddreg [dreg:$0x1];
	v34 =	vor.u32 $0x800, v37;
	_ =	strace $0x8000004A;
	[tilespmem:$0x1FF80] =	vst v37  }
0x7: {  	s18 =	simm.s32 $0xE400;
	s19 =	simm.s32 $0x400;
	s20 =	simm.s32 $0x8000;
	v51 =	vor.u32 $0x1000, v37;
	[tilespmem:$0x1FF90] =	vst v34  }
0x8: {  	s21 =	simm.s32 $0x2;
	s22 =	simm.s32 $0x4;
	s23 =	simm.s32 $0x10400;
	v49 =	vor.u32 $0x1800, v37;
	[tilespmem:$0x1FFA0] =	vst v51  }
.Ltmp0:
0x9: {  	s24 =	simm.s32 $0x3;
	s25 =	simm.s32 $0x0;
	v52 =	vor.u32 $0x2000, v37;
	[tilespmem:$0x1FFB0] =	vst v49;
	(pc) =	sbr.rel .LBB2_1-.Ltmp0, $4  }
0xa: {  	s5 =	sadd.s32 $0xF43800, s1;
	s0 =	ssub.s32 $0x2, s0;
	s4 =	smul.u32 $0xC80, s8;
	v63 =	vor.u32 $0x2800, v37;
	[tilespmem:$0x1FFC0] =	vst v52  }
0xb: {  	s6 =	sadd.s32 $0xF43600, s1;
	s9 =	sshrl.u32 s0, $0x1;
	s8 =	sshll.u32 s8, $0x7;
	v53 =	vor.u32 $0x3000, v37;
	[tilespmem:$0x1FFD0] =	vst v63  }
0xc: {  	v57 =	vor.u32 $0x3800, v37;
	s0 =	ssub.s32 s0, s9;
	s9 =	sadd.s32 $0x8000, s2;
	[tilespmem:$0x1FFE0] =	vst v53;
	s7 =	sadd.s32 s4, s1  }
0xd: {  	[tilespmem:$0x1FFF0] =	vst v57;
	s4 =	sadd.s32 $0xE00, s1;
	s10 =	smax.u32 s0, $0x1;
	s7 =	sadd.s32 $0xF43A00, s7  }
.LBB2_16:
0xe: {  	_ =	swait.ge [sflag:s24], $0x2000  }
0xf: {  	[sflag:s24] =	ssyncset.done $0x0  }
0x10: {  	[sflag:s24] =	ssyncadd.s32 $0xFFFFE000  }
0x11: {  	_ =	swait.ge [sflag:s22], $0x2000  }
0x12: {  	v51 =	vld [tilespmem:$0x1FFA0]  }
0x13: {  	s25 =	sadd.s32 $0x1, s25;
	v49 =	vld [tilespmem:$0x1FFB0]  }
0x14: {  	p0 =	sne.s32 s25, s10;
	v52 =	vld [tilespmem:$0x1FFC0]  }
.Ltmp1:
0x15: {  	v63 =	vld [tilespmem:$0x1FFD0];
	(pc) =	sbr.rel @!p0 .LBB2_17-.Ltmp1, $4  }
0x16: {  	v53 =	vld [tilespmem:$0x1FFE0]  }
0x17: {  	v57 =	vld [tilespmem:$0x1FFF0]  }
0x18: {  	[sflag:s22] =	ssyncset.done $0x0;
	v37 =	vld [tilespmem:$0x1FF80]  }
0x19: {  	v34 =	vld [tilespmem:$0x1FF90];
	[sflag:s22] =	ssyncadd.s32 $0xFFFFE000  }
.LBB2_1:
0x1a: {  	[tilespmem:s3], [sflag:$0x5] =	stream.linear.gather [hbm4b:s7+s3], $0x6400, $0x38;
	[tilespmem:$0x12C00] =	vst v63  }
0x1b: {  	_ =	swait.ge [sflag:s11], $0x6400  }
0x1c: {  	[sflag:s11] =	ssyncset.done $0x0  }
0x1d: {  	[sflag:s11] =	ssyncadd.s32 $0xFFFF9C00  }
0x1e: {  	[tilespmem:s12], [sflag:$0x5] =	stream.linear.gather [hbm4b:s5+s3], $0x400, $0x38;
	[tilespmem:$0x12C00] =	vst v63  }
0x1f: {  	_ =	swait.ge [sflag:s11], $0x400  }
0x20: {  	[sflag:s11] =	ssyncset.done $0x0  }
0x21: {  	[sflag:s11] =	ssyncadd.s32 $0xFFFFFC00  }
0x22: {  	[tilespmem:s13], [sflag:$0x5] =	stream.linear.gather [hbm4b:s6+s3], $0x400, $0x38;
	[tilespmem:$0x12C00] =	vst v63  }
0x23: {  	_ =	swait.ge [sflag:s11], $0x400  }
0x24: {  	[sflag:s11] =	ssyncset.done $0x0  }
0x25: {  	[sflag:s11] =	ssyncadd.s32 $0xFFFFFC00  }
0x26: {  	[tilespmem:s15], [sflag:$0x1] =	stream.indirect.gather [hbm4b:s4+s14], $0x80, s3, s14, $0xb8;
	[tilespmem:$0x12C00] =	vst v63  }
0x27: {  	s26 =	simm.s32 $0x0  }
0x28: {  	[tilespmem:s16], [sflag:$0x2] =	stream.indirect.gather [hbm4b:s4+s14], $0x80, s14, s14, $0xb8;
	[tilespmem:$0x12C00] =	vst v63  }
.LBB2_2:
0x29: {  	s0 =	simm.s32 $0x0  }
0x2a: {  	v0 =	vadd.s32 s0, v41  }
0x2b: {  	_ =	swait.ge [sflag:s17], $0x4000;
	v0 =	vand.u32 $0x3F, v0  }
0x2c: {  	p0 =	seq.s32 s26, $0x0;
	[sflag:s17] =	ssyncset.done $0x0;
	v1 =	vor.u32 v37, v0  }
0x2d: {  	s0 =	simm.s32 @!p0 $0x3;
	[sflag:s17] =	ssyncadd.s32 $0xFFFFC000;
	v2 =	vor.u32 v34, v0  }
0x2e: {  	_ =	swait.ge @!p0 [sflag:s0], $0x2000;
	v3 =	vor.u32 v51, v0  }
0x2f: {  	v4 =	vor.u32 v53, v0;
	[sflag:s0] =	ssyncset.done @!p0 $0x0  }
0x30: {  	v5 =	vor.u32 v49, v0;
	[sflag:s0] =	ssyncadd.s32 @!p0 $0xFFFFE000  }
0x31: {  	v9 =	vimm.f32 $0.0e+00;
	v14 =	vimm.f32 $0.0e+00;
	v13 =	vor.u32 v52, v0;
	v1 =	vld.idx.msk [tilespmem:v1+s15+$0x0], $0xffff  }
0x32: {  	s31 =	simm.s32 $0x1;
	v10 =	vimm.f32 $0.0e+00;
	v11 =	vimm.f32 $0.0e+00;
	v17 =	vld.idx.msk [tilespmem:v2+s15+$0x0], $0xffff;
	v2 =	vor.u32 v57, v0  }
0x33: {  	v12 =	vimm.f32 $0.0e+00;
	v6 =	vadd.s32 s31, v41;
	v0 =	vor.u32 v63, v0;
	v20 =	vld.idx.msk [tilespmem:v3+s15+$0x0], $0xffff  }
0x34: {  	v21 =	vimm.f32 $0.0e+00;
	v15 =	vimm.f32 $0.0e+00;
	v22 =	vand.u32 $0x3F, v6;
	v19 =	vld.idx.msk [tilespmem:v4+s15+$0x0], $0xffff  }
0x35: {  	v16 =	vimm.f32 $0.0e+00;
	v26 =	vor.u32 v37, v22;
	v25 =	vor.u32 v34, v22;
	v23 =	vld.idx.msk [tilespmem:v5+s15+$0x0], $0xffff  }
0x36: {  	v5 =	vimm.f32 $0.0e+00;
	v3 =	vimm.f32 $0.0e+00;
	v13 =	vld.idx.msk [tilespmem:v13+s15+$0x0], $0xffff;
	v4 =	vimm.f32 $0.0e+00  }
0x37: {  	v18 =	vadd.f32 v1, v9;
	v24 =	vmul.f32 v1, v1;
	v8 =	vadd.f32 v17, v9;
	v7 =	vld.idx.msk [tilespmem:v2+s15+$0x0], $0xffff  }
0x38: {  	s28 =	sshll.u32 s26, $0xA;
	s1 =	simm.s32 $0x2;
	v1 =	vimm.f32 $0.0e+00;
	v6 =	vld.idx.msk [tilespmem:v0+s15+$0x0], $0xffff;
	v2 =	vimm.f32 $0.0e+00;
	v0 =	vimm.f32 $0.0e+00  }
.LBB2_3:
0x39: {  	p1 =	sne.s32 s1, $0x3F;
	v27 =	vor.u32 v51, v22;
	v28 =	vor.u32 v49, v22;
	v9 =	vadd.f32 v20, v9;
	v29 =	vmovc v20;
	s0 =	smov.u32 s1;
	s1 =	sadd.s32 $0x1, s1  }
0x3a: {  	v30 =	vor.u32 v52, v22;
	v31 =	vor.u32 v63, v22;
	v32 =	vmul.f32 v17, v17  }
0x3b: {  	v33 =	vor.u32 v53, v22;
	v22 =	vor.u32 v57, v22;
	v17 =	vmul.f32 v19, v19  }
0x3c: {  	v10 =	vadd.f32 v19, v10;
	v14 =	vadd.f32 v23, v14;
	v20 =	vmul.f32 v23, v23  }
0x3d: {  	v12 =	vadd.f32 v7, v12;
	v11 =	vadd.f32 v17, v11;
	v19 =	vmul.f32 v13, v13;
	v26 =	vld.idx.msk [tilespmem:v26+s15+$0x0], $0xffff  }
0x3e: {  	v21 =	vadd.f32 v24, v21;
	v7 =	vmul.f32 v7, v7;
	v5 =	vadd.f32 v20, v5;
	v17 =	vld.idx.msk [tilespmem:v25+s15+$0x0], $0xffff  }
0x3f: {  	v3 =	vadd.f32 v13, v3;
	v13 =	vmul.f32 v6, v6;
	v4 =	vadd.f32 v19, v4;
	v20 =	vld.idx.msk [tilespmem:v27+s15+$0x0], $0xffff  }
.Ltmp2:
0x40: {  	v24 =	vmul.f32 v29, v29;
	v15 =	vadd.f32 v32, v15;
	v1 =	vadd.f32 v7, v1;
	v19 =	vld.idx.msk [tilespmem:v33+s15+$0x0], $0xffff;
	(pc) =	sbr.rel @p1 .LBB2_3-.Ltmp2, $4  }
0x41: {  	v2 =	vadd.f32 v6, v2;
	v0 =	vadd.f32 v13, v0;
	v7 =	vld.idx.msk [tilespmem:v22+s15+$0x0], $0xffff  }
0x42: {  	v16 =	vadd.f32 v24, v16;
	v6 =	vadd.s32 s0, v41;
	v23 =	vld.idx.msk [tilespmem:v28+s15+$0x0], $0xffff  }
0x43: {  	v22 =	vand.u32 $0x3F, v6;
	v18 =	vadd.f32 v26, v18;
	v24 =	vmul.f32 v26, v26;
	v13 =	vld.idx.msk [tilespmem:v30+s15+$0x0], $0xffff  }
0x44: {  	v26 =	vor.u32 v37, v22;
	v25 =	vor.u32 v34, v22;
	v8 =	vadd.f32 v17, v8;
	v6 =	vld.idx.msk [tilespmem:v31+s15+$0x0], $0xffff  }
0x45: {  	_ =	sdelay $0x3  }
0x46: {  	v26 =	vld.idx.msk [tilespmem:v26+s15+$0x0], $0xffff  }
0x47: {  	v27 =	vor.u32 v51, v22  }
0x48: {  	v30 =	vor.u32 v49, v22;
	v21 =	vadd.f32 v24, v21;
	v25 =	vld.idx.msk [tilespmem:v25+s15+$0x0], $0xffff  }
0x49: {  	v9 =	vadd.f32 v20, v9;
	v17 =	vmul.f32 v17, v17;
	v10 =	vadd.f32 v19, v10  }
0x4a: {  	v12 =	vadd.f32 v7, v12;
	v7 =	vmul.f32 v7, v7;
	v14 =	vadd.f32 v23, v14  }
0x4b: {  	v15 =	vadd.f32 v17, v15;
	v18 =	vadd.f32 v26, v18;
	v24 =	vmul.f32 v26, v26  }
0x4c: {  	v23 =	vmul.f32 v23, v23;
	v3 =	vadd.f32 v13, v3;
	v1 =	vadd.f32 v7, v1;
	v27 =	vld.idx.msk [tilespmem:v27+s15+$0x0], $0xffff  }
0x4d: {  	v17 =	vmul.f32 v25, v25;
	v21 =	vadd.f32 v24, v21;
	v31 =	vmul.f32 $1.562500000e-02, v18  }
0x4e: {  	v8 =	vadd.f32 v25, v8;
	v24 =	vmul.f32 v19, v19;
	v19 =	vmul.f32 v20, v20  }
0x4f: {  	v5 =	vadd.f32 v23, v5;
	v21 =	vmul.f32 $1.562500000e-02, v21;
	v28 =	vmul.f32 v31, v31  }
0x50: {  	v18 =	vor.u32 v53, v22;
	v15 =	vadd.f32 v17, v15;
	v29 =	vmul.f32 $1.562500000e-02, v8  }
0x51: {  	v16 =	vadd.f32 v19, v16;
	v8 =	vmul.f32 v27, v27;
	v20 =	vsub.f32 v21, v28  }
0x52: {  	v2 =	vadd.f32 v6, v2;
	v9 =	vadd.f32 v27, v9  }
0x53: {  	v15 =	vmul.f32 $1.562500000e-02, v15;
	v8 =	vadd.f32 v8, v16;
	v19 =	vadd.f32 $9.999999740e-06, v20  }
0x54: {  	v26 =	vor.u32 v52, v22;
	v21 =	vmul.f32 v13, v13;
	v28 =	vmul.f32 $1.562500000e-02, v9;
	v16 =	vld.idx.msk [tilespmem:v30+s15+$0x0], $0xffff  }
0x55: {  	v8 =	vmul.f32 $1.562500000e-02, v8;
	v17 =	vshrl.u32 v19, $0x1;
	v20 =	vmul.f32 $5.000000000e-01, v19  }
0x56: {  	v9 =	vld.idx.msk [tilespmem:v18+s15+$0x0], $0xffff;
	v18 =	vmul.f32 v28, v28;
	v19 =	vmul.f32 v29, v29;
	v17 =	vsub.s32 $0x5F3759DF, v17  }
0x57: {  	v11 =	vadd.f32 v24, v11;
	v4 =	vadd.f32 v21, v4;
	v23 =	vmul.f32 v17, v20  }
0x58: {  	v32 =	vor.u32 v63, v22;
	v8 =	vsub.f32 v8, v18;
	v15 =	vsub.f32 v15, v19  }
0x59: {  	v14 =	vadd.f32 v16, v14;
	v16 =	vmul.f32 v16, v16;
	v13 =	vmul.f32 v17, v23  }
0x5a: {  	v22 =	vor.u32 v57, v22;
	v8 =	vadd.f32 $9.999999740e-06, v8;
	v15 =	vadd.f32 $9.999999740e-06, v15  }
0x5b: {  	v18 =	vld.idx.msk [tilespmem:v26+s15+$0x0], $0xffff;
	v19 =	vmul.f32 v6, v6;
	v5 =	vadd.f32 v16, v5;
	v7 =	vsub.f32 $1.500000000e+00, v13  }
0x5c: {  	v24 =	vmul.f32 $1.562500000e-02, v14;
	v13 =	vshrl.u32 v15, $0x1;
	v15 =	vmul.f32 $5.000000000e-01, v15  }
0x5d: {  	v0 =	vadd.f32 v19, v0;
	v6 =	vmul.f32 v17, v7;
	v7 =	vsub.s32 $0x5F3759DF, v13  }
0x5e: {  	v23 =	vshrl.u32 v8, $0x1;
	v8 =	vmul.f32 $5.000000000e-01, v8;
	v17 =	vmul.f32 v7, v15  }
0x5f: {  	v16 =	vsub.s32 $0x5F3759DF, v23;
	v5 =	vmul.f32 $1.562500000e-02, v5;
	v19 =	vmul.f32 v24, v24  }
0x60: {  	v3 =	vadd.f32 v18, v3;
	v21 =	vmul.f32 v6, v20;
	v17 =	vmul.f32 v7, v17  }
0x61: {  	v13 =	vmul.f32 v9, v9;
	v9 =	vadd.f32 v9, v10;
	v10 =	vmul.f32 v18, v18  }
0x62: {  	v14 =	vmul.f32 v21, v6;
	v21 =	vmul.f32 v16, v8;
	v17 =	vsub.f32 $1.500000000e+00, v17  }
0x63: {  	v5 =	vsub.f32 v5, v19;
	v19 =	vmul.f32 $1.562500000e-02, v3;
	v3 =	vld.idx.msk [tilespmem:v32+s15+$0x0], $0xffff;
	v4 =	vadd.f32 v10, v4  }
0x64: {  	v14 =	vsub.f32 $1.500000000e+00, v14;
	v7 =	vmul.f32 v7, v17;
	v17 =	vmul.f32 v16, v21  }
0x65: {  	v22 =	vld.idx.msk [tilespmem:v22+s15+$0x0], $0xffff;
	v11 =	vadd.f32 v13, v11;
	v9 =	vmul.f32 $1.562500000e-02, v9  }
0x66: {  	v4 =	vmul.f32 $1.562500000e-02, v4;
	v6 =	vmul.f32 v14, v6;
	v14 =	vsub.f32 $1.500000000e+00, v17  }
0x67: {  	v5 =	vadd.f32 $9.999999740e-06, v5;
	v11 =	vmul.f32 $1.562500000e-02, v11;
	v18 =	vmul.f32 v7, v15  }
0x68: {  	v2 =	vadd.f32 v3, v2;
	v17 =	vmul.f32 v19, v19;
	v14 =	vmul.f32 v16, v14  }
0x69: {  	v10 =	vmul.f32 v18, v7;
	v16 =	vshrl.u32 v5, $0x1;
	v5 =	vmul.f32 $5.000000000e-01, v5  }
0x6a: {  	v21 =	vmul.f32 v22, v22;
	v16 =	vsub.s32 $0x5F3759DF, v16;
	v13 =	vmul.f32 v14, v8  }
0x6b: {  	v4 =	vsub.f32 v4, v17;
	v18 =	vmul.f32 v16, v5;
	v10 =	vsub.f32 $1.500000000e+00, v10  }
0x6c: {  	v20 =	vmul.f32 v6, v20;
	v17 =	vadd.f32 v22, v12;
	v12 =	vmul.f32 v13, v14  }
0x6d: {  	v4 =	vadd.f32 $9.999999740e-06, v4;
	v13 =	vmul.f32 v16, v18;
	v7 =	vmul.f32 v10, v7  }
0x6e: {  	v18 =	vmul.f32 v3, v3;
	v10 =	vmul.f32 v20, v6;
	v12 =	vsub.f32 $1.500000000e+00, v12  }
0x6f: {  	v20 =	vshrl.u32 v4, $0x1;
	v13 =	vsub.f32 $1.500000000e+00, v13;
	v15 =	vmul.f32 v7, v15  }
0x70: {  	v4 =	vmul.f32 $5.000000000e-01, v4;
	v0 =	vadd.f32 v18, v0;
	v12 =	vmul.f32 v12, v14  }
0x71: {  	v13 =	vmul.f32 v16, v13;
	v14 =	vsub.s32 $0x5F3759DF, v20;
	v3 =	vmul.f32 v15, v7  }
0x72: {  	v38 =	vlaneseq.u32;
	v0 =	vmul.f32 $1.562500000e-02, v0;
	v15 =	vmul.f32 v14, v4  }
0x73: {  	v10 =	vsub.f32 $1.500000000e+00, v10;
	v8 =	vmul.f32 v12, v8;
	v16 =	vmul.f32 v13, v5  }
0x74: {  	v1 =	vadd.f32 v21, v1;
	v18 =	vmul.f32 v14, v15;
	v15 =	vmul.f32 $1.562500000e-02, v2  }
0x75: {  	v45 =	vmul.f32 v10, v6;
	v2 =	vsub.f32 $1.500000000e+00, v3;
	v3 =	vmul.f32 v8, v12  }
0x76: {  	s0 =	simm.s32 $0x3;
	v8 =	vmul.f32 v16, v13;
	v16 =	vsub.f32 $1.500000000e+00, v18;
	v18 =	vmul.f32 v15, v15  }
0x77: {  	v48 =	vmul.f32 v2, v7;
	v2 =	vadd.s32 s0, v38;
	v3 =	vsub.f32 $1.500000000e+00, v3  }
0x78: {  	s1 =	simm.s32 $0x1;
	v6 =	vsub.f32 $1.500000000e+00, v8;
	v7 =	vmul.f32 v14, v16;
	v0 =	vsub.f32 v0, v18  }
0x79: {  	v16 =	vand.u32 $0x3F, v2;
	v2 =	vadd.s32 s1, v38;
	v41 =	vmul.f32 v3, v12  }
0x7a: {  	v3 =	vmul.f32 v6, v13;
	v8 =	vor.u32 v37, v16;
	v12 =	vmul.f32 v9, v9  }
0x7b: {  	v30 =	vand.u32 $0x3F, v2;
	v6 =	vmul.f32 v7, v4;
	v0 =	vadd.f32 $9.999999740e-06, v0  }
0x7c: {  	[tilespmem:$0x1FE30] =	vst v9;
	s1 =	simm.s32 $0x0;
	v9 =	vld [tilespmem:$0x1FF90];
	v13 =	vor.u32 v37, v30;
	v5 =	vmul.f32 v3, v5;
	v11 =	vsub.f32 v11, v12  }
0x7d: {  	v10 =	vshrl.u32 v0, $0x1;
	v2 =	vmul.f32 $5.000000000e-01, v0;
	v0 =	vadd.s32 s1, v38  }
0x7e: {  	[tilespmem:$0x1FE20] =	vst v15;
	v6 =	vmul.f32 v6, v7;
	s1 =	simm.s32 $0x2;
	v10 =	vsub.s32 $0x5F3759DF, v10;
	v15 =	vand.u32 $0x3F, v0  }
0x7f: {  	s29 =	simm.s32 $0x12420;
	v12 =	vadd.s32 s1, v38;
	v5 =	vmul.f32 v5, v3;
	v0 =	vmul.f32 v10, v2;
	v8 =	vld.idx.msk [tilespmem:v8+s15+$0x0], $0xffff  }
0x80: {  	v21 =	vld [tilespmem:s29+$0xFFFFFFE0];
	v14 =	vor.u32 v37, v15;
	v23 =	vand.u32 $0x3F, v12;
	v6 =	vsub.f32 $1.500000000e+00, v6  }
0x81: {  	v35 =	vor.u32 v9, v16;
	v9 =	vld [tilespmem:$0x1FF90];
	v18 =	vor.u32 v37, v23;
	v12 =	vmul.f32 v10, v0  }
0x82: {  	v11 =	vadd.f32 $9.999999740e-06, v11;
	v22 =	vld.idx.msk [tilespmem:v13+s15+$0x0], $0xffff  }
0x83: {  	s30 =	simm.s32 $0x12820;
	v5 =	vsub.f32 $1.500000000e+00, v5;
	v0 =	vmul.f32 v6, v7;
	v6 =	vsub.f32 $1.500000000e+00, v12;
	v12 =	vld [tilespmem:s29+$0x10]  }
0x84: {  	v20 =	vshrl.u32 v11, $0x1;
	v33 =	vmul.f32 $5.000000000e-01, v11;
	v11 =	vld [tilespmem:s30+$0x10];
	v8 =	vsub.f32 v8, v31  }
0x85: {  	v26 =	vmul.f32 v5, v3;
	v5 =	vld.idx.msk [tilespmem:v14+s15+$0x0], $0xffff;
	v6 =	vmul.f32 v10, v6  }
0x86: {  	v25 =	vld.idx.msk [tilespmem:v18+s15+$0x0], $0xffff;
	v18 =	vshll.u32 v16, $0x7;
	v10 =	vmul.f32 $1.562500000e-02, v17;
	v8 =	vmul.f32 v8, v45  }
0x87: {  	v39 =	vor.u32 v9, v15;
	v9 =	vld [tilespmem:$0x1FF90];
	v27 =	vor.u32 v38, v18  }
0x88: {  	v13 =	vld [tilespmem:s29+$0xFFFFFFF0];
	v17 =	vsub.f32 v22, v31;
	[tilespmem:$0x1FE40] =	vst v10;
	v8 =	vmul.f32 v8, v12  }
0x89: {  	v7 =	vsub.s32 $0x5F3759DF, v20;
	v14 =	vld [tilespmem:s30+$0xFFFFFFF0]  }
0x8a: {  	v20 =	vshll.u32 v30, $0x7;
	v56 =	vmul.f32 v17, v45;
	v17 =	vld [tilespmem:s29+$0x0];
	[tilespmem:$0x1FE50] =	vst v31;
	v8 =	vadd.f32 v8, v11  }
0x8b: {  	v3 =	vmul.f32 v7, v33;
	v36 =	vmul.f32 v10, v10;
	v5 =	vsub.f32 v5, v31;
	v10 =	vld [tilespmem:s30+$0xFFFFFFE0]  }
0x8c: {  	v1 =	vmul.f32 $1.562500000e-02, v1;
	v43 =	vor.u32 v38, v20;
	v40 =	vor.u32 v9, v30;
	v32 =	vld [tilespmem:s30+$0x0];
	[tilespmem:v27+s18+$0x0] =	vst.idx.msk $0xffff, v8  }
0x8d: {  	v42 =	vsub.f32 v25, v31;
	v25 =	vshll.u32 v15, $0x7;
	v5 =	vmul.f32 v5, v45;
	[tilespmem:$0x1FE60] =	vst v45;
	v9 =	vld [tilespmem:$0x1FF90]  }
0x8e: {  	v4 =	vmul.f32 v0, v4;
	v44 =	vmul.f32 v56, v13;
	v8 =	vor.u32 v38, v25;
	v35 =	vld.idx.msk [tilespmem:v35+s15+$0x0], $0xffff  }
0x8f: {  	v55 =	vor.u32 v51, v16;
	v3 =	vmul.f32 v7, v3;
	v5 =	vmul.f32 v5, v21  }
0x90: {  	v4 =	vmul.f32 v4, v0;
	v42 =	vmul.f32 v42, v45;
	v44 =	vadd.f32 v44, v14  }
0x91: {  	v1 =	vsub.f32 v1, v36;
	v27 =	vshll.u32 v23, $0x7;
	v5 =	vadd.f32 v5, v10  }
0x92: {  	v3 =	vsub.f32 $1.500000000e+00, v3;
	v58 =	vor.u32 v38, v27;
	v59 =	vmul.f32 v42, v17;
	[tilespmem:v43+s18+$0x0] =	vst.idx.msk $0xffff, v44  }
0x93: {  	[tilespmem:v8+s18+$0x0] =	vst.idx.msk $0xffff, v5;
	v60 =	vor.u32 v9, v23;
	v5 =	vsub.f32 v35, v29  }
0x94: {  	v46 =	vmul.f32 v6, v2;
	v3 =	vmul.f32 v7, v3;
	v1 =	vadd.f32 $9.999999740e-06, v1;
	v40 =	vld.idx.msk [tilespmem:v40+s15+$0x0], $0xffff  }
0x95: {  	v36 =	vadd.f32 v59, v32;
	v8 =	vld.idx.msk [tilespmem:v39+s15+$0x0], $0xffff;
	v9 =	vor.u32 $0x10, v38;
	v5 =	vmul.f32 v5, v48  }
0x96: {  	v61 =	vmul.f32 v46, v6;
	v56 =	vor.u32 v51, v30;
	v54 =	vor.u32 v9, v18  }
0x97: {  	v7 =	vshrl.u32 v1, $0x1;
	v1 =	vmul.f32 $5.000000000e-01, v1;
	[tilespmem:v58+s18+$0x0] =	vst.idx.msk $0xffff, v36;
	v5 =	vmul.f32 v5, v12  }
0x98: {  	v34 =	vmul.f32 v3, v33;
	v7 =	vsub.s32 $0x5F3759DF, v7;
	v44 =	vsub.f32 $1.500000000e+00, v61;
	v62 =	vld.idx.msk [tilespmem:v60+s15+$0x0], $0xffff  }
0x99: {  	v50 =	vmul.f32 v7, v1;
	v40 =	vsub.f32 v40, v29;
	v5 =	vadd.f32 v5, v11  }
0x9a: {  	v6 =	vmul.f32 v44, v6;
	v36 =	vmul.f32 v34, v3;
	v8 =	vsub.f32 v8, v29;
	[tilespmem:$0x1FE70] =	vst v29  }
0x9b: {  	v39 =	vmul.f32 v7, v50;
	v40 =	vmul.f32 v40, v48;
	[tilespmem:v54+s18+$0x0] =	vst.idx.msk $0xffff, v5  }
0x9c: {  	v47 =	vor.u32 v9, v20;
	v58 =	vor.u32 v9, v25;
	v8 =	vmul.f32 v8, v48;
	[tilespmem:$0x1FE80] =	vst v48  }
0x9d: {  	v59 =	vor.u32 v9, v27;
	v40 =	vmul.f32 v40, v13;
	v35 =	vsub.f32 v62, v29;
	v45 =	vld.idx.msk [tilespmem:v55+s15+$0x0], $0xffff  }
0x9e: {  	v2 =	vmul.f32 v6, v2;
	v36 =	vsub.f32 $1.500000000e+00, v36;
	v8 =	vmul.f32 v8, v21  }
0x9f: {  	v5 =	vor.u32 v51, v15;
	v40 =	vadd.f32 v40, v14;
	v35 =	vmul.f32 v35, v48  }
0xa0: {  	v39 =	vsub.f32 $1.500000000e+00, v39;
	v3 =	vmul.f32 v36, v3;
	[tilespmem:$0x1FE90] =	vst v9;
	v8 =	vadd.f32 v8, v10  }
0xa1: {  	v60 =	vor.u32 v51, v23;
	[tilespmem:v47+s18+$0x0] =	vst.idx.msk $0xffff, v40;
	v35 =	vmul.f32 v35, v17  }
0xa2: {  	v7 =	vmul.f32 v7, v39;
	v62 =	vld.idx.msk [tilespmem:v56+s15+$0x0], $0xffff;
	[tilespmem:v58+s18+$0x0] =	vst.idx.msk $0xffff, v8;
	v8 =	vsub.f32 v45, v28  }
0xa3: {  	v2 =	vmul.f32 v2, v6;
	v33 =	vmul.f32 v3, v33;
	v35 =	vadd.f32 v35, v32  }
0xa4: {  	v61 =	vmul.f32 v7, v1;
	v9 =	vor.u32 $0x20, v38;
	v5 =	vld.idx.msk [tilespmem:v5+s15+$0x0], $0xffff;
	v8 =	vmul.f32 v8, v41  }
0xa5: {  	v33 =	vmul.f32 v33, v3;
	v48 =	vor.u32 v9, v18;
	[tilespmem:v59+s18+$0x0] =	vst.idx.msk $0xffff, v35  }
0xa6: {  	v47 =	vmul.f32 v61, v7;
	v35 =	vld.idx.msk [tilespmem:v60+s15+$0x0], $0xffff;
	v8 =	vmul.f32 v8, v12  }
0xa7: {  	v54 =	vor.u32 v49, v16;
	v61 =	vor.u32 v9, v27;
	v50 =	vsub.f32 v62, v28  }
0xa8: {  	v56 =	vor.u32 v49, v30;
	v36 =	vsub.f32 $1.500000000e+00, v47;
	v8 =	vadd.f32 v8, v11  }
0xa9: {  	v58 =	vor.u32 v9, v20;
	v5 =	vsub.f32 v5, v28;
	[tilespmem:$0x1FEA0] =	vst v28;
	v55 =	vmul.f32 v50, v41  }
0xaa: {  	v4 =	vsub.f32 $1.500000000e+00, v4;
	v7 =	vmul.f32 v36, v7;
	v59 =	vor.u32 v9, v25;
	[tilespmem:v48+s18+$0x0] =	vst.idx.msk $0xffff, v8  }
0xab: {  	v5 =	vmul.f32 v5, v41;
	v36 =	vmul.f32 v55, v13;
	v35 =	vsub.f32 v35, v28;
	[tilespmem:$0x1FEB0] =	vst v41  }
0xac: {  	v1 =	vmul.f32 v7, v1;
	v60 =	vld.idx.msk [tilespmem:v54+s15+$0x0], $0xffff;
	[tilespmem:$0x1FEC0] =	vst v9;
	v9 =	vmul.f32 v4, v0;
	v0 =	vsub.f32 $1.500000000e+00, v2  }
0xad: {  	v5 =	vmul.f32 v5, v21;
	v36 =	vadd.f32 v36, v14;
	v35 =	vmul.f32 v35, v41  }
0xae: {  	v1 =	vmul.f32 v1, v7;
	v8 =	vor.u32 v49, v15;
	v0 =	vmul.f32 v0, v6  }
0xaf: {  	v2 =	vadd.f32 v5, v10;
	v4 =	vsub.f32 $1.500000000e+00, v33;
	[tilespmem:v58+s18+$0x0] =	vst.idx.msk $0xffff, v36;
	v35 =	vmul.f32 v35, v17  }
0xb0: {  	v62 =	vor.u32 v49, v23;
	v44 =	vld.idx.msk [tilespmem:v56+s15+$0x0], $0xffff;
	[tilespmem:$0x1FED0] =	vst v0  }
0xb1: {  	v1 =	vsub.f32 $1.500000000e+00, v1;
	v5 =	vadd.f32 v35, v32;
	v35 =	vld [tilespmem:$0x1FF90];
	[tilespmem:v59+s18+$0x0] =	vst.idx.msk $0xffff, v2;
	v2 =	vmul.f32 v4, v3  }
0xb2: {  	v0 =	vsub.f32 v60, v24  }
0xb3: {  	v1 =	vmul.f32 v1, v7;
	[tilespmem:$0x1FEE0] =	vst v2  }
0xb4: {  	s1 =	simm.s32 $0x4;
	v0 =	vmul.f32 v0, v26;
	v2 =	vld.idx.msk [tilespmem:v8+s15+$0x0], $0xffff;
	[tilespmem:v61+s18+$0x0] =	vst.idx.msk $0xffff, v5;
	v8 =	vor.u32 $0x30, v38  }
0xb5: {  	v3 =	vadd.s32 s1, v38;
	v4 =	vld.idx.msk [tilespmem:v62+s15+$0x0], $0xffff;
	[tilespmem:$0x1FEF0] =	vst v1;
	v1 =	vor.u32 v8, v18  }
0xb6: {  	v36 =	vand.u32 $0x3F, v3;
	v0 =	vmul.f32 v0, v12  }
0xb7: {  	v3 =	vsub.f32 v44, v24;
	v6 =	vor.u32 v49, v36  }
0xb8: {  	v5 =	vor.u32 v52, v16;
	[tilespmem:$0x1FF00] =	vst v6;
	v0 =	vadd.f32 v0, v11  }
0xb9: {  	v34 =	vor.u32 v52, v23;
	v3 =	vmul.f32 v3, v26;
	[tilespmem:$0x1FF10] =	vst v24  }
0xba: {  	v7 =	vor.u32 v8, v20;
	v2 =	vsub.f32 v2, v24;
	[tilespmem:v1+s18+$0x0] =	vst.idx.msk $0xffff, v0  }
0xbb: {  	v6 =	vor.u32 v52, v30;
	v3 =	vmul.f32 v3, v13;
	v4 =	vsub.f32 v4, v24;
	[tilespmem:$0x1FF20] =	vst v15  }
0xbc: {  	v45 =	vor.u32 v57, v30;
	v50 =	vor.u32 v53, v15;
	v2 =	vmul.f32 v2, v26;
	[tilespmem:$0x1FF30] =	vst v26  }
0xbd: {  	v3 =	vadd.f32 v3, v14;
	v1 =	vmul.f32 v4, v26;
	v4 =	vld.idx.msk [tilespmem:v5+s15+$0x0], $0xffff;
	v5 =	vor.u32 v8, v25  }
0xbe: {  	s1 =	simm.s32 $0x5;
	v53 =	vor.u32 v51, v36;
	v51 =	vor.u32 v8, v27;
	[tilespmem:$0x1FF40] =	vst v8;
	v2 =	vmul.f32 v2, v21  }
0xbf: {  	v54 =	vor.u32 v63, v15;
	v59 =	vadd.s32 s1, v38;
	[tilespmem:v7+s18+$0x0] =	vst.idx.msk $0xffff, v3;
	v1 =	vmul.f32 v1, v17  }
0xc0: {  	s1 =	simm.s32 $0x6;
	v55 =	vand.u32 $0x3F, v59;
	v0 =	vor.u32 v52, v15;
	v7 =	vld.idx.msk [tilespmem:v6+s15+$0x0], $0xffff;
	v2 =	vadd.f32 v2, v10  }
0xc1: {  	v46 =	vmovc v10;
	v47 =	vmovc v13;
	v59 =	vor.u32 v37, v55;
	v3 =	vadd.s32 s1, v38;
	v1 =	vadd.f32 v1, v32  }
0xc2: {  	v60 =	vor.u32 v35, v36;
	v56 =	vand.u32 $0x3F, v3;
	v4 =	vsub.f32 v4, v19;
	[tilespmem:v5+s18+$0x0] =	vst.idx.msk $0xffff, v2  }
0xc3: {  	v8 =	vor.u32 v37, v36;
	v3 =	vor.u32 $0x40, v38;
	v62 =	vor.u32 v37, v56;
	[tilespmem:v51+s18+$0x0] =	vst.idx.msk $0xffff, v1  }
0xc4: {  	v6 =	vor.u32 v3, v18;
	v2 =	vor.u32 v3, v27;
	[tilespmem:$0x1FF50] =	vst v9;
	v1 =	vmul.f32 v4, v9  }
0xc5: {  	v40 =	vshll.u32 v36, $0x7;
	v7 =	vsub.f32 v7, v19;
	v4 =	vld.idx.msk [tilespmem:v0+s15+$0x0], $0xffff;
	v0 =	vor.u32 v3, v20;
	[tilespmem:$0x1FF60] =	vst v3  }
0xc6: {  	s31 =	simm.s32 $0x8;
	v13 =	vmov v16;
	s1 =	simm.s32 $0x7;
	v3 =	vor.u32 v63, v16;
	v5 =	vld.idx.msk [tilespmem:v34+s15+$0x0], $0xffff;
	[tilespmem:$0x1FF70] =	vst v19;
	v61 =	vmul.f32 v1, v12  }
.LBB2_5:
0xc7: {  	v43 =	vld [tilespmem:$0x1FF70]  }
0xc8: {  	v42 =	vld [tilespmem:$0x1FF50];
	_ =	sdelay $0x1  }
0xc9: {  	v22 =	vlaneseq.u32;
	v41 =	vld [tilespmem:$0x1FF60]  }
0xca: {  	v57 =	vmov v32;
	v32 =	vld.idx.msk [tilespmem:v8+s15+$0x0], $0xffff;
	v1 =	vadd.s32 s1, v22  }
0xcb: {  	v51 =	vld.idx.msk [tilespmem:v59+s15+$0x0], $0xffff;
	v8 =	vand.u32 $0x3F, v1;
	v4 =	vsub.f32 v4, v43;
	v1 =	vsub.f32 v5, v43  }
0xcc: {  	v58 =	vld.idx.msk [tilespmem:v62+s15+$0x0], $0xffff;
	v5 =	vadd.f32 v61, v11;
	v7 =	vmul.f32 v7, v42  }
0xcd: {  	v49 =	vld [tilespmem:$0x1FFF0];
	v4 =	vmul.f32 v4, v42;
	v1 =	vmul.f32 v1, v42  }
0xce: {  	v44 =	vld [tilespmem:$0x1FFE0];
	v52 =	vor.u32 v37, v8;
	[tilespmem:v6+s18+$0x0] =	vst.idx.msk $0xffff, v5;
	v5 =	vmul.f32 v7, v47  }
0xcf: {  	v24 =	vld [tilespmem:$0x1FE50];
	v7 =	vor.u32 v63, v23;
	v10 =	vmul.f32 v4, v21;
	v1 =	vmul.f32 v1, v17  }
0xd0: {  	v31 =	vld [tilespmem:$0x1FE60];
	v48 =	vor.u32 v41, v25  }
0xd1: {  	v37 =	vld [tilespmem:$0x1FE20];
	v38 =	vadd.f32 v10, v46;
	v1 =	vadd.f32 v1, v57  }
0xd2: {  	v6 =	vor.u32 v63, v30;
	v3 =	vld.idx.msk [tilespmem:v3+s15+$0x0], $0xffff  }
0xd3: {  	v9 =	vor.u32 v49, v23;
	v52 =	vld.idx.msk [tilespmem:v52+s15+$0x0], $0xffff;
	[tilespmem:v2+s18+$0x0] =	vst.idx.msk $0xffff, v1  }
0xd4: {  	[tilespmem:$0x1FE10] =	vst v9;
	v9 =	vor.u32 v44, v23;
	v23 =	vmov v56;
	v39 =	vadd.f32 v5, v14;
	v56 =	vld.idx.msk [tilespmem:v7+s15+$0x0], $0xffff  }
0xd5: {  	[tilespmem:v48+s18+$0x0] =	vst.idx.msk $0xffff, v38;
	v38 =	vmov v45;
	v45 =	vld [tilespmem:$0x1FED0]  }
0xd6: {  	[tilespmem:v0+s18+$0x0] =	vst.idx.msk $0xffff, v39  }
0xd7: {  	s29 =	sadd.s32 $0x40, s29;
	v16 =	vor.u32 $0x50, v22;
	v63 =	vsub.f32 v51, v24;
	v51 =	vld.idx.msk [tilespmem:v6+s15+$0x0], $0xffff  }
0xd8: {  	v26 =	vor.u32 v16, v18;
	v6 =	vld [tilespmem:s29+$0x10];
	v1 =	vsub.f32 v58, v24;
	v2 =	vsub.f32 v3, v37  }
0xd9: {  	v61 =	vor.u32 v44, v30;
	v29 =	vor.u32 v44, v13;
	v33 =	vsub.f32 v56, v37;
	v56 =	vld [tilespmem:$0x1FF90]  }
0xda: {  	s30 =	sadd.s32 $0x40, s30;
	v30 =	vmovc v55;
	v52 =	vsub.f32 v52, v24;
	v19 =	vmul.f32 v1, v31;
	v1 =	vmul.f32 v2, v45  }
0xdb: {  	v15 =	vor.u32 v35, v30;
	v0 =	vsub.f32 v32, v24;
	v32 =	vmul.f32 v63, v31;
	v7 =	vld [tilespmem:s30+$0x10]  }
0xdc: {  	v63 =	vld.idx.msk [tilespmem:v54+s15+$0x0], $0xffff;
	v54 =	vshll.u32 v8, $0x7;
	v52 =	vmul.f32 v52, v31;
	v1 =	vmul.f32 v1, v12  }
0xdd: {  	v0 =	vmul.f32 v0, v31;
	v3 =	vld [tilespmem:s29+$0xFFFFFFF0];
	v31 =	vor.u32 v22, v54;
	v51 =	vsub.f32 v51, v37  }
0xde: {  	v52 =	vmul.f32 v52, v6;
	v34 =	vadd.f32 v1, v11;
	v35 =	vor.u32 v56, v8  }
0xdf: {  	v51 =	vmul.f32 v51, v45;
	v56 =	vld [tilespmem:s30+$0xFFFFFFF0]  }
0xe0: {  	v5 =	vshll.u32 v30, $0x7;
	v24 =	vor.u32 v16, v20;
	v58 =	vld [tilespmem:s29+$0xFFFFFFE0];
	[tilespmem:v26+s18+$0x0] =	vst.idx.msk $0xffff, v34;
	v26 =	vadd.f32 v52, v7  }
0xe1: {  	v62 =	vor.u32 v22, v5;
	v33 =	vmul.f32 v33, v45;
	v51 =	vmul.f32 v51, v47;
	v1 =	vld [tilespmem:s30+$0xFFFFFFE0]  }
0xe2: {  	v63 =	vsub.f32 v63, v37;
	v37 =	vmul.f32 v32, v3;
	v29 =	vld.idx.msk [tilespmem:v29+s15+$0x0], $0xffff;
	[tilespmem:v31+s18+$0x0] =	vst.idx.msk $0xffff, v26  }
0xe3: {  	v26 =	vmul.f32 v33, v17;
	v33 =	vld.idx.msk [tilespmem:v35+s15+$0x0], $0xffff;
	v35 =	vadd.f32 v51, v14  }
0xe4: {  	v48 =	vld [tilespmem:$0x1FF90];
	v37 =	vadd.f32 v37, v56  }
0xe5: {  	v10 =	vor.u32 v22, v40;
	v2 =	vld [tilespmem:s29+$0x0];
	[tilespmem:v24+s18+$0x0] =	vst.idx.msk $0xffff, v35  }
0xe6: {  	v32 =	vld [tilespmem:s30+$0x0];
	v39 =	vmul.f32 v0, v58;
	[tilespmem:v62+s18+$0x0] =	vst.idx.msk $0xffff, v37  }
0xe7: {  	v24 =	vadd.f32 v26, v57;
	v26 =	vld.idx.msk [tilespmem:v61+s15+$0x0], $0xffff  }
0xe8: {  	v0 =	vshll.u32 v23, $0x7;
	v34 =	vmul.f32 v63, v45;
	v45 =	vadd.f32 v39, v1;
	v61 =	vld [tilespmem:$0x1FE30]  }
0xe9: {  	v31 =	vor.u32 v22, v0  }
0xea: {  	v19 =	vmul.f32 v19, v2;
	v63 =	vor.u32 v48, v23;
	[tilespmem:v10+s18+$0x0] =	vst.idx.msk $0xffff, v45;
	v45 =	vld [tilespmem:$0x1FEE0]  }
0xeb: {  	v48 =	vmov v47;
	v47 =	vld [tilespmem:$0x1FE90]  }
0xec: {  	v28 =	vor.u32 v16, v27;
	v19 =	vadd.f32 v19, v32;
	v37 =	vld.idx.msk [tilespmem:v60+s15+$0x0], $0xffff  }
0xed: {  	v4 =	vmov v25;
	v62 =	vld [tilespmem:$0x1FE70];
	v29 =	vsub.f32 v29, v61  }
0xee: {  	v52 =	vor.u32 v16, v4;
	v34 =	vmul.f32 v34, v21;
	v10 =	vld.idx.msk [tilespmem:v15+s15+$0x0], $0xffff;
	[tilespmem:v31+s18+$0x0] =	vst.idx.msk $0xffff, v19  }
0xef: {  	v19 =	vmul.f32 v29, v45;
	v29 =	vld.idx.msk [tilespmem:v63+s15+$0x0], $0xffff  }
0xf0: {  	v51 =	vor.u32 $0x60, v22;
	v34 =	vadd.f32 v34, v46;
	v63 =	vmov v46;
	v46 =	vld [tilespmem:$0x1FE80]  }
0xf1: {  	[tilespmem:v28+s18+$0x0] =	vst.idx.msk $0xffff, v24;
	v24 =	vor.u32 v51, v18  }
0xf2: {  	[tilespmem:$0x1FE00] =	vst v16;
	v16 =	vmov v27;
	v19 =	vmul.f32 v19, v12  }
0xf3: {  	v27 =	vmov v20;
	v20 =	vld [tilespmem:$0x1FFA0];
	[tilespmem:v52+s18+$0x0] =	vst.idx.msk $0xffff, v34;
	v60 =	vor.u32 v47, v0;
	v31 =	vsub.f32 v33, v62  }
0xf4: {  	v33 =	vld.idx.msk [tilespmem:v50+s15+$0x0], $0xffff;
	v50 =	vor.u32 v47, v54;
	v10 =	vsub.f32 v10, v62;
	v19 =	vadd.f32 v19, v11  }
0xf5: {  	v37 =	vsub.f32 v37, v62;
	v28 =	vor.u32 v49, v13;
	v31 =	vmul.f32 v31, v46  }
0xf6: {  	v10 =	vmul.f32 v10, v46;
	[tilespmem:v24+s18+$0x0] =	vst.idx.msk $0xffff, v19;
	v19 =	vsub.f32 v29, v62  }
0xf7: {  	v13 =	vmov v8;
	v8 =	vor.u32 v47, v5;
	v9 =	vld.idx.msk [tilespmem:v9+s15+$0x0], $0xffff;
	v31 =	vmul.f32 v31, v6  }
0xf8: {  	v26 =	vsub.f32 v26, v61;
	v10 =	vmul.f32 v10, v3;
	v19 =	vmul.f32 v19, v46  }
0xf9: {  	v52 =	vor.u32 v20, v13;
	v29 =	vmul.f32 v37, v46;
	v24 =	vadd.f32 v31, v7  }
0xfa: {  	v25 =	vld [tilespmem:$0x1FFB0];
	v31 =	vor.u32 v47, v40;
	v10 =	vadd.f32 v10, v56;
	v19 =	vmul.f32 v19, v2  }
0xfb: {  	v33 =	vsub.f32 v33, v61;
	v28 =	vld.idx.msk [tilespmem:v28+s15+$0x0], $0xffff;
	[tilespmem:v50+s18+$0x0] =	vst.idx.msk $0xffff, v24;
	v24 =	vmul.f32 v29, v58  }
0xfc: {  	v9 =	vsub.f32 v9, v61;
	v61 =	vld [tilespmem:$0x1FE40];
	[tilespmem:v8+s18+$0x0] =	vst.idx.msk $0xffff, v10;
	v8 =	vadd.f32 v19, v32  }
0xfd: {  	v50 =	vld [tilespmem:$0x1FEA0];
	v24 =	vadd.f32 v24, v1  }
0xfe: {  	[tilespmem:v60+s18+$0x0] =	vst.idx.msk $0xffff, v8;
	v60 =	vld [tilespmem:$0x1FEF0]  }
0xff: {  	v15 =	vor.u32 v20, v30;
	v29 =	vld.idx.msk [tilespmem:v52+s15+$0x0], $0xffff;
	[tilespmem:v31+s18+$0x0] =	vst.idx.msk $0xffff, v24  }
0x100: {  	v35 =	vor.u32 v20, v23;
	v24 =	vld.idx.msk [tilespmem:v53+s15+$0x0], $0xffff  }
0x101: {  	v10 =	vsub.f32 v28, v61;
	v53 =	vld [tilespmem:$0x1FEB0]  }
0x102: {  	v26 =	vmul.f32 v26, v45;
	v62 =	vld [tilespmem:$0x1FEC0]  }
0x103: {  	v34 =	vor.u32 v51, v27;
	v52 =	vor.u32 $0x70, v22;
	v8 =	vmul.f32 v10, v60  }
0x104: {  	v15 =	vld.idx.msk [tilespmem:v15+s15+$0x0], $0xffff;
	v19 =	vmul.f32 v26, v48;
	v26 =	vsub.f32 v29, v50;
	v29 =	vor.u32 v52, v18  }
0x105: {  	v55 =	vor.u32 v25, v30;
	v33 =	vmul.f32 v33, v45;
	v10 =	vld.idx.msk [tilespmem:v35+s15+$0x0], $0xffff;
	v8 =	vmul.f32 v8, v12  }
0x106: {  	v19 =	vadd.f32 v19, v14;
	v18 =	vmovc v54;
	v12 =	vmov v6;
	v6 =	vmul.f32 v26, v53  }
0x107: {  	v28 =	vmul.f32 v33, v21;
	v31 =	vor.u32 v62, v18;
	v8 =	vadd.f32 v8, v11  }
0x108: {  	[tilespmem:v34+s18+$0x0] =	vst.idx.msk $0xffff, v19;
	v24 =	vsub.f32 v24, v50;
	v6 =	vmul.f32 v6, v12  }
0x109: {  	v11 =	vmov v7;
	v7 =	vsub.f32 v15, v50;
	v15 =	vor.u32 v25, v13;
	[tilespmem:v29+s18+$0x0] =	vst.idx.msk $0xffff, v8  }
0x10a: {  	v8 =	vsub.f32 v10, v50;
	v6 =	vadd.f32 v6, v11;
	v10 =	vmul.f32 v24, v53  }
0x10b: {  	v39 =	vld [tilespmem:$0x1FFD0];
	v26 =	vadd.f32 v28, v63;
	v7 =	vmul.f32 v7, v53;
	v24 =	vor.u32 v62, v40  }
0x10c: {  	v19 =	vld.idx.msk [tilespmem:v38+s15+$0x0], $0xffff;
	v28 =	vor.u32 v62, v5;
	[tilespmem:v31+s18+$0x0] =	vst.idx.msk $0xffff, v6;
	v6 =	vmul.f32 v10, v58  }
0x10d: {  	v47 =	vor.u32 v62, v0;
	v62 =	vld [tilespmem:$0x1FFC0];
	v7 =	vmul.f32 v7, v3;
	v8 =	vmul.f32 v8, v53  }
0x10e: {  	v37 =	vor.u32 v52, v16;
	v29 =	vor.u32 v51, v16;
	v16 =	vld [tilespmem:$0x1FE10];
	v6 =	vadd.f32 v6, v1  }
0x10f: {  	v59 =	vor.u32 v25, v23;
	v10 =	vld.idx.msk [tilespmem:v15+s15+$0x0], $0xffff;
	v7 =	vadd.f32 v7, v56;
	v8 =	vmul.f32 v8, v2  }
0x110: {  	[tilespmem:v24+s18+$0x0] =	vst.idx.msk $0xffff, v6;
	v6 =	vld [tilespmem:$0x1FF00]  }
0x111: {  	v9 =	vmul.f32 v9, v45;
	[tilespmem:v28+s18+$0x0] =	vst.idx.msk $0xffff, v7;
	v7 =	vadd.f32 v8, v32;
	v8 =	vld [tilespmem:$0x1FF20]  }
0x112: {  	v34 =	vor.u32 v52, v4;
	v15 =	vor.u32 v51, v4;
	v4 =	vld.idx.msk [tilespmem:v55+s15+$0x0], $0xffff  }
0x113: {  	v9 =	vmul.f32 v9, v17;
	[tilespmem:v47+s18+$0x0] =	vst.idx.msk $0xffff, v7;
	v47 =	vld [tilespmem:$0x1FF10]  }
0x114: {  	v54 =	vadd.s32 s31, v22;
	v31 =	vor.u32 v52, v27;
	v27 =	vmov v5;
	v7 =	vld.idx.msk [tilespmem:v59+s15+$0x0], $0xffff  }
0x115: {  	v9 =	vadd.f32 v9, v57;
	v50 =	vor.u32 v44, v36;
	v5 =	vand.u32 $0x3F, v54;
	v59 =	vld [tilespmem:$0x1FF40]  }
0x116: {  	v54 =	vor.u32 v39, v36;
	v53 =	vor.u32 v20, v5;
	v24 =	vor.u32 v25, v5;
	v55 =	vld [tilespmem:$0x1FF30]  }
0x117: {  	v20 =	vmovc v27;
	v27 =	vmov v0;
	[tilespmem:$0x1FF00] =	vst v24;
	v24 =	vor.u32 v62, v36;
	v8 =	vor.u32 v49, v8  }
0x118: {  	[tilespmem:v29+s18+$0x0] =	vst.idx.msk $0xffff, v9;
	v9 =	vor.u32 v62, v30;
	v10 =	vsub.f32 v10, v47;
	v6 =	vld.idx.msk [tilespmem:v6+s15+$0x0], $0xffff  }
0x119: {  	v4 =	vsub.f32 v4, v47;
	[tilespmem:v15+s18+$0x0] =	vst.idx.msk $0xffff, v26;
	v15 =	vsub.f32 v19, v61;
	v19 =	vld.idx.msk [tilespmem:v16+s15+$0x0], $0xffff  }
0x11a: {  	v26 =	vor.u32 v62, v23;
	v0 =	vor.u32 v59, v20;
	v28 =	vor.u32 v59, v27  }
0x11b: {  	v29 =	vor.u32 v59, v18;
	v7 =	vsub.f32 v7, v47;
	v10 =	vmul.f32 v10, v55  }
0x11c: {  	v16 =	vmovc v36;
	v62 =	vor.u32 v62, v13;
	v36 =	vmov v5;
	v4 =	vmul.f32 v4, v55;
	v8 =	vld.idx.msk [tilespmem:v8+s15+$0x0], $0xffff  }
0x11d: {  	v7 =	vmul.f32 v7, v55;
	v10 =	vmul.f32 v10, v12;
	v5 =	vsub.f32 v6, v47;
	v47 =	vmovc v3  }
0x11e: {  	v15 =	vmul.f32 v15, v60;
	v19 =	vsub.f32 v19, v61;
	v4 =	vmul.f32 v4, v47  }
0x11f: {  	v7 =	vmul.f32 v7, v2;
	v10 =	vadd.f32 v10, v11;
	v5 =	vmul.f32 v5, v55  }
0x120: {  	v6 =	vor.u32 v59, v40;
	v19 =	vmul.f32 v19, v60;
	v4 =	vadd.f32 v4, v56  }
0x121: {  	v35 =	vld [tilespmem:$0x1FF90];
	[tilespmem:v29+s18+$0x0] =	vst.idx.msk $0xffff, v10;
	v8 =	vsub.f32 v8, v61;
	v5 =	vmul.f32 v5, v58  }
0x122: {  	v10 =	vld.idx.msk [tilespmem:v62+s15+$0x0], $0xffff;
	v19 =	vmul.f32 v19, v17;
	[tilespmem:v0+s18+$0x0] =	vst.idx.msk $0xffff, v4;
	v0 =	vadd.f32 v7, v32  }
0x123: {  	v8 =	vmul.f32 v8, v60;
	v4 =	vld [tilespmem:$0x1FF80];
	v5 =	vadd.f32 v5, v1  }
0x124: {  	v15 =	vmul.f32 v15, v48;
	v7 =	vld.idx.msk [tilespmem:v9+s15+$0x0], $0xffff;
	v9 =	vadd.f32 v19, v57;
	[tilespmem:v28+s18+$0x0] =	vst.idx.msk $0xffff, v0  }
0x125: {  	s0 =	sadd.s32 $0x1, s31;
	[tilespmem:v6+s18+$0x0] =	vst.idx.msk $0xffff, v5;
	v6 =	vmul.f32 v8, v21;
	v5 =	vld.idx.msk [tilespmem:v26+s15+$0x0], $0xffff  }
0x126: {  	v45 =	vor.u32 v49, v30;
	v3 =	vadd.s32 s0, v22;
	v15 =	vadd.f32 v15, v14;
	[tilespmem:v37+s18+$0x0] =	vst.idx.msk $0xffff, v9;
	v37 =	vld [tilespmem:$0x1FF80]  }
0x127: {  	p1 =	slt.u32 s31, $0x3C;
	s1 =	sadd.s32 $0x2, s31;
	v46 =	vmovc v1;
	v25 =	vmovc v40;
	v55 =	vand.u32 $0x3F, v3;
	v0 =	vsub.f32 v10, v43;
	v3 =	vadd.f32 v6, v63;
	v6 =	vld [tilespmem:$0x1FF80]  }
.Ltmp3:
0x128: {  	[tilespmem:$0x1FF20] =	vst v16;
	v40 =	vshll.u32 v36, $0x7;
	v14 =	vmovc v56;
	v17 =	vmovc v2;
	v60 =	vor.u32 v35, v36;
	v2 =	vadd.s32 s1, v22;
	(pc) =	sbr.rel @p1 .LBB2_5-.Ltmp3, $4  }
0x129: {  	v56 =	vand.u32 $0x3F, v2;
	v2 =	vor.u32 v41, v27;
	[tilespmem:v31+s18+$0x0] =	vst.idx.msk $0xffff, v15;
	v9 =	vmul.f32 v0, v42  }
0x12a: {  	v21 =	vmovc v58;
	v8 =	vor.u32 v4, v36;
	v0 =	vor.u32 v41, v20;
	v7 =	vsub.f32 v7, v43  }
0x12b: {  	v4 =	vld.idx.msk [tilespmem:v24+s15+$0x0], $0xffff;
	[tilespmem:v34+s18+$0x0] =	vst.idx.msk $0xffff, v3;
	v61 =	vmul.f32 v9, v12;
	v3 =	vor.u32 v39, v13  }
0x12c: {  	s1 =	sadd.s32 $0x3, s31;
	s31 =	sadd.s32 $0x4, s31;
	v63 =	vmovc v39;
	v62 =	vor.u32 v37, v56;
	v59 =	vor.u32 v6, v55;
	v6 =	vor.u32 v41, v18  }
0x12d: {  	v22 =	vlaneseq.u32  }
0x12e: {  	v1 =	vadd.s32 s1, v22  }
0x12f: {  	v1 =	vand.u32 $0x3F, v1  }
0x130: {  	v9 =	vor.u32 v37, v1;
	_ =	sdelay $0x1  }
0x131: {  	v10 =	vld.idx.msk [tilespmem:v59+s15+$0x0], $0xffff  }
0x132: {  	v15 =	vld.idx.msk [tilespmem:v62+s15+$0x0], $0xffff  }
0x133: {  	v29 =	vld [tilespmem:$0x1FE50]  }
0x134: {  	v9 =	vld.idx.msk [tilespmem:v9+s15+$0x0], $0xffff  }
0x135: {  	s0 =	sadd.s32 $0x40, s29;
	v34 =	vld [tilespmem:$0x1FE60]  }
0x136: {  	v43 =	vld [tilespmem:s0+$0x10]  }
0x137: {  	v48 =	vld [tilespmem:s0+$0xFFFFFFF0]  }
0x138: {  	s30 =	sadd.s32 $0x40, s30;
	v44 =	vld [tilespmem:s0+$0x0];
	v10 =	vsub.f32 v10, v29  }
0x139: {  	v59 =	vshll.u32 v55, $0x7;
	v28 =	vor.u32 v35, v55;
	v49 =	vld [tilespmem:s30+$0xFFFFFFF0];
	v9 =	vsub.f32 v9, v29  }
0x13a: {  	v58 =	vshll.u32 v56, $0x7;
	v42 =	vld [tilespmem:s30+$0x10];
	v15 =	vsub.f32 v15, v29;
	v10 =	vmul.f32 v10, v34  }
0x13b: {  	v33 =	vmovc v63;
	v26 =	vor.u32 v22, v59;
	v62 =	vld [tilespmem:s30+$0x0];
	v63 =	vshll.u32 v1, $0x7;
	v9 =	vmul.f32 v9, v34  }
0x13c: {  	v8 =	vld.idx.msk [tilespmem:v8+s15+$0x0], $0xffff;
	v19 =	vor.u32 v22, v63;
	v15 =	vmul.f32 v15, v34;
	v10 =	vmul.f32 v10, v48  }
0x13d: {  	v38 =	vor.u32 v22, v58;
	v24 =	vor.u32 v35, v1;
	v9 =	vmul.f32 v9, v43  }
0x13e: {  	v15 =	vmul.f32 v15, v44;
	v10 =	vadd.f32 v10, v49  }
0x13f: {  	v39 =	vor.u32 v35, v56;
	v57 =	vld [tilespmem:s0+$0xFFFFFFE0];
	v9 =	vadd.f32 v9, v42  }
0x140: {  	v31 =	vld [tilespmem:s30+$0xFFFFFFE0];
	v41 =	vadd.f32 v15, v62;
	[tilespmem:v26+s18+$0x0] =	vst.idx.msk $0xffff, v10  }
0x141: {  	v8 =	vsub.f32 v8, v29;
	v26 =	vld.idx.msk [tilespmem:v28+s15+$0x0], $0xffff;
	[tilespmem:v19+s18+$0x0] =	vst.idx.msk $0xffff, v9  }
0x142: {  	[tilespmem:v38+s18+$0x0] =	vst.idx.msk $0xffff, v41;
	v24 =	vld.idx.msk [tilespmem:v24+s15+$0x0], $0xffff  }
0x143: {  	v8 =	vmul.f32 v8, v34;
	v34 =	vld [tilespmem:$0x1FE70]  }
0x144: {  	v9 =	vld.idx.msk [tilespmem:v39+s15+$0x0], $0xffff  }
0x145: {  	v35 =	vld [tilespmem:$0x1FE80]  }
0x146: {  	v29 =	vor.u32 v22, v40;
	v38 =	vld [tilespmem:$0x1FE90]  }
0x147: {  	v8 =	vmul.f32 v8, v57  }
0x148: {  	v16 =	vmov v13;
	v13 =	vld [tilespmem:$0x1FFA0];
	v28 =	vsub.f32 v24, v34  }
0x149: {  	v8 =	vadd.f32 v8, v31;
	v15 =	vsub.f32 v26, v34  }
0x14a: {  	v9 =	vsub.f32 v9, v34;
	v10 =	vmul.f32 v28, v35  }
0x14b: {  	[tilespmem:v29+s18+$0x0] =	vst.idx.msk $0xffff, v8;
	v24 =	vor.u32 v38, v63;
	v41 =	vmul.f32 v15, v35  }
0x14c: {  	v39 =	vor.u32 v38, v59;
	v9 =	vmul.f32 v9, v35;
	v10 =	vmul.f32 v10, v43  }
0x14d: {  	v22 =	vld.idx.msk [tilespmem:v60+s15+$0x0], $0xffff;
	v26 =	vor.u32 v13, v1;
	v60 =	vor.u32 v38, v58;
	v8 =	vmul.f32 v41, v48  }
0x14e: {  	v9 =	vmul.f32 v9, v44;
	v10 =	vadd.f32 v10, v42  }
0x14f: {  	v41 =	vor.u32 v13, v55;
	v8 =	vadd.f32 v8, v49  }
0x150: {  	v9 =	vadd.f32 v9, v62;
	[tilespmem:v24+s18+$0x0] =	vst.idx.msk $0xffff, v10  }
0x151: {  	[tilespmem:v39+s18+$0x0] =	vst.idx.msk $0xffff, v8  }
0x152: {  	[tilespmem:v60+s18+$0x0] =	vst.idx.msk $0xffff, v9;
	v24 =	vld.idx.msk [tilespmem:v26+s15+$0x0], $0xffff  }
0x153: {  	v22 =	vsub.f32 v22, v34;
	v34 =	vld [tilespmem:$0x1FEA0]  }
0x154: {  	v26 =	vld.idx.msk [tilespmem:v41+s15+$0x0], $0xffff  }
0x155: {  	v8 =	vmul.f32 v22, v35;
	v35 =	vld [tilespmem:$0x1FEB0]  }
0x156: {  	v13 =	vor.u32 v13, v56;
	v41 =	vld [tilespmem:$0x1FEC0];
	_ =	sdelay $0x1  }
0x157: {  	v29 =	vsub.f32 v24, v34;
	_ =	sdelay $0x1  }
0x158: {  	v28 =	vor.u32 v38, v40;
	v19 =	vmul.f32 v29, v35  }
0x159: {  	v10 =	vld.idx.msk [tilespmem:v13+s15+$0x0], $0xffff;
	v8 =	vmul.f32 v8, v57;
	v38 =	vor.u32 v41, v63  }
0x15a: {  	v19 =	vmul.f32 v19, v43  }
0x15b: {  	v8 =	vadd.f32 v8, v31  }
0x15c: {  	v13 =	vld [tilespmem:$0x1FFB0];
	v60 =	vadd.f32 v19, v42  }
0x15d: {  	v9 =	vsub.f32 v26, v34;
	[tilespmem:v28+s18+$0x0] =	vst.idx.msk $0xffff, v8  }
0x15e: {  	v10 =	vsub.f32 v10, v34;
	[tilespmem:v38+s18+$0x0] =	vst.idx.msk $0xffff, v60  }
0x15f: {  	v39 =	vmul.f32 v9, v35;
	v38 =	vld [tilespmem:$0x1FF50]  }
0x160: {  	v9 =	vld.idx.msk [tilespmem:v53+s15+$0x0], $0xffff;
	v10 =	vmul.f32 v10, v35;
	v19 =	vor.u32 v41, v59  }
0x161: {  	v26 =	vor.u32 v13, v1;
	v22 =	vor.u32 v41, v58;
	v8 =	vmul.f32 v39, v48  }
0x162: {  	v53 =	vadd.f32 v61, v11;
	v10 =	vmul.f32 v10, v44  }
0x163: {  	v28 =	vor.u32 v13, v55;
	v8 =	vadd.f32 v8, v49  }
0x164: {  	v60 =	vadd.f32 v10, v62;
	[tilespmem:v6+s18+$0x0] =	vst.idx.msk $0xffff, v53;
	v7 =	vmul.f32 v7, v38  }
0x165: {  	[tilespmem:v19+s18+$0x0] =	vst.idx.msk $0xffff, v8;
	v19 =	vsub.f32 v9, v34  }
0x166: {  	v24 =	vld.idx.msk [tilespmem:v26+s15+$0x0], $0xffff;
	[tilespmem:v22+s18+$0x0] =	vst.idx.msk $0xffff, v60;
	v7 =	vmul.f32 v7, v47  }
0x167: {  	v39 =	vmov v40;
	v29 =	vld [tilespmem:$0x1FF70];
	v8 =	vmul.f32 v19, v35  }
0x168: {  	v22 =	vor.u32 v41, v39;
	v6 =	vld.idx.msk [tilespmem:v28+s15+$0x0], $0xffff;
	v7 =	vadd.f32 v7, v14  }
0x169: {  	v28 =	vld [tilespmem:$0x1FF10];
	v60 =	vmul.f32 v8, v57  }
0x16a: {  	v40 =	vld [tilespmem:$0x1FF60];
	[tilespmem:v0+s18+$0x0] =	vst.idx.msk $0xffff, v7  }
0x16b: {  	v61 =	vor.u32 v13, v56;
	v0 =	vadd.f32 v60, v31;
	v34 =	vld [tilespmem:$0x1FF30]  }
0x16c: {  	v41 =	vld [tilespmem:$0x1FF40]  }
0x16d: {  	v5 =	vsub.f32 v5, v29;
	[tilespmem:v22+s18+$0x0] =	vst.idx.msk $0xffff, v0  }
0x16e: {  	v53 =	vsub.f32 v24, v28;
	v22 =	vld [tilespmem:$0x1FFC0]  }
0x16f: {  	v5 =	vmul.f32 v5, v38  }
0x170: {  	v4 =	vsub.f32 v4, v29;
	v6 =	vsub.f32 v6, v28;
	v7 =	vld.idx.msk [tilespmem:v61+s15+$0x0], $0xffff;
	v26 =	vmul.f32 v53, v34  }
0x171: {  	v61 =	vor.u32 v33, v30;
	v5 =	vmul.f32 v5, v17;
	v19 =	vor.u32 v41, v63;
	v53 =	vld [tilespmem:$0x1FF00]  }
0x172: {  	v9 =	vor.u32 v40, v25;
	v4 =	vmul.f32 v4, v38;
	v10 =	vmul.f32 v26, v43  }
0x173: {  	v5 =	vadd.f32 v5, v32;
	v6 =	vmul.f32 v6, v34;
	v35 =	vor.u32 v22, v1  }
0x174: {  	v4 =	vmul.f32 v4, v21;
	v60 =	vor.u32 v41, v59;
	v10 =	vadd.f32 v10, v42  }
0x175: {  	v3 =	vld.idx.msk [tilespmem:v3+s15+$0x0], $0xffff;
	[tilespmem:v2+s18+$0x0] =	vst.idx.msk $0xffff, v5;
	v6 =	vmul.f32 v6, v48  }
0x176: {  	v4 =	vadd.f32 v4, v46;
	v61 =	vld.idx.msk [tilespmem:v61+s15+$0x0], $0xffff;
	v13 =	vor.u32 v22, v55;
	[tilespmem:v19+s18+$0x0] =	vst.idx.msk $0xffff, v10  }
0x177: {  	v6 =	vadd.f32 v6, v49;
	v26 =	vld [tilespmem:$0x1FE20]  }
0x178: {  	v7 =	vsub.f32 v7, v28;
	[tilespmem:v9+s18+$0x0] =	vst.idx.msk $0xffff, v4;
	v0 =	vld.idx.msk [tilespmem:v35+s15+$0x0], $0xffff  }
0x179: {  	[tilespmem:v60+s18+$0x0] =	vst.idx.msk $0xffff, v6;
	v15 =	vld.idx.msk [tilespmem:v53+s15+$0x0], $0xffff  }
0x17a: {  	v7 =	vmul.f32 v7, v34;
	v35 =	vld [tilespmem:$0x1FED0]  }
0x17b: {  	v8 =	vor.u32 v41, v58;
	v5 =	vld.idx.msk [tilespmem:v13+s15+$0x0], $0xffff  }
0x17c: {  	v7 =	vmul.f32 v7, v44;
	v4 =	vor.u32 v22, v56;
	v13 =	vld [tilespmem:$0x1FE00];
	_ =	sdelay $0x1  }
0x17d: {  	v7 =	vadd.f32 v7, v62;
	v19 =	vor.u32 v41, v39;
	v41 =	vor.u32 v40, v59  }
0x17e: {  	v60 =	vor.u32 v33, v23;
	v3 =	vsub.f32 v3, v26;
	v2 =	vsub.f32 v61, v26  }
0x17f: {  	[tilespmem:v8+s18+$0x0] =	vst.idx.msk $0xffff, v7;
	v0 =	vsub.f32 v0, v29;
	v53 =	vsub.f32 v15, v28  }
0x180: {  	v4 =	vld.idx.msk [tilespmem:v4+s15+$0x0], $0xffff;
	v61 =	vor.u32 v13, v18;
	v24 =	vor.u32 v13, v20;
	v3 =	vmul.f32 v3, v35  }
0x181: {  	v5 =	vsub.f32 v5, v29;
	v2 =	vmul.f32 v2, v35;
	v6 =	vmul.f32 v53, v34  }
0x182: {  	v28 =	vor.u32 v22, v36;
	v0 =	vmul.f32 v0, v38;
	v3 =	vmul.f32 v3, v12  }
0x183: {  	v34 =	vor.u32 v40, v63;
	v5 =	vmul.f32 v5, v38;
	v6 =	vmul.f32 v6, v57  }
0x184: {  	v53 =	vor.u32 v33, v1;
	v2 =	vmul.f32 v2, v47;
	v3 =	vadd.f32 v3, v11  }
0x185: {  	v0 =	vmul.f32 v0, v43;
	v4 =	vsub.f32 v4, v29;
	v6 =	vadd.f32 v6, v31  }
0x186: {  	v9 =	vld.idx.msk [tilespmem:v60+s15+$0x0], $0xffff;
	v5 =	vmul.f32 v5, v48;
	v2 =	vadd.f32 v2, v14;
	[tilespmem:v61+s18+$0x0] =	vst.idx.msk $0xffff, v3  }
0x187: {  	v0 =	vadd.f32 v0, v42;
	[tilespmem:v19+s18+$0x0] =	vst.idx.msk $0xffff, v6;
	v6 =	vld.idx.msk [tilespmem:v54+s15+$0x0], $0xffff  }
0x188: {  	v4 =	vmul.f32 v4, v38;
	v22 =	vadd.f32 v5, v49;
	[tilespmem:v24+s18+$0x0] =	vst.idx.msk $0xffff, v2;
	v60 =	vld.idx.msk [tilespmem:v28+s15+$0x0], $0xffff  }
0x189: {  	[tilespmem:v34+s18+$0x0] =	vst.idx.msk $0xffff, v0;
	v61 =	vor.u32 v40, v58  }
0x18a: {  	v4 =	vmul.f32 v4, v44;
	[tilespmem:v41+s18+$0x0] =	vst.idx.msk $0xffff, v22;
	v41 =	vld.idx.msk [tilespmem:v53+s15+$0x0], $0xffff  }
0x18b: {  	v24 =	vsub.f32 v9, v26;
	v34 =	vor.u32 v33, v56;
	v54 =	vor.u32 v33, v55;
	v28 =	vld [tilespmem:$0x1FFE0]  }
0x18c: {  	v53 =	vor.u32 v13, v27;
	v4 =	vadd.f32 v4, v62;
	v6 =	vsub.f32 v6, v26  }
0x18d: {  	v22 =	vor.u32 v40, v39;
	v5 =	vmul.f32 v24, v35;
	v2 =	vsub.f32 v60, v29  }
0x18e: {  	[tilespmem:v61+s18+$0x0] =	vst.idx.msk $0xffff, v4;
	v61 =	vor.u32 v13, v25;
	v6 =	vmul.f32 v6, v35  }
0x18f: {  	v8 =	vsub.f32 v41, v26;
	v60 =	vmul.f32 v5, v17;
	v2 =	vmul.f32 v2, v38  }
0x190: {  	v10 =	vld.idx.msk [tilespmem:v54+s15+$0x0], $0xffff;
	v3 =	vor.u32 v28, v30;
	v54 =	vor.u32 v28, v16;
	v6 =	vmul.f32 v6, v21  }
0x191: {  	v30 =	vmul.f32 v8, v35;
	v4 =	vadd.f32 v60, v32;
	v2 =	vmul.f32 v2, v57  }
0x192: {  	v29 =	vor.u32 v33, v36;
	v33 =	vor.u32 v13, v63;
	v6 =	vadd.f32 v6, v46  }
0x193: {  	v7 =	vld.idx.msk [tilespmem:v34+s15+$0x0], $0xffff;
	[tilespmem:v53+s18+$0x0] =	vst.idx.msk $0xffff, v4;
	v4 =	vmul.f32 v30, v43;
	v2 =	vadd.f32 v2, v31  }
0x194: {  	[tilespmem:v61+s18+$0x0] =	vst.idx.msk $0xffff, v6  }
0x195: {  	v15 =	vld.idx.msk [tilespmem:v54+s15+$0x0], $0xffff;
	v4 =	vadd.f32 v4, v42;
	[tilespmem:v22+s18+$0x0] =	vst.idx.msk $0xffff, v2  }
0x196: {  	v24 =	vld [tilespmem:$0x1FE30]  }
0x197: {  	v0 =	vor.u32 v28, v23;
	v10 =	vsub.f32 v10, v26;
	v53 =	vld.idx.msk [tilespmem:v29+s15+$0x0], $0xffff;
	[tilespmem:v33+s18+$0x0] =	vst.idx.msk $0xffff, v4  }
0x198: {  	v7 =	vsub.f32 v7, v26;
	v29 =	vld [tilespmem:$0x1FEE0]  }
0x199: {  	v38 =	vor.u32 v13, v59;
	v34 =	vmul.f32 v10, v35  }
0x19a: {  	v30 =	vor.u32 v51, v18;
	v40 =	vld.idx.msk [tilespmem:v3+s15+$0x0], $0xffff;
	v54 =	vmul.f32 v7, v35;
	v61 =	vor.u32 v13, v58  }
0x19b: {  	v41 =	vmul.f32 v34, v48;
	v22 =	vor.u32 v28, v1;
	v60 =	vsub.f32 v15, v24  }
0x19c: {  	v0 =	vld.idx.msk [tilespmem:v0+s15+$0x0], $0xffff;
	v6 =	vmul.f32 v54, v44;
	v34 =	vor.u32 v28, v56;
	v33 =	vor.u32 v28, v55  }
0x19d: {  	v19 =	vld.idx.msk [tilespmem:v50+s15+$0x0], $0xffff;
	v54 =	vor.u32 v28, v36;
	v3 =	vadd.f32 v41, v49;
	v7 =	vmul.f32 v60, v29  }
0x19e: {  	v28 =	vor.u32 v51, v27;
	v6 =	vadd.f32 v6, v62;
	v5 =	vsub.f32 v53, v26  }
0x19f: {  	[tilespmem:v38+s18+$0x0] =	vst.idx.msk $0xffff, v3;
	v2 =	vsub.f32 v40, v24;
	v38 =	vmul.f32 v7, v12  }
0x1a0: {  	v41 =	vor.u32 v13, v39;
	[tilespmem:v61+s18+$0x0] =	vst.idx.msk $0xffff, v6;
	v8 =	vld.idx.msk [tilespmem:v22+s15+$0x0], $0xffff;
	v5 =	vmul.f32 v5, v35  }
0x1a1: {  	v0 =	vsub.f32 v0, v24;
	v10 =	vld.idx.msk [tilespmem:v33+s15+$0x0], $0xffff;
	v2 =	vmul.f32 v2, v29;
	v6 =	vadd.f32 v38, v11  }
0x1a2: {  	v4 =	vsub.f32 v19, v24;
	v40 =	vor.u32 v51, v20;
	v53 =	vld.idx.msk [tilespmem:v34+s15+$0x0], $0xffff;
	v50 =	vmul.f32 v5, v57  }
0x1a3: {  	v0 =	vmul.f32 v0, v29;
	v2 =	vmul.f32 v2, v47;
	[tilespmem:v30+s18+$0x0] =	vst.idx.msk $0xffff, v6  }
0x1a4: {  	v33 =	vor.u32 v51, v25;
	v4 =	vmul.f32 v4, v29;
	v3 =	vadd.f32 v50, v31;
	v26 =	vld [tilespmem:$0x1FFF0]  }
0x1a5: {  	v34 =	vor.u32 v51, v63;
	v0 =	vmul.f32 v0, v17;
	v2 =	vadd.f32 v2, v14  }
0x1a6: {  	v4 =	vmul.f32 v4, v21;
	v8 =	vsub.f32 v8, v24;
	[tilespmem:v41+s18+$0x0] =	vst.idx.msk $0xffff, v3  }
0x1a7: {  	v5 =	vsub.f32 v53, v24;
	v30 =	vsub.f32 v10, v24;
	[tilespmem:v40+s18+$0x0] =	vst.idx.msk $0xffff, v2;
	v6 =	vld.idx.msk [tilespmem:v54+s15+$0x0], $0xffff  }
0x1a8: {  	v0 =	vadd.f32 v0, v32;
	v4 =	vadd.f32 v4, v46;
	v8 =	vmul.f32 v8, v29;
	v40 =	vld [tilespmem:$0x1FF20]  }
0x1a9: {  	v38 =	vor.u32 v51, v59;
	v3 =	vmul.f32 v30, v29;
	v60 =	vor.u32 v26, v16  }
0x1aa: {  	v5 =	vmul.f32 v5, v29;
	v8 =	vmul.f32 v8, v43;
	v61 =	vor.u32 v26, v23  }
0x1ab: {  	v41 =	vor.u32 v51, v58;
	[tilespmem:v28+s18+$0x0] =	vst.idx.msk $0xffff, v0;
	v3 =	vmul.f32 v3, v48  }
0x1ac: {  	v50 =	vadd.f32 v8, v42;
	[tilespmem:v33+s18+$0x0] =	vst.idx.msk $0xffff, v4;
	v1 =	vor.u32 v26, v1  }
0x1ad: {  	v53 =	vld.idx.msk [tilespmem:v45+s15+$0x0], $0xffff;
	v3 =	vadd.f32 v3, v49;
	v15 =	vor.u32 v26, v40;
	v54 =	vsub.f32 v6, v24  }
0x1ae: {  	v5 =	vmul.f32 v5, v44;
	[tilespmem:v34+s18+$0x0] =	vst.idx.msk $0xffff, v50;
	v35 =	vld.idx.msk [tilespmem:v60+s15+$0x0], $0xffff  }
0x1af: {  	v24 =	vor.u32 v26, v55;
	[tilespmem:v38+s18+$0x0] =	vst.idx.msk $0xffff, v3;
	v0 =	vmul.f32 v54, v29;
	v60 =	vld.idx.msk [tilespmem:v61+s15+$0x0], $0xffff  }
0x1b0: {  	v28 =	vor.u32 v51, v39;
	v5 =	vadd.f32 v5, v62;
	v29 =	vor.u32 v26, v56;
	v61 =	vld [tilespmem:$0x1FE40]  }
0x1b1: {  	v30 =	vor.u32 v26, v36;
	v0 =	vmul.f32 v0, v57;
	v1 =	vld.idx.msk [tilespmem:v1+s15+$0x0], $0xffff  }
0x1b2: {  	[tilespmem:v41+s18+$0x0] =	vst.idx.msk $0xffff, v5;
	v22 =	vld.idx.msk [tilespmem:v15+s15+$0x0], $0xffff  }
0x1b3: {  	v58 =	vor.u32 v52, v58;
	v23 =	vld [tilespmem:$0x1FEF0];
	v0 =	vadd.f32 v0, v31  }
0x1b4: {  	v33 =	vor.u32 v52, v18;
	v51 =	vor.u32 v52, v25;
	v34 =	vor.u32 v52, v20;
	v6 =	vld.idx.msk [tilespmem:v24+s15+$0x0], $0xffff  }
0x1b5: {  	v36 =	vor.u32 v52, v27;
	v55 =	vor.u32 v52, v63;
	v38 =	vld.idx.msk [tilespmem:v29+s15+$0x0], $0xffff;
	[tilespmem:v28+s18+$0x0] =	vst.idx.msk $0xffff, v0  }
0x1b6: {  	v56 =	vor.u32 v52, v59;
	v19 =	vsub.f32 v35, v61;
	v4 =	vsub.f32 v53, v61;
	v40 =	vld.idx.msk [tilespmem:v30+s15+$0x0], $0xffff  }
0x1b7: {  	v59 =	vor.u32 v52, v39;
	v2 =	vsub.f32 v60, v61;
	v5 =	vsub.f32 v22, v61  }
0x1b8: {  	v45 =	vsub.f32 v1, v61;
	v3 =	vmul.f32 v19, v23;
	v4 =	vmul.f32 v4, v23  }
0x1b9: {  	v50 =	vsub.f32 v6, v61;
	v2 =	vmul.f32 v2, v23;
	v5 =	vmul.f32 v5, v23  }
0x1ba: {  	v53 =	vsub.f32 v38, v61;
	v3 =	vmul.f32 v3, v12;
	v35 =	vmul.f32 v4, v47  }
0x1bb: {  	v2 =	vmul.f32 v2, v17;
	v41 =	vmul.f32 v5, v21;
	v54 =	vsub.f32 v40, v61  }
0x1bc: {  	v4 =	vmul.f32 v53, v23;
	v3 =	vadd.f32 v3, v11;
	v0 =	vadd.f32 v35, v14  }
0x1bd: {  	v2 =	vadd.f32 v2, v32;
	v47 =	vadd.f32 v41, v46;
	v5 =	vmul.f32 v54, v23  }
0x1be: {  	v4 =	vmul.f32 v4, v44;
	[tilespmem:v34+s18+$0x0] =	vst.idx.msk $0xffff, v0;
	v0 =	vmul.f32 v45, v23  }
0x1bf: {  	[tilespmem:v36+s18+$0x0] =	vst.idx.msk $0xffff, v2;
	v2 =	vmul.f32 v50, v23;
	v61 =	vmul.f32 v5, v57  }
0x1c0: {  	[tilespmem:v33+s18+$0x0] =	vst.idx.msk $0xffff, v3;
	v62 =	vadd.f32 v4, v62;
	v0 =	vmul.f32 v0, v43  }
0x1c1: {  	p1 =	sne.s32 s26, $0x63;
	[tilespmem:v51+s18+$0x0] =	vst.idx.msk $0xffff, v47;
	v2 =	vmul.f32 v2, v48;
	v63 =	vadd.f32 v61, v31  }
.Ltmp4:
0x1c2: {  	[tilespmem:v58+s18+$0x0] =	vst.idx.msk $0xffff, v62;
	v0 =	vadd.f32 v0, v42;
	(pc) =	sbr.rel @p1 .LBB2_8-.Ltmp4, $4  }
0x1c3: {  	s31 =	sshll.u32 s26, $0x10;
	v60 =	vadd.f32 v2, v49;
	[tilespmem:v59+s18+$0x0] =	vst.idx.msk $0xffff, v63  }
0x1c4: {  	s29 =	sor.u32 s8, s31;
	[tilespmem:v55+s18+$0x0] =	vst.idx.msk $0xffff, v0  }
0x1c5: {  	s0 =	sadd.s32 s2, s29;
	[tilespmem:v56+s18+$0x0] =	vst.idx.msk $0xffff, v60  }
0x1c6: {  	v41 =	vlaneseq.u32;
	[hbm4b:s0+s19] =	stream.strided.scatter [tilespmem:s18], [sflag:$0x3], $0x2000, s20, s19, $0x38;
	[tilespmem:$0x12C00] =	vst v63  }
.Ltmp5:
0x1c7: {  	(pc) =	sbr.rel .LBB2_9-.Ltmp5, $4  }
0x1c8: {  	_ = 	snop  }
0x1c9: {  	_ =	swait.ge [sflag:s21], $0x4000  }
0x1ca: {  	[sflag:s21] =	ssyncset.done $0x0  }
0x1cb: {  	[sflag:s21] =	ssyncadd.s32 $0xFFFFC000  }
.LBB2_8:
0x1cc: {  	s0 =	sshrl.u32 s28, $0x2  }
.Ltmp6:
0x1cd: {  	s0 =	sadd.s32 $0x100, s0;
	(pc) =	sbr.rel @p0 .LBB2_10-.Ltmp6, $4  }
0x1ce: {  	[tilespmem:s15], [sflag:$0x1] =	stream.indirect.gather [hbm4b:s4+s14], $0x80, s0, s14, $0xb8;
	[tilespmem:$0x12C00] =	vst v63  }
0x1cf: {  	_ =	swait.ge [sflag:s21], $0x4000  }
0x1d0: {  	[sflag:s21] =	ssyncset.done $0x0  }
0x1d1: {  	[sflag:s21] =	ssyncadd.s32 $0xFFFFC000  }
.LBB2_9:
0x1d2: {  	_ =	swait.ge [sflag:s22], $0x2000  }
0x1d3: {  	[sflag:s22] =	ssyncset.done $0x0  }
0x1d4: {  	[sflag:s22] =	ssyncadd.s32 $0xFFFFE000  }
.LBB2_10:
0x1d5: {  	s0 =	simm.s32 $0x0  }
0x1d6: {  	v0 =	vadd.s32 s0, v41  }
0x1d7: {  	v45 =	vor.u32 $0x7800, v37;
	v0 =	vand.u32 $0x3F, v0  }
0x1d8: {  	v17 =	vor.u32 $0x4000, v37;
	v1 =	vor.u32 v45, v0  }
0x1d9: {  	v54 =	vor.u32 $0x4800, v37;
	v2 =	vor.u32 v17, v0  }
0x1da: {  	v11 =	vor.u32 $0x5000, v37;
	v3 =	vor.u32 v54, v0  }
0x1db: {  	v63 =	vor.u32 $0x5800, v37;
	v4 =	vor.u32 v11, v0  }
0x1dc: {  	v46 =	vor.u32 $0x7000, v37;
	v6 =	vor.u32 v63, v0  }
0x1dd: {  	v50 =	vor.u32 $0x6000, v37;
	v48 =	vor.u32 $0x6800, v37;
	v16 =	vor.u32 v46, v0;
	v1 =	vld.idx.msk [tilespmem:v1+s15+$0x0], $0xffff  }
0x1de: {  	v27 =	vimm.f32 $0.0e+00;
	v25 =	vimm.f32 $0.0e+00;
	v9 =	vor.u32 v50, v0;
	v5 =	vld.idx.msk [tilespmem:v2+s15+$0x0], $0xffff  }
0x1df: {  	v23 =	vimm.f32 $0.0e+00;
	v24 =	vimm.f32 $0.0e+00;
	v10 =	vor.u32 v48, v0;
	v7 =	vld.idx.msk [tilespmem:v3+s15+$0x0], $0xffff  }
0x1e0: {  	s31 =	simm.s32 $0x1;
	v22 =	vimm.f32 $0.0e+00;
	v18 =	vimm.f32 $0.0e+00;
	v19 =	vimm.f32 $0.0e+00;
	v3 =	vld.idx.msk [tilespmem:v4+s15+$0x0], $0xffff  }
0x1e1: {  	v20 =	vimm.f32 $0.0e+00;
	v15 =	vimm.f32 $0.0e+00;
	v30 =	vadd.s32 s31, v41;
	v8 =	vld.idx.msk [tilespmem:v6+s15+$0x0], $0xffff  }
0x1e2: {  	v2 =	vimm.f32 $0.0e+00;
	v4 =	vld.idx.msk [tilespmem:v16+s15+$0x0], $0xffff;
	v16 =	vimm.f32 $0.0e+00;
	v6 =	vimm.f32 $0.0e+00  }
0x1e3: {  	v9 =	vld.idx.msk [tilespmem:v9+s15+$0x0], $0xffff;
	v0 =	vadd.f32 v1, v2;
	v29 =	vmul.f32 v1, v1;
	v21 =	vadd.f32 v5, v2  }
0x1e4: {  	s1 =	simm.s32 $0x2;
	v28 =	vmul.f32 v5, v5;
	v5 =	vld.idx.msk [tilespmem:v10+s15+$0x0], $0xffff;
	v10 =	vimm.f32 $0.0e+00;
	v1 =	vimm.f32 $0.0e+00  }
.LBB2_11:
0x1e5: {  	p0 =	sne.s32 s1, $0x3F;
	v30 =	vand.u32 $0x3F, v30;
	v2 =	vadd.f32 v29, v2  }
0x1e6: {  	v29 =	vor.u32 v17, v30;
	v31 =	vor.u32 v54, v30;
	v32 =	vor.u32 v45, v30  }
0x1e7: {  	v33 =	vor.u32 v11, v30;
	v34 =	vor.u32 v63, v30;
	v35 =	vor.u32 v50, v30  }
0x1e8: {  	v36 =	vor.u32 v48, v30;
	v37 =	vor.u32 v46, v30;
	v30 =	vmul.f32 v7, v7  }
0x1e9: {  	v27 =	vadd.f32 v28, v27;
	v28 =	vmul.f32 v3, v3;
	v38 =	vmul.f32 v8, v8  }
0x1ea: {  	v25 =	vadd.f32 v30, v25;
	v30 =	vmul.f32 v9, v9;
	v39 =	vmul.f32 v5, v5  }
0x1eb: {  	v23 =	vadd.f32 v28, v23;
	v24 =	vadd.f32 v38, v24;
	v28 =	vmul.f32 v4, v4;
	v32 =	vld.idx.msk [tilespmem:v32+s15+$0x0], $0xffff  }
0x1ec: {  	v22 =	vadd.f32 v30, v22;
	v18 =	vadd.f32 v39, v18;
	v38 =	vld.idx.msk [tilespmem:v29+s15+$0x0], $0xffff  }
0x1ed: {  	v19 =	vadd.f32 v7, v19;
	v20 =	vadd.f32 v28, v20;
	v7 =	vld.idx.msk [tilespmem:v31+s15+$0x0], $0xffff  }
.Ltmp7:
0x1ee: {  	v10 =	vadd.f32 v3, v10;
	v15 =	vadd.f32 v8, v15;
	v3 =	vld.idx.msk [tilespmem:v33+s15+$0x0], $0xffff;
	(pc) =	sbr.rel @p0 .LBB2_11-.Ltmp7, $4  }
0x1ef: {  	v16 =	vadd.f32 v9, v16;
	v6 =	vadd.f32 v5, v6;
	v8 =	vld.idx.msk [tilespmem:v34+s15+$0x0], $0xffff  }
0x1f0: {  	v1 =	vadd.f32 v4, v1;
	v9 =	vld.idx.msk [tilespmem:v35+s15+$0x0], $0xffff  }
0x1f1: {  	v0 =	vadd.f32 v32, v0;
	v29 =	vmul.f32 v32, v32;
	v5 =	vld.idx.msk [tilespmem:v36+s15+$0x0], $0xffff  }
0x1f2: {  	v30 =	vadd.s32 s1, v41;
	s1 =	sadd.s32 $0x1, s1;
	v21 =	vadd.f32 v38, v21;
	v28 =	vmul.f32 v38, v38;
	v4 =	vld.idx.msk [tilespmem:v37+s15+$0x0], $0xffff  }
0x1f3: {  	v30 =	vand.u32 $0x3F, v30  }
0x1f4: {  	v31 =	vor.u32 v17, v30  }
0x1f5: {  	v32 =	vor.u32 v45, v30  }
0x1f6: {  	v2 =	vadd.f32 v29, v2;
	v29 =	vor.u32 v54, v30  }
0x1f7: {  	v34 =	vor.u32 v63, v30  }
0x1f8: {  	v35 =	vmul.f32 v7, v7  }
0x1f9: {  	v7 =	vadd.f32 v7, v19;
	v10 =	vadd.f32 v3, v10;
	v33 =	vor.u32 v11, v30;
	v31 =	vld.idx.msk [tilespmem:v31+s15+$0x0], $0xffff  }
0x1fa: {  	v27 =	vadd.f32 v28, v27;
	v28 =	vmul.f32 v3, v3;
	v37 =	vmul.f32 v8, v8;
	v32 =	vld.idx.msk [tilespmem:v32+s15+$0x0], $0xffff  }
0x1fb: {  	v8 =	vadd.f32 v8, v15;
	v25 =	vadd.f32 v35, v25;
	v60 =	vmul.f32 v9, v9;
	v29 =	vld.idx.msk [tilespmem:v29+s15+$0x0], $0xffff  }
0x1fc: {  	v9 =	vadd.f32 v9, v16;
	v39 =	vmul.f32 v5, v5;
	v23 =	vadd.f32 v28, v23;
	v19 =	vld.idx.msk [tilespmem:v34+s15+$0x0], $0xffff  }
0x1fd: {  	v24 =	vadd.f32 v37, v24;
	v5 =	vadd.f32 v5, v6;
	v28 =	vmul.f32 v4, v4  }
0x1fe: {  	v36 =	vor.u32 v50, v30;
	v22 =	vadd.f32 v60, v22;
	v1 =	vadd.f32 v4, v1;
	v33 =	vld.idx.msk [tilespmem:v33+s15+$0x0], $0xffff  }
0x1ff: {  	v20 =	vadd.f32 v28, v20;
	v21 =	vadd.f32 v31, v21;
	v31 =	vmul.f32 v31, v31  }
0x200: {  	v15 =	vmul.f32 v29, v29;
	v3 =	vmul.f32 v32, v32;
	v7 =	vadd.f32 v29, v7  }
0x201: {  	v29 =	vmul.f32 v19, v19;
	v27 =	vadd.f32 v31, v27;
	v61 =	vmul.f32 $1.562500000e-02, v21  }
0x202: {  	v21 =	vor.u32 v48, v30;
	v15 =	vadd.f32 v15, v25;
	v62 =	vmul.f32 $1.562500000e-02, v7  }
0x203: {  	v10 =	vadd.f32 v33, v10;
	v27 =	vmul.f32 $1.562500000e-02, v27;
	v28 =	vmul.f32 v61, v61  }
0x204: {  	v8 =	vadd.f32 v19, v8;
	v15 =	vmul.f32 $1.562500000e-02, v15;
	v25 =	vmul.f32 v62, v62  }
0x205: {  	v30 =	vor.u32 v46, v30;
	v16 =	vsub.f32 v27, v28;
	v28 =	vmul.f32 v33, v33  }
0x206: {  	v31 =	vmul.f32 $1.562500000e-02, v10;
	v24 =	vadd.f32 v29, v24;
	v27 =	vld.idx.msk [tilespmem:v36+s15+$0x0], $0xffff;
	v15 =	vsub.f32 v15, v25  }
0x207: {  	v26 =	vmul.f32 $1.562500000e-02, v8;
	v21 =	vld.idx.msk [tilespmem:v21+s15+$0x0], $0xffff;
	v16 =	vadd.f32 $9.999999740e-06, v16;
	v23 =	vadd.f32 v28, v23  }
0x208: {  	v6 =	vmul.f32 $1.562500000e-02, v24;
	v25 =	vmul.f32 v31, v31;
	v15 =	vadd.f32 $9.999999740e-06, v15  }
0x209: {  	v7 =	vshrl.u32 v16, $0x1;
	v16 =	vmul.f32 $5.000000000e-01, v16;
	v23 =	vmul.f32 $1.562500000e-02, v23  }
0x20a: {  	v24 =	vshrl.u32 v15, $0x1;
	v15 =	vmul.f32 $5.000000000e-01, v15;
	v7 =	vsub.s32 $0x5F3759DF, v7  }
0x20b: {  	v10 =	vmul.f32 v27, v27;
	v9 =	vadd.f32 v27, v9;
	v19 =	vmul.f32 v7, v16  }
0x20c: {  	v24 =	vsub.s32 $0x5F3759DF, v24;
	v28 =	vmul.f32 v21, v21;
	v5 =	vadd.f32 v21, v5  }
0x20d: {  	v14 =	vmul.f32 $1.562500000e-02, v9;
	v8 =	vmul.f32 v7, v19;
	v19 =	vsub.f32 v23, v25  }
0x20e: {  	v10 =	vadd.f32 v10, v22;
	v23 =	vmul.f32 v26, v26;
	v25 =	vmul.f32 v24, v15  }
0x20f: {  	v12 =	vmul.f32 $1.562500000e-02, v5;
	v19 =	vadd.f32 $9.999999740e-06, v19;
	v8 =	vsub.f32 $1.500000000e+00, v8  }
0x210: {  	v10 =	vmul.f32 $1.562500000e-02, v10;
	v6 =	vsub.f32 v6, v23;
	v23 =	vld.idx.msk [tilespmem:v30+s15+$0x0], $0xffff;
	v4 =	vmul.f32 v24, v25  }
0x211: {  	v29 =	vshrl.u32 v19, $0x1;
	v19 =	vmul.f32 $5.000000000e-01, v19;
	v7 =	vmul.f32 v7, v8  }
0x212: {  	v6 =	vadd.f32 $9.999999740e-06, v6;
	v4 =	vsub.f32 $1.500000000e+00, v4;
	v8 =	vsub.s32 $0x5F3759DF, v29  }
0x213: {  	v25 =	vmul.f32 v8, v19;
	v29 =	vmul.f32 v7, v16  }
0x214: {  	v30 =	vshrl.u32 v6, $0x1;
	v6 =	vmul.f32 $5.000000000e-01, v6;
	v4 =	vmul.f32 v24, v4  }
0x215: {  	v30 =	vsub.s32 $0x5F3759DF, v30;
	v53 =	vmul.f32 v23, v23;
	v25 =	vmul.f32 v8, v25  }
0x216: {  	v9 =	vadd.f32 v32, v0;
	v27 =	vmul.f32 v30, v6;
	v0 =	vmul.f32 v4, v15  }
0x217: {  	v29 =	vmul.f32 v29, v7;
	v20 =	vadd.f32 v53, v20;
	v24 =	vsub.f32 $1.500000000e+00, v25  }
0x218: {  	v22 =	vmul.f32 v30, v27;
	v0 =	vmul.f32 v0, v4  }
0x219: {  	v27 =	vsub.f32 $1.500000000e+00, v29;
	v20 =	vmul.f32 $1.562500000e-02, v20;
	v8 =	vmul.f32 v8, v24  }
0x21a: {  	v22 =	vsub.f32 $1.500000000e+00, v22;
	v24 =	vmul.f32 v14, v14;
	v0 =	vsub.f32 $1.500000000e+00, v0  }
0x21b: {  	v18 =	vadd.f32 v39, v18;
	v7 =	vmul.f32 v27, v7;
	v29 =	vmul.f32 v8, v19  }
0x21c: {  	v2 =	vadd.f32 v3, v2;
	v22 =	vmul.f32 v30, v22;
	v0 =	vmul.f32 v0, v4  }
0x21d: {  	v10 =	vsub.f32 v10, v24;
	v16 =	vmul.f32 v7, v16;
	v24 =	vmul.f32 v29, v8  }
0x21e: {  	v18 =	vadd.f32 v28, v18;
	v27 =	vmul.f32 v22, v6;
	v15 =	vmul.f32 v0, v15  }
0x21f: {  	v10 =	vadd.f32 $9.999999740e-06, v10;
	v16 =	vmul.f32 v16, v7;
	v4 =	vsub.f32 $1.500000000e+00, v24  }
0x220: {  	v23 =	vadd.f32 v23, v1;
	v24 =	vmul.f32 v27, v22;
	v15 =	vmul.f32 v15, v0  }
0x221: {  	v27 =	vshrl.u32 v10, $0x1;
	v10 =	vmul.f32 $5.000000000e-01, v10;
	v8 =	vmul.f32 v4, v8  }
0x222: {  	v4 =	vsub.s32 $0x5F3759DF, v27;
	v24 =	vsub.f32 $1.500000000e+00, v24;
	v1 =	vsub.f32 $1.500000000e+00, v15  }
0x223: {  	s0 =	simm.s32 $0x3;
	v16 =	vsub.f32 $1.500000000e+00, v16;
	v27 =	vmul.f32 v4, v10;
	v19 =	vmul.f32 v8, v19  }
0x224: {  	v21 =	vmul.f32 v24, v22;
	v32 =	vmul.f32 v1, v0;
	v1 =	vadd.s32 s0, v41  }
0x225: {  	s1 =	simm.s32 $0x0;
	v30 =	vmul.f32 v16, v7;
	v22 =	vmul.f32 v4, v27;
	v53 =	vand.u32 $0x3F, v1  }
0x226: {  	v1 =	vadd.s32 s1, v41;
	v15 =	vmul.f32 v19, v8;
	v6 =	vmul.f32 v21, v6  }
0x227: {  	v16 =	vor.u32 v17, v53;
	v1 =	vand.u32 $0x3F, v1;
	v7 =	vsub.f32 $1.500000000e+00, v22  }
0x228: {  	v24 =	vor.u32 v54, v53;
	v22 =	vor.u32 $0x2000, v41;
	v5 =	vmul.f32 v6, v21  }
0x229: {  	v0 =	vsub.f32 $1.500000000e+00, v15;
	v6 =	vmul.f32 v4, v7;
	v4 =	vmul.f32 $1.562500000e-02, v18  }
0x22a: {  	[tilespmem:$0x1FC90] =	vst v12;
	v49 =	vor.u32 v54, v1;
	v7 =	vmul.f32 v12, v12;
	v12 =	vmul.f32 $1.562500000e-02, v23  }
0x22b: {  	s1 =	simm.s32 $0x1;
	v18 =	vor.u32 v17, v1;
	v5 =	vsub.f32 $1.500000000e+00, v5;
	v28 =	vmul.f32 v0, v8  }
0x22c: {  	v15 =	vmul.f32 v6, v10;
	v4 =	vsub.f32 v4, v7;
	v7 =	vadd.s32 s1, v41;
	s1 =	simm.s32 $0x2  }
0x22d: {  	[tilespmem:$0x1FCA0] =	vst v12;
	v12 =	vmul.f32 v12, v12;
	v40 =	vand.u32 $0x3F, v7;
	v7 =	vadd.s32 s1, v41  }
0x22e: {  	v25 =	vmul.f32 v5, v21;
	v19 =	vor.u32 v17, v40;
	v33 =	vand.u32 $0x3F, v7  }
0x22f: {  	v16 =	vld.idx.msk [tilespmem:v16+s15+$0x0], $0xffff;
	v4 =	vadd.f32 $9.999999740e-06, v4;
	v7 =	vmul.f32 v15, v6;
	v15 =	vor.u32 v17, v33  }
0x230: {  	s30 =	simm.s32 $0x12420;
	v20 =	vsub.f32 v20, v12;
	v12 =	vmul.f32 $1.562500000e-02, v9;
	v29 =	vshll.u32 v40, $0x7  }
0x231: {  	v27 =	vld [tilespmem:s30+$0x10];
	v43 =	vor.u32 v22, v29;
	v23 =	vshrl.u32 v4, $0x1;
	v4 =	vmul.f32 $5.000000000e-01, v4  }
0x232: {  	v8 =	vld.idx.msk [tilespmem:v18+s15+$0x0], $0xffff;
	v47 =	vor.u32 v54, v33;
	v0 =	vsub.f32 $1.500000000e+00, v7;
	v7 =	vsub.s32 $0x5F3759DF, v23  }
0x233: {  	v38 =	vor.u32 v11, v33;
	v20 =	vadd.f32 $9.999999740e-06, v20;
	v5 =	vmul.f32 v7, v4;
	v23 =	vld.idx.msk [tilespmem:v19+s15+$0x0], $0xffff  }
0x234: {  	s31 =	simm.s32 $0x12820;
	v2 =	vmul.f32 $1.562500000e-02, v2;
	v0 =	vmul.f32 v0, v6;
	v9 =	vsub.f32 v16, v61;
	v6 =	vld.idx.msk [tilespmem:v15+s15+$0x0], $0xffff;
	[tilespmem:$0x1FCB0] =	vst v12  }
0x235: {  	v16 =	vmul.f32 $5.000000000e-01, v20;
	v19 =	vshll.u32 v53, $0x7;
	v15 =	vmul.f32 v12, v12;
	v18 =	vld [tilespmem:s31+$0x10]  }
0x236: {  	v3 =	vmul.f32 v7, v5;
	v5 =	vshrl.u32 v20, $0x1;
	v9 =	vmul.f32 v9, v30  }
0x237: {  	v8 =	vsub.f32 v8, v61;
	v56 =	vld [tilespmem:s30+$0xFFFFFFF0];
	v2 =	vsub.f32 v2, v15;
	v15 =	vor.u32 v22, v19  }
0x238: {  	v12 =	vshll.u32 v33, $0x7;
	v37 =	vld [tilespmem:s30+$0x0];
	[tilespmem:$0x1FCC0] =	vst v61;
	v9 =	vmul.f32 v9, v27;
	v23 =	vsub.f32 v23, v61  }
0x239: {  	v10 =	vmul.f32 v0, v10;
	v5 =	vsub.s32 $0x5F3759DF, v5;
	v34 =	vld [tilespmem:s31+$0xFFFFFFF0];
	v6 =	vsub.f32 v6, v61  }
0x23a: {  	v55 =	vmul.f32 v5, v16;
	v20 =	vld [tilespmem:s30+$0xFFFFFFE0];
	[tilespmem:$0x1FCD0] =	vst v30;
	v9 =	vadd.f32 v9, v18;
	v42 =	vmul.f32 v23, v30  }
0x23b: {  	v44 =	vor.u32 v22, v12;
	v8 =	vmul.f32 v8, v30;
	v35 =	vld [tilespmem:s31+$0x0];
	v6 =	vmul.f32 v6, v30  }
0x23c: {  	v21 =	vld [tilespmem:s31+$0xFFFFFFE0];
	[tilespmem:v15+s18+$0x0] =	vst.idx.msk $0xffff, v9;
	v9 =	vmul.f32 v42, v56;
	v15 =	vor.u32 v54, v40  }
0x23d: {  	v3 =	vsub.f32 $1.500000000e+00, v3;
	v39 =	vmul.f32 v5, v55;
	v30 =	vshll.u32 v1, $0x7;
	v24 =	vld.idx.msk [tilespmem:v24+s15+$0x0], $0xffff  }
0x23e: {  	v57 =	vor.u32 v22, v30;
	v6 =	vmul.f32 v6, v37;
	v9 =	vadd.f32 v9, v34  }
0x23f: {  	v2 =	vadd.f32 $9.999999740e-06, v2;
	v3 =	vmul.f32 v7, v3;
	v8 =	vmul.f32 v8, v20;
	[tilespmem:$0x1FCE0] =	vst v22  }
0x240: {  	v61 =	vor.u32 v11, v40;
	v6 =	vadd.f32 v6, v35;
	[tilespmem:v43+s18+$0x0] =	vst.idx.msk $0xffff, v9  }
0x241: {  	v51 =	vshrl.u32 v2, $0x1;
	v2 =	vmul.f32 $5.000000000e-01, v2;
	v8 =	vadd.f32 v8, v21;
	v15 =	vld.idx.msk [tilespmem:v15+s15+$0x0], $0xffff  }
0x242: {  	v59 =	vmul.f32 v3, v4;
	v51 =	vsub.s32 $0x5F3759DF, v51;
	[tilespmem:v44+s18+$0x0] =	vst.idx.msk $0xffff, v6;
	v6 =	vsub.f32 v24, v62  }
0x243: {  	v22 =	vor.u32 $0x2010, v41;
	v9 =	vmul.f32 v51, v2;
	[tilespmem:v57+s18+$0x0] =	vst.idx.msk $0xffff, v8;
	v8 =	vld.idx.msk [tilespmem:v47+s15+$0x0], $0xffff  }
0x244: {  	v42 =	vmul.f32 v59, v3;
	v7 =	vor.u32 v22, v19;
	v58 =	vld.idx.msk [tilespmem:v49+s15+$0x0], $0xffff;
	v6 =	vmul.f32 v6, v32  }
0x245: {  	v57 =	vor.u32 v11, v1;
	v24 =	vsub.f32 $1.500000000e+00, v39;
	v9 =	vmul.f32 v51, v9  }
0x246: {  	v47 =	vmovc v19;
	v19 =	vor.u32 $0x2020, v41;
	v6 =	vmul.f32 v6, v27;
	v15 =	vsub.f32 v15, v62  }
0x247: {  	v59 =	vor.u32 v19, v29;
	v5 =	vmul.f32 v5, v24;
	v24 =	vor.u32 v11, v53  }
0x248: {  	v8 =	vsub.f32 v8, v62;
	v6 =	vadd.f32 v6, v18;
	v15 =	vmul.f32 v15, v32  }
0x249: {  	[tilespmem:$0x1FCF0] =	vst v62;
	v9 =	vsub.f32 $1.500000000e+00, v9;
	v39 =	vsub.f32 v58, v62;
	v62 =	vor.u32 v22, v29  }
0x24a: {  	v8 =	vmul.f32 v8, v32;
	[tilespmem:v7+s18+$0x0] =	vst.idx.msk $0xffff, v6;
	v15 =	vmul.f32 v15, v56  }
0x24b: {  	v9 =	vmul.f32 v51, v9;
	v6 =	vor.u32 v22, v12;
	v7 =	vmul.f32 v39, v32;
	[tilespmem:$0x1FD00] =	vst v32  }
0x24c: {  	v32 =	vor.u32 v22, v30;
	v8 =	vmul.f32 v8, v37;
	v24 =	vld.idx.msk [tilespmem:v24+s15+$0x0], $0xffff;
	v15 =	vadd.f32 v15, v34  }
0x24d: {  	v60 =	vmul.f32 v5, v16;
	v58 =	vor.u32 v63, v40;
	[tilespmem:$0x1FD10] =	vst v22;
	v7 =	vmul.f32 v7, v20  }
0x24e: {  	v52 =	vmul.f32 v9, v2;
	v8 =	vadd.f32 v8, v35;
	[tilespmem:v62+s18+$0x0] =	vst.idx.msk $0xffff, v15  }
0x24f: {  	v43 =	vmul.f32 v60, v5;
	v60 =	vor.u32 v63, v33;
	v7 =	vadd.f32 v7, v21;
	v44 =	vld.idx.msk [tilespmem:v61+s15+$0x0], $0xffff  }
0x250: {  	v15 =	vmul.f32 v52, v9;
	[tilespmem:v6+s18+$0x0] =	vst.idx.msk $0xffff, v8;
	v8 =	vmul.f32 v10, v0  }
0x251: {  	v10 =	vsub.f32 $1.500000000e+00, v42;
	[tilespmem:v32+s18+$0x0] =	vst.idx.msk $0xffff, v7;
	v7 =	vld.idx.msk [tilespmem:v38+s15+$0x0], $0xffff;
	v6 =	vsub.f32 v24, v31  }
0x252: {  	v62 =	vor.u32 v63, v1;
	v15 =	vsub.f32 $1.500000000e+00, v15;
	v24 =	vsub.f32 $1.500000000e+00, v43;
	v39 =	vld.idx.msk [tilespmem:v57+s15+$0x0], $0xffff  }
0x253: {  	v3 =	vmul.f32 v10, v3;
	v10 =	vor.u32 v19, v47;
	v6 =	vmul.f32 v6, v28  }
0x254: {  	v9 =	vmul.f32 v15, v9;
	v5 =	vmul.f32 v24, v5;
	v24 =	vsub.f32 v44, v31  }
0x255: {  	v15 =	vor.u32 v63, v53;
	v4 =	vmul.f32 v3, v4;
	v6 =	vmul.f32 v6, v27  }
0x256: {  	v2 =	vmul.f32 v9, v2;
	v7 =	vsub.f32 v7, v31;
	v24 =	vmul.f32 v24, v28  }
0x257: {  	v16 =	vmul.f32 v5, v16;
	v39 =	vsub.f32 v39, v31;
	v6 =	vadd.f32 v6, v18  }
0x258: {  	v61 =	vor.u32 v19, v30;
	[tilespmem:$0x1FD20] =	vst v31;
	v7 =	vmul.f32 v7, v28;
	v24 =	vmul.f32 v24, v56  }
0x259: {  	[tilespmem:v10+s18+$0x0] =	vst.idx.msk $0xffff, v6;
	v6 =	vor.u32 v19, v12;
	v10 =	vmul.f32 v39, v28  }
0x25a: {  	v8 =	vsub.f32 $1.500000000e+00, v8;
	v4 =	vmul.f32 v4, v3;
	v7 =	vmul.f32 v7, v37;
	[tilespmem:$0x1FD30] =	vst v28  }
0x25b: {  	v16 =	vmul.f32 v16, v5;
	v24 =	vadd.f32 v24, v34;
	v15 =	vld.idx.msk [tilespmem:v15+s15+$0x0], $0xffff;
	v10 =	vmul.f32 v10, v20  }
0x25c: {  	v2 =	vmul.f32 v2, v9;
	v4 =	vsub.f32 $1.500000000e+00, v4;
	[tilespmem:$0x1FD40] =	vst v19;
	v7 =	vadd.f32 v7, v35  }
0x25d: {  	v19 =	vmul.f32 v8, v0;
	v0 =	vsub.f32 $1.500000000e+00, v16;
	[tilespmem:v59+s18+$0x0] =	vst.idx.msk $0xffff, v24;
	v10 =	vadd.f32 v10, v21  }
0x25e: {  	v3 =	vmul.f32 v4, v3;
	[tilespmem:v6+s18+$0x0] =	vst.idx.msk $0xffff, v7  }
0x25f: {  	v2 =	vsub.f32 $1.500000000e+00, v2;
	v24 =	vld.idx.msk [tilespmem:v58+s15+$0x0], $0xffff;
	v0 =	vmul.f32 v0, v5;
	[tilespmem:v61+s18+$0x0] =	vst.idx.msk $0xffff, v10  }
0x260: {  	v7 =	vld.idx.msk [tilespmem:v60+s15+$0x0], $0xffff;
	v6 =	vsub.f32 v15, v26;
	[tilespmem:$0x1FD50] =	vst v3  }
0x261: {  	v3 =	vld.idx.msk [tilespmem:v62+s15+$0x0], $0xffff;
	[tilespmem:$0x1FD60] =	vst v0;
	v0 =	vmul.f32 v2, v9  }
0x262: {  	v39 =	vmov v12;
	v12 =	vor.u32 $0x2030, v41;
	v4 =	vmul.f32 v6, v25  }
0x263: {  	[tilespmem:$0x1FD70] =	vst v0;
	v0 =	vor.u32 v12, v47  }
0x264: {  	v32 =	vor.u32 v45, v1;
	v2 =	vmul.f32 v4, v27  }
0x265: {  	v28 =	vor.u32 v45, v40;
	v5 =	vsub.f32 v24, v26;
	v4 =	vor.u32 v50, v53  }
0x266: {  	v8 =	vor.u32 v50, v1;
	v7 =	vsub.f32 v7, v26;
	v2 =	vadd.f32 v2, v18  }
0x267: {  	s1 =	simm.s32 $0x4;
	v10 =	vor.u32 v12, v29;
	[tilespmem:$0x1FD80] =	vst v26;
	v5 =	vmul.f32 v5, v25;
	v3 =	vsub.f32 v3, v26  }
0x268: {  	v15 =	vadd.s32 s1, v41;
	v9 =	vor.u32 v50, v33;
	v7 =	vmul.f32 v7, v25;
	[tilespmem:v0+s18+$0x0] =	vst.idx.msk $0xffff, v2  }
0x269: {  	s1 =	simm.s32 $0x5;
	v6 =	vor.u32 v50, v40;
	v2 =	vmul.f32 v3, v25;
	v3 =	vmul.f32 v5, v56;
	[tilespmem:$0x1FD90] =	vst v25  }
0x26a: {  	v44 =	vand.u32 $0x3F, v15;
	v16 =	vadd.s32 s1, v41;
	v0 =	vor.u32 v12, v39;
	v4 =	vld.idx.msk [tilespmem:v4+s15+$0x0], $0xffff  }
0x26b: {  	v52 =	vmovc v27;
	v5 =	vor.u32 v12, v30;
	v7 =	vmul.f32 v7, v37;
	v3 =	vadd.f32 v3, v34  }
0x26c: {  	v36 =	vor.u32 v63, v44;
	v15 =	vor.u32 v17, v44;
	[tilespmem:$0x1FDA0] =	vst v12;
	v2 =	vmul.f32 v2, v20  }
0x26d: {  	s1 =	simm.s32 $0x6;
	v61 =	vand.u32 $0x3F, v16;
	v42 =	vor.u32 v11, v44;
	v7 =	vadd.f32 v7, v35;
	[tilespmem:v10+s18+$0x0] =	vst.idx.msk $0xffff, v3  }
0x26e: {  	v24 =	vor.u32 v17, v61;
	v2 =	vadd.f32 v2, v21;
	v3 =	vadd.s32 s1, v41;
	v55 =	vld.idx.msk [tilespmem:v6+s15+$0x0], $0xffff;
	[tilespmem:$0x1FDB0] =	vst v11  }
0x26f: {  	v27 =	vor.u32 v46, v1;
	v62 =	vand.u32 $0x3F, v3;
	[tilespmem:v0+s18+$0x0] =	vst.idx.msk $0xffff, v7;
	v4 =	vsub.f32 v4, v14  }
0x270: {  	v1 =	vor.u32 v48, v1;
	[tilespmem:v5+s18+$0x0] =	vst.idx.msk $0xffff, v2;
	v16 =	vor.u32 v17, v62  }
0x271: {  	v2 =	vor.u32 $0x2040, v41;
	v5 =	vor.u32 v48, v53;
	[tilespmem:$0x1FDC0] =	vst v19;
	v4 =	vmul.f32 v4, v19  }
0x272: {  	v3 =	vor.u32 v2, v29;
	v0 =	vor.u32 v2, v39;
	v6 =	vld.idx.msk [tilespmem:v9+s15+$0x0], $0xffff;
	[tilespmem:$0x1FDD0] =	vst v2  }
0x273: {  	v51 =	vmov v18;
	v7 =	vor.u32 v2, v47;
	v10 =	vmul.f32 v4, v52;
	v4 =	vld.idx.msk [tilespmem:v8+s15+$0x0], $0xffff;
	[tilespmem:$0x1FDE0] =	vst v14  }
0x274: {  	s0 =	simm.s32 $0x7;
	s1 =	simm.s32 $0x8;
	v2 =	vor.u32 v2, v30;
	v9 =	vor.u32 v54, v44;
	v8 =	vsub.f32 v55, v14;
	[tilespmem:$0x1FDF0] =	vst v54  }
.LBB2_13:
0x275: {  	v60 =	vld [tilespmem:$0x1FDE0]  }
0x276: {  	v22 =	vld [tilespmem:$0x1FDC0]  }
0x277: {  	v15 =	vld.idx.msk [tilespmem:v15+s15+$0x0], $0xffff  }
0x278: {  	v24 =	vld.idx.msk [tilespmem:v24+s15+$0x0], $0xffff  }
0x279: {  	v55 =	vadd.s32 s0, v41;
	v16 =	vld.idx.msk [tilespmem:v16+s15+$0x0], $0xffff;
	v57 =	vor.u32 v48, v33;
	v31 =	vor.u32 v46, v40  }
0x27a: {  	v14 =	vld [tilespmem:$0x1FCC0];
	v10 =	vadd.f32 v10, v51;
	v59 =	vand.u32 $0x3F, v55;
	v6 =	vsub.f32 v6, v60  }
0x27b: {  	[tilespmem:$0x1FC40] =	vst v28;
	v26 =	vld [tilespmem:$0x1FC90];
	v55 =	vor.u32 v17, v59;
	v4 =	vsub.f32 v4, v60;
	v8 =	vmul.f32 v8, v22  }
0x27c: {  	v11 =	vor.u32 v46, v33;
	v19 =	vld [tilespmem:$0x1FCD0];
	[tilespmem:v7+s18+$0x0] =	vst.idx.msk $0xffff, v10;
	v6 =	vmul.f32 v6, v22  }
0x27d: {  	[tilespmem:$0x1FC60] =	vst v32;
	v18 =	vld [tilespmem:$0x1FD50];
	v4 =	vmul.f32 v4, v22;
	v7 =	vmul.f32 v8, v56;
	v8 =	vor.u32 v48, v40  }
0x27e: {  	[tilespmem:$0x1FC80] =	vst v36;
	v5 =	vld.idx.msk [tilespmem:v5+s15+$0x0], $0xffff;
	v40 =	vmov v61;
	v10 =	vmul.f32 v6, v37;
	v6 =	vor.u32 v45, v33  }
0x27f: {  	v23 =	vld [tilespmem:$0x1FCE0];
	v4 =	vmul.f32 v4, v20;
	v25 =	vadd.f32 v7, v34;
	[tilespmem:$0x1FC50] =	vst v6;
	v6 =	vor.u32 v63, v40  }
0x280: {  	v28 =	vmov v21;
	v32 =	vmov v39;
	v12 =	vld.idx.msk [tilespmem:v55+s15+$0x0], $0xffff;
	[tilespmem:$0x1FC70] =	vst v6;
	v10 =	vadd.f32 v10, v35  }
0x281: {  	v55 =	vmov v27;
	v4 =	vadd.f32 v4, v21;
	[tilespmem:v3+s18+$0x0] =	vst.idx.msk $0xffff, v25;
	v3 =	vsub.f32 v15, v14  }
0x282: {  	s30 =	sadd.s32 $0x40, s30;
	v15 =	vsub.f32 v24, v14;
	v24 =	vld.idx.msk [tilespmem:v8+s15+$0x0], $0xffff;
	[tilespmem:v0+s18+$0x0] =	vst.idx.msk $0xffff, v10;
	v0 =	vsub.f32 v16, v14  }
0x283: {  	v7 =	vshll.u32 v40, $0x7;
	[tilespmem:v2+s18+$0x0] =	vst.idx.msk $0xffff, v4;
	v4 =	vsub.f32 v5, v26;
	v25 =	vmul.f32 v3, v19;
	v16 =	vld [tilespmem:s30+$0x10]  }
0x284: {  	v3 =	vmul.f32 v15, v19;
	v5 =	vor.u32 $0x2050, v41;
	v6 =	vmovc v42;
	v42 =	vor.u32 v23, v7;
	v2 =	vld.idx.msk [tilespmem:v57+s15+$0x0], $0xffff  }
0x285: {  	s31 =	sadd.s32 $0x40, s31;
	v15 =	vld.idx.msk [tilespmem:v1+s15+$0x0], $0xffff;
	v1 =	vsub.f32 v12, v14;
	v57 =	vmul.f32 v0, v19;
	v0 =	vmul.f32 v4, v18  }
0x286: {  	v21 =	vmovc v37;
	v10 =	vld [tilespmem:s31+$0x10];
	v36 =	vor.u32 v5, v29;
	v37 =	vor.u32 v5, v39;
	v38 =	vor.u32 v5, v47  }
0x287: {  	v27 =	vmovc v52;
	v12 =	vor.u32 v46, v53;
	v4 =	vld [tilespmem:s30+$0xFFFFFFE0];
	v49 =	vmul.f32 v1, v19;
	v0 =	vmul.f32 v0, v52  }
0x288: {  	v33 =	vmovc v62;
	v62 =	vld [tilespmem:s30+$0xFFFFFFF0];
	[tilespmem:$0x1FC30] =	vst v5;
	v39 =	vor.u32 v5, v30;
	v13 =	vsub.f32 v24, v26;
	v24 =	vshll.u32 v59, $0x7  }
0x289: {  	v5 =	vld [tilespmem:s30+$0x0];
	v19 =	vmovc v17;
	v17 =	vor.u32 v23, v24;
	v41 =	vmul.f32 v49, v16;
	v14 =	vadd.f32 v0, v51  }
0x28a: {  	v1 =	vld [tilespmem:s31+$0xFFFFFFE0];
	v52 =	vmovc v50;
	v50 =	vmovc v46;
	v0 =	vshll.u32 v44, $0x7;
	v46 =	vsub.f32 v2, v26;
	v26 =	vsub.f32 v15, v26  }
0x28b: {  	v2 =	vld [tilespmem:s31+$0xFFFFFFF0];
	v13 =	vmul.f32 v13, v18;
	v49 =	vmovc v45;
	v45 =	vor.u32 v54, v59;
	v41 =	vadd.f32 v41, v10  }
0x28c: {  	v8 =	vshll.u32 v33, $0x7;
	v25 =	vmul.f32 v25, v4;
	[tilespmem:v38+s18+$0x0] =	vst.idx.msk $0xffff, v14;
	v14 =	vor.u32 v23, v0  }
0x28d: {  	v43 =	vor.u32 v23, v8;
	v38 =	vmul.f32 v3, v62;
	v3 =	vld [tilespmem:s31+$0x0];
	v46 =	vmul.f32 v46, v18  }
0x28e: {  	v12 =	vld.idx.msk [tilespmem:v12+s15+$0x0], $0xffff;
	[tilespmem:v17+s18+$0x0] =	vst.idx.msk $0xffff, v41;
	v17 =	vmul.f32 v26, v18;
	v26 =	vor.u32 v54, v40  }
0x28f: {  	v57 =	vmul.f32 v57, v5;
	v13 =	vmul.f32 v13, v56;
	v23 =	vmovc v56;
	v56 =	vld [tilespmem:$0x1FCA0];
	v25 =	vadd.f32 v25, v1  }
0x290: {  	v38 =	vadd.f32 v38, v2;
	v41 =	vld.idx.msk [tilespmem:v45+s15+$0x0], $0xffff;
	v45 =	vmul.f32 v46, v21;
	v46 =	vor.u32 v54, v33  }
0x291: {  	v54 =	vld [tilespmem:$0x1FDB0];
	[tilespmem:v14+s18+$0x0] =	vst.idx.msk $0xffff, v25  }
0x292: {  	v58 =	vmov v20;
	v17 =	vmul.f32 v17, v20;
	v20 =	vld [tilespmem:$0x1FD60];
	v14 =	vadd.f32 v57, v3;
	[tilespmem:v42+s18+$0x0] =	vst.idx.msk $0xffff, v38  }
0x293: {  	v25 =	vld.idx.msk [tilespmem:v26+s15+$0x0], $0xffff  }
0x294: {  	[tilespmem:v43+s18+$0x0] =	vst.idx.msk $0xffff, v14;
	v14 =	vadd.f32 v45, v35;
	v45 =	vmov v49;
	v49 =	vld [tilespmem:$0x1FCF0]  }
0x295: {  	v38 =	vld.idx.msk [tilespmem:v46+s15+$0x0], $0xffff  }
0x296: {  	v46 =	vmov v50;
	v50 =	vmov v52;
	v52 =	vld [tilespmem:$0x1FD00]  }
0x297: {  	v13 =	vadd.f32 v13, v34;
	v42 =	vor.u32 v45, v53;
	v53 =	vmov v59;
	v59 =	vld [tilespmem:$0x1FD10]  }
0x298: {  	v61 =	vlaneseq.u32;
	v12 =	vsub.f32 v12, v56;
	v9 =	vld.idx.msk [tilespmem:v9+s15+$0x0], $0xffff;
	v17 =	vadd.f32 v17, v28  }
0x299: {  	v57 =	vor.u32 $0x2060, v61;
	[tilespmem:v36+s18+$0x0] =	vst.idx.msk $0xffff, v13;
	v41 =	vsub.f32 v41, v49  }
0x29a: {  	v26 =	vor.u32 v57, v47;
	[tilespmem:v39+s18+$0x0] =	vst.idx.msk $0xffff, v17;
	v12 =	vmul.f32 v12, v20  }
0x29b: {  	v18 =	vmov v30;
	v30 =	vor.u32 v54, v40;
	[tilespmem:v37+s18+$0x0] =	vst.idx.msk $0xffff, v14;
	v36 =	vmul.f32 v41, v52  }
0x29c: {  	v12 =	vmul.f32 v12, v27;
	v25 =	vsub.f32 v25, v49;
	v41 =	vor.u32 v59, v24  }
0x29d: {  	v31 =	vld.idx.msk [tilespmem:v31+s15+$0x0], $0xffff;
	v43 =	vor.u32 v54, v53;
	v9 =	vsub.f32 v9, v49;
	v36 =	vmul.f32 v36, v16  }
0x29e: {  	v11 =	vld.idx.msk [tilespmem:v11+s15+$0x0], $0xffff;
	v12 =	vadd.f32 v12, v51;
	v14 =	vor.u32 v59, v7;
	v17 =	vmul.f32 v25, v52  }
0x29f: {  	v38 =	vsub.f32 v38, v49;
	v49 =	vld [tilespmem:$0x1FD70];
	v9 =	vmul.f32 v9, v52;
	v36 =	vadd.f32 v36, v10  }
0x2a0: {  	[tilespmem:v26+s18+$0x0] =	vst.idx.msk $0xffff, v12;
	v12 =	vor.u32 v59, v0;
	v25 =	vld.idx.msk [tilespmem:v55+s15+$0x0], $0xffff;
	v17 =	vmul.f32 v17, v62  }
0x2a1: {  	v26 =	vld.idx.msk [tilespmem:v42+s15+$0x0], $0xffff;
	v9 =	vmul.f32 v9, v4;
	[tilespmem:v41+s18+$0x0] =	vst.idx.msk $0xffff, v36  }
0x2a2: {  	v38 =	vmul.f32 v38, v52;
	v17 =	vadd.f32 v17, v2;
	v41 =	vld.idx.msk [tilespmem:v43+s15+$0x0], $0xffff  }
0x2a3: {  	v31 =	vsub.f32 v31, v56;
	v37 =	vor.u32 v59, v8;
	v9 =	vadd.f32 v9, v1;
	v43 =	vld [tilespmem:$0x1FCB0]  }
0x2a4: {  	v55 =	vor.u32 v54, v33;
	v42 =	vld [tilespmem:$0x1FD20];
	v38 =	vmul.f32 v38, v5;
	[tilespmem:v14+s18+$0x0] =	vst.idx.msk $0xffff, v17  }
0x2a5: {  	v11 =	vsub.f32 v11, v56;
	v14 =	vsub.f32 v25, v56;
	[tilespmem:v12+s18+$0x0] =	vst.idx.msk $0xffff, v9;
	v25 =	vld.idx.msk [tilespmem:v30+s15+$0x0], $0xffff  }
0x2a6: {  	v38 =	vadd.f32 v38, v3;
	v56 =	vld.idx.msk [tilespmem:v6+s15+$0x0], $0xffff  }
0x2a7: {  	v31 =	vmul.f32 v31, v20;
	v11 =	vmul.f32 v11, v20;
	v6 =	vld [tilespmem:$0x1FD30]  }
0x2a8: {  	[tilespmem:v37+s18+$0x0] =	vst.idx.msk $0xffff, v38;
	v14 =	vmul.f32 v14, v20;
	v20 =	vld [tilespmem:$0x1FD40];
	v26 =	vsub.f32 v26, v43  }
0x2a9: {  	v13 =	vor.u32 v57, v29;
	v59 =	vor.u32 $0x2070, v61;
	v9 =	vld.idx.msk [tilespmem:v55+s15+$0x0], $0xffff  }
0x2aa: {  	v11 =	vmul.f32 v11, v21;
	v36 =	vor.u32 v57, v18;
	v17 =	vmul.f32 v26, v49  }
0x2ab: {  	v12 =	vsub.f32 v41, v42;
	v26 =	vmul.f32 v31, v23;
	v31 =	vor.u32 v59, v47  }
0x2ac: {  	v14 =	vmul.f32 v14, v58;
	v25 =	vsub.f32 v25, v42;
	v17 =	vmul.f32 v17, v27  }
0x2ad: {  	v52 =	vmovc v16;
	v16 =	vor.u32 v20, v8;
	v12 =	vmul.f32 v12, v6;
	v26 =	vadd.f32 v26, v34  }
0x2ae: {  	v61 =	vor.u32 v20, v24;
	v9 =	vsub.f32 v9, v42;
	v17 =	vadd.f32 v17, v51  }
0x2af: {  	v12 =	vmul.f32 v12, v52;
	v51 =	vmov v10;
	v10 =	vor.u32 v20, v7;
	[tilespmem:v13+s18+$0x0] =	vst.idx.msk $0xffff, v26  }
0x2b0: {  	v13 =	vsub.f32 v56, v42;
	[tilespmem:v31+s18+$0x0] =	vst.idx.msk $0xffff, v17;
	v17 =	vor.u32 v20, v0;
	v20 =	vld [tilespmem:$0x1FC40]  }
0x2b1: {  	v37 =	vld [tilespmem:$0x1FD80];
	v47 =	vmovc v24;
	v24 =	vor.u32 v63, v53;
	v25 =	vmul.f32 v25, v6;
	v12 =	vadd.f32 v12, v51  }
0x2b2: {  	v39 =	vor.u32 v57, v32;
	v9 =	vmul.f32 v9, v6;
	v13 =	vmul.f32 v13, v6;
	v6 =	vld [tilespmem:$0x1FC50]  }
0x2b3: {  	v42 =	vld [tilespmem:$0x1FD90];
	[tilespmem:v61+s18+$0x0] =	vst.idx.msk $0xffff, v12;
	v12 =	vadd.f32 v14, v28;
	v14 =	vmul.f32 v25, v62  }
0x2b4: {  	v11 =	vadd.f32 v11, v35;
	v31 =	vor.u32 v59, v18;
	v18 =	vld [tilespmem:$0x1FDA0]  }
0x2b5: {  	[tilespmem:v36+s18+$0x0] =	vst.idx.msk $0xffff, v12;
	v12 =	vmul.f32 v13, v4;
	v13 =	vadd.f32 v14, v2;
	v14 =	vld [tilespmem:$0x1FC60]  }
0x2b6: {  	v24 =	vld.idx.msk [tilespmem:v24+s15+$0x0], $0xffff  }
0x2b7: {  	[tilespmem:v39+s18+$0x0] =	vst.idx.msk $0xffff, v11;
	v11 =	vor.u32 v59, v29;
	v29 =	vmov v7;
	v7 =	vadd.f32 v12, v1;
	v12 =	vld [tilespmem:$0x1FC70]  }
0x2b8: {  	v9 =	vmul.f32 v9, v5;
	v26 =	vld.idx.msk [tilespmem:v20+s15+$0x0], $0xffff  }
0x2b9: {  	v15 =	vor.u32 v63, v33;
	[tilespmem:v10+s18+$0x0] =	vst.idx.msk $0xffff, v13;
	v13 =	vld [tilespmem:$0x1FC80]  }
0x2ba: {  	v9 =	vadd.f32 v9, v3;
	v6 =	vld.idx.msk [tilespmem:v6+s15+$0x0], $0xffff;
	_ =	sdelay $0x1  }
0x2bb: {  	v39 =	vmov v8;
	[tilespmem:v16+s18+$0x0] =	vst.idx.msk $0xffff, v9;
	v9 =	vsub.f32 v24, v37  }
0x2bc: {  	v8 =	vor.u32 v50, v44;
	v27 =	vor.u32 v46, v44;
	v25 =	vor.u32 v59, v32;
	v14 =	vld.idx.msk [tilespmem:v14+s15+$0x0], $0xffff  }
0x2bd: {  	v32 =	vor.u32 v45, v44;
	v9 =	vmul.f32 v9, v42;
	[tilespmem:v17+s18+$0x0] =	vst.idx.msk $0xffff, v7;
	v7 =	vld.idx.msk [tilespmem:v15+s15+$0x0], $0xffff  }
0x2be: {  	v61 =	vor.u32 v50, v53;
	v15 =	vor.u32 v18, v47;
	v12 =	vld.idx.msk [tilespmem:v12+s15+$0x0], $0xffff;
	v6 =	vsub.f32 v6, v43  }
0x2bf: {  	v30 =	vmovc v0;
	v0 =	vor.u32 v18, v29;
	v16 =	vor.u32 v50, v40;
	v9 =	vmul.f32 v9, v52  }
0x2c0: {  	v24 =	vor.u32 v18, v39;
	v10 =	vsub.f32 v26, v43;
	v6 =	vmul.f32 v6, v49;
	v13 =	vld.idx.msk [tilespmem:v13+s15+$0x0], $0xffff  }
0x2c1: {  	v17 =	vor.u32 v50, v33;
	v26 =	vor.u32 v18, v30;
	v9 =	vadd.f32 v9, v51  }
0x2c2: {  	v10 =	vmul.f32 v10, v49;
	v14 =	vsub.f32 v14, v43;
	v6 =	vmul.f32 v6, v21  }
0x2c3: {  	v41 =	vlaneseq.u32;
	v56 =	vmovc v62;
	v7 =	vsub.f32 v7, v37;
	[tilespmem:v15+s18+$0x0] =	vst.idx.msk $0xffff, v9;
	v12 =	vsub.f32 v12, v37  }
0x2c4: {  	v10 =	vmul.f32 v10, v23;
	v21 =	vmovc v1;
	v14 =	vmul.f32 v14, v49;
	v6 =	vadd.f32 v6, v35  }
0x2c5: {  	s0 =	sadd.s32 $0x1, s1;
	v1 =	vor.u32 v48, v44;
	v12 =	vmul.f32 v12, v42;
	v13 =	vsub.f32 v13, v37;
	v37 =	vmovc v5  }
0x2c6: {  	v5 =	vmul.f32 v7, v42;
	v7 =	vmul.f32 v14, v58;
	[tilespmem:v25+s18+$0x0] =	vst.idx.msk $0xffff, v6;
	v6 =	vadd.s32 s0, v41  }
0x2c7: {  	v10 =	vadd.f32 v10, v34;
	v9 =	vmul.f32 v12, v56;
	v12 =	vld.idx.msk [tilespmem:v61+s15+$0x0], $0xffff;
	v61 =	vand.u32 $0x3F, v6  }
0x2c8: {  	v20 =	vmovc v4;
	v4 =	vmul.f32 v13, v42;
	v5 =	vmul.f32 v5, v37;
	v7 =	vadd.f32 v7, v28  }
0x2c9: {  	v34 =	vmovc v2;
	v13 =	vadd.s32 s1, v41;
	v28 =	vor.u32 v45, v40;
	v9 =	vadd.f32 v9, v2  }
0x2ca: {  	[tilespmem:v11+s18+$0x0] =	vst.idx.msk $0xffff, v10;
	s0 =	sadd.s32 $0x2, s1;
	v44 =	vand.u32 $0x3F, v13;
	v2 =	vld [tilespmem:$0x1FDD0];
	v4 =	vmul.f32 v4, v20;
	v5 =	vadd.f32 v5, v3  }
0x2cb: {  	v36 =	vor.u32 v63, v44;
	v42 =	vor.u32 v54, v44;
	v54 =	vld [tilespmem:$0x1FDF0];
	[tilespmem:v0+s18+$0x0] =	vst.idx.msk $0xffff, v9;
	v0 =	vadd.s32 s0, v41  }
0x2cc: {  	p0 =	slt.u32 s1, $0x3C;
	v4 =	vadd.f32 v4, v21;
	v11 =	vld.idx.msk [tilespmem:v16+s15+$0x0], $0xffff;
	[tilespmem:v24+s18+$0x0] =	vst.idx.msk $0xffff, v5;
	v5 =	vsub.f32 v12, v60  }
.Ltmp8:
0x2cd: {  	v15 =	vor.u32 v19, v44;
	v24 =	vor.u32 v19, v61;
	v62 =	vand.u32 $0x3F, v0;
	(pc) =	sbr.rel @p0 .LBB2_13-.Ltmp8, $4  }
0x2ce: {  	v35 =	vmov v3;
	v16 =	vor.u32 v19, v62;
	[tilespmem:v26+s18+$0x0] =	vst.idx.msk $0xffff, v4;
	v5 =	vmul.f32 v5, v22  }
0x2cf: {  	v3 =	vor.u32 v2, v29;
	v0 =	vor.u32 v2, v39;
	v4 =	vld.idx.msk [tilespmem:v8+s15+$0x0], $0xffff;
	[tilespmem:v31+s18+$0x0] =	vst.idx.msk $0xffff, v7  }
0x2d0: {  	v6 =	vld.idx.msk [tilespmem:v17+s15+$0x0], $0xffff;
	v7 =	vor.u32 v2, v47;
	v2 =	vor.u32 v2, v30;
	v9 =	vor.u32 v54, v44  }
0x2d1: {  	s0 =	sadd.s32 $0x3, s1;
	s1 =	sadd.s32 $0x4, s1;
	v17 =	vmovc v19;
	v10 =	vmul.f32 v5, v52;
	v5 =	vor.u32 v48, v53;
	v8 =	vsub.f32 v11, v60  }
0x2d2: {  	v11 =	vadd.s32 s0, v41  }
0x2d3: {  	v14 =	vand.u32 $0x3F, v11  }
0x2d4: {  	v11 =	vor.u32 v17, v14;
	_ =	sdelay $0x2  }
0x2d5: {  	v12 =	vld.idx.msk [tilespmem:v24+s15+$0x0], $0xffff  }
0x2d6: {  	v17 =	vld [tilespmem:$0x1FCC0]  }
0x2d7: {  	v11 =	vld.idx.msk [tilespmem:v11+s15+$0x0], $0xffff  }
0x2d8: {  	v18 =	vld [tilespmem:$0x1FCD0]  }
0x2d9: {  	s30 =	sadd.s32 $0x40, s30;
	v22 =	vld [tilespmem:$0x1FCE0]  }
0x2da: {  	s1 =	sadd.s32 $0x40, s31;
	v43 =	vld [tilespmem:s30+$0x10]  }
0x2db: {  	v19 =	vld [tilespmem:s1+$0x10];
	[tilespmem:$0x1FC00] =	vst v14  }
0x2dc: {  	v58 =	vshll.u32 v14, $0x7;
	[tilespmem:$0x1FBE0] =	vst v63;
	v11 =	vsub.f32 v11, v17  }
0x2dd: {  	[tilespmem:$0x1FBD0] =	vst v58  }
0x2de: {  	v31 =	vmov v14;
	v38 =	vld.idx.msk [tilespmem:v16+s15+$0x0], $0xffff;
	v11 =	vmul.f32 v11, v18  }
0x2df: {  	v13 =	vor.u32 v22, v58;
	v16 =	vor.u32 v54, v31;
	v31 =	vld [tilespmem:s30+$0xFFFFFFF0]  }
0x2e0: {  	v12 =	vsub.f32 v12, v17;
	v55 =	vld [tilespmem:s1+$0xFFFFFFF0];
	v11 =	vmul.f32 v11, v43  }
0x2e1: {  	v25 =	vld [tilespmem:s30+$0x0]  }
0x2e2: {  	v49 =	vshll.u32 v61, $0x7;
	v23 =	vmul.f32 v12, v18;
	v11 =	vadd.f32 v11, v19  }
0x2e3: {  	v14 =	vor.u32 v22, v49  }
0x2e4: {  	[tilespmem:v13+s18+$0x0] =	vst.idx.msk $0xffff, v11;
	v11 =	vmul.f32 v23, v31;
	_ =	sdelay $0x1  }
0x2e5: {  	v15 =	vld.idx.msk [tilespmem:v15+s15+$0x0], $0xffff;
	v38 =	vsub.f32 v38, v17;
	[tilespmem:$0x1FBC0] =	vst v25;
	v11 =	vadd.f32 v11, v55  }
0x2e6: {  	v60 =	vor.u32 v54, v61;
	v23 =	vld [tilespmem:s1+$0x0]  }
0x2e7: {  	v12 =	vmul.f32 v38, v18;
	v38 =	vshll.u32 v62, $0x7;
	v13 =	vld.idx.msk [tilespmem:v16+s15+$0x0], $0xffff;
	[tilespmem:v14+s18+$0x0] =	vst.idx.msk $0xffff, v11  }
0x2e8: {  	v63 =	vmov v19;
	v24 =	vor.u32 v22, v38;
	v19 =	vld [tilespmem:$0x1FCF0]  }
0x2e9: {  	v12 =	vmul.f32 v12, v25  }
0x2ea: {  	v26 =	vld [tilespmem:s30+$0xFFFFFFE0]  }
0x2eb: {  	v15 =	vsub.f32 v15, v17;
	v25 =	vor.u32 v54, v62;
	v54 =	vld [tilespmem:s1+$0xFFFFFFE0];
	v12 =	vadd.f32 v12, v23;
	[tilespmem:$0x1FBF0] =	vst v23  }
0x2ec: {  	v14 =	vld.idx.msk [tilespmem:v60+s15+$0x0], $0xffff  }
0x2ed: {  	v60 =	vshll.u32 v44, $0x7;
	v11 =	vsub.f32 v13, v19;
	v13 =	vmul.f32 v15, v18;
	v18 =	vld [tilespmem:$0x1FD00];
	[tilespmem:v24+s18+$0x0] =	vst.idx.msk $0xffff, v12  }
0x2ee: {  	v17 =	vmov v23;
	v23 =	vor.u32 v22, v60;
	v22 =	vld [tilespmem:$0x1FD10];
	_ =	sdelay $0x3  }
0x2ef: {  	v16 =	vld.idx.msk [tilespmem:v25+s15+$0x0], $0xffff;
	v11 =	vmul.f32 v11, v18  }
0x2f0: {  	v25 =	vld [tilespmem:$0x1FDB0];
	v58 =	vor.u32 v22, v58  }
0x2f1: {  	v15 =	vld [tilespmem:$0x1FC00];
	v11 =	vmul.f32 v11, v43  }
0x2f2: {  	v12 =	vmul.f32 v13, v26  }
0x2f3: {  	v14 =	vsub.f32 v14, v19;
	v11 =	vadd.f32 v11, v63  }
0x2f4: {  	v12 =	vadd.f32 v12, v54  }
0x2f5: {  	[tilespmem:v58+s18+$0x0] =	vst.idx.msk $0xffff, v11;
	v58 =	vmul.f32 v14, v18  }
0x2f6: {  	v24 =	vor.u32 v25, v15;
	[tilespmem:v23+s18+$0x0] =	vst.idx.msk $0xffff, v12;
	v14 =	vor.u32 v22, v49  }
0x2f7: {  	v9 =	vld.idx.msk [tilespmem:v9+s15+$0x0], $0xffff;
	v11 =	vmul.f32 v58, v31;
	_ =	sdelay $0x1  }
0x2f8: {  	v58 =	vmov v31;
	v11 =	vadd.f32 v11, v55;
	v31 =	vld [tilespmem:$0x1FBC0]  }
0x2f9: {  	v16 =	vsub.f32 v16, v19  }
0x2fa: {  	v13 =	vld.idx.msk [tilespmem:v24+s15+$0x0], $0xffff;
	[tilespmem:v14+s18+$0x0] =	vst.idx.msk $0xffff, v11  }
0x2fb: {  	v23 =	vor.u32 v25, v61;
	v12 =	vmul.f32 v16, v18;
	v9 =	vsub.f32 v9, v19;
	v19 =	vld [tilespmem:$0x1FD20]  }
0x2fc: {  	v16 =	vor.u32 v22, v38  }
0x2fd: {  	v12 =	vmul.f32 v12, v31;
	_ =	sdelay $0x1  }
0x2fe: {  	v12 =	vadd.f32 v12, v17  }
0x2ff: {  	v11 =	vsub.f32 v13, v19;
	v13 =	vld.idx.msk [tilespmem:v23+s15+$0x0], $0xffff;
	[tilespmem:$0x1FC10] =	vst v60  }
0x300: {  	v9 =	vmul.f32 v9, v18;
	v18 =	vld [tilespmem:$0x1FD30];
	[tilespmem:v16+s18+$0x0] =	vst.idx.msk $0xffff, v12  }
0x301: {  	v23 =	vld [tilespmem:$0x1FD40]  }
0x302: {  	v24 =	vor.u32 v25, v62;
	v25 =	vmov v60;
	v14 =	vor.u32 v22, v60;
	v60 =	vld [tilespmem:$0x1FBD0];
	_ =	sdelay $0x3  }
0x303: {  	v11 =	vmul.f32 v11, v18  }
0x304: {  	v17 =	vld [tilespmem:$0x1FBE0];
	v12 =	vor.u32 v23, v60  }
0x305: {  	v11 =	vmul.f32 v11, v43  }
0x306: {  	v9 =	vmul.f32 v9, v26  }
0x307: {  	v22 =	vld.idx.msk [tilespmem:v24+s15+$0x0], $0xffff;
	v13 =	vsub.f32 v13, v19;
	v11 =	vadd.f32 v11, v63  }
0x308: {  	v9 =	vadd.f32 v9, v54;
	[tilespmem:$0x1FC20] =	vst v43  }
0x309: {  	v16 =	vor.u32 v17, v15;
	[tilespmem:v12+s18+$0x0] =	vst.idx.msk $0xffff, v11;
	v11 =	vmul.f32 v13, v18  }
0x30a: {  	v10 =	vadd.f32 v10, v51;
	v13 =	vor.u32 v23, v49  }
0x30b: {  	[tilespmem:v14+s18+$0x0] =	vst.idx.msk $0xffff, v9;
	v11 =	vmul.f32 v11, v58  }
0x30c: {  	v24 =	vmov v54;
	[tilespmem:v7+s18+$0x0] =	vst.idx.msk $0xffff, v10;
	v9 =	vld.idx.msk [tilespmem:v42+s15+$0x0], $0xffff;
	v54 =	vsub.f32 v22, v19  }
0x30d: {  	v42 =	vmov v58;
	v22 =	vld [tilespmem:$0x1FDC0];
	v58 =	vadd.f32 v11, v55  }
0x30e: {  	v15 =	vor.u32 v17, v61;
	v7 =	vmul.f32 v54, v18;
	v14 =	vld.idx.msk [tilespmem:v16+s15+$0x0], $0xffff  }
0x30f: {  	v16 =	vld [tilespmem:$0x1FDE0];
	[tilespmem:v13+s18+$0x0] =	vst.idx.msk $0xffff, v58  }
0x310: {  	v7 =	vmul.f32 v7, v31;
	v12 =	vor.u32 v17, v62;
	v17 =	vmov v31;
	v31 =	vld [tilespmem:$0x1FBF0];
	_ =	sdelay $0x1  }
0x311: {  	v11 =	vor.u32 v23, v38;
	v8 =	vmul.f32 v8, v22  }
0x312: {  	v10 =	vld.idx.msk [tilespmem:v15+s15+$0x0], $0xffff  }
0x313: {  	v15 =	vld [tilespmem:$0x1FD80];
	v8 =	vmul.f32 v8, v56  }
0x314: {  	v7 =	vadd.f32 v7, v31  }
0x315: {  	v8 =	vadd.f32 v8, v34  }
0x316: {  	[tilespmem:v11+s18+$0x0] =	vst.idx.msk $0xffff, v7  }
0x317: {  	v9 =	vsub.f32 v9, v19;
	v19 =	vld [tilespmem:$0x1FD90];
	[tilespmem:v3+s18+$0x0] =	vst.idx.msk $0xffff, v8  }
0x318: {  	v6 =	vsub.f32 v6, v16;
	v58 =	vsub.f32 v14, v15;
	v14 =	vor.u32 v23, v25;
	v23 =	vld [tilespmem:$0x1FDA0];
	_ =	sdelay $0x1  }
0x319: {  	v6 =	vmul.f32 v6, v22  }
0x31a: {  	v9 =	vmul.f32 v9, v18  }
0x31b: {  	v6 =	vmul.f32 v6, v37;
	v18 =	vmul.f32 v58, v19  }
0x31c: {  	v54 =	vmov v38;
	v38 =	vmul.f32 v9, v26;
	v58 =	vld.idx.msk [tilespmem:v12+s15+$0x0], $0xffff;
	v12 =	vor.u32 v23, v60  }
0x31d: {  	v25 =	vadd.f32 v6, v35;
	v9 =	vmul.f32 v18, v43  }
0x31e: {  	v7 =	vadd.f32 v38, v24  }
0x31f: {  	[tilespmem:v0+s18+$0x0] =	vst.idx.msk $0xffff, v25;
	v25 =	vsub.f32 v10, v15;
	v43 =	vadd.f32 v9, v63  }
0x320: {  	[tilespmem:v14+s18+$0x0] =	vst.idx.msk $0xffff, v7  }
0x321: {  	v13 =	vor.u32 v48, v40;
	v3 =	vmul.f32 v25, v19;
	v18 =	vld.idx.msk [tilespmem:v5+s15+$0x0], $0xffff;
	[tilespmem:v12+s18+$0x0] =	vst.idx.msk $0xffff, v43  }
0x322: {  	v5 =	vor.u32 v23, v49;
	v14 =	vld [tilespmem:$0x1FC90]  }
0x323: {  	v3 =	vmul.f32 v3, v42;
	_ =	sdelay $0x1  }
0x324: {  	v3 =	vadd.f32 v3, v55;
	v6 =	vsub.f32 v58, v15;
	v58 =	vld [tilespmem:$0x1FC00]  }
0x325: {  	v4 =	vsub.f32 v4, v16;
	v25 =	vmov v49;
	v49 =	vld.idx.msk [tilespmem:v13+s15+$0x0], $0xffff  }
0x326: {  	v0 =	vsub.f32 v18, v14;
	v18 =	vld [tilespmem:$0x1FD50];
	[tilespmem:v5+s18+$0x0] =	vst.idx.msk $0xffff, v3  }
0x327: {  	v4 =	vmul.f32 v4, v22;
	v38 =	vmov v24;
	v24 =	vld [tilespmem:$0x1FC30]  }
0x328: {  	v10 =	vld.idx.msk [tilespmem:v36+s15+$0x0], $0xffff  }
0x329: {  	v4 =	vmul.f32 v4, v20;
	v9 =	vor.u32 v50, v58  }
0x32a: {  	v11 =	vor.u32 v50, v61;
	v13 =	vor.u32 v50, v62;
	v6 =	vmul.f32 v6, v19  }
0x32b: {  	v12 =	vor.u32 v23, v54;
	v49 =	vsub.f32 v49, v14;
	v0 =	vmul.f32 v0, v18  }
0x32c: {  	v6 =	vmul.f32 v6, v17;
	v3 =	vadd.f32 v4, v21;
	v36 =	vor.u32 v24, v47  }
0x32d: {  	v10 =	vsub.f32 v10, v15;
	v15 =	vmul.f32 v49, v18;
	v0 =	vmul.f32 v0, v52  }
0x32e: {  	v6 =	vadd.f32 v6, v31;
	[tilespmem:v2+s18+$0x0] =	vst.idx.msk $0xffff, v3;
	v8 =	vld.idx.msk [tilespmem:v9+s15+$0x0], $0xffff;
	v9 =	vor.u32 v24, v29  }
0x32f: {  	v2 =	vmul.f32 v10, v19;
	v19 =	vmul.f32 v15, v56;
	v0 =	vadd.f32 v0, v51  }
0x330: {  	v7 =	vor.u32 v48, v33;
	[tilespmem:v12+s18+$0x0] =	vst.idx.msk $0xffff, v6;
	v3 =	vld.idx.msk [tilespmem:v11+s15+$0x0], $0xffff  }
0x331: {  	v10 =	vld.idx.msk [tilespmem:v13+s15+$0x0], $0xffff;
	v5 =	vadd.f32 v19, v34;
	[tilespmem:v36+s18+$0x0] =	vst.idx.msk $0xffff, v0  }
0x332: {  	v49 =	vld [tilespmem:$0x1FC10]  }
0x333: {  	v19 =	vld [tilespmem:$0x1FDD0];
	[tilespmem:v9+s18+$0x0] =	vst.idx.msk $0xffff, v5  }
0x334: {  	v43 =	vmovc v54;
	v54 =	vmov v31;
	v31 =	vmov v26;
	v2 =	vmul.f32 v2, v26;
	v26 =	vld [tilespmem:$0x1FC20]  }
0x335: {  	v4 =	vld.idx.msk [tilespmem:v7+s15+$0x0], $0xffff;
	v8 =	vsub.f32 v8, v16  }
0x336: {  	v7 =	vor.u32 v46, v40;
	v40 =	vor.u32 v50, v44;
	v1 =	vld.idx.msk [tilespmem:v1+s15+$0x0], $0xffff;
	v3 =	vsub.f32 v3, v16  }
0x337: {  	v11 =	vor.u32 v48, v61;
	v8 =	vmul.f32 v8, v22;
	v36 =	vor.u32 v23, v49  }
0x338: {  	v3 =	vmul.f32 v3, v22;
	v0 =	vor.u32 v46, v53;
	v50 =	vor.u32 v19, v60  }
0x339: {  	v10 =	vsub.f32 v10, v16;
	v15 =	vor.u32 v19, v25;
	v8 =	vmul.f32 v8, v26  }
0x33a: {  	v4 =	vsub.f32 v4, v14;
	v2 =	vadd.f32 v2, v38;
	v3 =	vmul.f32 v3, v42  }
0x33b: {  	v1 =	vsub.f32 v1, v14;
	v23 =	vmul.f32 v10, v22;
	v8 =	vadd.f32 v8, v63  }
0x33c: {  	v3 =	vadd.f32 v3, v55;
	[tilespmem:v36+s18+$0x0] =	vst.idx.msk $0xffff, v2;
	v36 =	vor.u32 v19, v43  }
0x33d: {  	v1 =	vmul.f32 v1, v18;
	v0 =	vld.idx.msk [tilespmem:v0+s15+$0x0], $0xffff;
	v2 =	vmul.f32 v23, v17;
	[tilespmem:v50+s18+$0x0] =	vst.idx.msk $0xffff, v8  }
0x33e: {  	[tilespmem:v15+s18+$0x0] =	vst.idx.msk $0xffff, v3;
	v6 =	vld.idx.msk [tilespmem:v40+s15+$0x0], $0xffff;
	v40 =	vmov v43;
	v43 =	vor.u32 v48, v58  }
0x33f: {  	v8 =	vor.u32 v48, v62;
	v50 =	vmul.f32 v4, v18;
	v13 =	vld [tilespmem:$0x1FCA0];
	v2 =	vadd.f32 v2, v54  }
0x340: {  	v5 =	vld.idx.msk [tilespmem:v7+s15+$0x0], $0xffff  }
0x341: {  	v1 =	vmul.f32 v1, v20;
	[tilespmem:v36+s18+$0x0] =	vst.idx.msk $0xffff, v2;
	v2 =	vmul.f32 v50, v37;
	v50 =	vld.idx.msk [tilespmem:v11+s15+$0x0], $0xffff  }
0x342: {  	v4 =	vor.u32 v24, v39;
	v15 =	vld [tilespmem:$0x1FD60]  }
0x343: {  	v12 =	vor.u32 v46, v33;
	v1 =	vadd.f32 v1, v21;
	v19 =	vor.u32 v19, v49;
	v36 =	vld.idx.msk [tilespmem:v43+s15+$0x0], $0xffff  }
0x344: {  	v0 =	vsub.f32 v0, v13;
	v23 =	vsub.f32 v6, v16;
	v43 =	vor.u32 v24, v30;
	v8 =	vld.idx.msk [tilespmem:v8+s15+$0x0], $0xffff  }
0x345: {  	v5 =	vsub.f32 v5, v13;
	v16 =	vor.u32 v24, v40;
	v2 =	vadd.f32 v2, v35  }
0x346: {  	v3 =	vmul.f32 v23, v22;
	v22 =	vor.u32 v48, v44;
	v48 =	vor.u32 v24, v60  }
0x347: {  	[tilespmem:v4+s18+$0x0] =	vst.idx.msk $0xffff, v2;
	v4 =	vor.u32 v57, v47;
	v0 =	vmul.f32 v0, v15  }
0x348: {  	v3 =	vmul.f32 v3, v31;
	v6 =	vsub.f32 v36, v14;
	v36 =	vsub.f32 v50, v14  }
0x349: {  	[tilespmem:v43+s18+$0x0] =	vst.idx.msk $0xffff, v1;
	v43 =	vsub.f32 v8, v14;
	v0 =	vmul.f32 v0, v52  }
0x34a: {  	v23 =	vadd.f32 v3, v38;
	v6 =	vmul.f32 v6, v18;
	v3 =	vmul.f32 v36, v18  }
0x34b: {  	v50 =	vor.u32 v24, v25;
	v7 =	vmul.f32 v43, v18;
	v36 =	vmul.f32 v5, v15  }
0x34c: {  	v10 =	vld.idx.msk [tilespmem:v12+s15+$0x0], $0xffff;
	[tilespmem:v19+s18+$0x0] =	vst.idx.msk $0xffff, v23;
	v19 =	vor.u32 v46, v58;
	v6 =	vmul.f32 v6, v26  }
0x34d: {  	v0 =	vadd.f32 v0, v51;
	v2 =	vld.idx.msk [tilespmem:v22+s15+$0x0], $0xffff;
	v3 =	vmul.f32 v3, v42;
	v22 =	vor.u32 v46, v61  }
0x34e: {  	v23 =	vld.idx.msk [tilespmem:v27+s15+$0x0], $0xffff;
	v27 =	vor.u32 v46, v62;
	v7 =	vmul.f32 v7, v17;
	v6 =	vadd.f32 v6, v63  }
0x34f: {  	v1 =	vmul.f32 v36, v56;
	[tilespmem:v4+s18+$0x0] =	vst.idx.msk $0xffff, v0;
	v3 =	vadd.f32 v3, v55  }
0x350: {  	v5 =	vor.u32 v45, v33;
	v43 =	vadd.f32 v7, v54;
	[tilespmem:v48+s18+$0x0] =	vst.idx.msk $0xffff, v6  }
0x351: {  	v1 =	vadd.f32 v1, v34;
	[tilespmem:v50+s18+$0x0] =	vst.idx.msk $0xffff, v3;
	v48 =	vor.u32 v57, v29;
	v6 =	vld.idx.msk [tilespmem:v19+s15+$0x0], $0xffff  }
0x352: {  	[tilespmem:v16+s18+$0x0] =	vst.idx.msk $0xffff, v43;
	v50 =	vor.u32 v45, v53;
	v2 =	vsub.f32 v2, v14;
	v16 =	vld.idx.msk [tilespmem:v22+s15+$0x0], $0xffff  }
0x353: {  	v53 =	vsub.f32 v10, v13;
	v0 =	vsub.f32 v23, v13;
	v23 =	vor.u32 v57, v30  }
0x354: {  	v4 =	vld.idx.msk [tilespmem:v27+s15+$0x0], $0xffff;
	v19 =	vor.u32 v57, v39;
	v22 =	vor.u32 v46, v44;
	v2 =	vmul.f32 v2, v18  }
0x355: {  	v8 =	vmul.f32 v53, v15;
	v0 =	vmul.f32 v0, v15;
	v18 =	vor.u32 v24, v49  }
0x356: {  	v46 =	vor.u32 v57, v60;
	v2 =	vmul.f32 v2, v31;
	v24 =	vsub.f32 v6, v13  }
0x357: {  	v27 =	vmul.f32 v8, v37;
	v0 =	vmul.f32 v0, v20;
	v33 =	vsub.f32 v16, v13  }
0x358: {  	[tilespmem:v48+s18+$0x0] =	vst.idx.msk $0xffff, v1;
	v2 =	vadd.f32 v2, v38;
	v3 =	vmul.f32 v24, v15  }
0x359: {  	v7 =	vld.idx.msk [tilespmem:v50+s15+$0x0], $0xffff;
	v50 =	vor.u32 v57, v25;
	v36 =	vsub.f32 v4, v13;
	v8 =	vmul.f32 v33, v15  }
0x35a: {  	v43 =	vadd.f32 v27, v35;
	[tilespmem:v18+s18+$0x0] =	vst.idx.msk $0xffff, v2;
	v3 =	vmul.f32 v3, v26  }
0x35b: {  	v0 =	vadd.f32 v0, v21;
	v2 =	vmul.f32 v36, v15;
	v48 =	vld.idx.msk [tilespmem:v22+s15+$0x0], $0xffff;
	v8 =	vmul.f32 v8, v42  }
0x35c: {  	v53 =	vor.u32 v57, v40;
	[tilespmem:v19+s18+$0x0] =	vst.idx.msk $0xffff, v43;
	v3 =	vadd.f32 v3, v63  }
0x35d: {  	[tilespmem:v23+s18+$0x0] =	vst.idx.msk $0xffff, v0;
	v2 =	vmul.f32 v2, v17;
	v14 =	vadd.f32 v8, v55  }
0x35e: {  	v11 =	vld.idx.msk [tilespmem:v28+s15+$0x0], $0xffff;
	[tilespmem:v46+s18+$0x0] =	vst.idx.msk $0xffff, v3  }
0x35f: {  	v4 =	vld.idx.msk [tilespmem:v5+s15+$0x0], $0xffff;
	v2 =	vadd.f32 v2, v54;
	[tilespmem:v50+s18+$0x0] =	vst.idx.msk $0xffff, v14  }
0x360: {  	v24 =	vor.u32 v45, v58;
	v16 =	vsub.f32 v48, v13;
	v18 =	vld [tilespmem:$0x1FCB0]  }
0x361: {  	v23 =	vld.idx.msk [tilespmem:v32+s15+$0x0], $0xffff;
	v32 =	vor.u32 v45, v62;
	[tilespmem:v53+s18+$0x0] =	vst.idx.msk $0xffff, v2  }
0x362: {  	v27 =	vor.u32 v45, v61;
	v12 =	vld [tilespmem:$0x1FD70];
	v22 =	vmul.f32 v16, v15  }
0x363: {  	v28 =	vor.u32 v57, v49;
	v57 =	vor.u32 v59, v60  }
0x364: {  	v60 =	vor.u32 v59, v40;
	v33 =	vor.u32 v45, v44;
	v2 =	vmul.f32 v22, v31  }
0x365: {  	v61 =	vor.u32 v59, v49;
	v43 =	vor.u32 v59, v29;
	v5 =	vld.idx.msk [tilespmem:v24+s15+$0x0], $0xffff;
	v0 =	vsub.f32 v11, v18  }
0x366: {  	v44 =	vor.u32 v59, v39;
	v45 =	vld.idx.msk [tilespmem:v32+s15+$0x0], $0xffff;
	v19 =	vsub.f32 v7, v18;
	v2 =	vadd.f32 v2, v38  }
0x367: {  	v58 =	vor.u32 v59, v25;
	v6 =	vld.idx.msk [tilespmem:v27+s15+$0x0], $0xffff;
	v4 =	vsub.f32 v4, v18;
	v0 =	vmul.f32 v0, v12  }
0x368: {  	v3 =	vsub.f32 v23, v18;
	v1 =	vmul.f32 v19, v12;
	[tilespmem:v28+s18+$0x0] =	vst.idx.msk $0xffff, v2  }
0x369: {  	v36 =	vor.u32 v59, v47;
	v4 =	vmul.f32 v4, v12;
	v0 =	vmul.f32 v0, v56;
	v46 =	vld.idx.msk [tilespmem:v33+s15+$0x0], $0xffff  }
0x36a: {  	v50 =	vsub.f32 v5, v18;
	v3 =	vmul.f32 v3, v12;
	v1 =	vmul.f32 v1, v52  }
0x36b: {  	v53 =	vsub.f32 v45, v18;
	v4 =	vmul.f32 v4, v37;
	v0 =	vadd.f32 v0, v34  }
0x36c: {  	v47 =	vmul.f32 v3, v20;
	v1 =	vadd.f32 v1, v51;
	v51 =	vsub.f32 v6, v18  }
0x36d: {  	v52 =	vor.u32 v59, v30;
	[tilespmem:v43+s18+$0x0] =	vst.idx.msk $0xffff, v0;
	v0 =	vmul.f32 v50, v12  }
0x36e: {  	v48 =	vadd.f32 v4, v35;
	v2 =	vmul.f32 v51, v12;
	v56 =	vsub.f32 v46, v18  }
0x36f: {  	v4 =	vmul.f32 v53, v12;
	[tilespmem:v36+s18+$0x0] =	vst.idx.msk $0xffff, v1;
	v0 =	vmul.f32 v0, v26  }
0x370: {  	v1 =	vadd.f32 v47, v21;
	v2 =	vmul.f32 v2, v42;
	v5 =	vmul.f32 v56, v12  }
0x371: {  	[tilespmem:v44+s18+$0x0] =	vst.idx.msk $0xffff, v48;
	v4 =	vmul.f32 v4, v17;
	v0 =	vadd.f32 v0, v63  }
0x372: {  	p0 =	seq.s32 s26, $0x63;
	[tilespmem:v52+s18+$0x0] =	vst.idx.msk $0xffff, v1;
	v2 =	vadd.f32 v2, v55;
	v62 =	vmul.f32 v5, v31  }
.Ltmp9:
0x373: {  	v63 =	vadd.f32 v4, v54;
	[tilespmem:v57+s18+$0x0] =	vst.idx.msk $0xffff, v0;
	(pc) =	sbr.rel @p0 .LBB2_16-.Ltmp9, $4  }
0x374: {  	[tilespmem:v58+s18+$0x0] =	vst.idx.msk $0xffff, v2;
	v1 =	vadd.f32 v62, v38  }
0x375: {  	[tilespmem:v60+s18+$0x0] =	vst.idx.msk $0xffff, v63  }
0x376: {  	s31 =	sadd.s32 s29, s9;
	[tilespmem:v61+s18+$0x0] =	vst.idx.msk $0xffff, v1  }
0x377: {  	[hbm4b:s31+s19] =	stream.strided.scatter [tilespmem:s23], [sflag:$0x4], $0x2000, s20, s19, $0x38;
	[tilespmem:$0x12C00] =	vst v63  }
0x378: {  	v51 =	vld [tilespmem:$0x1FFA0]  }
0x379: {  	v49 =	vld [tilespmem:$0x1FFB0]  }
0x37a: {  	v52 =	vld [tilespmem:$0x1FFC0]  }
.Ltmp10:
0x37b: {  	v63 =	vld [tilespmem:$0x1FFD0];
	(pc) =	sbr.rel .LBB2_2-.Ltmp10, $4  }
0x37c: {  	v53 =	vld [tilespmem:$0x1FFE0]  }
0x37d: {  	s0 =	sshrl.u32 s28, $0x2;
	v57 =	vld [tilespmem:$0x1FFF0]  }
0x37e: {  	s26 =	sadd.s32 $0x1, s26;
	v37 =	vld [tilespmem:$0x1FF80];
	s0 =	sadd.s32 $0x180, s0  }
0x37f: {  	v34 =	vld [tilespmem:$0x1FF90];
	[tilespmem:s16], [sflag:$0x2] =	stream.indirect.gather [hbm4b:s4+s14], $0x80, s0, s14, $0xb8  }
.LBB2_17:
0x380: {  	_ =	sfence.sel $0x180000  }
0x381: {  	[bflag:$0x0] =	sbarrier.arrive $0xFFFF  }
0x382: {  	_ =	strace $0x9000004A  }
0x383: {  	s0 =	stileid.u32;
	[bflag:$0x2] =	sbarrier.arrive $0xFFFF  }
0x384: {  	p0 =	sne.s32 s0, $0x0;
	s0 =	rddreg [dreg:$0x2]  }
0x385: {  	s0 =	sadd.s32 @!p0 $0x100000, s0  }
0x386: {  	[sflag:s0] =	ssyncadd.tile.s32 @!p0 $0x1;
	_ =	shalt  }
.Lfunc_end2:
_tile_overlayer_lowered:
.L_overlay_start_2:
0x387: {  	(tag) =	ssettag $0x2  }
0x388: {  	s0 =	rddreg [dreg:$0x0];
	s2 =	stileid.u32  }
0x389: {  	s1 =	rddreg [dreg:$0x1];
	p0 =	sne.s32 s2, $0x0  }
0x38a: {  	s3 =	rddreg [dreg:$0x2];
	[bflag:$0x3] =	sbarrier.arrive $0xFFFF;
	s2 =	simm.s32 @!p0 $0x1C05  }
0x38b: {  	[timem:s3], [sflag:s2] =	dma.local @!p0 [hbm:s0], s1  }
0x38c: {  	s0 =	simm.s32 @!p0 $0x5  }
0x38d: {  	_ =	swait.ge @!p0 [sflag:s0], s1  }
0x38e: {  	s1 =	ssub.s32 @!p0 $0x0, s1;
	[sflag:s0] =	ssyncset.done @!p0 $0x0  }
0x38f: {  	[sflag:s0] =	ssyncadd.s32 @!p0 s1  }
0x390: {  	[bflag:$0x3] =	sbarrier.arrive $0xFFFF  }
0x391: {  	_ =	shalt  }

</sc_bundles>
